<compile_context>
chip_gen: v7x
topology: tpu7x:2x2x1
jax: 0.10.2.dev20260603
libtpu: 0.0.44.dev20260713+nightly
codegen_flags: <defaults>
</compile_context>

<pallas_src>
import jax
import jax.numpy as jnp
from jax import lax
from jax.experimental import pallas as pl
from jax.experimental.pallas import tpu as pltpu
from jax.experimental.pallas import tpu_sc as plsc

NUM_FIRMS = 50000
NUM_PRODS = 256
E = 200000
DEBT_PENALTY = 5.0
CONSUMPTION_REWARD = 4.0

NC = 2
NS = 16
NW = NC * NS
LANES = 16

RANGE_WORDS = 32768
RANGE_SHIFT = 15
RANGE_ROWS = RANGE_WORDS // NUM_PRODS
N_RANGES = 392
N_PASSES = 13
TOT_ROWS = (N_RANGES * RANGE_WORDS) // NUM_PRODS

E_PAD = 200704
PREP_PER_TILE = E_PAD // NS
PREP_SUB = 784
N_PREP_SUB = PREP_PER_TILE // PREP_SUB

SORT_CAP = 15360
SEG_CHUNK = 256
REG_TOTAL = NC * NS * SORT_CAP + 2 * SEG_CHUNK
NBKT = 512
SEG_BUF_OFF = 0
CNT_TBL_OFF = 6144


def _scatter_kernel(src_hbm, prod_hbm, amt_hbm,
                    tot_hbm, flat_h, amtc_h,
                    acc0, acc1, raw_flat, raw_amt, sorted_flat, sorted_amt,
                    p_src0, p_prod0, p_amt0, p_src1, p_prod1, p_amt1,
                    cnt, cnt8, off_start, off_run, tbl_off_sh, tbl_cnt_sh,
                    sflat, samt, sp0, sp1, swb0, swb1):
    s = lax.axis_index("s")
    c = lax.axis_index("c")
    wid = s * NC + c
    ones_i = jnp.ones((LANES,), jnp.int32)
    zeros_i = jnp.zeros((LANES,), jnp.int32)
    zeros_f = jnp.zeros((LANES,), jnp.float32)
    neg1 = jnp.full((LANES,), -1, jnp.int32)
    iota16 = lax.iota(jnp.int32, LANES)

    for i in range(NBKT // LANES):
        cnt[pl.ds(i * LANES, LANES)] = zeros_i

    tile_off = s * PREP_PER_TILE

    def issue_prep(k, bs, bp, ba, sem):
        off = tile_off + k * PREP_SUB
        pltpu.async_copy(src_hbm.at[pl.ds(off, PREP_SUB)], bs, sem)
        pltpu.async_copy(prod_hbm.at[pl.ds(off, PREP_SUB)], bp, sem)
        pltpu.async_copy(amt_hbm.at[pl.ds(off, PREP_SUB)], ba, sem)

    def wait_prep(bs, bp, ba, sem):
        pltpu.make_async_copy(src_hbm.at[pl.ds(0, PREP_SUB)], bs, sem).wait()
        pltpu.make_async_copy(prod_hbm.at[pl.ds(0, PREP_SUB)], bp, sem).wait()
        pltpu.make_async_copy(amt_hbm.at[pl.ds(0, PREP_SUB)], ba, sem).wait()

    def compute_prep(k, bs, bp, ba):
        def vb(j, _):
            sl = pl.ds(j * LANES, LANES)
            dst = pl.ds(k * PREP_SUB + j * LANES, LANES)
            flat = bs[sl] * NUM_PRODS + (bp[sl] - NUM_FIRMS)
            raw_flat[dst] = flat
            raw_amt[dst] = jnp.maximum(ba[sl], 0.0)
            ridv = jnp.right_shift(jnp.maximum(flat, 0), RANGE_SHIFT)
            plsc.addupdate_scatter(cnt, [ridv], ones_i)
            return 0
        lax.fori_loop(0, PREP_SUB // LANES, vb, 0)

    issue_prep(0, p_src0, p_prod0, p_amt0, sp0)
    issue_prep(1, p_src1, p_prod1, p_amt1, sp1)

    def prep_pair(k2, _):
        k0 = k2 * 2
        wait_prep(p_src0, p_prod0, p_amt0, sp0)
        compute_prep(k0, p_src0, p_prod0, p_amt0)

        @pl.when(k2 < N_PREP_SUB // 2 - 1)
        def _i0():
            issue_prep(k0 + 2, p_src0, p_prod0, p_amt0, sp0)
        wait_prep(p_src1, p_prod1, p_amt1, sp1)
        compute_prep(k0 + 1, p_src1, p_prod1, p_amt1)

        @pl.when(k2 < N_PREP_SUB // 2 - 1)
        def _i1():
            issue_prep(k0 + 3, p_src1, p_prod1, p_amt1, sp1)
        return 0
    lax.fori_loop(0, N_PREP_SUB // 2, prep_pair, 0)

    def scan_body(i, carry):
        sl = pl.ds(i * LANES, LANES)
        v8 = (cnt[sl] + 7) & (-8)
        cs = plsc.cumsum(v8)
        offv = cs - v8 + carry
        cnt8[sl] = v8
        off_start[sl] = offv
        off_run[sl] = offv
        return carry + jnp.sum(v8)
    lax.fori_loop(0, NBKT // LANES, scan_body, 0)

    def fill_body(i, _):
        for u in range(4):
            sorted_flat[pl.ds((i * 4 + u) * LANES, LANES)] = neg1
        return 0
    lax.fori_loop(0, SORT_CAP // (4 * LANES), fill_body, 0)

    def place_body(j, _):
        sl = pl.ds(j * LANES, LANES)
        flat = raw_flat[sl]
        amtv = raw_amt[sl]
        ridv = jnp.right_shift(jnp.maximum(flat, 0), RANGE_SHIFT)
        rank, _ = plsc.scan_count(ridv)
        basev = plsc.load_gather(off_run, [ridv])
        pos = basev + rank - 1
        plsc.store_scatter(sorted_flat, [pos], flat)
        plsc.store_scatter(sorted_amt, [pos], amtv)
        plsc.addupdate_scatter(off_run, [ridv], ones_i)
        return 0
    lax.fori_loop(0, PREP_PER_TILE // LANES, place_body, 0)

    reg_base = (c * NS + s) * SORT_CAP
    pltpu.sync_copy(sorted_flat, flat_h.at[pl.ds(reg_base, SORT_CAP)])
    pltpu.sync_copy(sorted_amt, amtc_h.at[pl.ds(reg_base, SORT_CAP)])
    pltpu.sync_copy(off_start, tbl_off_sh.at[pl.ds(s * NBKT, NBKT)])
    pltpu.sync_copy(cnt8, tbl_cnt_sh.at[pl.ds(s * NBKT, NBKT)])
    plsc.subcore_barrier()
    pltpu.sync_copy(tbl_off_sh, raw_flat.at[pl.ds(0, NS * NBKT)])
    pltpu.sync_copy(tbl_cnt_sh, sorted_flat.at[pl.ds(CNT_TBL_OFF, NS * NBKT)])

    def do_pass(p, acc, swb, first_use):
        rid = p * NW + wid

        @pl.when(rid < N_RANGES)
        def _active():
            base = rid * RANGE_WORDS

            def fetch_seg(s2, _):
                st = pl.multiple_of(plsc.load_gather(
                    raw_flat, [jnp.full((LANES,), s2 * NBKT + rid, jnp.int32)])[0], 8)
                src_off = (c * NS + s2) * SORT_CAP + st
                pltpu.async_copy(flat_h.at[pl.ds(src_off, SEG_CHUNK)],
                                 sorted_flat.at[pl.ds(SEG_BUF_OFF + s2 * SEG_CHUNK, SEG_CHUNK)], sflat)
                pltpu.async_copy(amtc_h.at[pl.ds(src_off, SEG_CHUNK)],
                                 sorted_amt.at[pl.ds(SEG_BUF_OFF + s2 * SEG_CHUNK, SEG_CHUNK)], samt)
                return 0
            lax.fori_loop(0, NS, fetch_seg, 0)

            if not first_use:
                pltpu.make_async_copy(
                    acc, tot_hbm.at[pl.ds(0, RANGE_ROWS)], swb).wait()

            def zb(i, _):
                for u in range(NUM_PRODS // LANES):
                    acc[i, pl.ds(u * LANES, LANES)] = zeros_f
                return 0
            lax.fori_loop(0, RANGE_ROWS, zb, 0)

            def wait_seg(s2, _):
                pltpu.make_async_copy(flat_h.at[pl.ds(0, SEG_CHUNK)],
                                      sorted_flat.at[pl.ds(SEG_BUF_OFF + s2 * SEG_CHUNK, SEG_CHUNK)], sflat).wait()
                pltpu.make_async_copy(amtc_h.at[pl.ds(0, SEG_CHUNK)],
                                      sorted_amt.at[pl.ds(SEG_BUF_OFF + s2 * SEG_CHUNK, SEG_CHUNK)], samt).wait()
                return 0
            lax.fori_loop(0, NS, wait_seg, 0)

            def scan_seg(s2, _):
                ln = plsc.load_gather(
                    sorted_flat, [jnp.full((LANES,), CNT_TBL_OFF + s2 * NBKT + rid, jnp.int32)])[0]
                lnc = jnp.minimum(ln, SEG_CHUNK)
                nv = (lnc + LANES - 1) >> 4

                def sv(j, _):
                    sl = pl.ds(SEG_BUF_OFF + s2 * SEG_CHUNK + j * LANES, LANES)
                    flat = sorted_flat[sl]
                    amtv = sorted_amt[sl]
                    ml = (j * LANES + iota16) < lnc
                    local = flat - base
                    mi = local.astype(jnp.uint32) < jnp.uint32(RANGE_WORDS)
                    m = ml & mi
                    lidx = local & (RANGE_WORDS - 1)
                    rowv = jnp.right_shift(lidx, 8)
                    colv = lidx & (NUM_PRODS - 1)
                    plsc.addupdate_scatter(acc, [rowv, colv], amtv, mask=m)
                    return 0
                lax.fori_loop(0, nv, sv, 0)

                @pl.when(ln > SEG_CHUNK)
                def _slow():
                    st2 = pl.multiple_of(plsc.load_gather(
                        raw_flat, [jnp.full((LANES,), s2 * NBKT + rid, jnp.int32)])[0], 8)

                    def ch(ci, _):
                        coff = (ci + 1) * SEG_CHUNK
                        src2 = (c * NS + s2) * SORT_CAP + st2 + coff
                        pltpu.sync_copy(flat_h.at[pl.ds(src2, SEG_CHUNK)],
                                        sorted_flat.at[pl.ds(SEG_BUF_OFF + s2 * SEG_CHUNK, SEG_CHUNK)])
                        pltpu.sync_copy(amtc_h.at[pl.ds(src2, SEG_CHUNK)],
                                        sorted_amt.at[pl.ds(SEG_BUF_OFF + s2 * SEG_CHUNK, SEG_CHUNK)])

                        def sv2(j, _):
                            sl = pl.ds(SEG_BUF_OFF + s2 * SEG_CHUNK + j * LANES, LANES)
                            flat = sorted_flat[sl]
                            amtv = sorted_amt[sl]
                            ml = (coff + j * LANES + iota16) < ln
                            local = flat - base
                            mi = local.astype(jnp.uint32) < jnp.uint32(RANGE_WORDS)
                            m = ml & mi
                            lidx = local & (RANGE_WORDS - 1)
                            rowv = jnp.right_shift(lidx, 8)
                            colv = lidx & (NUM_PRODS - 1)
                            plsc.addupdate_scatter(acc, [rowv, colv], amtv, mask=m)
                            return 0
                        lax.fori_loop(0, SEG_CHUNK // LANES, sv2, 0)
                        return 0
                    nch = (ln - 1) >> 8
                    lax.fori_loop(0, nch, ch, 0)
                return 0
            lax.fori_loop(0, NS, scan_seg, 0)

            pltpu.async_copy(
                acc, tot_hbm.at[pl.ds(rid * RANGE_ROWS, RANGE_ROWS)], swb)

    do_pass(0, acc0, swb0, True)
    do_pass(1, acc1, swb1, True)

    def pass_pair(q, _):
        do_pass(q * 2, acc0, swb0, False)
        do_pass(q * 2 + 1, acc1, swb1, False)
        return 0
    lax.fori_loop(1, 6, pass_pair, 0)
    do_pass(12, acc0, swb0, False)

    pltpu.make_async_copy(acc0, tot_hbm.at[pl.ds(0, RANGE_ROWS)], swb0).wait()
    pltpu.make_async_copy(acc1, tot_hbm.at[pl.ds(0, RANGE_ROWS)], swb1).wait()


@jax.jit
def _sc_scatter(src, prod, amt):
    mesh = plsc.VectorSubcoreMesh(core_axis_name="c", subcore_axis_name="s")
    return pl.kernel(
        _scatter_kernel,
        out_type=(
            jax.ShapeDtypeStruct((TOT_ROWS, NUM_PRODS), jnp.float32),
            jax.ShapeDtypeStruct((REG_TOTAL,), jnp.int32),
            jax.ShapeDtypeStruct((REG_TOTAL,), jnp.float32),
        ),
        mesh=mesh,
        compiler_params=pltpu.CompilerParams(needs_layout_passes=False),
        scratch_types=[
            pltpu.VMEM((RANGE_ROWS, NUM_PRODS), jnp.float32),
            pltpu.VMEM((RANGE_ROWS, NUM_PRODS), jnp.float32),
            pltpu.VMEM((PREP_PER_TILE,), jnp.int32),
            pltpu.VMEM((PREP_PER_TILE,), jnp.float32),
            pltpu.VMEM((SORT_CAP,), jnp.int32),
            pltpu.VMEM((SORT_CAP,), jnp.float32),
            pltpu.VMEM((PREP_SUB,), jnp.int32),
            pltpu.VMEM((PREP_SUB,), jnp.int32),
            pltpu.VMEM((PREP_SUB,), jnp.float32),
            pltpu.VMEM((PREP_SUB,), jnp.int32),
            pltpu.VMEM((PREP_SUB,), jnp.int32),
            pltpu.VMEM((PREP_SUB,), jnp.float32),
            pltpu.VMEM((NBKT,), jnp.int32),
            pltpu.VMEM((NBKT,), jnp.int32),
            pltpu.VMEM((NBKT,), jnp.int32),
            pltpu.VMEM((NBKT,), jnp.int32),
            pltpu.VMEM_SHARED((NS * NBKT,), jnp.int32),
            pltpu.VMEM_SHARED((NS * NBKT,), jnp.int32),
            pltpu.SemaphoreType.DMA,
            pltpu.SemaphoreType.DMA,
            pltpu.SemaphoreType.DMA,
            pltpu.SemaphoreType.DMA,
            pltpu.SemaphoreType.DMA,
            pltpu.SemaphoreType.DMA,
        ],
    )(src, prod, amt)


ROWS_PER_BLOCK = 7168
N_BLOCKS = TOT_ROWS // ROWS_PER_BLOCK


def _reduce_kernel(tot_ref, aw_ref, debt_ref, cons_ref):
    i = pl.program_id(0)
    aw = aw_ref[...]
    r = lax.broadcasted_iota(jnp.int32, (NUM_PRODS, NUM_PRODS), 0)
    c = lax.broadcasted_iota(jnp.int32, (NUM_PRODS, NUM_PRODS), 1)
    att = jnp.maximum(jnp.where(r == c, 0.0, aw), 0.0)
    cons = jnp.dot(tot_ref[...], att, preferred_element_type=jnp.float32)
    d = jnp.sum(jnp.maximum(cons - 1.0, 0.0))
    sm = jnp.sum(cons)

    @pl.when(i == 0)
    def _init():
        debt_ref[0, 0] = d
        cons_ref[0, 0] = sm

    @pl.when(i != 0)
    def _acc():
        debt_ref[0, 0] += d
        cons_ref[0, 0] += sm


@jax.jit
def _tc_reduce(totals2d, att_weights):
    return pl.pallas_call(
        _reduce_kernel,
        grid=(N_BLOCKS,),
        in_specs=[
            pl.BlockSpec((ROWS_PER_BLOCK, NUM_PRODS), lambda i: (i, 0)),
            pl.BlockSpec((NUM_PRODS, NUM_PRODS), lambda i: (0, 0)),
        ],
        out_specs=[
            pl.BlockSpec(memory_space=pltpu.SMEM),
            pl.BlockSpec(memory_space=pltpu.SMEM),
        ],
        out_shape=[
            jax.ShapeDtypeStruct((1, 1), jnp.float32),
            jax.ShapeDtypeStruct((1, 1), jnp.float32),
        ],
    )(totals2d, att_weights)


def kernel(src, dst, prod, t, amt, att_weights):
    pad = E_PAD - src.shape[0]
    srcp = jnp.pad(src, (0, pad))
    prodp = jnp.pad(prod, (0, pad))
    amtp = jnp.pad(amt, (0, pad))
    totals2d, _fh, _ah = _sc_scatter(srcp, prodp, amtp)
    debt_sum, cons_sum = _tc_reduce(totals2d, att_weights)
    n = src.shape[0]
    debt_loss = DEBT_PENALTY * debt_sum[0, 0] / NUM_FIRMS
    consump_rwd = CONSUMPTION_REWARD * cons_sum[0, 0] / NUM_FIRMS
    inv_loss = debt_loss - consump_rwd
    return (inv_loss / n, debt_loss / n, consump_rwd / n)

# --- scband reference (transcript-rebuilt; emitter-appended) ---
"""Pipeline reference for scband-tgnplinventory-55035710931657 (READ-ONLY COPY).

The authoritative reference and input builder live on the scoring server;
editing this copy changes nothing except your own understanding.
"""

import jax, jax.numpy as jnp
import numpy as np

NUM_FIRMS = 50000
NUM_PRODS = 256
E = 200000
DEBT_PENALTY = 5.0
CONSUMPTION_REWARD = 4.0


def setup_inputs(seed: int = 0) -> dict:
    key = jax.random.key(seed)
    ks = jax.random.split(key, 6)
    src = jax.random.randint(ks[0], (E,), 0, NUM_FIRMS, dtype=jnp.int32)
    dst = jax.random.randint(ks[1], (E,), 0, NUM_FIRMS, dtype=jnp.int32)
    # prod ids are offset by num_firms in the original data format (assert prod >= num_firms)
    prod = NUM_FIRMS + jax.random.randint(ks[2], (E,), 0, NUM_PRODS, dtype=jnp.int32)
    t = jnp.zeros((E,), dtype=jnp.int32)  # single timestep batch
    amt = jax.random.uniform(ks[3], (E,), dtype=jnp.float32)
    # learned parameter: direct attention weights (num_prods x num_prods), init ~ U[0,1)
    att_weights = jax.random.uniform(ks[4], (NUM_PRODS, NUM_PRODS), dtype=jnp.float32)
    return {"src": src, "dst": dst, "prod": prod, "t": t, "amt": amt, "att_weights": att_weights}


def _totals_per_firm_and_product(firm_ids, prod_ids, amt):
    # equivalent to one_hot(prod_ids) * amt then scatter-sum over firm_ids
    amt = jnp.clip(amt, 0.0, None)
    totals = jnp.zeros((NUM_FIRMS, NUM_PRODS), dtype=jnp.float32)
    totals = totals.at[firm_ids, prod_ids].add(amt)
    return totals


def reference(src, dst, prod, t, amt, att_weights):
    prod_ids = prod - NUM_FIRMS
    # _get_prod_attention with learn_att_direct=True
    att = jax.nn.relu(att_weights * (1.0 - jnp.eye(NUM_PRODS, dtype=att_weights.dtype)))
    # reset state: inventory = ones, received = zeros, curr_t = -1
    inventory = jnp.ones((NUM_FIRMS, NUM_PRODS), dtype=jnp.float32)
    received = jnp.zeros((NUM_FIRMS, NUM_PRODS), dtype=jnp.float32)
    # t is constant zeros -> single unique timestep ts=0 != curr_t=-1:
    # update_to_new_timestep: inventory += received (zeros)
    inventory = inventory + received
    total_supplied = _totals_per_firm_and_product(src, prod_ids, amt)
    total_consumed = total_supplied @ att
    # _compute_inventory_loss
    diff = jnp.maximum(total_consumed - inventory, jnp.zeros_like(inventory))
    total_debt = jnp.sum(diff, axis=-1)
    debt_loss = jnp.mean(DEBT_PENALTY * total_debt)
    total_consumption = jnp.sum(total_consumed, axis=-1)
    consump_rwd = jnp.mean(CONSUMPTION_REWARD * total_consumption)
    inv_loss = debt_loss - consump_rwd
    # state updates (no effect on returned losses):
    inventory = jnp.clip(inventory - total_consumed, 0.0, None)
    received = received + _totals_per_firm_and_product(dst, prod_ids, amt)
    n = src.shape[0]
    return (inv_loss / n, debt_loss / n, consump_rwd / n)

if __name__ == "__main__":
    import jax
    _d = setup_inputs()
    print(jax.jit(kernel)(*tuple(_d.values())))

</pallas_src>

<mosaic_0001>
#map = affine_map<(d0, d1) -> (0)>
#map1 = affine_map<(d0, d1) -> (0, 0)>
module attributes {stable_mosaic.version = 14 : i64} {
  func.func @_scatter_kernel(%arg0: i32, %arg1: i32, %arg2: memref<200704xi32, #tpu.memory_space<hbm>>, %arg3: memref<200704xi32, #tpu.memory_space<hbm>>, %arg4: memref<200704xf32, #tpu.memory_space<hbm>>, %arg5: memref<50176x256xf32, #tpu.memory_space<hbm>>, %arg6: memref<492032xi32, #tpu.memory_space<hbm>>, %arg7: memref<492032xf32, #tpu.memory_space<hbm>>, %arg8: memref<128x256xf32, #tpu.memory_space<vmem>>, %arg9: memref<128x256xf32, #tpu.memory_space<vmem>>, %arg10: memref<12544xi32, #tpu.memory_space<vmem>>, %arg11: memref<12544xf32, #tpu.memory_space<vmem>>, %arg12: memref<15360xi32, #tpu.memory_space<vmem>>, %arg13: memref<15360xf32, #tpu.memory_space<vmem>>, %arg14: memref<784xi32, #tpu.memory_space<vmem>>, %arg15: memref<784xi32, #tpu.memory_space<vmem>>, %arg16: memref<784xf32, #tpu.memory_space<vmem>>, %arg17: memref<784xi32, #tpu.memory_space<vmem>>, %arg18: memref<784xi32, #tpu.memory_space<vmem>>, %arg19: memref<784xf32, #tpu.memory_space<vmem>>, %arg20: memref<512xi32, #tpu.memory_space<vmem>>, %arg21: memref<512xi32, #tpu.memory_space<vmem>>, %arg22: memref<512xi32, #tpu.memory_space<vmem>>, %arg23: memref<512xi32, #tpu.memory_space<vmem>>, %arg24: memref<8192xi32, #tpu.memory_space<vmem_shared>>, %arg25: memref<8192xi32, #tpu.memory_space<vmem_shared>>, %arg26: memref<!tpu.dma_semaphore, #tpu.memory_space<semaphore_mem>>, %arg27: memref<!tpu.dma_semaphore, #tpu.memory_space<semaphore_mem>>, %arg28: memref<!tpu.dma_semaphore, #tpu.memory_space<semaphore_mem>>, %arg29: memref<!tpu.dma_semaphore, #tpu.memory_space<semaphore_mem>>, %arg30: memref<!tpu.dma_semaphore, #tpu.memory_space<semaphore_mem>>, %arg31: memref<!tpu.dma_semaphore, #tpu.memory_space<semaphore_mem>>) attributes {dimension_semantics = [#tpu.dimension_semantics<core_parallel>, #tpu.dimension_semantics<subcore_parallel>], iteration_bounds = array<i64: 2, 16>, scalar_prefetch = 0 : i64, scratch_operands = 24 : i64, tpu.core_type = #tpu.core_type<sc_vector_subcore>, window_params = [{transform_indices = #map}, {transform_indices = #map}, {transform_indices = #map}, {transform_indices = #map1}, {transform_indices = #map}, {transform_indices = #map}]} {
    %mul3A = arith.constant 2 : i32
    %mul3A_0 = arith.muli %arg1, %mul3A : i32
    %add3A = arith.addi %mul3A_0, %arg0 : i32
    %broadcast_in_dim3A = arith.constant 1 : i32
    %broadcast_in_dim3A_1 = vector.broadcast %broadcast_in_dim3A : i32 to vector<16xi32>
    %broadcast_in_dim3A_2 = arith.constant 0 : i32
    %broadcast_in_dim3A_3 = vector.broadcast %broadcast_in_dim3A_2 : i32 to vector<16xi32>
    %broadcast_in_dim3A_4 = arith.constant 0.000000e+00 : f32
    %broadcast_in_dim3A_5 = vector.broadcast %broadcast_in_dim3A_4 : f32 to vector<16xf32>
    %broadcast_in_dim3A_6 = arith.constant -1 : i32
    %broadcast_in_dim3A_7 = vector.broadcast %broadcast_in_dim3A_6 : i32 to vector<16xi32>
    %iota3A = tpu.iota {dimensions = array<i32: 0>} : vector<16xi32>
    %swap3A = arith.constant 0 : index
    %swap3A_8 = tpu.vector_load %arg20[%swap3A] {strides = array<i32>} : memref<512xi32, #tpu.memory_space<vmem>>, vector<16xi32>,
    tpu.vector_store %arg20[%swap3A], %broadcast_in_dim3A_3 {strides = array<i32>} : memref<512xi32, #tpu.memory_space<vmem>>, vector<16xi32>,
    %swap3A_9 = arith.constant 16 : index
    %swap3A_10 = tpu.vector_load %arg20[%swap3A_9] {strides = array<i32>} : memref<512xi32, #tpu.memory_space<vmem>>, vector<16xi32>,
    tpu.vector_store %arg20[%swap3A_9], %broadcast_in_dim3A_3 {strides = array<i32>} : memref<512xi32, #tpu.memory_space<vmem>>, vector<16xi32>,
    %swap3A_11 = arith.constant 32 : index
    %swap3A_12 = tpu.vector_load %arg20[%swap3A_11] {strides = array<i32>} : memref<512xi32, #tpu.memory_space<vmem>>, vector<16xi32>,
    tpu.vector_store %arg20[%swap3A_11], %broadcast_in_dim3A_3 {strides = array<i32>} : memref<512xi32, #tpu.memory_space<vmem>>, vector<16xi32>,
    %swap3A_13 = arith.constant 48 : index
    %swap3A_14 = tpu.vector_load %arg20[%swap3A_13] {strides = array<i32>} : memref<512xi32, #tpu.memory_space<vmem>>, vector<16xi32>,
    tpu.vector_store %arg20[%swap3A_13], %broadcast_in_dim3A_3 {strides = array<i32>} : memref<512xi32, #tpu.memory_space<vmem>>, vector<16xi32>,
    %swap3A_15 = arith.constant 64 : index
    %swap3A_16 = tpu.vector_load %arg20[%swap3A_15] {strides = array<i32>} : memref<512xi32, #tpu.memory_space<vmem>>, vector<16xi32>,
    tpu.vector_store %arg20[%swap3A_15], %broadcast_in_dim3A_3 {strides = array<i32>} : memref<512xi32, #tpu.memory_space<vmem>>, vector<16xi32>,
    %swap3A_17 = arith.constant 80 : index
    %swap3A_18 = tpu.vector_load %arg20[%swap3A_17] {strides = array<i32>} : memref<512xi32, #tpu.memory_space<vmem>>, vector<16xi32>,
    tpu.vector_store %arg20[%swap3A_17], %broadcast_in_dim3A_3 {strides = array<i32>} : memref<512xi32, #tpu.memory_space<vmem>>, vector<16xi32>,
    %swap3A_19 = arith.constant 96 : index
    %swap3A_20 = tpu.vector_load %arg20[%swap3A_19] {strides = array<i32>} : memref<512xi32, #tpu.memory_space<vmem>>, vector<16xi32>,
    tpu.vector_store %arg20[%swap3A_19], %broadcast_in_dim3A_3 {strides = array<i32>} : memref<512xi32, #tpu.memory_space<vmem>>, vector<16xi32>,
    %swap3A_21 = arith.constant 112 : index
    %swap3A_22 = tpu.vector_load %arg20[%swap3A_21] {strides = array<i32>} : memref<512xi32, #tpu.memory_space<vmem>>, vector<16xi32>,
    tpu.vector_store %arg20[%swap3A_21], %broadcast_in_dim3A_3 {strides = array<i32>} : memref<512xi32, #tpu.memory_space<vmem>>, vector<16xi32>,
    %swap3A_23 = arith.constant 128 : index
    %swap3A_24 = tpu.vector_load %arg20[%swap3A_23] {strides = array<i32>} : memref<512xi32, #tpu.memory_space<vmem>>, vector<16xi32>,
    tpu.vector_store %arg20[%swap3A_23], %broadcast_in_dim3A_3 {strides = array<i32>} : memref<512xi32, #tpu.memory_space<vmem>>, vector<16xi32>,
    %swap3A_25 = arith.constant 144 : index
    %swap3A_26 = tpu.vector_load %arg20[%swap3A_25] {strides = array<i32>} : memref<512xi32, #tpu.memory_space<vmem>>, vector<16xi32>,
    tpu.vector_store %arg20[%swap3A_25], %broadcast_in_dim3A_3 {strides = array<i32>} : memref<512xi32, #tpu.memory_space<vmem>>, vector<16xi32>,
    %swap3A_27 = arith.constant 160 : index
    %swap3A_28 = tpu.vector_load %arg20[%swap3A_27] {strides = array<i32>} : memref<512xi32, #tpu.memory_space<vmem>>, vector<16xi32>,
    tpu.vector_store %arg20[%swap3A_27], %broadcast_in_dim3A_3 {strides = array<i32>} : memref<512xi32, #tpu.memory_space<vmem>>, vector<16xi32>,
    %swap3A_29 = arith.constant 176 : index
    %swap3A_30 = tpu.vector_load %arg20[%swap3A_29] {strides = array<i32>} : memref<512xi32, #tpu.memory_space<vmem>>, vector<16xi32>,
    tpu.vector_store %arg20[%swap3A_29], %broadcast_in_dim3A_3 {strides = array<i32>} : memref<512xi32, #tpu.memory_space<vmem>>, vector<16xi32>,
    %swap3A_31 = arith.constant 192 : index
    %swap3A_32 = tpu.vector_load %arg20[%swap3A_31] {strides = array<i32>} : memref<512xi32, #tpu.memory_space<vmem>>, vector<16xi32>,
    tpu.vector_store %arg20[%swap3A_31], %broadcast_in_dim3A_3 {strides = array<i32>} : memref<512xi32, #tpu.memory_space<vmem>>, vector<16xi32>,
    %swap3A_33 = arith.constant 208 : index
    %swap3A_34 = tpu.vector_load %arg20[%swap3A_33] {strides = array<i32>} : memref<512xi32, #tpu.memory_space<vmem>>, vector<16xi32>,
    tpu.vector_store %arg20[%swap3A_33], %broadcast_in_dim3A_3 {strides = array<i32>} : memref<512xi32, #tpu.memory_space<vmem>>, vector<16xi32>,
    %swap3A_35 = arith.constant 224 : index
    %swap3A_36 = tpu.vector_load %arg20[%swap3A_35] {strides = array<i32>} : memref<512xi32, #tpu.memory_space<vmem>>, vector<16xi32>,
    tpu.vector_store %arg20[%swap3A_35], %broadcast_in_dim3A_3 {strides = array<i32>} : memref<512xi32, #tpu.memory_space<vmem>>, vector<16xi32>,
    %swap3A_37 = arith.constant 240 : index
    %swap3A_38 = tpu.vector_load %arg20[%swap3A_37] {strides = array<i32>} : memref<512xi32, #tpu.memory_space<vmem>>, vector<16xi32>,
    tpu.vector_store %arg20[%swap3A_37], %broadcast_in_dim3A_3 {strides = array<i32>} : memref<512xi32, #tpu.memory_space<vmem>>, vector<16xi32>,
    %swap3A_39 = arith.constant 256 : index
    %swap3A_40 = tpu.vector_load %arg20[%swap3A_39] {strides = array<i32>} : memref<512xi32, #tpu.memory_space<vmem>>, vector<16xi32>,
    tpu.vector_store %arg20[%swap3A_39], %broadcast_in_dim3A_3 {strides = array<i32>} : memref<512xi32, #tpu.memory_space<vmem>>, vector<16xi32>,
    %swap3A_41 = arith.constant 272 : index
    %swap3A_42 = tpu.vector_load %arg20[%swap3A_41] {strides = array<i32>} : memref<512xi32, #tpu.memory_space<vmem>>, vector<16xi32>,
    tpu.vector_store %arg20[%swap3A_41], %broadcast_in_dim3A_3 {strides = array<i32>} : memref<512xi32, #tpu.memory_space<vmem>>, vector<16xi32>,
    %swap3A_43 = arith.constant 288 : index
    %swap3A_44 = tpu.vector_load %arg20[%swap3A_43] {strides = array<i32>} : memref<512xi32, #tpu.memory_space<vmem>>, vector<16xi32>,
    tpu.vector_store %arg20[%swap3A_43], %broadcast_in_dim3A_3 {strides = array<i32>} : memref<512xi32, #tpu.memory_space<vmem>>, vector<16xi32>,
    %swap3A_45 = arith.constant 304 : index
    %swap3A_46 = tpu.vector_load %arg20[%swap3A_45] {strides = array<i32>} : memref<512xi32, #tpu.memory_space<vmem>>, vector<16xi32>,
    tpu.vector_store %arg20[%swap3A_45], %broadcast_in_dim3A_3 {strides = array<i32>} : memref<512xi32, #tpu.memory_space<vmem>>, vector<16xi32>,
    %swap3A_47 = arith.constant 320 : index
    %swap3A_48 = tpu.vector_load %arg20[%swap3A_47] {strides = array<i32>} : memref<512xi32, #tpu.memory_space<vmem>>, vector<16xi32>,
    tpu.vector_store %arg20[%swap3A_47], %broadcast_in_dim3A_3 {strides = array<i32>} : memref<512xi32, #tpu.memory_space<vmem>>, vector<16xi32>,
    %swap3A_49 = arith.constant 336 : index
    %swap3A_50 = tpu.vector_load %arg20[%swap3A_49] {strides = array<i32>} : memref<512xi32, #tpu.memory_space<vmem>>, vector<16xi32>,
    tpu.vector_store %arg20[%swap3A_49], %broadcast_in_dim3A_3 {strides = array<i32>} : memref<512xi32, #tpu.memory_space<vmem>>, vector<16xi32>,
    %swap3A_51 = arith.constant 352 : index
    %swap3A_52 = tpu.vector_load %arg20[%swap3A_51] {strides = array<i32>} : memref<512xi32, #tpu.memory_space<vmem>>, vector<16xi32>,
    tpu.vector_store %arg20[%swap3A_51], %broadcast_in_dim3A_3 {strides = array<i32>} : memref<512xi32, #tpu.memory_space<vmem>>, vector<16xi32>,
    %swap3A_53 = arith.constant 368 : index
    %swap3A_54 = tpu.vector_load %arg20[%swap3A_53] {strides = array<i32>} : memref<512xi32, #tpu.memory_space<vmem>>, vector<16xi32>,
    tpu.vector_store %arg20[%swap3A_53], %broadcast_in_dim3A_3 {strides = array<i32>} : memref<512xi32, #tpu.memory_space<vmem>>, vector<16xi32>,
    %swap3A_55 = arith.constant 384 : index
    %swap3A_56 = tpu.vector_load %arg20[%swap3A_55] {strides = array<i32>} : memref<512xi32, #tpu.memory_space<vmem>>, vector<16xi32>,
    tpu.vector_store %arg20[%swap3A_55], %broadcast_in_dim3A_3 {strides = array<i32>} : memref<512xi32, #tpu.memory_space<vmem>>, vector<16xi32>,
    %swap3A_57 = arith.constant 400 : index
    %swap3A_58 = tpu.vector_load %arg20[%swap3A_57] {strides = array<i32>} : memref<512xi32, #tpu.memory_space<vmem>>, vector<16xi32>,
    tpu.vector_store %arg20[%swap3A_57], %broadcast_in_dim3A_3 {strides = array<i32>} : memref<512xi32, #tpu.memory_space<vmem>>, vector<16xi32>,
    %swap3A_59 = arith.constant 416 : index
    %swap3A_60 = tpu.vector_load %arg20[%swap3A_59] {strides = array<i32>} : memref<512xi32, #tpu.memory_space<vmem>>, vector<16xi32>,
    tpu.vector_store %arg20[%swap3A_59], %broadcast_in_dim3A_3 {strides = array<i32>} : memref<512xi32, #tpu.memory_space<vmem>>, vector<16xi32>,
    %swap3A_61 = arith.constant 432 : index
    %swap3A_62 = tpu.vector_load %arg20[%swap3A_61] {strides = array<i32>} : memref<512xi32, #tpu.memory_space<vmem>>, vector<16xi32>,
    tpu.vector_store %arg20[%swap3A_61], %broadcast_in_dim3A_3 {strides = array<i32>} : memref<512xi32, #tpu.memory_space<vmem>>, vector<16xi32>,
    %swap3A_63 = arith.constant 448 : index
    %swap3A_64 = tpu.vector_load %arg20[%swap3A_63] {strides = array<i32>} : memref<512xi32, #tpu.memory_space<vmem>>, vector<16xi32>,
    tpu.vector_store %arg20[%swap3A_63], %broadcast_in_dim3A_3 {strides = array<i32>} : memref<512xi32, #tpu.memory_space<vmem>>, vector<16xi32>,
    %swap3A_65 = arith.constant 464 : index
    %swap3A_66 = tpu.vector_load %arg20[%swap3A_65] {strides = array<i32>} : memref<512xi32, #tpu.memory_space<vmem>>, vector<16xi32>,
    tpu.vector_store %arg20[%swap3A_65], %broadcast_in_dim3A_3 {strides = array<i32>} : memref<512xi32, #tpu.memory_space<vmem>>, vector<16xi32>,
    %swap3A_67 = arith.constant 480 : index
    %swap3A_68 = tpu.vector_load %arg20[%swap3A_67] {strides = array<i32>} : memref<512xi32, #tpu.memory_space<vmem>>, vector<16xi32>,
    tpu.vector_store %arg20[%swap3A_67], %broadcast_in_dim3A_3 {strides = array<i32>} : memref<512xi32, #tpu.memory_space<vmem>>, vector<16xi32>,
    %swap3A_69 = arith.constant 496 : index
    %swap3A_70 = tpu.vector_load %arg20[%swap3A_69] {strides = array<i32>} : memref<512xi32, #tpu.memory_space<vmem>>, vector<16xi32>,
    tpu.vector_store %arg20[%swap3A_69], %broadcast_in_dim3A_3 {strides = array<i32>} : memref<512xi32, #tpu.memory_space<vmem>>, vector<16xi32>,
    %mul3A_71 = arith.constant 12544 : i32
    %mul3A_72 = arith.muli %arg1, %mul3A_71 : i32
    %add3A_73 = arith.constant 0 : i32
    %add3A_74 = arith.addi %mul3A_72, %add3A_73 : i32
    %dma_start3A = tpu.memref_slice %arg2[%add3A_74] : memref<200704xi32, #tpu.memory_space<hbm>> -> memref<784xi32, #tpu.memory_space<hbm>>
    %dma_start3A_75 = tpu.memref_slice %arg2[%add3A_74] : memref<200704xi32, #tpu.memory_space<hbm>> -> memref<784xi32, #tpu.memory_space<hbm>>
    tpu.enqueue_dma source(%dma_start3A_75 : memref<784xi32, #tpu.memory_space<hbm>>) target(%arg14 : memref<784xi32, #tpu.memory_space<vmem>>) target_semaphore(%arg28 : memref<!tpu.dma_semaphore, #tpu.memory_space<semaphore_mem>>)
    %dma_start3A_76 = tpu.memref_slice %arg3[%add3A_74] : memref<200704xi32, #tpu.memory_space<hbm>> -> memref<784xi32, #tpu.memory_space<hbm>>
    %dma_start3A_77 = tpu.memref_slice %arg3[%add3A_74] : memref<200704xi32, #tpu.memory_space<hbm>> -> memref<784xi32, #tpu.memory_space<hbm>>
    tpu.enqueue_dma source(%dma_start3A_77 : memref<784xi32, #tpu.memory_space<hbm>>) target(%arg15 : memref<784xi32, #tpu.memory_space<vmem>>) target_semaphore(%arg28 : memref<!tpu.dma_semaphore, #tpu.memory_space<semaphore_mem>>)
    %dma_start3A_78 = tpu.memref_slice %arg4[%add3A_74] : memref<200704xf32, #tpu.memory_space<hbm>> -> memref<784xf32, #tpu.memory_space<hbm>>
    %dma_start3A_79 = tpu.memref_slice %arg4[%add3A_74] : memref<200704xf32, #tpu.memory_space<hbm>> -> memref<784xf32, #tpu.memory_space<hbm>>
    tpu.enqueue_dma source(%dma_start3A_79 : memref<784xf32, #tpu.memory_space<hbm>>) target(%arg16 : memref<784xf32, #tpu.memory_space<vmem>>) target_semaphore(%arg28 : memref<!tpu.dma_semaphore, #tpu.memory_space<semaphore_mem>>)
    %add3A_80 = arith.constant 784 : i32
    %add3A_81 = arith.addi %mul3A_72, %add3A_80 : i32
    %dma_start3A_82 = tpu.memref_slice %arg2[%add3A_81] : memref<200704xi32, #tpu.memory_space<hbm>> -> memref<784xi32, #tpu.memory_space<hbm>>
    %dma_start3A_83 = tpu.memref_slice %arg2[%add3A_81] : memref<200704xi32, #tpu.memory_space<hbm>> -> memref<784xi32, #tpu.memory_space<hbm>>
    tpu.enqueue_dma source(%dma_start3A_83 : memref<784xi32, #tpu.memory_space<hbm>>) target(%arg17 : memref<784xi32, #tpu.memory_space<vmem>>) target_semaphore(%arg29 : memref<!tpu.dma_semaphore, #tpu.memory_space<semaphore_mem>>)
    %dma_start3A_84 = tpu.memref_slice %arg3[%add3A_81] : memref<200704xi32, #tpu.memory_space<hbm>> -> memref<784xi32, #tpu.memory_space<hbm>>
    %dma_start3A_85 = tpu.memref_slice %arg3[%add3A_81] : memref<200704xi32, #tpu.memory_space<hbm>> -> memref<784xi32, #tpu.memory_space<hbm>>
    tpu.enqueue_dma source(%dma_start3A_85 : memref<784xi32, #tpu.memory_space<hbm>>) target(%arg18 : memref<784xi32, #tpu.memory_space<vmem>>) target_semaphore(%arg29 : memref<!tpu.dma_semaphore, #tpu.memory_space<semaphore_mem>>)
    %dma_start3A_86 = tpu.memref_slice %arg4[%add3A_81] : memref<200704xf32, #tpu.memory_space<hbm>> -> memref<784xf32, #tpu.memory_space<hbm>>
    %dma_start3A_87 = tpu.memref_slice %arg4[%add3A_81] : memref<200704xf32, #tpu.memory_space<hbm>> -> memref<784xf32, #tpu.memory_space<hbm>>
    tpu.enqueue_dma source(%dma_start3A_87 : memref<784xf32, #tpu.memory_space<hbm>>) target(%arg19 : memref<784xf32, #tpu.memory_space<vmem>>) target_semaphore(%arg29 : memref<!tpu.dma_semaphore, #tpu.memory_space<semaphore_mem>>)
    %scan3A = arith.constant 0 : i32
    %scan3A_88 = arith.constant 0 : i32
    %scan3A_89 = arith.constant 8 : i32
    %scan3A_90 = arith.addi %scan3A_88, %scan3A_89 : i32
    %scan3A_91 = arith.constant 1 : i32
    %scan3A_92 = scf.for %scan3A_160 = %scan3A_88 to %scan3A_90 step %scan3A_91 iter_args(%scan3A_161 = %scan3A) -> (i32)  : i32 {
      %mul3A_162 = arith.constant 2 : i32
      %mul3A_163 = arith.muli %scan3A_160, %mul3A_162 : i32
      %dma_wait3A_164 = arith.constant 0 : i32
      %dma_wait3A_165 = tpu.memref_slice %arg2[%dma_wait3A_164] : memref<200704xi32, #tpu.memory_space<hbm>> -> memref<784xi32, #tpu.memory_space<hbm>>
      %dma_wait3A_166 = arith.constant 0 : i32
      %dma_wait3A_167 = tpu.memref_slice %arg2[%dma_wait3A_166] : memref<200704xi32, #tpu.memory_space<hbm>> -> memref<784xi32, #tpu.memory_space<hbm>>
      tpu.wait_dma2 semaphore(%arg28 : memref<!tpu.dma_semaphore, #tpu.memory_space<semaphore_mem>>) src(%dma_wait3A_167 : memref<784xi32, #tpu.memory_space<hbm>>) dst(%arg14 : memref<784xi32, #tpu.memory_space<vmem>>)
      %dma_wait3A_168 = arith.constant 0 : i32
      %dma_wait3A_169 = tpu.memref_slice %arg3[%dma_wait3A_168] : memref<200704xi32, #tpu.memory_space<hbm>> -> memref<784xi32, #tpu.memory_space<hbm>>
      %dma_wait3A_170 = arith.constant 0 : i32
      %dma_wait3A_171 = tpu.memref_slice %arg3[%dma_wait3A_170] : memref<200704xi32, #tpu.memory_space<hbm>> -> memref<784xi32, #tpu.memory_space<hbm>>
      tpu.wait_dma2 semaphore(%arg28 : memref<!tpu.dma_semaphore, #tpu.memory_space<semaphore_mem>>) src(%dma_wait3A_171 : memref<784xi32, #tpu.memory_space<hbm>>) dst(%arg15 : memref<784xi32, #tpu.memory_space<vmem>>)
      %dma_wait3A_172 = arith.constant 0 : i32
      %dma_wait3A_173 = tpu.memref_slice %arg4[%dma_wait3A_172] : memref<200704xf32, #tpu.memory_space<hbm>> -> memref<784xf32, #tpu.memory_space<hbm>>
      %dma_wait3A_174 = arith.constant 0 : i32
      %dma_wait3A_175 = tpu.memref_slice %arg4[%dma_wait3A_174] : memref<200704xf32, #tpu.memory_space<hbm>> -> memref<784xf32, #tpu.memory_space<hbm>>
      tpu.wait_dma2 semaphore(%arg28 : memref<!tpu.dma_semaphore, #tpu.memory_space<semaphore_mem>>) src(%dma_wait3A_175 : memref<784xf32, #tpu.memory_space<hbm>>) dst(%arg16 : memref<784xf32, #tpu.memory_space<vmem>>)
      %scan3A_176 = arith.constant 0 : i32
      %scan3A_177 = arith.constant 0 : i32
      %scan3A_178 = arith.constant 49 : i32
      %scan3A_179 = arith.addi %scan3A_177, %scan3A_178 : i32
      %scan3A_180 = arith.constant 1 : i32
      %scan3A_181 = scf.for %scan3A_215 = %scan3A_177 to %scan3A_179 step %scan3A_180 iter_args(%scan3A_216 = %scan3A_176) -> (i32)  : i32 {
        %mul3A_217 = arith.constant 16 : i32
        %mul3A_218 = arith.muli %scan3A_215, %mul3A_217 : i32
        %mul3A_219 = arith.constant 784 : i32
        %mul3A_220 = arith.muli %mul3A_163, %mul3A_219 : i32
        %mul3A_221 = arith.constant 16 : i32
        %mul3A_222 = arith.muli %scan3A_215, %mul3A_221 : i32
        %add3A_223 = arith.addi %mul3A_220, %mul3A_222 : i32
        %get3A = arith.index_cast %mul3A_218 : i32 to index
        %get3A_224 = tpu.vector_load %arg14[%get3A] {strides = array<i32>} : memref<784xi32, #tpu.memory_space<vmem>>, vector<16xi32>,
        %mul3A_225 = arith.constant 256 : i32
        %mul3A_226 = vector.broadcast %mul3A_225 : i32 to vector<16xi32>
        %mul3A_227 = arith.muli %get3A_224, %mul3A_226 : vector<16xi32>
        %get3A_228 = arith.index_cast %mul3A_218 : i32 to index
        %get3A_229 = tpu.vector_load %arg15[%get3A_228] {strides = array<i32>} : memref<784xi32, #tpu.memory_space<vmem>>, vector<16xi32>,
        %sub3A = arith.constant 50000 : i32
        %sub3A_230 = vector.broadcast %sub3A : i32 to vector<16xi32>
        %sub3A_231 = arith.subi %get3A_229, %sub3A_230 : vector<16xi32>
        %add3A_232 = arith.addi %mul3A_227, %sub3A_231 : vector<16xi32>
        %swap3A_233 = arith.index_cast %add3A_223 : i32 to index
        %swap3A_234 = tpu.vector_load %arg10[%swap3A_233] {strides = array<i32>} : memref<12544xi32, #tpu.memory_space<vmem>>, vector<16xi32>,
        tpu.vector_store %arg10[%swap3A_233], %add3A_232 {strides = array<i32>} : memref<12544xi32, #tpu.memory_space<vmem>>, vector<16xi32>,
        %get3A_235 = arith.index_cast %mul3A_218 : i32 to index
        %get3A_236 = tpu.vector_load %arg16[%get3A_235] {strides = array<i32>} : memref<784xf32, #tpu.memory_space<vmem>>, vector<16xf32>,
        %max3A = arith.constant 0.000000e+00 : f32
        %max3A_237 = vector.broadcast %max3A : f32 to vector<16xf32>
        %max3A_238 = arith.maximumf %get3A_236, %max3A_237 : vector<16xf32>
        %swap3A_239 = arith.index_cast %add3A_223 : i32 to index
        %swap3A_240 = tpu.vector_load %arg11[%swap3A_239] {strides = array<i32>} : memref<12544xf32, #tpu.memory_space<vmem>>, vector<16xf32>,
        tpu.vector_store %arg11[%swap3A_239], %max3A_238 {strides = array<i32>} : memref<12544xf32, #tpu.memory_space<vmem>>, vector<16xf32>,
        %max3A_241 = arith.constant 0 : i32
        %max3A_242 = vector.broadcast %max3A_241 : i32 to vector<16xi32>
        %max3A_243 = arith.maxsi %add3A_232, %max3A_242 : vector<16xi32>
        %shift_right_arithmetic3A = arith.constant 15 : i32
        %shift_right_arithmetic3A_244 = vector.broadcast %shift_right_arithmetic3A : i32 to vector<16xi32>
        %shift_right_arithmetic3A_245 = arith.shrsi %max3A_243, %shift_right_arithmetic3A_244 : vector<16xi32>
        tpu.vector_store_idx %arg20[%shift_right_arithmetic3A_245], %broadcast_in_dim3A_1 {add = true} : memref<512xi32, #tpu.memory_space<vmem>>[vector<16xi32>], vector<16xi32>,
        %scan3A_246 = arith.constant 0 : i32
        scf.yield %scan3A_246 : i32
      }
      %scan3A_182 = arith.constant 49 : i32
      %lt3A_183 = arith.constant 7 : i32
      %lt3A_184 = arith.cmpi slt, %scan3A_160, %lt3A_183 : i32
      %convert_element_type3A_185 = arith.extui %lt3A_184 : i1 to i32
      %cond3A_186 = arith.constant 0 : i32
      %cond3A_187 = arith.cmpi ne, %convert_element_type3A_185, %cond3A_186 : i32
      scf.if %cond3A_187 {
        %add3A_215 = arith.constant 2 : i32
        %add3A_216 = arith.addi %mul3A_163, %add3A_215 : i32
        %mul3A_217 = arith.constant 784 : i32
        %mul3A_218 = arith.muli %add3A_216, %mul3A_217 : i32
        %add3A_219 = arith.addi %mul3A_72, %mul3A_218 : i32
        %dma_start3A_220 = tpu.memref_slice %arg2[%add3A_219] : memref<200704xi32, #tpu.memory_space<hbm>> -> memref<784xi32, #tpu.memory_space<hbm>>
        %dma_start3A_221 = tpu.memref_slice %arg2[%add3A_219] : memref<200704xi32, #tpu.memory_space<hbm>> -> memref<784xi32, #tpu.memory_space<hbm>>
        tpu.enqueue_dma source(%dma_start3A_221 : memref<784xi32, #tpu.memory_space<hbm>>) target(%arg14 : memref<784xi32, #tpu.memory_space<vmem>>) target_semaphore(%arg28 : memref<!tpu.dma_semaphore, #tpu.memory_space<semaphore_mem>>)
        %dma_start3A_222 = tpu.memref_slice %arg3[%add3A_219] : memref<200704xi32, #tpu.memory_space<hbm>> -> memref<784xi32, #tpu.memory_space<hbm>>
        %dma_start3A_223 = tpu.memref_slice %arg3[%add3A_219] : memref<200704xi32, #tpu.memory_space<hbm>> -> memref<784xi32, #tpu.memory_space<hbm>>
        tpu.enqueue_dma source(%dma_start3A_223 : memref<784xi32, #tpu.memory_space<hbm>>) target(%arg15 : memref<784xi32, #tpu.memory_space<vmem>>) target_semaphore(%arg28 : memref<!tpu.dma_semaphore, #tpu.memory_space<semaphore_mem>>)
        %dma_start3A_224 = tpu.memref_slice %arg4[%add3A_219] : memref<200704xf32, #tpu.memory_space<hbm>> -> memref<784xf32, #tpu.memory_space<hbm>>
        %dma_start3A_225 = tpu.memref_slice %arg4[%add3A_219] : memref<200704xf32, #tpu.memory_space<hbm>> -> memref<784xf32, #tpu.memory_space<hbm>>
        tpu.enqueue_dma source(%dma_start3A_225 : memref<784xf32, #tpu.memory_space<hbm>>) target(%arg16 : memref<784xf32, #tpu.memory_space<vmem>>) target_semaphore(%arg28 : memref<!tpu.dma_semaphore, #tpu.memory_space<semaphore_mem>>)
      } else {
      }
      %dma_wait3A_188 = arith.constant 0 : i32
      %dma_wait3A_189 = tpu.memref_slice %arg2[%dma_wait3A_188] : memref<200704xi32, #tpu.memory_space<hbm>> -> memref<784xi32, #tpu.memory_space<hbm>>
      %dma_wait3A_190 = arith.constant 0 : i32
      %dma_wait3A_191 = tpu.memref_slice %arg2[%dma_wait3A_190] : memref<200704xi32, #tpu.memory_space<hbm>> -> memref<784xi32, #tpu.memory_space<hbm>>
      tpu.wait_dma2 semaphore(%arg29 : memref<!tpu.dma_semaphore, #tpu.memory_space<semaphore_mem>>) src(%dma_wait3A_191 : memref<784xi32, #tpu.memory_space<hbm>>) dst(%arg17 : memref<784xi32, #tpu.memory_space<vmem>>)
      %dma_wait3A_192 = arith.constant 0 : i32
      %dma_wait3A_193 = tpu.memref_slice %arg3[%dma_wait3A_192] : memref<200704xi32, #tpu.memory_space<hbm>> -> memref<784xi32, #tpu.memory_space<hbm>>
      %dma_wait3A_194 = arith.constant 0 : i32
      %dma_wait3A_195 = tpu.memref_slice %arg3[%dma_wait3A_194] : memref<200704xi32, #tpu.memory_space<hbm>> -> memref<784xi32, #tpu.memory_space<hbm>>
      tpu.wait_dma2 semaphore(%arg29 : memref<!tpu.dma_semaphore, #tpu.memory_space<semaphore_mem>>) src(%dma_wait3A_195 : memref<784xi32, #tpu.memory_space<hbm>>) dst(%arg18 : memref<784xi32, #tpu.memory_space<vmem>>)
      %dma_wait3A_196 = arith.constant 0 : i32
      %dma_wait3A_197 = tpu.memref_slice %arg4[%dma_wait3A_196] : memref<200704xf32, #tpu.memory_space<hbm>> -> memref<784xf32, #tpu.memory_space<hbm>>
      %dma_wait3A_198 = arith.constant 0 : i32
      %dma_wait3A_199 = tpu.memref_slice %arg4[%dma_wait3A_198] : memref<200704xf32, #tpu.memory_space<hbm>> -> memref<784xf32, #tpu.memory_space<hbm>>
      tpu.wait_dma2 semaphore(%arg29 : memref<!tpu.dma_semaphore, #tpu.memory_space<semaphore_mem>>) src(%dma_wait3A_199 : memref<784xf32, #tpu.memory_space<hbm>>) dst(%arg19 : memref<784xf32, #tpu.memory_space<vmem>>)
      %add3A_200 = arith.constant 1 : i32
      %add3A_201 = arith.addi %mul3A_163, %add3A_200 : i32
      %scan3A_202 = arith.constant 0 : i32
      %scan3A_203 = arith.constant 0 : i32
      %scan3A_204 = arith.constant 49 : i32
      %scan3A_205 = arith.addi %scan3A_203, %scan3A_204 : i32
      %scan3A_206 = arith.constant 1 : i32
      %scan3A_207 = scf.for %scan3A_215 = %scan3A_203 to %scan3A_205 step %scan3A_206 iter_args(%scan3A_216 = %scan3A_202) -> (i32)  : i32 {
        %mul3A_217 = arith.constant 16 : i32
        %mul3A_218 = arith.muli %scan3A_215, %mul3A_217 : i32
        %mul3A_219 = arith.constant 784 : i32
        %mul3A_220 = arith.muli %add3A_201, %mul3A_219 : i32
        %mul3A_221 = arith.constant 16 : i32
        %mul3A_222 = arith.muli %scan3A_215, %mul3A_221 : i32
        %add3A_223 = arith.addi %mul3A_220, %mul3A_222 : i32
        %get3A = arith.index_cast %mul3A_218 : i32 to index
        %get3A_224 = tpu.vector_load %arg17[%get3A] {strides = array<i32>} : memref<784xi32, #tpu.memory_space<vmem>>, vector<16xi32>,
        %mul3A_225 = arith.constant 256 : i32
        %mul3A_226 = vector.broadcast %mul3A_225 : i32 to vector<16xi32>
        %mul3A_227 = arith.muli %get3A_224, %mul3A_226 : vector<16xi32>
        %get3A_228 = arith.index_cast %mul3A_218 : i32 to index
        %get3A_229 = tpu.vector_load %arg18[%get3A_228] {strides = array<i32>} : memref<784xi32, #tpu.memory_space<vmem>>, vector<16xi32>,
        %sub3A = arith.constant 50000 : i32
        %sub3A_230 = vector.broadcast %sub3A : i32 to vector<16xi32>
        %sub3A_231 = arith.subi %get3A_229, %sub3A_230 : vector<16xi32>
        %add3A_232 = arith.addi %mul3A_227, %sub3A_231 : vector<16xi32>
        %swap3A_233 = arith.index_cast %add3A_223 : i32 to index
        %swap3A_234 = tpu.vector_load %arg10[%swap3A_233] {strides = array<i32>} : memref<12544xi32, #tpu.memory_space<vmem>>, vector<16xi32>,
        tpu.vector_store %arg10[%swap3A_233], %add3A_232 {strides = array<i32>} : memref<12544xi32, #tpu.memory_space<vmem>>, vector<16xi32>,
        %get3A_235 = arith.index_cast %mul3A_218 : i32 to index
        %get3A_236 = tpu.vector_load %arg19[%get3A_235] {strides = array<i32>} : memref<784xf32, #tpu.memory_space<vmem>>, vector<16xf32>,
        %max3A = arith.constant 0.000000e+00 : f32
        %max3A_237 = vector.broadcast %max3A : f32 to vector<16xf32>
        %max3A_238 = arith.maximumf %get3A_236, %max3A_237 : vector<16xf32>
        %swap3A_239 = arith.index_cast %add3A_223 : i32 to index
        %swap3A_240 = tpu.vector_load %arg11[%swap3A_239] {strides = array<i32>} : memref<12544xf32, #tpu.memory_space<vmem>>, vector<16xf32>,
        tpu.vector_store %arg11[%swap3A_239], %max3A_238 {strides = array<i32>} : memref<12544xf32, #tpu.memory_space<vmem>>, vector<16xf32>,
        %max3A_241 = arith.constant 0 : i32
        %max3A_242 = vector.broadcast %max3A_241 : i32 to vector<16xi32>
        %max3A_243 = arith.maxsi %add3A_232, %max3A_242 : vector<16xi32>
        %shift_right_arithmetic3A = arith.constant 15 : i32
        %shift_right_arithmetic3A_244 = vector.broadcast %shift_right_arithmetic3A : i32 to vector<16xi32>
        %shift_right_arithmetic3A_245 = arith.shrsi %max3A_243, %shift_right_arithmetic3A_244 : vector<16xi32>
        tpu.vector_store_idx %arg20[%shift_right_arithmetic3A_245], %broadcast_in_dim3A_1 {add = true} : memref<512xi32, #tpu.memory_space<vmem>>[vector<16xi32>], vector<16xi32>,
        %scan3A_246 = arith.constant 0 : i32
        scf.yield %scan3A_246 : i32
      }
      %scan3A_208 = arith.constant 49 : i32
      %lt3A_209 = arith.constant 7 : i32
      %lt3A_210 = arith.cmpi slt, %scan3A_160, %lt3A_209 : i32
      %convert_element_type3A_211 = arith.extui %lt3A_210 : i1 to i32
      %cond3A_212 = arith.constant 0 : i32
      %cond3A_213 = arith.cmpi ne, %convert_element_type3A_211, %cond3A_212 : i32
      scf.if %cond3A_213 {
        %add3A_215 = arith.constant 3 : i32
        %add3A_216 = arith.addi %mul3A_163, %add3A_215 : i32
        %mul3A_217 = arith.constant 784 : i32
        %mul3A_218 = arith.muli %add3A_216, %mul3A_217 : i32
        %add3A_219 = arith.addi %mul3A_72, %mul3A_218 : i32
        %dma_start3A_220 = tpu.memref_slice %arg2[%add3A_219] : memref<200704xi32, #tpu.memory_space<hbm>> -> memref<784xi32, #tpu.memory_space<hbm>>
        %dma_start3A_221 = tpu.memref_slice %arg2[%add3A_219] : memref<200704xi32, #tpu.memory_space<hbm>> -> memref<784xi32, #tpu.memory_space<hbm>>
        tpu.enqueue_dma source(%dma_start3A_221 : memref<784xi32, #tpu.memory_space<hbm>>) target(%arg17 : memref<784xi32, #tpu.memory_space<vmem>>) target_semaphore(%arg29 : memref<!tpu.dma_semaphore, #tpu.memory_space<semaphore_mem>>)
        %dma_start3A_222 = tpu.memref_slice %arg3[%add3A_219] : memref<200704xi32, #tpu.memory_space<hbm>> -> memref<784xi32, #tpu.memory_space<hbm>>
        %dma_start3A_223 = tpu.memref_slice %arg3[%add3A_219] : memref<200704xi32, #tpu.memory_space<hbm>> -> memref<784xi32, #tpu.memory_space<hbm>>
        tpu.enqueue_dma source(%dma_start3A_223 : memref<784xi32, #tpu.memory_space<hbm>>) target(%arg18 : memref<784xi32, #tpu.memory_space<vmem>>) target_semaphore(%arg29 : memref<!tpu.dma_semaphore, #tpu.memory_space<semaphore_mem>>)
        %dma_start3A_224 = tpu.memref_slice %arg4[%add3A_219] : memref<200704xf32, #tpu.memory_space<hbm>> -> memref<784xf32, #tpu.memory_space<hbm>>
        %dma_start3A_225 = tpu.memref_slice %arg4[%add3A_219] : memref<200704xf32, #tpu.memory_space<hbm>> -> memref<784xf32, #tpu.memory_space<hbm>>
        tpu.enqueue_dma source(%dma_start3A_225 : memref<784xf32, #tpu.memory_space<hbm>>) target(%arg19 : memref<784xf32, #tpu.memory_space<vmem>>) target_semaphore(%arg29 : memref<!tpu.dma_semaphore, #tpu.memory_space<semaphore_mem>>)
      } else {
      }
      %scan3A_214 = arith.constant 0 : i32
      scf.yield %scan3A_214 : i32
    }
    %scan3A_93 = arith.constant 8 : i32
    %scan3A_94 = arith.constant 0 : i32
    %scan3A_95 = arith.constant 0 : i32
    %scan3A_96 = arith.constant 32 : i32
    %scan3A_97 = arith.addi %scan3A_95, %scan3A_96 : i32
    %scan3A_98 = arith.constant 1 : i32
    %scan3A_99 = scf.for %scan3A_160 = %scan3A_95 to %scan3A_97 step %scan3A_98 iter_args(%scan3A_161 = %scan3A_94) -> (i32)  : i32 {
      %mul3A_162 = arith.constant 16 : i32
      %mul3A_163 = arith.muli %scan3A_160, %mul3A_162 : i32
      %get3A = arith.index_cast %mul3A_163 : i32 to index
      %get3A_164 = tpu.vector_load %arg20[%get3A] {strides = array<i32>} : memref<512xi32, #tpu.memory_space<vmem>>, vector<16xi32>,
      %add3A_165 = arith.constant 7 : i32
      %add3A_166 = vector.broadcast %add3A_165 : i32 to vector<16xi32>
      %add3A_167 = arith.addi %get3A_164, %add3A_166 : vector<16xi32>
      %and3A = arith.constant -8 : i32
      %and3A_168 = vector.broadcast %and3A : i32 to vector<16xi32>
      %and3A_169 = arith.andi %add3A_167, %and3A_168 : vector<16xi32>
      %broadcast_in_dim3A_170 = arith.constant true
      %broadcast_in_dim3A_171 = vector.broadcast %broadcast_in_dim3A_170 : i1 to vector<16xi1>
      %masked_cumsum3A = tpu.scan <sum>, %and3A_169 masked %broadcast_in_dim3A_171 : vector<16xi32>, vector<16xi1> -> vector<16xi32>
      %sub3A = arith.subi %masked_cumsum3A, %and3A_169 : vector<16xi32>
      %add3A_172 = vector.broadcast %scan3A_161 : i32 to vector<16xi32>
      %add3A_173 = arith.addi %sub3A, %add3A_172 : vector<16xi32>
      %swap3A_174 = arith.index_cast %mul3A_163 : i32 to index
      %swap3A_175 = tpu.vector_load %arg21[%swap3A_174] {strides = array<i32>} : memref<512xi32, #tpu.memory_space<vmem>>, vector<16xi32>,
      tpu.vector_store %arg21[%swap3A_174], %and3A_169 {strides = array<i32>} : memref<512xi32, #tpu.memory_space<vmem>>, vector<16xi32>,
      %swap3A_176 = arith.index_cast %mul3A_163 : i32 to index
      %swap3A_177 = tpu.vector_load %arg22[%swap3A_176] {strides = array<i32>} : memref<512xi32, #tpu.memory_space<vmem>>, vector<16xi32>,
      tpu.vector_store %arg22[%swap3A_176], %add3A_173 {strides = array<i32>} : memref<512xi32, #tpu.memory_space<vmem>>, vector<16xi32>,
      %swap3A_178 = arith.index_cast %mul3A_163 : i32 to index
      %swap3A_179 = tpu.vector_load %arg23[%swap3A_178] {strides = array<i32>} : memref<512xi32, #tpu.memory_space<vmem>>, vector<16xi32>,
      tpu.vector_store %arg23[%swap3A_178], %add3A_173 {strides = array<i32>} : memref<512xi32, #tpu.memory_space<vmem>>, vector<16xi32>,
      %reduce_sum3A = arith.constant true
      %reduce_sum3A_180 = vector.broadcast %reduce_sum3A : i1 to vector<16xi1>
      %reduce_sum3A_181 = tpu.scan <sum>, %and3A_169 masked %reduce_sum3A_180 : vector<16xi32>, vector<16xi1> -> vector<16xi32>
      %reduce_sum3A_182 = vector.extract %reduce_sum3A_181[15] : i32 from vector<16xi32>
      %add3A_183 = arith.addi %scan3A_161, %reduce_sum3A_182 : i32
      scf.yield %add3A_183 : i32
    }
    %scan3A_100 = arith.constant 32 : i32
    %scan3A_101 = arith.constant 0 : i32
    %scan3A_102 = arith.constant 0 : i32
    %scan3A_103 = arith.constant 240 : i32
    %scan3A_104 = arith.addi %scan3A_102, %scan3A_103 : i32
    %scan3A_105 = arith.constant 1 : i32
    %scan3A_106 = scf.for %scan3A_160 = %scan3A_102 to %scan3A_104 step %scan3A_105 iter_args(%scan3A_161 = %scan3A_101) -> (i32)  : i32 {
      %mul3A_162 = arith.constant 4 : i32
      %mul3A_163 = arith.muli %scan3A_160, %mul3A_162 : i32
      %add3A_164 = arith.constant 0 : i32
      %add3A_165 = arith.addi %mul3A_163, %add3A_164 : i32
      %mul3A_166 = arith.constant 16 : i32
      %mul3A_167 = arith.muli %add3A_165, %mul3A_166 : i32
      %swap3A_168 = arith.index_cast %mul3A_167 : i32 to index
      %swap3A_169 = tpu.vector_load %arg12[%swap3A_168] {strides = array<i32>} : memref<15360xi32, #tpu.memory_space<vmem>>, vector<16xi32>,
      tpu.vector_store %arg12[%swap3A_168], %broadcast_in_dim3A_7 {strides = array<i32>} : memref<15360xi32, #tpu.memory_space<vmem>>, vector<16xi32>,
      %mul3A_170 = arith.constant 4 : i32
      %mul3A_171 = arith.muli %scan3A_160, %mul3A_170 : i32
      %add3A_172 = arith.constant 1 : i32
      %add3A_173 = arith.addi %mul3A_171, %add3A_172 : i32
      %mul3A_174 = arith.constant 16 : i32
      %mul3A_175 = arith.muli %add3A_173, %mul3A_174 : i32
      %swap3A_176 = arith.index_cast %mul3A_175 : i32 to index
      %swap3A_177 = tpu.vector_load %arg12[%swap3A_176] {strides = array<i32>} : memref<15360xi32, #tpu.memory_space<vmem>>, vector<16xi32>,
      tpu.vector_store %arg12[%swap3A_176], %broadcast_in_dim3A_7 {strides = array<i32>} : memref<15360xi32, #tpu.memory_space<vmem>>, vector<16xi32>,
      %mul3A_178 = arith.constant 4 : i32
      %mul3A_179 = arith.muli %scan3A_160, %mul3A_178 : i32
      %add3A_180 = arith.constant 2 : i32
      %add3A_181 = arith.addi %mul3A_179, %add3A_180 : i32
      %mul3A_182 = arith.constant 16 : i32
      %mul3A_183 = arith.muli %add3A_181, %mul3A_182 : i32
      %swap3A_184 = arith.index_cast %mul3A_183 : i32 to index
      %swap3A_185 = tpu.vector_load %arg12[%swap3A_184] {strides = array<i32>} : memref<15360xi32, #tpu.memory_space<vmem>>, vector<16xi32>,
      tpu.vector_store %arg12[%swap3A_184], %broadcast_in_dim3A_7 {strides = array<i32>} : memref<15360xi32, #tpu.memory_space<vmem>>, vector<16xi32>,
      %mul3A_186 = arith.constant 4 : i32
      %mul3A_187 = arith.muli %scan3A_160, %mul3A_186 : i32
      %add3A_188 = arith.constant 3 : i32
      %add3A_189 = arith.addi %mul3A_187, %add3A_188 : i32
      %mul3A_190 = arith.constant 16 : i32
      %mul3A_191 = arith.muli %add3A_189, %mul3A_190 : i32
      %swap3A_192 = arith.index_cast %mul3A_191 : i32 to index
      %swap3A_193 = tpu.vector_load %arg12[%swap3A_192] {strides = array<i32>} : memref<15360xi32, #tpu.memory_space<vmem>>, vector<16xi32>,
      tpu.vector_store %arg12[%swap3A_192], %broadcast_in_dim3A_7 {strides = array<i32>} : memref<15360xi32, #tpu.memory_space<vmem>>, vector<16xi32>,
      %scan3A_194 = arith.constant 0 : i32
      scf.yield %scan3A_194 : i32
    }
    %scan3A_107 = arith.constant 240 : i32
    %scan3A_108 = arith.constant 0 : i32
    %scan3A_109 = arith.constant 0 : i32
    %scan3A_110 = arith.constant 784 : i32
    %scan3A_111 = arith.addi %scan3A_109, %scan3A_110 : i32
    %scan3A_112 = arith.constant 1 : i32
    %scan3A_113 = scf.for %scan3A_160 = %scan3A_109 to %scan3A_111 step %scan3A_112 iter_args(%scan3A_161 = %scan3A_108) -> (i32)  : i32 {
      %mul3A_162 = arith.constant 16 : i32
      %mul3A_163 = arith.muli %scan3A_160, %mul3A_162 : i32
      %get3A = arith.index_cast %mul3A_163 : i32 to index
      %get3A_164 = tpu.vector_load %arg10[%get3A] {strides = array<i32>} : memref<12544xi32, #tpu.memory_space<vmem>>, vector<16xi32>,
      %get3A_165 = arith.index_cast %mul3A_163 : i32 to index
      %get3A_166 = tpu.vector_load %arg11[%get3A_165] {strides = array<i32>} : memref<12544xf32, #tpu.memory_space<vmem>>, vector<16xf32>,
      %max3A = arith.constant 0 : i32
      %max3A_167 = vector.broadcast %max3A : i32 to vector<16xi32>
      %max3A_168 = arith.maxsi %get3A_164, %max3A_167 : vector<16xi32>
      %shift_right_arithmetic3A = arith.constant 15 : i32
      %shift_right_arithmetic3A_169 = vector.broadcast %shift_right_arithmetic3A : i32 to vector<16xi32>
      %shift_right_arithmetic3A_170 = arith.shrsi %max3A_168, %shift_right_arithmetic3A_169 : vector<16xi32>
      %broadcast_in_dim3A_171 = arith.constant true
      %broadcast_in_dim3A_172 = vector.broadcast %broadcast_in_dim3A_171 : i1 to vector<16xi1>
      %unique3A, %unique3A_173 = tpu.scan_count mask(%broadcast_in_dim3A_172 : vector<16xi1>) value(%shift_right_arithmetic3A_170 : vector<16xi32>) : vector<16xi1>, vector<16xi32>
      %gather3A = tpu.vector_load_idx %arg23[%shift_right_arithmetic3A_170] : memref<512xi32, #tpu.memory_space<vmem>>[vector<16xi32>], vector<16xi32>,
      %add3A_174 = arith.addi %gather3A, %unique3A_173 : vector<16xi32>
      %sub3A = arith.constant 1 : i32
      %sub3A_175 = vector.broadcast %sub3A : i32 to vector<16xi32>
      %sub3A_176 = arith.subi %add3A_174, %sub3A_175 : vector<16xi32>
      tpu.vector_store_idx %arg12[%sub3A_176], %get3A_164 : memref<15360xi32, #tpu.memory_space<vmem>>[vector<16xi32>], vector<16xi32>,
      tpu.vector_store_idx %arg13[%sub3A_176], %get3A_166 : memref<15360xf32, #tpu.memory_space<vmem>>[vector<16xi32>], vector<16xf32>,
      tpu.vector_store_idx %arg23[%shift_right_arithmetic3A_170], %broadcast_in_dim3A_1 {add = true} : memref<512xi32, #tpu.memory_space<vmem>>[vector<16xi32>], vector<16xi32>,
      %scan3A_177 = arith.constant 0 : i32
      scf.yield %scan3A_177 : i32
    }
    %scan3A_114 = arith.constant 784 : i32
    %mul3A_115 = arith.constant 16 : i32
    %mul3A_116 = arith.muli %arg0, %mul3A_115 : i32
    %add3A_117 = arith.addi %mul3A_116, %arg1 : i32
    %mul3A_118 = arith.constant 15360 : i32
    %mul3A_119 = arith.muli %add3A_117, %mul3A_118 : i32
    "tpu.region"() ({
      %run_scoped3A = tpu.sem_alloc : memref<!tpu.dma_semaphore, #tpu.memory_space<semaphore_mem>>
      %dma_start3A_160 = tpu.memref_slice %arg6[%mul3A_119] : memref<492032xi32, #tpu.memory_space<hbm>> -> memref<15360xi32, #tpu.memory_space<hbm>>
      %dma_start3A_161 = tpu.memref_slice %arg6[%mul3A_119] : memref<492032xi32, #tpu.memory_space<hbm>> -> memref<15360xi32, #tpu.memory_space<hbm>>
      tpu.enqueue_dma source(%arg12 : memref<15360xi32, #tpu.memory_space<vmem>>) target(%dma_start3A_161 : memref<15360xi32, #tpu.memory_space<hbm>>) target_semaphore(%run_scoped3A : memref<!tpu.dma_semaphore, #tpu.memory_space<semaphore_mem>>)
      %dma_wait3A_162 = tpu.memref_slice %arg6[%mul3A_119] : memref<492032xi32, #tpu.memory_space<hbm>> -> memref<15360xi32, #tpu.memory_space<hbm>>
      %dma_wait3A_163 = tpu.memref_slice %arg6[%mul3A_119] : memref<492032xi32, #tpu.memory_space<hbm>> -> memref<15360xi32, #tpu.memory_space<hbm>>
      tpu.wait_dma2 semaphore(%run_scoped3A : memref<!tpu.dma_semaphore, #tpu.memory_space<semaphore_mem>>) src(%arg12 : memref<15360xi32, #tpu.memory_space<vmem>>) dst(%dma_wait3A_163 : memref<15360xi32, #tpu.memory_space<hbm>>)
      tpu.yield
    }) : () -> ()
    "tpu.region"() ({
      %run_scoped3A = tpu.sem_alloc : memref<!tpu.dma_semaphore, #tpu.memory_space<semaphore_mem>>
      %dma_start3A_160 = tpu.memref_slice %arg7[%mul3A_119] : memref<492032xf32, #tpu.memory_space<hbm>> -> memref<15360xf32, #tpu.memory_space<hbm>>
      %dma_start3A_161 = tpu.memref_slice %arg7[%mul3A_119] : memref<492032xf32, #tpu.memory_space<hbm>> -> memref<15360xf32, #tpu.memory_space<hbm>>
      tpu.enqueue_dma source(%arg13 : memref<15360xf32, #tpu.memory_space<vmem>>) target(%dma_start3A_161 : memref<15360xf32, #tpu.memory_space<hbm>>) target_semaphore(%run_scoped3A : memref<!tpu.dma_semaphore, #tpu.memory_space<semaphore_mem>>)
      %dma_wait3A_162 = tpu.memref_slice %arg7[%mul3A_119] : memref<492032xf32, #tpu.memory_space<hbm>> -> memref<15360xf32, #tpu.memory_space<hbm>>
      %dma_wait3A_163 = tpu.memref_slice %arg7[%mul3A_119] : memref<492032xf32, #tpu.memory_space<hbm>> -> memref<15360xf32, #tpu.memory_space<hbm>>
      tpu.wait_dma2 semaphore(%run_scoped3A : memref<!tpu.dma_semaphore, #tpu.memory_space<semaphore_mem>>) src(%arg13 : memref<15360xf32, #tpu.memory_space<vmem>>) dst(%dma_wait3A_163 : memref<15360xf32, #tpu.memory_space<hbm>>)
      tpu.yield
    }) : () -> ()
    %mul3A_120 = arith.constant 512 : i32
    %mul3A_121 = arith.muli %arg1, %mul3A_120 : i32
    "tpu.region"() ({
      %run_scoped3A = tpu.sem_alloc : memref<!tpu.dma_semaphore, #tpu.memory_space<semaphore_mem>>
      %dma_start3A_160 = tpu.memref_slice %arg24[%mul3A_121] : memref<8192xi32, #tpu.memory_space<vmem_shared>> -> memref<512xi32, #tpu.memory_space<vmem_shared>>
      %dma_start3A_161 = tpu.memref_slice %arg24[%mul3A_121] : memref<8192xi32, #tpu.memory_space<vmem_shared>> -> memref<512xi32, #tpu.memory_space<vmem_shared>>
      tpu.enqueue_dma source(%arg22 : memref<512xi32, #tpu.memory_space<vmem>>) target(%dma_start3A_161 : memref<512xi32, #tpu.memory_space<vmem_shared>>) target_semaphore(%run_scoped3A : memref<!tpu.dma_semaphore, #tpu.memory_space<semaphore_mem>>)
      %dma_wait3A_162 = tpu.memref_slice %arg24[%mul3A_121] : memref<8192xi32, #tpu.memory_space<vmem_shared>> -> memref<512xi32, #tpu.memory_space<vmem_shared>>
      %dma_wait3A_163 = tpu.memref_slice %arg24[%mul3A_121] : memref<8192xi32, #tpu.memory_space<vmem_shared>> -> memref<512xi32, #tpu.memory_space<vmem_shared>>
      tpu.wait_dma2 semaphore(%run_scoped3A : memref<!tpu.dma_semaphore, #tpu.memory_space<semaphore_mem>>) src(%arg22 : memref<512xi32, #tpu.memory_space<vmem>>) dst(%dma_wait3A_163 : memref<512xi32, #tpu.memory_space<vmem_shared>>)
      tpu.yield
    }) : () -> ()
    %mul3A_122 = arith.constant 512 : i32
    %mul3A_123 = arith.muli %arg1, %mul3A_122 : i32
    "tpu.region"() ({
      %run_scoped3A = tpu.sem_alloc : memref<!tpu.dma_semaphore, #tpu.memory_space<semaphore_mem>>
      %dma_start3A_160 = tpu.memref_slice %arg25[%mul3A_123] : memref<8192xi32, #tpu.memory_space<vmem_shared>> -> memref<512xi32, #tpu.memory_space<vmem_shared>>
      %dma_start3A_161 = tpu.memref_slice %arg25[%mul3A_123] : memref<8192xi32, #tpu.memory_space<vmem_shared>> -> memref<512xi32, #tpu.memory_space<vmem_shared>>
      tpu.enqueue_dma source(%arg21 : memref<512xi32, #tpu.memory_space<vmem>>) target(%dma_start3A_161 : memref<512xi32, #tpu.memory_space<vmem_shared>>) target_semaphore(%run_scoped3A : memref<!tpu.dma_semaphore, #tpu.memory_space<semaphore_mem>>)
      %dma_wait3A_162 = tpu.memref_slice %arg25[%mul3A_123] : memref<8192xi32, #tpu.memory_space<vmem_shared>> -> memref<512xi32, #tpu.memory_space<vmem_shared>>
      %dma_wait3A_163 = tpu.memref_slice %arg25[%mul3A_123] : memref<8192xi32, #tpu.memory_space<vmem_shared>> -> memref<512xi32, #tpu.memory_space<vmem_shared>>
      tpu.wait_dma2 semaphore(%run_scoped3A : memref<!tpu.dma_semaphore, #tpu.memory_space<semaphore_mem>>) src(%arg21 : memref<512xi32, #tpu.memory_space<vmem>>) dst(%dma_wait3A_163 : memref<512xi32, #tpu.memory_space<vmem_shared>>)
      tpu.yield
    }) : () -> ()
    %barrier3A = arith.constant 0 : index
    tpu.barrier barrier_id(%barrier3A)
    "tpu.region"() ({
      %run_scoped3A = tpu.sem_alloc : memref<!tpu.dma_semaphore, #tpu.memory_space<semaphore_mem>>
      %dma_start3A_160 = arith.constant 0 : i32
      %dma_start3A_161 = tpu.memref_slice %arg10[%dma_start3A_160] : memref<12544xi32, #tpu.memory_space<vmem>> -> memref<8192xi32, #tpu.memory_space<vmem>>
      %dma_start3A_162 = arith.constant 0 : i32
      %dma_start3A_163 = tpu.memref_slice %arg10[%dma_start3A_162] : memref<12544xi32, #tpu.memory_space<vmem>> -> memref<8192xi32, #tpu.memory_space<vmem>>
      tpu.enqueue_dma source(%arg24 : memref<8192xi32, #tpu.memory_space<vmem_shared>>) target(%dma_start3A_163 : memref<8192xi32, #tpu.memory_space<vmem>>) target_semaphore(%run_scoped3A : memref<!tpu.dma_semaphore, #tpu.memory_space<semaphore_mem>>)
      %dma_wait3A_164 = arith.constant 0 : i32
      %dma_wait3A_165 = tpu.memref_slice %arg10[%dma_wait3A_164] : memref<12544xi32, #tpu.memory_space<vmem>> -> memref<8192xi32, #tpu.memory_space<vmem>>
      %dma_wait3A_166 = arith.constant 0 : i32
      %dma_wait3A_167 = tpu.memref_slice %arg10[%dma_wait3A_166] : memref<12544xi32, #tpu.memory_space<vmem>> -> memref<8192xi32, #tpu.memory_space<vmem>>
      tpu.wait_dma2 semaphore(%run_scoped3A : memref<!tpu.dma_semaphore, #tpu.memory_space<semaphore_mem>>) src(%arg24 : memref<8192xi32, #tpu.memory_space<vmem_shared>>) dst(%dma_wait3A_167 : memref<8192xi32, #tpu.memory_space<vmem>>)
      tpu.yield
    }) : () -> ()
    "tpu.region"() ({
      %run_scoped3A = tpu.sem_alloc : memref<!tpu.dma_semaphore, #tpu.memory_space<semaphore_mem>>
      %dma_start3A_160 = arith.constant 6144 : i32
      %dma_start3A_161 = tpu.memref_slice %arg12[%dma_start3A_160] : memref<15360xi32, #tpu.memory_space<vmem>> -> memref<8192xi32, #tpu.memory_space<vmem>>
      %dma_start3A_162 = arith.constant 6144 : i32
      %dma_start3A_163 = tpu.memref_slice %arg12[%dma_start3A_162] : memref<15360xi32, #tpu.memory_space<vmem>> -> memref<8192xi32, #tpu.memory_space<vmem>>
      tpu.enqueue_dma source(%arg25 : memref<8192xi32, #tpu.memory_space<vmem_shared>>) target(%dma_start3A_163 : memref<8192xi32, #tpu.memory_space<vmem>>) target_semaphore(%run_scoped3A : memref<!tpu.dma_semaphore, #tpu.memory_space<semaphore_mem>>)
      %dma_wait3A_164 = arith.constant 6144 : i32
      %dma_wait3A_165 = tpu.memref_slice %arg12[%dma_wait3A_164] : memref<15360xi32, #tpu.memory_space<vmem>> -> memref<8192xi32, #tpu.memory_space<vmem>>
      %dma_wait3A_166 = arith.constant 6144 : i32
      %dma_wait3A_167 = tpu.memref_slice %arg12[%dma_wait3A_166] : memref<15360xi32, #tpu.memory_space<vmem>> -> memref<8192xi32, #tpu.memory_space<vmem>>
      tpu.wait_dma2 semaphore(%run_scoped3A : memref<!tpu.dma_semaphore, #tpu.memory_space<semaphore_mem>>) src(%arg25 : memref<8192xi32, #tpu.memory_space<vmem_shared>>) dst(%dma_wait3A_167 : memref<8192xi32, #tpu.memory_space<vmem>>)
      tpu.yield
    }) : () -> ()
    %add3A_124 = arith.constant 0 : i32
    %add3A_125 = arith.addi %add3A_124, %add3A : i32
    %lt3A = arith.constant 392 : i32
    %lt3A_126 = arith.cmpi slt, %add3A_125, %lt3A : i32
    %convert_element_type3A = arith.extui %lt3A_126 : i1 to i32
    %cond3A = arith.constant 0 : i32
    %cond3A_127 = arith.cmpi ne, %convert_element_type3A, %cond3A : i32
    scf.if %cond3A_127 {
      %mul3A_160 = arith.constant 32768 : i32
      %mul3A_161 = arith.muli %add3A_125, %mul3A_160 : i32
      %scan3A_162 = arith.constant 0 : i32
      %scan3A_163 = arith.constant 0 : i32
      %scan3A_164 = arith.constant 16 : i32
      %scan3A_165 = arith.addi %scan3A_163, %scan3A_164 : i32
      %scan3A_166 = arith.constant 1 : i32
      %scan3A_167 = scf.for %scan3A_196 = %scan3A_163 to %scan3A_165 step %scan3A_166 iter_args(%scan3A_197 = %scan3A_162) -> (i32)  : i32 {
        %mul3A_198 = arith.constant 512 : i32
        %mul3A_199 = arith.muli %scan3A_196, %mul3A_198 : i32
        %add3A_200 = arith.addi %mul3A_199, %add3A_125 : i32
        %broadcast_in_dim3A_201 = vector.broadcast %add3A_200 : i32 to vector<16xi32>
        %gather3A = tpu.vector_load_idx %arg10[%broadcast_in_dim3A_201] : memref<12544xi32, #tpu.memory_space<vmem>>[vector<16xi32>], vector<16xi32>,
        %slice3A = vector.extract_strided_slice %gather3A {offsets = [0], sizes = [1], strides = [1]} : vector<16xi32> to vector<1xi32>
        %squeeze3A = vector.extract %slice3A[0] : i32 from vector<1xi32>
        %multiple_of3A = tpu.assume_multiple %squeeze3A, 8 : i32
        %mul3A_202 = arith.constant 16 : i32
        %mul3A_203 = arith.muli %arg0, %mul3A_202 : i32
        %add3A_204 = arith.addi %mul3A_203, %scan3A_196 : i32
        %mul3A_205 = arith.constant 15360 : i32
        %mul3A_206 = arith.muli %add3A_204, %mul3A_205 : i32
        %add3A_207 = arith.addi %mul3A_206, %multiple_of3A : i32
        %mul3A_208 = arith.constant 256 : i32
        %mul3A_209 = arith.muli %scan3A_196, %mul3A_208 : i32
        %add3A_210 = arith.constant 0 : i32
        %add3A_211 = arith.addi %add3A_210, %mul3A_209 : i32
        %dma_start3A_212 = tpu.memref_slice %arg12[%add3A_211] : memref<15360xi32, #tpu.memory_space<vmem>> -> memref<256xi32, #tpu.memory_space<vmem>>
        %dma_start3A_213 = tpu.memref_slice %arg6[%add3A_207] : memref<492032xi32, #tpu.memory_space<hbm>> -> memref<256xi32, #tpu.memory_space<hbm>>
        %dma_start3A_214 = tpu.memref_slice %arg12[%add3A_211] : memref<15360xi32, #tpu.memory_space<vmem>> -> memref<256xi32, #tpu.memory_space<vmem>>
        %dma_start3A_215 = tpu.memref_slice %arg6[%add3A_207] : memref<492032xi32, #tpu.memory_space<hbm>> -> memref<256xi32, #tpu.memory_space<hbm>>
        tpu.enqueue_dma source(%dma_start3A_215 : memref<256xi32, #tpu.memory_space<hbm>>) target(%dma_start3A_214 : memref<256xi32, #tpu.memory_space<vmem>>) target_semaphore(%arg26 : memref<!tpu.dma_semaphore, #tpu.memory_space<semaphore_mem>>)
        %mul3A_216 = arith.constant 256 : i32
        %mul3A_217 = arith.muli %scan3A_196, %mul3A_216 : i32
        %add3A_218 = arith.constant 0 : i32
        %add3A_219 = arith.addi %add3A_218, %mul3A_217 : i32
        %dma_start3A_220 = tpu.memref_slice %arg13[%add3A_219] : memref<15360xf32, #tpu.memory_space<vmem>> -> memref<256xf32, #tpu.memory_space<vmem>>
        %dma_start3A_221 = tpu.memref_slice %arg7[%add3A_207] : memref<492032xf32, #tpu.memory_space<hbm>> -> memref<256xf32, #tpu.memory_space<hbm>>
        %dma_start3A_222 = tpu.memref_slice %arg13[%add3A_219] : memref<15360xf32, #tpu.memory_space<vmem>> -> memref<256xf32, #tpu.memory_space<vmem>>
        %dma_start3A_223 = tpu.memref_slice %arg7[%add3A_207] : memref<492032xf32, #tpu.memory_space<hbm>> -> memref<256xf32, #tpu.memory_space<hbm>>
        tpu.enqueue_dma source(%dma_start3A_223 : memref<256xf32, #tpu.memory_space<hbm>>) target(%dma_start3A_222 : memref<256xf32, #tpu.memory_space<vmem>>) target_semaphore(%arg27 : memref<!tpu.dma_semaphore, #tpu.memory_space<semaphore_mem>>)
        %scan3A_224 = arith.constant 0 : i32
        scf.yield %scan3A_224 : i32
      }
      %scan3A_168 = arith.constant 16 : i32
      %scan3A_169 = arith.constant 0 : i32
      %scan3A_170 = arith.constant 0 : i32
      %scan3A_171 = arith.constant 128 : i32
      %scan3A_172 = arith.addi %scan3A_170, %scan3A_171 : i32
      %scan3A_173 = arith.constant 1 : i32
      %scan3A_174 = scf.for %scan3A_196 = %scan3A_170 to %scan3A_172 step %scan3A_173 iter_args(%scan3A_197 = %scan3A_169) -> (i32)  : i32 {
        %swap3A_198 = arith.index_cast %scan3A_196 : i32 to index
        %swap3A_199 = arith.constant 0 : index
        %swap3A_200 = tpu.vector_load %arg8[%swap3A_198, %swap3A_199] {strides = array<i32>} : memref<128x256xf32, #tpu.memory_space<vmem>>, vector<16xf32>,
        tpu.vector_store %arg8[%swap3A_198, %swap3A_199], %broadcast_in_dim3A_5 {strides = array<i32>} : memref<128x256xf32, #tpu.memory_space<vmem>>, vector<16xf32>,
        %swap3A_201 = arith.index_cast %scan3A_196 : i32 to index
        %swap3A_202 = arith.constant 16 : index
        %swap3A_203 = tpu.vector_load %arg8[%swap3A_201, %swap3A_202] {strides = array<i32>} : memref<128x256xf32, #tpu.memory_space<vmem>>, vector<16xf32>,
        tpu.vector_store %arg8[%swap3A_201, %swap3A_202], %broadcast_in_dim3A_5 {strides = array<i32>} : memref<128x256xf32, #tpu.memory_space<vmem>>, vector<16xf32>,
        %swap3A_204 = arith.index_cast %scan3A_196 : i32 to index
        %swap3A_205 = arith.constant 32 : index
        %swap3A_206 = tpu.vector_load %arg8[%swap3A_204, %swap3A_205] {strides = array<i32>} : memref<128x256xf32, #tpu.memory_space<vmem>>, vector<16xf32>,
        tpu.vector_store %arg8[%swap3A_204, %swap3A_205], %broadcast_in_dim3A_5 {strides = array<i32>} : memref<128x256xf32, #tpu.memory_space<vmem>>, vector<16xf32>,
        %swap3A_207 = arith.index_cast %scan3A_196 : i32 to index
        %swap3A_208 = arith.constant 48 : index
        %swap3A_209 = tpu.vector_load %arg8[%swap3A_207, %swap3A_208] {strides = array<i32>} : memref<128x256xf32, #tpu.memory_space<vmem>>, vector<16xf32>,
        tpu.vector_store %arg8[%swap3A_207, %swap3A_208], %broadcast_in_dim3A_5 {strides = array<i32>} : memref<128x256xf32, #tpu.memory_space<vmem>>, vector<16xf32>,
        %swap3A_210 = arith.index_cast %scan3A_196 : i32 to index
        %swap3A_211 = arith.constant 64 : index
        %swap3A_212 = tpu.vector_load %arg8[%swap3A_210, %swap3A_211] {strides = array<i32>} : memref<128x256xf32, #tpu.memory_space<vmem>>, vector<16xf32>,
        tpu.vector_store %arg8[%swap3A_210, %swap3A_211], %broadcast_in_dim3A_5 {strides = array<i32>} : memref<128x256xf32, #tpu.memory_space<vmem>>, vector<16xf32>,
        %swap3A_213 = arith.index_cast %scan3A_196 : i32 to index
        %swap3A_214 = arith.constant 80 : index
        %swap3A_215 = tpu.vector_load %arg8[%swap3A_213, %swap3A_214] {strides = array<i32>} : memref<128x256xf32, #tpu.memory_space<vmem>>, vector<16xf32>,
        tpu.vector_store %arg8[%swap3A_213, %swap3A_214], %broadcast_in_dim3A_5 {strides = array<i32>} : memref<128x256xf32, #tpu.memory_space<vmem>>, vector<16xf32>,
        %swap3A_216 = arith.index_cast %scan3A_196 : i32 to index
        %swap3A_217 = arith.constant 96 : index
        %swap3A_218 = tpu.vector_load %arg8[%swap3A_216, %swap3A_217] {strides = array<i32>} : memref<128x256xf32, #tpu.memory_space<vmem>>, vector<16xf32>,
        tpu.vector_store %arg8[%swap3A_216, %swap3A_217], %broadcast_in_dim3A_5 {strides = array<i32>} : memref<128x256xf32, #tpu.memory_space<vmem>>, vector<16xf32>,
        %swap3A_219 = arith.index_cast %scan3A_196 : i32 to index
        %swap3A_220 = arith.constant 112 : index
        %swap3A_221 = tpu.vector_load %arg8[%swap3A_219, %swap3A_220] {strides = array<i32>} : memref<128x256xf32, #tpu.memory_space<vmem>>, vector<16xf32>,
        tpu.vector_store %arg8[%swap3A_219, %swap3A_220], %broadcast_in_dim3A_5 {strides = array<i32>} : memref<128x256xf32, #tpu.memory_space<vmem>>, vector<16xf32>,
        %swap3A_222 = arith.index_cast %scan3A_196 : i32 to index
        %swap3A_223 = arith.constant 128 : index
        %swap3A_224 = tpu.vector_load %arg8[%swap3A_222, %swap3A_223] {strides = array<i32>} : memref<128x256xf32, #tpu.memory_space<vmem>>, vector<16xf32>,
        tpu.vector_store %arg8[%swap3A_222, %swap3A_223], %broadcast_in_dim3A_5 {strides = array<i32>} : memref<128x256xf32, #tpu.memory_space<vmem>>, vector<16xf32>,
        %swap3A_225 = arith.index_cast %scan3A_196 : i32 to index
        %swap3A_226 = arith.constant 144 : index
        %swap3A_227 = tpu.vector_load %arg8[%swap3A_225, %swap3A_226] {strides = array<i32>} : memref<128x256xf32, #tpu.memory_space<vmem>>, vector<16xf32>,
        tpu.vector_store %arg8[%swap3A_225, %swap3A_226], %broadcast_in_dim3A_5 {strides = array<i32>} : memref<128x256xf32, #tpu.memory_space<vmem>>, vector<16xf32>,
        %swap3A_228 = arith.index_cast %scan3A_196 : i32 to index
        %swap3A_229 = arith.constant 160 : index
        %swap3A_230 = tpu.vector_load %arg8[%swap3A_228, %swap3A_229] {strides = array<i32>} : memref<128x256xf32, #tpu.memory_space<vmem>>, vector<16xf32>,
        tpu.vector_store %arg8[%swap3A_228, %swap3A_229], %broadcast_in_dim3A_5 {strides = array<i32>} : memref<128x256xf32, #tpu.memory_space<vmem>>, vector<16xf32>,
        %swap3A_231 = arith.index_cast %scan3A_196 : i32 to index
        %swap3A_232 = arith.constant 176 : index
        %swap3A_233 = tpu.vector_load %arg8[%swap3A_231, %swap3A_232] {strides = array<i32>} : memref<128x256xf32, #tpu.memory_space<vmem>>, vector<16xf32>,
        tpu.vector_store %arg8[%swap3A_231, %swap3A_232], %broadcast_in_dim3A_5 {strides = array<i32>} : memref<128x256xf32, #tpu.memory_space<vmem>>, vector<16xf32>,
        %swap3A_234 = arith.index_cast %scan3A_196 : i32 to index
        %swap3A_235 = arith.constant 192 : index
        %swap3A_236 = tpu.vector_load %arg8[%swap3A_234, %swap3A_235] {strides = array<i32>} : memref<128x256xf32, #tpu.memory_space<vmem>>, vector<16xf32>,
        tpu.vector_store %arg8[%swap3A_234, %swap3A_235], %broadcast_in_dim3A_5 {strides = array<i32>} : memref<128x256xf32, #tpu.memory_space<vmem>>, vector<16xf32>,
        %swap3A_237 = arith.index_cast %scan3A_196 : i32 to index
        %swap3A_238 = arith.constant 208 : index
        %swap3A_239 = tpu.vector_load %arg8[%swap3A_237, %swap3A_238] {strides = array<i32>} : memref<128x256xf32, #tpu.memory_space<vmem>>, vector<16xf32>,
        tpu.vector_store %arg8[%swap3A_237, %swap3A_238], %broadcast_in_dim3A_5 {strides = array<i32>} : memref<128x256xf32, #tpu.memory_space<vmem>>, vector<16xf32>,
        %swap3A_240 = arith.index_cast %scan3A_196 : i32 to index
        %swap3A_241 = arith.constant 224 : index
        %swap3A_242 = tpu.vector_load %arg8[%swap3A_240, %swap3A_241] {strides = array<i32>} : memref<128x256xf32, #tpu.memory_space<vmem>>, vector<16xf32>,
        tpu.vector_store %arg8[%swap3A_240, %swap3A_241], %broadcast_in_dim3A_5 {strides = array<i32>} : memref<128x256xf32, #tpu.memory_space<vmem>>, vector<16xf32>,
        %swap3A_243 = arith.index_cast %scan3A_196 : i32 to index
        %swap3A_244 = arith.constant 240 : index
        %swap3A_245 = tpu.vector_load %arg8[%swap3A_243, %swap3A_244] {strides = array<i32>} : memref<128x256xf32, #tpu.memory_space<vmem>>, vector<16xf32>,
        tpu.vector_store %arg8[%swap3A_243, %swap3A_244], %broadcast_in_dim3A_5 {strides = array<i32>} : memref<128x256xf32, #tpu.memory_space<vmem>>, vector<16xf32>,
        %scan3A_246 = arith.constant 0 : i32
        scf.yield %scan3A_246 : i32
      }
      %scan3A_175 = arith.constant 128 : i32
      %scan3A_176 = arith.constant 0 : i32
      %scan3A_177 = arith.constant 0 : i32
      %scan3A_178 = arith.constant 16 : i32
      %scan3A_179 = arith.addi %scan3A_177, %scan3A_178 : i32
      %scan3A_180 = arith.constant 1 : i32
      %scan3A_181 = scf.for %scan3A_196 = %scan3A_177 to %scan3A_179 step %scan3A_180 iter_args(%scan3A_197 = %scan3A_176) -> (i32)  : i32 {
        %mul3A_198 = arith.constant 256 : i32
        %mul3A_199 = arith.muli %scan3A_196, %mul3A_198 : i32
        %add3A_200 = arith.constant 0 : i32
        %add3A_201 = arith.addi %add3A_200, %mul3A_199 : i32
        %dma_wait3A_202 = tpu.memref_slice %arg12[%add3A_201] : memref<15360xi32, #tpu.memory_space<vmem>> -> memref<256xi32, #tpu.memory_space<vmem>>
        %dma_wait3A_203 = arith.constant 0 : i32
        %dma_wait3A_204 = tpu.memref_slice %arg6[%dma_wait3A_203] : memref<492032xi32, #tpu.memory_space<hbm>> -> memref<256xi32, #tpu.memory_space<hbm>>
        %dma_wait3A_205 = tpu.memref_slice %arg12[%add3A_201] : memref<15360xi32, #tpu.memory_space<vmem>> -> memref<256xi32, #tpu.memory_space<vmem>>
        %dma_wait3A_206 = arith.constant 0 : i32
        %dma_wait3A_207 = tpu.memref_slice %arg6[%dma_wait3A_206] : memref<492032xi32, #tpu.memory_space<hbm>> -> memref<256xi32, #tpu.memory_space<hbm>>
        tpu.wait_dma2 semaphore(%arg26 : memref<!tpu.dma_semaphore, #tpu.memory_space<semaphore_mem>>) src(%dma_wait3A_207 : memref<256xi32, #tpu.memory_space<hbm>>) dst(%dma_wait3A_205 : memref<256xi32, #tpu.memory_space<vmem>>)
        %mul3A_208 = arith.constant 256 : i32
        %mul3A_209 = arith.muli %scan3A_196, %mul3A_208 : i32
        %add3A_210 = arith.constant 0 : i32
        %add3A_211 = arith.addi %add3A_210, %mul3A_209 : i32
        %dma_wait3A_212 = tpu.memref_slice %arg13[%add3A_211] : memref<15360xf32, #tpu.memory_space<vmem>> -> memref<256xf32, #tpu.memory_space<vmem>>
        %dma_wait3A_213 = arith.constant 0 : i32
        %dma_wait3A_214 = tpu.memref_slice %arg7[%dma_wait3A_213] : memref<492032xf32, #tpu.memory_space<hbm>> -> memref<256xf32, #tpu.memory_space<hbm>>
        %dma_wait3A_215 = tpu.memref_slice %arg13[%add3A_211] : memref<15360xf32, #tpu.memory_space<vmem>> -> memref<256xf32, #tpu.memory_space<vmem>>
        %dma_wait3A_216 = arith.constant 0 : i32
        %dma_wait3A_217 = tpu.memref_slice %arg7[%dma_wait3A_216] : memref<492032xf32, #tpu.memory_space<hbm>> -> memref<256xf32, #tpu.memory_space<hbm>>
        tpu.wait_dma2 semaphore(%arg27 : memref<!tpu.dma_semaphore, #tpu.memory_space<semaphore_mem>>) src(%dma_wait3A_217 : memref<256xf32, #tpu.memory_space<hbm>>) dst(%dma_wait3A_215 : memref<256xf32, #tpu.memory_space<vmem>>)
        %scan3A_218 = arith.constant 0 : i32
        scf.yield %scan3A_218 : i32
      }
      %scan3A_182 = arith.constant 16 : i32
      %scan3A_183 = arith.constant 0 : i32
      %scan3A_184 = arith.constant 0 : i32
      %scan3A_185 = arith.constant 16 : i32
      %scan3A_186 = arith.addi %scan3A_184, %scan3A_185 : i32
      %scan3A_187 = arith.constant 1 : i32
      %scan3A_188 = scf.for %scan3A_196 = %scan3A_184 to %scan3A_186 step %scan3A_187 iter_args(%scan3A_197 = %scan3A_183) -> (i32)  : i32 {
        %mul3A_198 = arith.constant 512 : i32
        %mul3A_199 = arith.muli %scan3A_196, %mul3A_198 : i32
        %add3A_200 = arith.constant 6144 : i32
        %add3A_201 = arith.addi %add3A_200, %mul3A_199 : i32
        %add3A_202 = arith.addi %add3A_201, %add3A_125 : i32
        %broadcast_in_dim3A_203 = vector.broadcast %add3A_202 : i32 to vector<16xi32>
        %gather3A = tpu.vector_load_idx %arg12[%broadcast_in_dim3A_203] : memref<15360xi32, #tpu.memory_space<vmem>>[vector<16xi32>], vector<16xi32>,
        %slice3A = vector.extract_strided_slice %gather3A {offsets = [0], sizes = [1], strides = [1]} : vector<16xi32> to vector<1xi32>
        %squeeze3A = vector.extract %slice3A[0] : i32 from vector<1xi32>
        %min3A = arith.constant 256 : i32
        %min3A_204 = arith.minsi %squeeze3A, %min3A : i32
        %add3A_205 = arith.constant 16 : i32
        %add3A_206 = arith.addi %min3A_204, %add3A_205 : i32
        %sub3A = arith.constant 1 : i32
        %sub3A_207 = arith.subi %add3A_206, %sub3A : i32
        %shift_right_arithmetic3A = arith.constant 4 : i32
        %shift_right_arithmetic3A_208 = arith.shrsi %sub3A_207, %shift_right_arithmetic3A : i32
        %while3A = arith.constant 0 : i32
        %while3A_209 = arith.constant 0 : i32
        %while3A_210 = arith.subi %shift_right_arithmetic3A_208, %while3A : i32
        %while3A_211 = arith.addi %while3A, %while3A_210 : i32
        %while3A_212 = arith.constant 1 : i32
        %while3A_213 = arith.divsi %while3A_210, %while3A_212 : i32
        %while3A_214 = arith.muli %while3A_213, %while3A_212 : i32
        %while3A_215 = arith.addi %while3A, %while3A_214 : i32
        %while3A_216 = arith.constant 1 : i32
        %while3A_217 = scf.for %while3A_225 = %while3A to %while3A_215 step %while3A_216 iter_args(%while3A_226 = %while3A_209) -> (i32)  : i32 {
          %mul3A_227 = arith.constant 256 : i32
          %mul3A_228 = arith.muli %scan3A_196, %mul3A_227 : i32
          %add3A_229 = arith.constant 0 : i32
          %add3A_230 = arith.addi %add3A_229, %mul3A_228 : i32
          %mul3A_231 = arith.constant 16 : i32
          %mul3A_232 = arith.muli %while3A_225, %mul3A_231 : i32
          %add3A_233 = arith.addi %add3A_230, %mul3A_232 : i32
          %get3A = arith.index_cast %add3A_233 : i32 to index
          %get3A_234 = tpu.vector_load %arg12[%get3A] {strides = array<i32>} : memref<15360xi32, #tpu.memory_space<vmem>>, vector<16xi32>,
          %get3A_235 = arith.index_cast %add3A_233 : i32 to index
          %get3A_236 = tpu.vector_load %arg13[%get3A_235] {strides = array<i32>} : memref<15360xf32, #tpu.memory_space<vmem>>, vector<16xf32>,
          %mul3A_237 = arith.constant 16 : i32
          %mul3A_238 = arith.muli %while3A_225, %mul3A_237 : i32
          %add3A_239 = vector.broadcast %mul3A_238 : i32 to vector<16xi32>
          %add3A_240 = arith.addi %add3A_239, %iota3A : vector<16xi32>
          %lt3A_241 = vector.broadcast %min3A_204 : i32 to vector<16xi32>
          %lt3A_242 = arith.cmpi slt, %add3A_240, %lt3A_241 : vector<16xi32>
          %sub3A_243 = vector.broadcast %mul3A_161 : i32 to vector<16xi32>
          %sub3A_244 = arith.subi %get3A_234, %sub3A_243 : vector<16xi32>
          %lt3A_245 = arith.constant 32768 : i32
          %lt3A_246 = vector.broadcast %lt3A_245 : i32 to vector<16xi32>
          %lt3A_247 = arith.cmpi ult, %sub3A_244, %lt3A_246 : vector<16xi32>
          %and3A = arith.andi %lt3A_242, %lt3A_247 : vector<16xi1>
          %and3A_248 = arith.constant 32767 : i32
          %and3A_249 = vector.broadcast %and3A_248 : i32 to vector<16xi32>
          %and3A_250 = arith.andi %sub3A_244, %and3A_249 : vector<16xi32>
          %shift_right_arithmetic3A_251 = arith.constant 8 : i32
          %shift_right_arithmetic3A_252 = vector.broadcast %shift_right_arithmetic3A_251 : i32 to vector<16xi32>
          %shift_right_arithmetic3A_253 = arith.shrsi %and3A_250, %shift_right_arithmetic3A_252 : vector<16xi32>
          %and3A_254 = arith.constant 255 : i32
          %and3A_255 = vector.broadcast %and3A_254 : i32 to vector<16xi32>
          %and3A_256 = arith.andi %and3A_250, %and3A_255 : vector<16xi32>
          tpu.vector_store_idx %arg8[%shift_right_arithmetic3A_253, %and3A_256], %get3A_236 masked %and3A {add = true} : memref<128x256xf32, #tpu.memory_space<vmem>>[vector<16xi32>, vector<16xi32>], vector<16xf32>, vector<16xi1>
          %while3A_257 = arith.constant 0 : i32
          scf.yield %while3A_257 : i32
        }
        %while3A_218 = arith.constant 1 : i32
        %while3A_219 = scf.for %while3A_225 = %while3A_215 to %while3A_211 step %while3A_218 iter_args(%while3A_226 = %while3A_217) -> (i32)  : i32 {
          %mul3A_227 = arith.constant 256 : i32
          %mul3A_228 = arith.muli %scan3A_196, %mul3A_227 : i32
          %add3A_229 = arith.constant 0 : i32
          %add3A_230 = arith.addi %add3A_229, %mul3A_228 : i32
          %mul3A_231 = arith.constant 16 : i32
          %mul3A_232 = arith.muli %while3A_225, %mul3A_231 : i32
          %add3A_233 = arith.addi %add3A_230, %mul3A_232 : i32
          %get3A = arith.index_cast %add3A_233 : i32 to index
          %get3A_234 = tpu.vector_load %arg12[%get3A] {strides = array<i32>} : memref<15360xi32, #tpu.memory_space<vmem>>, vector<16xi32>,
          %get3A_235 = arith.index_cast %add3A_233 : i32 to index
          %get3A_236 = tpu.vector_load %arg13[%get3A_235] {strides = array<i32>} : memref<15360xf32, #tpu.memory_space<vmem>>, vector<16xf32>,
          %mul3A_237 = arith.constant 16 : i32
          %mul3A_238 = arith.muli %while3A_225, %mul3A_237 : i32
          %add3A_239 = vector.broadcast %mul3A_238 : i32 to vector<16xi32>
          %add3A_240 = arith.addi %add3A_239, %iota3A : vector<16xi32>
          %lt3A_241 = vector.broadcast %min3A_204 : i32 to vector<16xi32>
          %lt3A_242 = arith.cmpi slt, %add3A_240, %lt3A_241 : vector<16xi32>
          %sub3A_243 = vector.broadcast %mul3A_161 : i32 to vector<16xi32>
          %sub3A_244 = arith.subi %get3A_234, %sub3A_243 : vector<16xi32>
          %lt3A_245 = arith.constant 32768 : i32
          %lt3A_246 = vector.broadcast %lt3A_245 : i32 to vector<16xi32>
          %lt3A_247 = arith.cmpi ult, %sub3A_244, %lt3A_246 : vector<16xi32>
          %and3A = arith.andi %lt3A_242, %lt3A_247 : vector<16xi1>
          %and3A_248 = arith.constant 32767 : i32
          %and3A_249 = vector.broadcast %and3A_248 : i32 to vector<16xi32>
          %and3A_250 = arith.andi %sub3A_244, %and3A_249 : vector<16xi32>
          %shift_right_arithmetic3A_251 = arith.constant 8 : i32
          %shift_right_arithmetic3A_252 = vector.broadcast %shift_right_arithmetic3A_251 : i32 to vector<16xi32>
          %shift_right_arithmetic3A_253 = arith.shrsi %and3A_250, %shift_right_arithmetic3A_252 : vector<16xi32>
          %and3A_254 = arith.constant 255 : i32
          %and3A_255 = vector.broadcast %and3A_254 : i32 to vector<16xi32>
          %and3A_256 = arith.andi %and3A_250, %and3A_255 : vector<16xi32>
          tpu.vector_store_idx %arg8[%shift_right_arithmetic3A_253, %and3A_256], %get3A_236 masked %and3A {add = true} : memref<128x256xf32, #tpu.memory_space<vmem>>[vector<16xi32>, vector<16xi32>], vector<16xf32>, vector<16xi1>
          %while3A_257 = arith.constant 0 : i32
          scf.yield %while3A_257 : i32
        }
        %gt3A = arith.constant 256 : i32
        %gt3A_220 = arith.cmpi sgt, %squeeze3A, %gt3A : i32
        %convert_element_type3A_221 = arith.extui %gt3A_220 : i1 to i32
        %cond3A_222 = arith.constant 0 : i32
        %cond3A_223 = arith.cmpi ne, %convert_element_type3A_221, %cond3A_222 : i32
        scf.if %cond3A_223 {
          %mul3A_225 = arith.constant 512 : i32
          %mul3A_226 = arith.muli %scan3A_196, %mul3A_225 : i32
          %add3A_227 = arith.addi %mul3A_226, %add3A_125 : i32
          %broadcast_in_dim3A_228 = vector.broadcast %add3A_227 : i32 to vector<16xi32>
          %gather3A_229 = tpu.vector_load_idx %arg10[%broadcast_in_dim3A_228] : memref<12544xi32, #tpu.memory_space<vmem>>[vector<16xi32>], vector<16xi32>,
          %slice3A_230 = vector.extract_strided_slice %gather3A_229 {offsets = [0], sizes = [1], strides = [1]} : vector<16xi32> to vector<1xi32>
          %squeeze3A_231 = vector.extract %slice3A_230[0] : i32 from vector<1xi32>
          %multiple_of3A = tpu.assume_multiple %squeeze3A_231, 8 : i32
          %sub3A_232 = arith.constant 1 : i32
          %sub3A_233 = arith.subi %squeeze3A, %sub3A_232 : i32
          %shift_right_arithmetic3A_234 = arith.constant 8 : i32
          %shift_right_arithmetic3A_235 = arith.shrsi %sub3A_233, %shift_right_arithmetic3A_234 : i32
          %while3A_236 = arith.constant 0 : i32
          %while3A_237 = arith.constant 0 : i32
          %while3A_238 = arith.subi %shift_right_arithmetic3A_235, %while3A_236 : i32
          %while3A_239 = arith.addi %while3A_236, %while3A_238 : i32
          %while3A_240 = arith.constant 1 : i32
          %while3A_241 = arith.divsi %while3A_238, %while3A_240 : i32
          %while3A_242 = arith.muli %while3A_241, %while3A_240 : i32
          %while3A_243 = arith.addi %while3A_236, %while3A_242 : i32
          %while3A_244 = arith.constant 1 : i32
          %while3A_245 = scf.for %while3A_248 = %while3A_236 to %while3A_243 step %while3A_244 iter_args(%while3A_249 = %while3A_237) -> (i32)  : i32 {
            %add3A_250 = arith.constant 1 : i32
            %add3A_251 = arith.addi %while3A_248, %add3A_250 : i32
            %mul3A_252 = arith.constant 256 : i32
            %mul3A_253 = arith.muli %add3A_251, %mul3A_252 : i32
            %mul3A_254 = arith.constant 16 : i32
            %mul3A_255 = arith.muli %arg0, %mul3A_254 : i32
            %add3A_256 = arith.addi %mul3A_255, %scan3A_196 : i32
            %mul3A_257 = arith.constant 15360 : i32
            %mul3A_258 = arith.muli %add3A_256, %mul3A_257 : i32
            %add3A_259 = arith.addi %mul3A_258, %multiple_of3A : i32
            %add3A_260 = arith.addi %add3A_259, %mul3A_253 : i32
            %mul3A_261 = arith.constant 256 : i32
            %mul3A_262 = arith.muli %scan3A_196, %mul3A_261 : i32
            %add3A_263 = arith.constant 0 : i32
            %add3A_264 = arith.addi %add3A_263, %mul3A_262 : i32
            "tpu.region"() ({
              %run_scoped3A = tpu.sem_alloc : memref<!tpu.dma_semaphore, #tpu.memory_space<semaphore_mem>>
              %dma_start3A_277 = tpu.memref_slice %arg12[%add3A_264] : memref<15360xi32, #tpu.memory_space<vmem>> -> memref<256xi32, #tpu.memory_space<vmem>>
              %dma_start3A_278 = tpu.memref_slice %arg6[%add3A_260] : memref<492032xi32, #tpu.memory_space<hbm>> -> memref<256xi32, #tpu.memory_space<hbm>>
              %dma_start3A_279 = tpu.memref_slice %arg12[%add3A_264] : memref<15360xi32, #tpu.memory_space<vmem>> -> memref<256xi32, #tpu.memory_space<vmem>>
              %dma_start3A_280 = tpu.memref_slice %arg6[%add3A_260] : memref<492032xi32, #tpu.memory_space<hbm>> -> memref<256xi32, #tpu.memory_space<hbm>>
              tpu.enqueue_dma source(%dma_start3A_280 : memref<256xi32, #tpu.memory_space<hbm>>) target(%dma_start3A_279 : memref<256xi32, #tpu.memory_space<vmem>>) target_semaphore(%run_scoped3A : memref<!tpu.dma_semaphore, #tpu.memory_space<semaphore_mem>>)
              %dma_wait3A_281 = tpu.memref_slice %arg12[%add3A_264] : memref<15360xi32, #tpu.memory_space<vmem>> -> memref<256xi32, #tpu.memory_space<vmem>>
              %dma_wait3A_282 = tpu.memref_slice %arg6[%add3A_260] : memref<492032xi32, #tpu.memory_space<hbm>> -> memref<256xi32, #tpu.memory_space<hbm>>
              %dma_wait3A_283 = tpu.memref_slice %arg12[%add3A_264] : memref<15360xi32, #tpu.memory_space<vmem>> -> memref<256xi32, #tpu.memory_space<vmem>>
              %dma_wait3A_284 = tpu.memref_slice %arg6[%add3A_260] : memref<492032xi32, #tpu.memory_space<hbm>> -> memref<256xi32, #tpu.memory_space<hbm>>
              tpu.wait_dma2 semaphore(%run_scoped3A : memref<!tpu.dma_semaphore, #tpu.memory_space<semaphore_mem>>) src(%dma_wait3A_284 : memref<256xi32, #tpu.memory_space<hbm>>) dst(%dma_wait3A_283 : memref<256xi32, #tpu.memory_space<vmem>>)
              tpu.yield
            }) : () -> ()
            %mul3A_265 = arith.constant 256 : i32
            %mul3A_266 = arith.muli %scan3A_196, %mul3A_265 : i32
            %add3A_267 = arith.constant 0 : i32
            %add3A_268 = arith.addi %add3A_267, %mul3A_266 : i32
            "tpu.region"() ({
              %run_scoped3A = tpu.sem_alloc : memref<!tpu.dma_semaphore, #tpu.memory_space<semaphore_mem>>
              %dma_start3A_277 = tpu.memref_slice %arg13[%add3A_268] : memref<15360xf32, #tpu.memory_space<vmem>> -> memref<256xf32, #tpu.memory_space<vmem>>
              %dma_start3A_278 = tpu.memref_slice %arg7[%add3A_260] : memref<492032xf32, #tpu.memory_space<hbm>> -> memref<256xf32, #tpu.memory_space<hbm>>
              %dma_start3A_279 = tpu.memref_slice %arg13[%add3A_268] : memref<15360xf32, #tpu.memory_space<vmem>> -> memref<256xf32, #tpu.memory_space<vmem>>
              %dma_start3A_280 = tpu.memref_slice %arg7[%add3A_260] : memref<492032xf32, #tpu.memory_space<hbm>> -> memref<256xf32, #tpu.memory_space<hbm>>
              tpu.enqueue_dma source(%dma_start3A_280 : memref<256xf32, #tpu.memory_space<hbm>>) target(%dma_start3A_279 : memref<256xf32, #tpu.memory_space<vmem>>) target_semaphore(%run_scoped3A : memref<!tpu.dma_semaphore, #tpu.memory_space<semaphore_mem>>)
              %dma_wait3A_281 = tpu.memref_slice %arg13[%add3A_268] : memref<15360xf32, #tpu.memory_space<vmem>> -> memref<256xf32, #tpu.memory_space<vmem>>
              %dma_wait3A_282 = tpu.memref_slice %arg7[%add3A_260] : memref<492032xf32, #tpu.memory_space<hbm>> -> memref<256xf32, #tpu.memory_space<hbm>>
              %dma_wait3A_283 = tpu.memref_slice %arg13[%add3A_268] : memref<15360xf32, #tpu.memory_space<vmem>> -> memref<256xf32, #tpu.memory_space<vmem>>
              %dma_wait3A_284 = tpu.memref_slice %arg7[%add3A_260] : memref<492032xf32, #tpu.memory_space<hbm>> -> memref<256xf32, #tpu.memory_space<hbm>>
              tpu.wait_dma2 semaphore(%run_scoped3A : memref<!tpu.dma_semaphore, #tpu.memory_space<semaphore_mem>>) src(%dma_wait3A_284 : memref<256xf32, #tpu.memory_space<hbm>>) dst(%dma_wait3A_283 : memref<256xf32, #tpu.memory_space<vmem>>)
              tpu.yield
            }) : () -> ()
            %scan3A_269 = arith.constant 0 : i32
            %scan3A_270 = arith.constant 0 : i32
            %scan3A_271 = arith.constant 16 : i32
            %scan3A_272 = arith.addi %scan3A_270, %scan3A_271 : i32
            %scan3A_273 = arith.constant 1 : i32
            %scan3A_274 = scf.for %scan3A_277 = %scan3A_270 to %scan3A_272 step %scan3A_273 iter_args(%scan3A_278 = %scan3A_269) -> (i32)  : i32 {
              %mul3A_279 = arith.constant 256 : i32
              %mul3A_280 = arith.muli %scan3A_196, %mul3A_279 : i32
              %add3A_281 = arith.constant 0 : i32
              %add3A_282 = arith.addi %add3A_281, %mul3A_280 : i32
              %mul3A_283 = arith.constant 16 : i32
              %mul3A_284 = arith.muli %scan3A_277, %mul3A_283 : i32
              %add3A_285 = arith.addi %add3A_282, %mul3A_284 : i32
              %get3A = arith.index_cast %add3A_285 : i32 to index
              %get3A_286 = tpu.vector_load %arg12[%get3A] {strides = array<i32>} : memref<15360xi32, #tpu.memory_space<vmem>>, vector<16xi32>,
              %get3A_287 = arith.index_cast %add3A_285 : i32 to index
              %get3A_288 = tpu.vector_load %arg13[%get3A_287] {strides = array<i32>} : memref<15360xf32, #tpu.memory_space<vmem>>, vector<16xf32>,
              %mul3A_289 = arith.constant 16 : i32
              %mul3A_290 = arith.muli %scan3A_277, %mul3A_289 : i32
              %add3A_291 = arith.addi %mul3A_253, %mul3A_290 : i32
              %add3A_292 = vector.broadcast %add3A_291 : i32 to vector<16xi32>
              %add3A_293 = arith.addi %add3A_292, %iota3A : vector<16xi32>
              %lt3A_294 = vector.broadcast %squeeze3A : i32 to vector<16xi32>
              %lt3A_295 = arith.cmpi slt, %add3A_293, %lt3A_294 : vector<16xi32>
              %sub3A_296 = vector.broadcast %mul3A_161 : i32 to vector<16xi32>
              %sub3A_297 = arith.subi %get3A_286, %sub3A_296 : vector<16xi32>
              %lt3A_298 = arith.constant 32768 : i32
              %lt3A_299 = vector.broadcast %lt3A_298 : i32 to vector<16xi32>
              %lt3A_300 = arith.cmpi ult, %sub3A_297, %lt3A_299 : vector<16xi32>
              %and3A = arith.andi %lt3A_295, %lt3A_300 : vector<16xi1>
              %and3A_301 = arith.constant 32767 : i32
              %and3A_302 = vector.broadcast %and3A_301 : i32 to vector<16xi32>
              %and3A_303 = arith.andi %sub3A_297, %and3A_302 : vector<16xi32>
              %shift_right_arithmetic3A_304 = arith.constant 8 : i32
              %shift_right_arithmetic3A_305 = vector.broadcast %shift_right_arithmetic3A_304 : i32 to vector<16xi32>
              %shift_right_arithmetic3A_306 = arith.shrsi %and3A_303, %shift_right_arithmetic3A_305 : vector<16xi32>
              %and3A_307 = arith.constant 255 : i32
              %and3A_308 = vector.broadcast %and3A_307 : i32 to vector<16xi32>
              %and3A_309 = arith.andi %and3A_303, %and3A_308 : vector<16xi32>
              tpu.vector_store_idx %arg8[%shift_right_arithmetic3A_306, %and3A_309], %get3A_288 masked %and3A {add = true} : memref<128x256xf32, #tpu.memory_space<vmem>>[vector<16xi32>, vector<16xi32>], vector<16xf32>, vector<16xi1>
              %scan3A_310 = arith.constant 0 : i32
              scf.yield %scan3A_310 : i32
            }
            %scan3A_275 = arith.constant 16 : i32
            %while3A_276 = arith.constant 0 : i32
            scf.yield %while3A_276 : i32
          }
          %while3A_246 = arith.constant 1 : i32
          %while3A_247 = scf.for %while3A_248 = %while3A_243 to %while3A_239 step %while3A_246 iter_args(%while3A_249 = %while3A_245) -> (i32)  : i32 {
            %add3A_250 = arith.constant 1 : i32
            %add3A_251 = arith.addi %while3A_248, %add3A_250 : i32
            %mul3A_252 = arith.constant 256 : i32
            %mul3A_253 = arith.muli %add3A_251, %mul3A_252 : i32
            %mul3A_254 = arith.constant 16 : i32
            %mul3A_255 = arith.muli %arg0, %mul3A_254 : i32
            %add3A_256 = arith.addi %mul3A_255, %scan3A_196 : i32
            %mul3A_257 = arith.constant 15360 : i32
            %mul3A_258 = arith.muli %add3A_256, %mul3A_257 : i32
            %add3A_259 = arith.addi %mul3A_258, %multiple_of3A : i32
            %add3A_260 = arith.addi %add3A_259, %mul3A_253 : i32
            %mul3A_261 = arith.constant 256 : i32
            %mul3A_262 = arith.muli %scan3A_196, %mul3A_261 : i32
            %add3A_263 = arith.constant 0 : i32
            %add3A_264 = arith.addi %add3A_263, %mul3A_262 : i32
            "tpu.region"() ({
              %run_scoped3A = tpu.sem_alloc : memref<!tpu.dma_semaphore, #tpu.memory_space<semaphore_mem>>
              %dma_start3A_277 = tpu.memref_slice %arg12[%add3A_264] : memref<15360xi32, #tpu.memory_space<vmem>> -> memref<256xi32, #tpu.memory_space<vmem>>
              %dma_start3A_278 = tpu.memref_slice %arg6[%add3A_260] : memref<492032xi32, #tpu.memory_space<hbm>> -> memref<256xi32, #tpu.memory_space<hbm>>
              %dma_start3A_279 = tpu.memref_slice %arg12[%add3A_264] : memref<15360xi32, #tpu.memory_space<vmem>> -> memref<256xi32, #tpu.memory_space<vmem>>
              %dma_start3A_280 = tpu.memref_slice %arg6[%add3A_260] : memref<492032xi32, #tpu.memory_space<hbm>> -> memref<256xi32, #tpu.memory_space<hbm>>
              tpu.enqueue_dma source(%dma_start3A_280 : memref<256xi32, #tpu.memory_space<hbm>>) target(%dma_start3A_279 : memref<256xi32, #tpu.memory_space<vmem>>) target_semaphore(%run_scoped3A : memref<!tpu.dma_semaphore, #tpu.memory_space<semaphore_mem>>)
              %dma_wait3A_281 = tpu.memref_slice %arg12[%add3A_264] : memref<15360xi32, #tpu.memory_space<vmem>> -> memref<256xi32, #tpu.memory_space<vmem>>
              %dma_wait3A_282 = tpu.memref_slice %arg6[%add3A_260] : memref<492032xi32, #tpu.memory_space<hbm>> -> memref<256xi32, #tpu.memory_space<hbm>>
              %dma_wait3A_283 = tpu.memref_slice %arg12[%add3A_264] : memref<15360xi32, #tpu.memory_space<vmem>> -> memref<256xi32, #tpu.memory_space<vmem>>
              %dma_wait3A_284 = tpu.memref_slice %arg6[%add3A_260] : memref<492032xi32, #tpu.memory_space<hbm>> -> memref<256xi32, #tpu.memory_space<hbm>>
              tpu.wait_dma2 semaphore(%run_scoped3A : memref<!tpu.dma_semaphore, #tpu.memory_space<semaphore_mem>>) src(%dma_wait3A_284 : memref<256xi32, #tpu.memory_space<hbm>>) dst(%dma_wait3A_283 : memref<256xi32, #tpu.memory_space<vmem>>)
              tpu.yield
            }) : () -> ()
            %mul3A_265 = arith.constant 256 : i32
            %mul3A_266 = arith.muli %scan3A_196, %mul3A_265 : i32
            %add3A_267 = arith.constant 0 : i32
            %add3A_268 = arith.addi %add3A_267, %mul3A_266 : i32
            "tpu.region"() ({
              %run_scoped3A = tpu.sem_alloc : memref<!tpu.dma_semaphore, #tpu.memory_space<semaphore_mem>>
              %dma_start3A_277 = tpu.memref_slice %arg13[%add3A_268] : memref<15360xf32, #tpu.memory_space<vmem>> -> memref<256xf32, #tpu.memory_space<vmem>>
              %dma_start3A_278 = tpu.memref_slice %arg7[%add3A_260] : memref<492032xf32, #tpu.memory_space<hbm>> -> memref<256xf32, #tpu.memory_space<hbm>>
              %dma_start3A_279 = tpu.memref_slice %arg13[%add3A_268] : memref<15360xf32, #tpu.memory_space<vmem>> -> memref<256xf32, #tpu.memory_space<vmem>>
              %dma_start3A_280 = tpu.memref_slice %arg7[%add3A_260] : memref<492032xf32, #tpu.memory_space<hbm>> -> memref<256xf32, #tpu.memory_space<hbm>>
              tpu.enqueue_dma source(%dma_start3A_280 : memref<256xf32, #tpu.memory_space<hbm>>) target(%dma_start3A_279 : memref<256xf32, #tpu.memory_space<vmem>>) target_semaphore(%run_scoped3A : memref<!tpu.dma_semaphore, #tpu.memory_space<semaphore_mem>>)
              %dma_wait3A_281 = tpu.memref_slice %arg13[%add3A_268] : memref<15360xf32, #tpu.memory_space<vmem>> -> memref<256xf32, #tpu.memory_space<vmem>>
              %dma_wait3A_282 = tpu.memref_slice %arg7[%add3A_260] : memref<492032xf32, #tpu.memory_space<hbm>> -> memref<256xf32, #tpu.memory_space<hbm>>
              %dma_wait3A_283 = tpu.memref_slice %arg13[%add3A_268] : memref<15360xf32, #tpu.memory_space<vmem>> -> memref<256xf32, #tpu.memory_space<vmem>>
              %dma_wait3A_284 = tpu.memref_slice %arg7[%add3A_260] : memref<492032xf32, #tpu.memory_space<hbm>> -> memref<256xf32, #tpu.memory_space<hbm>>
              tpu.wait_dma2 semaphore(%run_scoped3A : memref<!tpu.dma_semaphore, #tpu.memory_space<semaphore_mem>>) src(%dma_wait3A_284 : memref<256xf32, #tpu.memory_space<hbm>>) dst(%dma_wait3A_283 : memref<256xf32, #tpu.memory_space<vmem>>)
              tpu.yield
            }) : () -> ()
            %scan3A_269 = arith.constant 0 : i32
            %scan3A_270 = arith.constant 0 : i32
            %scan3A_271 = arith.constant 16 : i32
            %scan3A_272 = arith.addi %scan3A_270, %scan3A_271 : i32
            %scan3A_273 = arith.constant 1 : i32
            %scan3A_274 = scf.for %scan3A_277 = %scan3A_270 to %scan3A_272 step %scan3A_273 iter_args(%scan3A_278 = %scan3A_269) -> (i32)  : i32 {
              %mul3A_279 = arith.constant 256 : i32
              %mul3A_280 = arith.muli %scan3A_196, %mul3A_279 : i32
              %add3A_281 = arith.constant 0 : i32
              %add3A_282 = arith.addi %add3A_281, %mul3A_280 : i32
              %mul3A_283 = arith.constant 16 : i32
              %mul3A_284 = arith.muli %scan3A_277, %mul3A_283 : i32
              %add3A_285 = arith.addi %add3A_282, %mul3A_284 : i32
              %get3A = arith.index_cast %add3A_285 : i32 to index
              %get3A_286 = tpu.vector_load %arg12[%get3A] {strides = array<i32>} : memref<15360xi32, #tpu.memory_space<vmem>>, vector<16xi32>,
              %get3A_287 = arith.index_cast %add3A_285 : i32 to index
              %get3A_288 = tpu.vector_load %arg13[%get3A_287] {strides = array<i32>} : memref<15360xf32, #tpu.memory_space<vmem>>, vector<16xf32>,
              %mul3A_289 = arith.constant 16 : i32
              %mul3A_290 = arith.muli %scan3A_277, %mul3A_289 : i32
              %add3A_291 = arith.addi %mul3A_253, %mul3A_290 : i32
              %add3A_292 = vector.broadcast %add3A_291 : i32 to vector<16xi32>
              %add3A_293 = arith.addi %add3A_292, %iota3A : vector<16xi32>
              %lt3A_294 = vector.broadcast %squeeze3A : i32 to vector<16xi32>
              %lt3A_295 = arith.cmpi slt, %add3A_293, %lt3A_294 : vector<16xi32>
              %sub3A_296 = vector.broadcast %mul3A_161 : i32 to vector<16xi32>
              %sub3A_297 = arith.subi %get3A_286, %sub3A_296 : vector<16xi32>
              %lt3A_298 = arith.constant 32768 : i32
              %lt3A_299 = vector.broadcast %lt3A_298 : i32 to vector<16xi32>
              %lt3A_300 = arith.cmpi ult, %sub3A_297, %lt3A_299 : vector<16xi32>
              %and3A = arith.andi %lt3A_295, %lt3A_300 : vector<16xi1>
              %and3A_301 = arith.constant 32767 : i32
              %and3A_302 = vector.broadcast %and3A_301 : i32 to vector<16xi32>
              %and3A_303 = arith.andi %sub3A_297, %and3A_302 : vector<16xi32>
              %shift_right_arithmetic3A_304 = arith.constant 8 : i32
              %shift_right_arithmetic3A_305 = vector.broadcast %shift_right_arithmetic3A_304 : i32 to vector<16xi32>
              %shift_right_arithmetic3A_306 = arith.shrsi %and3A_303, %shift_right_arithmetic3A_305 : vector<16xi32>
              %and3A_307 = arith.constant 255 : i32
              %and3A_308 = vector.broadcast %and3A_307 : i32 to vector<16xi32>
              %and3A_309 = arith.andi %and3A_303, %and3A_308 : vector<16xi32>
              tpu.vector_store_idx %arg8[%shift_right_arithmetic3A_306, %and3A_309], %get3A_288 masked %and3A {add = true} : memref<128x256xf32, #tpu.memory_space<vmem>>[vector<16xi32>, vector<16xi32>], vector<16xf32>, vector<16xi1>
              %scan3A_310 = arith.constant 0 : i32
              scf.yield %scan3A_310 : i32
            }
            %scan3A_275 = arith.constant 16 : i32
            %while3A_276 = arith.constant 0 : i32
            scf.yield %while3A_276 : i32
          }
        } else {
        }
        %scan3A_224 = arith.constant 0 : i32
        scf.yield %scan3A_224 : i32
      }
      %scan3A_189 = arith.constant 16 : i32
      %mul3A_190 = arith.constant 128 : i32
      %mul3A_191 = arith.muli %add3A_125, %mul3A_190 : i32
      %dma_start3A_192 = arith.constant 0 : i32
      %dma_start3A_193 = tpu.memref_slice %arg5[%mul3A_191, %dma_start3A_192] : memref<50176x256xf32, #tpu.memory_space<hbm>> -> memref<128x256xf32, #tpu.memory_space<hbm>>
      %dma_start3A_194 = arith.constant 0 : i32
      %dma_start3A_195 = tpu.memref_slice %arg5[%mul3A_191, %dma_start3A_194] : memref<50176x256xf32, #tpu.memory_space<hbm>> -> memref<128x256xf32, #tpu.memory_space<hbm>>
      tpu.enqueue_dma source(%arg8 : memref<128x256xf32, #tpu.memory_space<vmem>>) target(%dma_start3A_195 : memref<128x256xf32, #tpu.memory_space<hbm>>) target_semaphore(%arg30 : memref<!tpu.dma_semaphore, #tpu.memory_space<semaphore_mem>>)
    } else {
    }
    %add3A_128 = arith.constant 32 : i32
    %add3A_129 = arith.addi %add3A_128, %add3A : i32
    %lt3A_130 = arith.constant 392 : i32
    %lt3A_131 = arith.cmpi slt, %add3A_129, %lt3A_130 : i32
    %convert_element_type3A_132 = arith.extui %lt3A_131 : i1 to i32
    %cond3A_133 = arith.constant 0 : i32
    %cond3A_134 = arith.cmpi ne, %convert_element_type3A_132, %cond3A_133 : i32
    scf.if %cond3A_134 {
      %mul3A_160 = arith.constant 32768 : i32
      %mul3A_161 = arith.muli %add3A_129, %mul3A_160 : i32
      %scan3A_162 = arith.constant 0 : i32
      %scan3A_163 = arith.constant 0 : i32
      %scan3A_164 = arith.constant 16 : i32
      %scan3A_165 = arith.addi %scan3A_163, %scan3A_164 : i32
      %scan3A_166 = arith.constant 1 : i32
      %scan3A_167 = scf.for %scan3A_196 = %scan3A_163 to %scan3A_165 step %scan3A_166 iter_args(%scan3A_197 = %scan3A_162) -> (i32)  : i32 {
        %mul3A_198 = arith.constant 512 : i32
        %mul3A_199 = arith.muli %scan3A_196, %mul3A_198 : i32
        %add3A_200 = arith.addi %mul3A_199, %add3A_129 : i32
        %broadcast_in_dim3A_201 = vector.broadcast %add3A_200 : i32 to vector<16xi32>
        %gather3A = tpu.vector_load_idx %arg10[%broadcast_in_dim3A_201] : memref<12544xi32, #tpu.memory_space<vmem>>[vector<16xi32>], vector<16xi32>,
        %slice3A = vector.extract_strided_slice %gather3A {offsets = [0], sizes = [1], strides = [1]} : vector<16xi32> to vector<1xi32>
        %squeeze3A = vector.extract %slice3A[0] : i32 from vector<1xi32>
        %multiple_of3A = tpu.assume_multiple %squeeze3A, 8 : i32
        %mul3A_202 = arith.constant 16 : i32
        %mul3A_203 = arith.muli %arg0, %mul3A_202 : i32
        %add3A_204 = arith.addi %mul3A_203, %scan3A_196 : i32
        %mul3A_205 = arith.constant 15360 : i32
        %mul3A_206 = arith.muli %add3A_204, %mul3A_205 : i32
        %add3A_207 = arith.addi %mul3A_206, %multiple_of3A : i32
        %mul3A_208 = arith.constant 256 : i32
        %mul3A_209 = arith.muli %scan3A_196, %mul3A_208 : i32
        %add3A_210 = arith.constant 0 : i32
        %add3A_211 = arith.addi %add3A_210, %mul3A_209 : i32
        %dma_start3A_212 = tpu.memref_slice %arg12[%add3A_211] : memref<15360xi32, #tpu.memory_space<vmem>> -> memref<256xi32, #tpu.memory_space<vmem>>
        %dma_start3A_213 = tpu.memref_slice %arg6[%add3A_207] : memref<492032xi32, #tpu.memory_space<hbm>> -> memref<256xi32, #tpu.memory_space<hbm>>
        %dma_start3A_214 = tpu.memref_slice %arg12[%add3A_211] : memref<15360xi32, #tpu.memory_space<vmem>> -> memref<256xi32, #tpu.memory_space<vmem>>
        %dma_start3A_215 = tpu.memref_slice %arg6[%add3A_207] : memref<492032xi32, #tpu.memory_space<hbm>> -> memref<256xi32, #tpu.memory_space<hbm>>
        tpu.enqueue_dma source(%dma_start3A_215 : memref<256xi32, #tpu.memory_space<hbm>>) target(%dma_start3A_214 : memref<256xi32, #tpu.memory_space<vmem>>) target_semaphore(%arg26 : memref<!tpu.dma_semaphore, #tpu.memory_space<semaphore_mem>>)
        %mul3A_216 = arith.constant 256 : i32
        %mul3A_217 = arith.muli %scan3A_196, %mul3A_216 : i32
        %add3A_218 = arith.constant 0 : i32
        %add3A_219 = arith.addi %add3A_218, %mul3A_217 : i32
        %dma_start3A_220 = tpu.memref_slice %arg13[%add3A_219] : memref<15360xf32, #tpu.memory_space<vmem>> -> memref<256xf32, #tpu.memory_space<vmem>>
        %dma_start3A_221 = tpu.memref_slice %arg7[%add3A_207] : memref<492032xf32, #tpu.memory_space<hbm>> -> memref<256xf32, #tpu.memory_space<hbm>>
        %dma_start3A_222 = tpu.memref_slice %arg13[%add3A_219] : memref<15360xf32, #tpu.memory_space<vmem>> -> memref<256xf32, #tpu.memory_space<vmem>>
        %dma_start3A_223 = tpu.memref_slice %arg7[%add3A_207] : memref<492032xf32, #tpu.memory_space<hbm>> -> memref<256xf32, #tpu.memory_space<hbm>>
        tpu.enqueue_dma source(%dma_start3A_223 : memref<256xf32, #tpu.memory_space<hbm>>) target(%dma_start3A_222 : memref<256xf32, #tpu.memory_space<vmem>>) target_semaphore(%arg27 : memref<!tpu.dma_semaphore, #tpu.memory_space<semaphore_mem>>)
        %scan3A_224 = arith.constant 0 : i32
        scf.yield %scan3A_224 : i32
      }
      %scan3A_168 = arith.constant 16 : i32
      %scan3A_169 = arith.constant 0 : i32
      %scan3A_170 = arith.constant 0 : i32
      %scan3A_171 = arith.constant 128 : i32
      %scan3A_172 = arith.addi %scan3A_170, %scan3A_171 : i32
      %scan3A_173 = arith.constant 1 : i32
      %scan3A_174 = scf.for %scan3A_196 = %scan3A_170 to %scan3A_172 step %scan3A_173 iter_args(%scan3A_197 = %scan3A_169) -> (i32)  : i32 {
        %swap3A_198 = arith.index_cast %scan3A_196 : i32 to index
        %swap3A_199 = arith.constant 0 : index
        %swap3A_200 = tpu.vector_load %arg9[%swap3A_198, %swap3A_199] {strides = array<i32>} : memref<128x256xf32, #tpu.memory_space<vmem>>, vector<16xf32>,
        tpu.vector_store %arg9[%swap3A_198, %swap3A_199], %broadcast_in_dim3A_5 {strides = array<i32>} : memref<128x256xf32, #tpu.memory_space<vmem>>, vector<16xf32>,
        %swap3A_201 = arith.index_cast %scan3A_196 : i32 to index
        %swap3A_202 = arith.constant 16 : index
        %swap3A_203 = tpu.vector_load %arg9[%swap3A_201, %swap3A_202] {strides = array<i32>} : memref<128x256xf32, #tpu.memory_space<vmem>>, vector<16xf32>,
        tpu.vector_store %arg9[%swap3A_201, %swap3A_202], %broadcast_in_dim3A_5 {strides = array<i32>} : memref<128x256xf32, #tpu.memory_space<vmem>>, vector<16xf32>,
        %swap3A_204 = arith.index_cast %scan3A_196 : i32 to index
        %swap3A_205 = arith.constant 32 : index
        %swap3A_206 = tpu.vector_load %arg9[%swap3A_204, %swap3A_205] {strides = array<i32>} : memref<128x256xf32, #tpu.memory_space<vmem>>, vector<16xf32>,
        tpu.vector_store %arg9[%swap3A_204, %swap3A_205], %broadcast_in_dim3A_5 {strides = array<i32>} : memref<128x256xf32, #tpu.memory_space<vmem>>, vector<16xf32>,
        %swap3A_207 = arith.index_cast %scan3A_196 : i32 to index
        %swap3A_208 = arith.constant 48 : index
        %swap3A_209 = tpu.vector_load %arg9[%swap3A_207, %swap3A_208] {strides = array<i32>} : memref<128x256xf32, #tpu.memory_space<vmem>>, vector<16xf32>,
        tpu.vector_store %arg9[%swap3A_207, %swap3A_208], %broadcast_in_dim3A_5 {strides = array<i32>} : memref<128x256xf32, #tpu.memory_space<vmem>>, vector<16xf32>,
        %swap3A_210 = arith.index_cast %scan3A_196 : i32 to index
        %swap3A_211 = arith.constant 64 : index
        %swap3A_212 = tpu.vector_load %arg9[%swap3A_210, %swap3A_211] {strides = array<i32>} : memref<128x256xf32, #tpu.memory_space<vmem>>, vector<16xf32>,
        tpu.vector_store %arg9[%swap3A_210, %swap3A_211], %broadcast_in_dim3A_5 {strides = array<i32>} : memref<128x256xf32, #tpu.memory_space<vmem>>, vector<16xf32>,
        %swap3A_213 = arith.index_cast %scan3A_196 : i32 to index
        %swap3A_214 = arith.constant 80 : index
        %swap3A_215 = tpu.vector_load %arg9[%swap3A_213, %swap3A_214] {strides = array<i32>} : memref<128x256xf32, #tpu.memory_space<vmem>>, vector<16xf32>,
        tpu.vector_store %arg9[%swap3A_213, %swap3A_214], %broadcast_in_dim3A_5 {strides = array<i32>} : memref<128x256xf32, #tpu.memory_space<vmem>>, vector<16xf32>,
        %swap3A_216 = arith.index_cast %scan3A_196 : i32 to index
        %swap3A_217 = arith.constant 96 : index
        %swap3A_218 = tpu.vector_load %arg9[%swap3A_216, %swap3A_217] {strides = array<i32>} : memref<128x256xf32, #tpu.memory_space<vmem>>, vector<16xf32>,
        tpu.vector_store %arg9[%swap3A_216, %swap3A_217], %broadcast_in_dim3A_5 {strides = array<i32>} : memref<128x256xf32, #tpu.memory_space<vmem>>, vector<16xf32>,
        %swap3A_219 = arith.index_cast %scan3A_196 : i32 to index
        %swap3A_220 = arith.constant 112 : index
        %swap3A_221 = tpu.vector_load %arg9[%swap3A_219, %swap3A_220] {strides = array<i32>} : memref<128x256xf32, #tpu.memory_space<vmem>>, vector<16xf32>,
        tpu.vector_store %arg9[%swap3A_219, %swap3A_220], %broadcast_in_dim3A_5 {strides = array<i32>} : memref<128x256xf32, #tpu.memory_space<vmem>>, vector<16xf32>,
        %swap3A_222 = arith.index_cast %scan3A_196 : i32 to index
        %swap3A_223 = arith.constant 128 : index
        %swap3A_224 = tpu.vector_load %arg9[%swap3A_222, %swap3A_223] {strides = array<i32>} : memref<128x256xf32, #tpu.memory_space<vmem>>, vector<16xf32>,
        tpu.vector_store %arg9[%swap3A_222, %swap3A_223], %broadcast_in_dim3A_5 {strides = array<i32>} : memref<128x256xf32, #tpu.memory_space<vmem>>, vector<16xf32>,
        %swap3A_225 = arith.index_cast %scan3A_196 : i32 to index
        %swap3A_226 = arith.constant 144 : index
        %swap3A_227 = tpu.vector_load %arg9[%swap3A_225, %swap3A_226] {strides = array<i32>} : memref<128x256xf32, #tpu.memory_space<vmem>>, vector<16xf32>,
        tpu.vector_store %arg9[%swap3A_225, %swap3A_226], %broadcast_in_dim3A_5 {strides = array<i32>} : memref<128x256xf32, #tpu.memory_space<vmem>>, vector<16xf32>,
        %swap3A_228 = arith.index_cast %scan3A_196 : i32 to index
        %swap3A_229 = arith.constant 160 : index
        %swap3A_230 = tpu.vector_load %arg9[%swap3A_228, %swap3A_229] {strides = array<i32>} : memref<128x256xf32, #tpu.memory_space<vmem>>, vector<16xf32>,
        tpu.vector_store %arg9[%swap3A_228, %swap3A_229], %broadcast_in_dim3A_5 {strides = array<i32>} : memref<128x256xf32, #tpu.memory_space<vmem>>, vector<16xf32>,
        %swap3A_231 = arith.index_cast %scan3A_196 : i32 to index
        %swap3A_232 = arith.constant 176 : index
        %swap3A_233 = tpu.vector_load %arg9[%swap3A_231, %swap3A_232] {strides = array<i32>} : memref<128x256xf32, #tpu.memory_space<vmem>>, vector<16xf32>,
        tpu.vector_store %arg9[%swap3A_231, %swap3A_232], %broadcast_in_dim3A_5 {strides = array<i32>} : memref<128x256xf32, #tpu.memory_space<vmem>>, vector<16xf32>,
        %swap3A_234 = arith.index_cast %scan3A_196 : i32 to index
        %swap3A_235 = arith.constant 192 : index
        %swap3A_236 = tpu.vector_load %arg9[%swap3A_234, %swap3A_235] {strides = array<i32>} : memref<128x256xf32, #tpu.memory_space<vmem>>, vector<16xf32>,
        tpu.vector_store %arg9[%swap3A_234, %swap3A_235], %broadcast_in_dim3A_5 {strides = array<i32>} : memref<128x256xf32, #tpu.memory_space<vmem>>, vector<16xf32>,
        %swap3A_237 = arith.index_cast %scan3A_196 : i32 to index
        %swap3A_238 = arith.constant 208 : index
        %swap3A_239 = tpu.vector_load %arg9[%swap3A_237, %swap3A_238] {strides = array<i32>} : memref<128x256xf32, #tpu.memory_space<vmem>>, vector<16xf32>,
        tpu.vector_store %arg9[%swap3A_237, %swap3A_238], %broadcast_in_dim3A_5 {strides = array<i32>} : memref<128x256xf32, #tpu.memory_space<vmem>>, vector<16xf32>,
        %swap3A_240 = arith.index_cast %scan3A_196 : i32 to index
        %swap3A_241 = arith.constant 224 : index
        %swap3A_242 = tpu.vector_load %arg9[%swap3A_240, %swap3A_241] {strides = array<i32>} : memref<128x256xf32, #tpu.memory_space<vmem>>, vector<16xf32>,
        tpu.vector_store %arg9[%swap3A_240, %swap3A_241], %broadcast_in_dim3A_5 {strides = array<i32>} : memref<128x256xf32, #tpu.memory_space<vmem>>, vector<16xf32>,
        %swap3A_243 = arith.index_cast %scan3A_196 : i32 to index
        %swap3A_244 = arith.constant 240 : index
        %swap3A_245 = tpu.vector_load %arg9[%swap3A_243, %swap3A_244] {strides = array<i32>} : memref<128x256xf32, #tpu.memory_space<vmem>>, vector<16xf32>,
        tpu.vector_store %arg9[%swap3A_243, %swap3A_244], %broadcast_in_dim3A_5 {strides = array<i32>} : memref<128x256xf32, #tpu.memory_space<vmem>>, vector<16xf32>,
        %scan3A_246 = arith.constant 0 : i32
        scf.yield %scan3A_246 : i32
      }
      %scan3A_175 = arith.constant 128 : i32
      %scan3A_176 = arith.constant 0 : i32
      %scan3A_177 = arith.constant 0 : i32
      %scan3A_178 = arith.constant 16 : i32
      %scan3A_179 = arith.addi %scan3A_177, %scan3A_178 : i32
      %scan3A_180 = arith.constant 1 : i32
      %scan3A_181 = scf.for %scan3A_196 = %scan3A_177 to %scan3A_179 step %scan3A_180 iter_args(%scan3A_197 = %scan3A_176) -> (i32)  : i32 {
        %mul3A_198 = arith.constant 256 : i32
        %mul3A_199 = arith.muli %scan3A_196, %mul3A_198 : i32
        %add3A_200 = arith.constant 0 : i32
        %add3A_201 = arith.addi %add3A_200, %mul3A_199 : i32
        %dma_wait3A_202 = tpu.memref_slice %arg12[%add3A_201] : memref<15360xi32, #tpu.memory_space<vmem>> -> memref<256xi32, #tpu.memory_space<vmem>>
        %dma_wait3A_203 = arith.constant 0 : i32
        %dma_wait3A_204 = tpu.memref_slice %arg6[%dma_wait3A_203] : memref<492032xi32, #tpu.memory_space<hbm>> -> memref<256xi32, #tpu.memory_space<hbm>>
        %dma_wait3A_205 = tpu.memref_slice %arg12[%add3A_201] : memref<15360xi32, #tpu.memory_space<vmem>> -> memref<256xi32, #tpu.memory_space<vmem>>
        %dma_wait3A_206 = arith.constant 0 : i32
        %dma_wait3A_207 = tpu.memref_slice %arg6[%dma_wait3A_206] : memref<492032xi32, #tpu.memory_space<hbm>> -> memref<256xi32, #tpu.memory_space<hbm>>
        tpu.wait_dma2 semaphore(%arg26 : memref<!tpu.dma_semaphore, #tpu.memory_space<semaphore_mem>>) src(%dma_wait3A_207 : memref<256xi32, #tpu.memory_space<hbm>>) dst(%dma_wait3A_205 : memref<256xi32, #tpu.memory_space<vmem>>)
        %mul3A_208 = arith.constant 256 : i32
        %mul3A_209 = arith.muli %scan3A_196, %mul3A_208 : i32
        %add3A_210 = arith.constant 0 : i32
        %add3A_211 = arith.addi %add3A_210, %mul3A_209 : i32
        %dma_wait3A_212 = tpu.memref_slice %arg13[%add3A_211] : memref<15360xf32, #tpu.memory_space<vmem>> -> memref<256xf32, #tpu.memory_space<vmem>>
        %dma_wait3A_213 = arith.constant 0 : i32
        %dma_wait3A_214 = tpu.memref_slice %arg7[%dma_wait3A_213] : memref<492032xf32, #tpu.memory_space<hbm>> -> memref<256xf32, #tpu.memory_space<hbm>>
        %dma_wait3A_215 = tpu.memref_slice %arg13[%add3A_211] : memref<15360xf32, #tpu.memory_space<vmem>> -> memref<256xf32, #tpu.memory_space<vmem>>
        %dma_wait3A_216 = arith.constant 0 : i32
        %dma_wait3A_217 = tpu.memref_slice %arg7[%dma_wait3A_216] : memref<492032xf32, #tpu.memory_space<hbm>> -> memref<256xf32, #tpu.memory_space<hbm>>
        tpu.wait_dma2 semaphore(%arg27 : memref<!tpu.dma_semaphore, #tpu.memory_space<semaphore_mem>>) src(%dma_wait3A_217 : memref<256xf32, #tpu.memory_space<hbm>>) dst(%dma_wait3A_215 : memref<256xf32, #tpu.memory_space<vmem>>)
        %scan3A_218 = arith.constant 0 : i32
        scf.yield %scan3A_218 : i32
      }
      %scan3A_182 = arith.constant 16 : i32
      %scan3A_183 = arith.constant 0 : i32
      %scan3A_184 = arith.constant 0 : i32
      %scan3A_185 = arith.constant 16 : i32
      %scan3A_186 = arith.addi %scan3A_184, %scan3A_185 : i32
      %scan3A_187 = arith.constant 1 : i32
      %scan3A_188 = scf.for %scan3A_196 = %scan3A_184 to %scan3A_186 step %scan3A_187 iter_args(%scan3A_197 = %scan3A_183) -> (i32)  : i32 {
        %mul3A_198 = arith.constant 512 : i32
        %mul3A_199 = arith.muli %scan3A_196, %mul3A_198 : i32
        %add3A_200 = arith.constant 6144 : i32
        %add3A_201 = arith.addi %add3A_200, %mul3A_199 : i32
        %add3A_202 = arith.addi %add3A_201, %add3A_129 : i32
        %broadcast_in_dim3A_203 = vector.broadcast %add3A_202 : i32 to vector<16xi32>
        %gather3A = tpu.vector_load_idx %arg12[%broadcast_in_dim3A_203] : memref<15360xi32, #tpu.memory_space<vmem>>[vector<16xi32>], vector<16xi32>,
        %slice3A = vector.extract_strided_slice %gather3A {offsets = [0], sizes = [1], strides = [1]} : vector<16xi32> to vector<1xi32>
        %squeeze3A = vector.extract %slice3A[0] : i32 from vector<1xi32>
        %min3A = arith.constant 256 : i32
        %min3A_204 = arith.minsi %squeeze3A, %min3A : i32
        %add3A_205 = arith.constant 16 : i32
        %add3A_206 = arith.addi %min3A_204, %add3A_205 : i32
        %sub3A = arith.constant 1 : i32
        %sub3A_207 = arith.subi %add3A_206, %sub3A : i32
        %shift_right_arithmetic3A = arith.constant 4 : i32
        %shift_right_arithmetic3A_208 = arith.shrsi %sub3A_207, %shift_right_arithmetic3A : i32
        %while3A = arith.constant 0 : i32
        %while3A_209 = arith.constant 0 : i32
        %while3A_210 = arith.subi %shift_right_arithmetic3A_208, %while3A : i32
        %while3A_211 = arith.addi %while3A, %while3A_210 : i32
        %while3A_212 = arith.constant 1 : i32
        %while3A_213 = arith.divsi %while3A_210, %while3A_212 : i32
        %while3A_214 = arith.muli %while3A_213, %while3A_212 : i32
        %while3A_215 = arith.addi %while3A, %while3A_214 : i32
        %while3A_216 = arith.constant 1 : i32
        %while3A_217 = scf.for %while3A_225 = %while3A to %while3A_215 step %while3A_216 iter_args(%while3A_226 = %while3A_209) -> (i32)  : i32 {
          %mul3A_227 = arith.constant 256 : i32
          %mul3A_228 = arith.muli %scan3A_196, %mul3A_227 : i32
          %add3A_229 = arith.constant 0 : i32
          %add3A_230 = arith.addi %add3A_229, %mul3A_228 : i32
          %mul3A_231 = arith.constant 16 : i32
          %mul3A_232 = arith.muli %while3A_225, %mul3A_231 : i32
          %add3A_233 = arith.addi %add3A_230, %mul3A_232 : i32
          %get3A = arith.index_cast %add3A_233 : i32 to index
          %get3A_234 = tpu.vector_load %arg12[%get3A] {strides = array<i32>} : memref<15360xi32, #tpu.memory_space<vmem>>, vector<16xi32>,
          %get3A_235 = arith.index_cast %add3A_233 : i32 to index
          %get3A_236 = tpu.vector_load %arg13[%get3A_235] {strides = array<i32>} : memref<15360xf32, #tpu.memory_space<vmem>>, vector<16xf32>,
          %mul3A_237 = arith.constant 16 : i32
          %mul3A_238 = arith.muli %while3A_225, %mul3A_237 : i32
          %add3A_239 = vector.broadcast %mul3A_238 : i32 to vector<16xi32>
          %add3A_240 = arith.addi %add3A_239, %iota3A : vector<16xi32>
          %lt3A_241 = vector.broadcast %min3A_204 : i32 to vector<16xi32>
          %lt3A_242 = arith.cmpi slt, %add3A_240, %lt3A_241 : vector<16xi32>
          %sub3A_243 = vector.broadcast %mul3A_161 : i32 to vector<16xi32>
          %sub3A_244 = arith.subi %get3A_234, %sub3A_243 : vector<16xi32>
          %lt3A_245 = arith.constant 32768 : i32
          %lt3A_246 = vector.broadcast %lt3A_245 : i32 to vector<16xi32>
          %lt3A_247 = arith.cmpi ult, %sub3A_244, %lt3A_246 : vector<16xi32>
          %and3A = arith.andi %lt3A_242, %lt3A_247 : vector<16xi1>
          %and3A_248 = arith.constant 32767 : i32
          %and3A_249 = vector.broadcast %and3A_248 : i32 to vector<16xi32>
          %and3A_250 = arith.andi %sub3A_244, %and3A_249 : vector<16xi32>
          %shift_right_arithmetic3A_251 = arith.constant 8 : i32
          %shift_right_arithmetic3A_252 = vector.broadcast %shift_right_arithmetic3A_251 : i32 to vector<16xi32>
          %shift_right_arithmetic3A_253 = arith.shrsi %and3A_250, %shift_right_arithmetic3A_252 : vector<16xi32>
          %and3A_254 = arith.constant 255 : i32
          %and3A_255 = vector.broadcast %and3A_254 : i32 to vector<16xi32>
          %and3A_256 = arith.andi %and3A_250, %and3A_255 : vector<16xi32>
          tpu.vector_store_idx %arg9[%shift_right_arithmetic3A_253, %and3A_256], %get3A_236 masked %and3A {add = true} : memref<128x256xf32, #tpu.memory_space<vmem>>[vector<16xi32>, vector<16xi32>], vector<16xf32>, vector<16xi1>
          %while3A_257 = arith.constant 0 : i32
          scf.yield %while3A_257 : i32
        }
        %while3A_218 = arith.constant 1 : i32
        %while3A_219 = scf.for %while3A_225 = %while3A_215 to %while3A_211 step %while3A_218 iter_args(%while3A_226 = %while3A_217) -> (i32)  : i32 {
          %mul3A_227 = arith.constant 256 : i32
          %mul3A_228 = arith.muli %scan3A_196, %mul3A_227 : i32
          %add3A_229 = arith.constant 0 : i32
          %add3A_230 = arith.addi %add3A_229, %mul3A_228 : i32
          %mul3A_231 = arith.constant 16 : i32
          %mul3A_232 = arith.muli %while3A_225, %mul3A_231 : i32
          %add3A_233 = arith.addi %add3A_230, %mul3A_232 : i32
          %get3A = arith.index_cast %add3A_233 : i32 to index
          %get3A_234 = tpu.vector_load %arg12[%get3A] {strides = array<i32>} : memref<15360xi32, #tpu.memory_space<vmem>>, vector<16xi32>,
          %get3A_235 = arith.index_cast %add3A_233 : i32 to index
          %get3A_236 = tpu.vector_load %arg13[%get3A_235] {strides = array<i32>} : memref<15360xf32, #tpu.memory_space<vmem>>, vector<16xf32>,
          %mul3A_237 = arith.constant 16 : i32
          %mul3A_238 = arith.muli %while3A_225, %mul3A_237 : i32
          %add3A_239 = vector.broadcast %mul3A_238 : i32 to vector<16xi32>
          %add3A_240 = arith.addi %add3A_239, %iota3A : vector<16xi32>
          %lt3A_241 = vector.broadcast %min3A_204 : i32 to vector<16xi32>
          %lt3A_242 = arith.cmpi slt, %add3A_240, %lt3A_241 : vector<16xi32>
          %sub3A_243 = vector.broadcast %mul3A_161 : i32 to vector<16xi32>
          %sub3A_244 = arith.subi %get3A_234, %sub3A_243 : vector<16xi32>
          %lt3A_245 = arith.constant 32768 : i32
          %lt3A_246 = vector.broadcast %lt3A_245 : i32 to vector<16xi32>
          %lt3A_247 = arith.cmpi ult, %sub3A_244, %lt3A_246 : vector<16xi32>
          %and3A = arith.andi %lt3A_242, %lt3A_247 : vector<16xi1>
          %and3A_248 = arith.constant 32767 : i32
          %and3A_249 = vector.broadcast %and3A_248 : i32 to vector<16xi32>
          %and3A_250 = arith.andi %sub3A_244, %and3A_249 : vector<16xi32>
          %shift_right_arithmetic3A_251 = arith.constant 8 : i32
          %shift_right_arithmetic3A_252 = vector.broadcast %shift_right_arithmetic3A_251 : i32 to vector<16xi32>
          %shift_right_arithmetic3A_253 = arith.shrsi %and3A_250, %shift_right_arithmetic3A_252 : vector<16xi32>
          %and3A_254 = arith.constant 255 : i32
          %and3A_255 = vector.broadcast %and3A_254 : i32 to vector<16xi32>
          %and3A_256 = arith.andi %and3A_250, %and3A_255 : vector<16xi32>
          tpu.vector_store_idx %arg9[%shift_right_arithmetic3A_253, %and3A_256], %get3A_236 masked %and3A {add = true} : memref<128x256xf32, #tpu.memory_space<vmem>>[vector<16xi32>, vector<16xi32>], vector<16xf32>, vector<16xi1>
          %while3A_257 = arith.constant 0 : i32
          scf.yield %while3A_257 : i32
        }
        %gt3A = arith.constant 256 : i32
        %gt3A_220 = arith.cmpi sgt, %squeeze3A, %gt3A : i32
        %convert_element_type3A_221 = arith.extui %gt3A_220 : i1 to i32
        %cond3A_222 = arith.constant 0 : i32
        %cond3A_223 = arith.cmpi ne, %convert_element_type3A_221, %cond3A_222 : i32
        scf.if %cond3A_223 {
          %mul3A_225 = arith.constant 512 : i32
          %mul3A_226 = arith.muli %scan3A_196, %mul3A_225 : i32
          %add3A_227 = arith.addi %mul3A_226, %add3A_129 : i32
          %broadcast_in_dim3A_228 = vector.broadcast %add3A_227 : i32 to vector<16xi32>
          %gather3A_229 = tpu.vector_load_idx %arg10[%broadcast_in_dim3A_228] : memref<12544xi32, #tpu.memory_space<vmem>>[vector<16xi32>], vector<16xi32>,
          %slice3A_230 = vector.extract_strided_slice %gather3A_229 {offsets = [0], sizes = [1], strides = [1]} : vector<16xi32> to vector<1xi32>
          %squeeze3A_231 = vector.extract %slice3A_230[0] : i32 from vector<1xi32>
          %multiple_of3A = tpu.assume_multiple %squeeze3A_231, 8 : i32
          %sub3A_232 = arith.constant 1 : i32
          %sub3A_233 = arith.subi %squeeze3A, %sub3A_232 : i32
          %shift_right_arithmetic3A_234 = arith.constant 8 : i32
          %shift_right_arithmetic3A_235 = arith.shrsi %sub3A_233, %shift_right_arithmetic3A_234 : i32
          %while3A_236 = arith.constant 0 : i32
          %while3A_237 = arith.constant 0 : i32
          %while3A_238 = arith.subi %shift_right_arithmetic3A_235, %while3A_236 : i32
          %while3A_239 = arith.addi %while3A_236, %while3A_238 : i32
          %while3A_240 = arith.constant 1 : i32
          %while3A_241 = arith.divsi %while3A_238, %while3A_240 : i32
          %while3A_242 = arith.muli %while3A_241, %while3A_240 : i32
          %while3A_243 = arith.addi %while3A_236, %while3A_242 : i32
          %while3A_244 = arith.constant 1 : i32
          %while3A_245 = scf.for %while3A_248 = %while3A_236 to %while3A_243 step %while3A_244 iter_args(%while3A_249 = %while3A_237) -> (i32)  : i32 {
            %add3A_250 = arith.constant 1 : i32
            %add3A_251 = arith.addi %while3A_248, %add3A_250 : i32
            %mul3A_252 = arith.constant 256 : i32
            %mul3A_253 = arith.muli %add3A_251, %mul3A_252 : i32
            %mul3A_254 = arith.constant 16 : i32
            %mul3A_255 = arith.muli %arg0, %mul3A_254 : i32
            %add3A_256 = arith.addi %mul3A_255, %scan3A_196 : i32
            %mul3A_257 = arith.constant 15360 : i32
            %mul3A_258 = arith.muli %add3A_256, %mul3A_257 : i32
            %add3A_259 = arith.addi %mul3A_258, %multiple_of3A : i32
            %add3A_260 = arith.addi %add3A_259, %mul3A_253 : i32
            %mul3A_261 = arith.constant 256 : i32
            %mul3A_262 = arith.muli %scan3A_196, %mul3A_261 : i32
            %add3A_263 = arith.constant 0 : i32
            %add3A_264 = arith.addi %add3A_263, %mul3A_262 : i32
            "tpu.region"() ({
              %run_scoped3A = tpu.sem_alloc : memref<!tpu.dma_semaphore, #tpu.memory_space<semaphore_mem>>
              %dma_start3A_277 = tpu.memref_slice %arg12[%add3A_264] : memref<15360xi32, #tpu.memory_space<vmem>> -> memref<256xi32, #tpu.memory_space<vmem>>
              %dma_start3A_278 = tpu.memref_slice %arg6[%add3A_260] : memref<492032xi32, #tpu.memory_space<hbm>> -> memref<256xi32, #tpu.memory_space<hbm>>
              %dma_start3A_279 = tpu.memref_slice %arg12[%add3A_264] : memref<15360xi32, #tpu.memory_space<vmem>> -> memref<256xi32, #tpu.memory_space<vmem>>
              %dma_start3A_280 = tpu.memref_slice %arg6[%add3A_260] : memref<492032xi32, #tpu.memory_space<hbm>> -> memref<256xi32, #tpu.memory_space<hbm>>
              tpu.enqueue_dma source(%dma_start3A_280 : memref<256xi32, #tpu.memory_space<hbm>>) target(%dma_start3A_279 : memref<256xi32, #tpu.memory_space<vmem>>) target_semaphore(%run_scoped3A : memref<!tpu.dma_semaphore, #tpu.memory_space<semaphore_mem>>)
              %dma_wait3A_281 = tpu.memref_slice %arg12[%add3A_264] : memref<15360xi32, #tpu.memory_space<vmem>> -> memref<256xi32, #tpu.memory_space<vmem>>
              %dma_wait3A_282 = tpu.memref_slice %arg6[%add3A_260] : memref<492032xi32, #tpu.memory_space<hbm>> -> memref<256xi32, #tpu.memory_space<hbm>>
              %dma_wait3A_283 = tpu.memref_slice %arg12[%add3A_264] : memref<15360xi32, #tpu.memory_space<vmem>> -> memref<256xi32, #tpu.memory_space<vmem>>
              %dma_wait3A_284 = tpu.memref_slice %arg6[%add3A_260] : memref<492032xi32, #tpu.memory_space<hbm>> -> memref<256xi32, #tpu.memory_space<hbm>>
              tpu.wait_dma2 semaphore(%run_scoped3A : memref<!tpu.dma_semaphore, #tpu.memory_space<semaphore_mem>>) src(%dma_wait3A_284 : memref<256xi32, #tpu.memory_space<hbm>>) dst(%dma_wait3A_283 : memref<256xi32, #tpu.memory_space<vmem>>)
              tpu.yield
            }) : () -> ()
            %mul3A_265 = arith.constant 256 : i32
            %mul3A_266 = arith.muli %scan3A_196, %mul3A_265 : i32
            %add3A_267 = arith.constant 0 : i32
            %add3A_268 = arith.addi %add3A_267, %mul3A_266 : i32
            "tpu.region"() ({
              %run_scoped3A = tpu.sem_alloc : memref<!tpu.dma_semaphore, #tpu.memory_space<semaphore_mem>>
              %dma_start3A_277 = tpu.memref_slice %arg13[%add3A_268] : memref<15360xf32, #tpu.memory_space<vmem>> -> memref<256xf32, #tpu.memory_space<vmem>>
              %dma_start3A_278 = tpu.memref_slice %arg7[%add3A_260] : memref<492032xf32, #tpu.memory_space<hbm>> -> memref<256xf32, #tpu.memory_space<hbm>>
              %dma_start3A_279 = tpu.memref_slice %arg13[%add3A_268] : memref<15360xf32, #tpu.memory_space<vmem>> -> memref<256xf32, #tpu.memory_space<vmem>>
              %dma_start3A_280 = tpu.memref_slice %arg7[%add3A_260] : memref<492032xf32, #tpu.memory_space<hbm>> -> memref<256xf32, #tpu.memory_space<hbm>>
              tpu.enqueue_dma source(%dma_start3A_280 : memref<256xf32, #tpu.memory_space<hbm>>) target(%dma_start3A_279 : memref<256xf32, #tpu.memory_space<vmem>>) target_semaphore(%run_scoped3A : memref<!tpu.dma_semaphore, #tpu.memory_space<semaphore_mem>>)
              %dma_wait3A_281 = tpu.memref_slice %arg13[%add3A_268] : memref<15360xf32, #tpu.memory_space<vmem>> -> memref<256xf32, #tpu.memory_space<vmem>>
              %dma_wait3A_282 = tpu.memref_slice %arg7[%add3A_260] : memref<492032xf32, #tpu.memory_space<hbm>> -> memref<256xf32, #tpu.memory_space<hbm>>
              %dma_wait3A_283 = tpu.memref_slice %arg13[%add3A_268] : memref<15360xf32, #tpu.memory_space<vmem>> -> memref<256xf32, #tpu.memory_space<vmem>>
              %dma_wait3A_284 = tpu.memref_slice %arg7[%add3A_260] : memref<492032xf32, #tpu.memory_space<hbm>> -> memref<256xf32, #tpu.memory_space<hbm>>
              tpu.wait_dma2 semaphore(%run_scoped3A : memref<!tpu.dma_semaphore, #tpu.memory_space<semaphore_mem>>) src(%dma_wait3A_284 : memref<256xf32, #tpu.memory_space<hbm>>) dst(%dma_wait3A_283 : memref<256xf32, #tpu.memory_space<vmem>>)
              tpu.yield
            }) : () -> ()
            %scan3A_269 = arith.constant 0 : i32
            %scan3A_270 = arith.constant 0 : i32
            %scan3A_271 = arith.constant 16 : i32
            %scan3A_272 = arith.addi %scan3A_270, %scan3A_271 : i32
            %scan3A_273 = arith.constant 1 : i32
            %scan3A_274 = scf.for %scan3A_277 = %scan3A_270 to %scan3A_272 step %scan3A_273 iter_args(%scan3A_278 = %scan3A_269) -> (i32)  : i32 {
              %mul3A_279 = arith.constant 256 : i32
              %mul3A_280 = arith.muli %scan3A_196, %mul3A_279 : i32
              %add3A_281 = arith.constant 0 : i32
              %add3A_282 = arith.addi %add3A_281, %mul3A_280 : i32
              %mul3A_283 = arith.constant 16 : i32
              %mul3A_284 = arith.muli %scan3A_277, %mul3A_283 : i32
              %add3A_285 = arith.addi %add3A_282, %mul3A_284 : i32
              %get3A = arith.index_cast %add3A_285 : i32 to index
              %get3A_286 = tpu.vector_load %arg12[%get3A] {strides = array<i32>} : memref<15360xi32, #tpu.memory_space<vmem>>, vector<16xi32>,
              %get3A_287 = arith.index_cast %add3A_285 : i32 to index
              %get3A_288 = tpu.vector_load %arg13[%get3A_287] {strides = array<i32>} : memref<15360xf32, #tpu.memory_space<vmem>>, vector<16xf32>,
              %mul3A_289 = arith.constant 16 : i32
              %mul3A_290 = arith.muli %scan3A_277, %mul3A_289 : i32
              %add3A_291 = arith.addi %mul3A_253, %mul3A_290 : i32
              %add3A_292 = vector.broadcast %add3A_291 : i32 to vector<16xi32>
              %add3A_293 = arith.addi %add3A_292, %iota3A : vector<16xi32>
              %lt3A_294 = vector.broadcast %squeeze3A : i32 to vector<16xi32>
              %lt3A_295 = arith.cmpi slt, %add3A_293, %lt3A_294 : vector<16xi32>
              %sub3A_296 = vector.broadcast %mul3A_161 : i32 to vector<16xi32>
              %sub3A_297 = arith.subi %get3A_286, %sub3A_296 : vector<16xi32>
              %lt3A_298 = arith.constant 32768 : i32
              %lt3A_299 = vector.broadcast %lt3A_298 : i32 to vector<16xi32>
              %lt3A_300 = arith.cmpi ult, %sub3A_297, %lt3A_299 : vector<16xi32>
              %and3A = arith.andi %lt3A_295, %lt3A_300 : vector<16xi1>
              %and3A_301 = arith.constant 32767 : i32
              %and3A_302 = vector.broadcast %and3A_301 : i32 to vector<16xi32>
              %and3A_303 = arith.andi %sub3A_297, %and3A_302 : vector<16xi32>
              %shift_right_arithmetic3A_304 = arith.constant 8 : i32
              %shift_right_arithmetic3A_305 = vector.broadcast %shift_right_arithmetic3A_304 : i32 to vector<16xi32>
              %shift_right_arithmetic3A_306 = arith.shrsi %and3A_303, %shift_right_arithmetic3A_305 : vector<16xi32>
              %and3A_307 = arith.constant 255 : i32
              %and3A_308 = vector.broadcast %and3A_307 : i32 to vector<16xi32>
              %and3A_309 = arith.andi %and3A_303, %and3A_308 : vector<16xi32>
              tpu.vector_store_idx %arg9[%shift_right_arithmetic3A_306, %and3A_309], %get3A_288 masked %and3A {add = true} : memref<128x256xf32, #tpu.memory_space<vmem>>[vector<16xi32>, vector<16xi32>], vector<16xf32>, vector<16xi1>
              %scan3A_310 = arith.constant 0 : i32
              scf.yield %scan3A_310 : i32
            }
            %scan3A_275 = arith.constant 16 : i32
            %while3A_276 = arith.constant 0 : i32
            scf.yield %while3A_276 : i32
          }
          %while3A_246 = arith.constant 1 : i32
          %while3A_247 = scf.for %while3A_248 = %while3A_243 to %while3A_239 step %while3A_246 iter_args(%while3A_249 = %while3A_245) -> (i32)  : i32 {
            %add3A_250 = arith.constant 1 : i32
            %add3A_251 = arith.addi %while3A_248, %add3A_250 : i32
            %mul3A_252 = arith.constant 256 : i32
            %mul3A_253 = arith.muli %add3A_251, %mul3A_252 : i32
            %mul3A_254 = arith.constant 16 : i32
            %mul3A_255 = arith.muli %arg0, %mul3A_254 : i32
            %add3A_256 = arith.addi %mul3A_255, %scan3A_196 : i32
            %mul3A_257 = arith.constant 15360 : i32
            %mul3A_258 = arith.muli %add3A_256, %mul3A_257 : i32
            %add3A_259 = arith.addi %mul3A_258, %multiple_of3A : i32
            %add3A_260 = arith.addi %add3A_259, %mul3A_253 : i32
            %mul3A_261 = arith.constant 256 : i32
            %mul3A_262 = arith.muli %scan3A_196, %mul3A_261 : i32
            %add3A_263 = arith.constant 0 : i32
            %add3A_264 = arith.addi %add3A_263, %mul3A_262 : i32
            "tpu.region"() ({
              %run_scoped3A = tpu.sem_alloc : memref<!tpu.dma_semaphore, #tpu.memory_space<semaphore_mem>>
              %dma_start3A_277 = tpu.memref_slice %arg12[%add3A_264] : memref<15360xi32, #tpu.memory_space<vmem>> -> memref<256xi32, #tpu.memory_space<vmem>>
              %dma_start3A_278 = tpu.memref_slice %arg6[%add3A_260] : memref<492032xi32, #tpu.memory_space<hbm>> -> memref<256xi32, #tpu.memory_space<hbm>>
              %dma_start3A_279 = tpu.memref_slice %arg12[%add3A_264] : memref<15360xi32, #tpu.memory_space<vmem>> -> memref<256xi32, #tpu.memory_space<vmem>>
              %dma_start3A_280 = tpu.memref_slice %arg6[%add3A_260] : memref<492032xi32, #tpu.memory_space<hbm>> -> memref<256xi32, #tpu.memory_space<hbm>>
              tpu.enqueue_dma source(%dma_start3A_280 : memref<256xi32, #tpu.memory_space<hbm>>) target(%dma_start3A_279 : memref<256xi32, #tpu.memory_space<vmem>>) target_semaphore(%run_scoped3A : memref<!tpu.dma_semaphore, #tpu.memory_space<semaphore_mem>>)
              %dma_wait3A_281 = tpu.memref_slice %arg12[%add3A_264] : memref<15360xi32, #tpu.memory_space<vmem>> -> memref<256xi32, #tpu.memory_space<vmem>>
              %dma_wait3A_282 = tpu.memref_slice %arg6[%add3A_260] : memref<492032xi32, #tpu.memory_space<hbm>> -> memref<256xi32, #tpu.memory_space<hbm>>
              %dma_wait3A_283 = tpu.memref_slice %arg12[%add3A_264] : memref<15360xi32, #tpu.memory_space<vmem>> -> memref<256xi32, #tpu.memory_space<vmem>>
              %dma_wait3A_284 = tpu.memref_slice %arg6[%add3A_260] : memref<492032xi32, #tpu.memory_space<hbm>> -> memref<256xi32, #tpu.memory_space<hbm>>
              tpu.wait_dma2 semaphore(%run_scoped3A : memref<!tpu.dma_semaphore, #tpu.memory_space<semaphore_mem>>) src(%dma_wait3A_284 : memref<256xi32, #tpu.memory_space<hbm>>) dst(%dma_wait3A_283 : memref<256xi32, #tpu.memory_space<vmem>>)
              tpu.yield
            }) : () -> ()
            %mul3A_265 = arith.constant 256 : i32
            %mul3A_266 = arith.muli %scan3A_196, %mul3A_265 : i32
            %add3A_267 = arith.constant 0 : i32
            %add3A_268 = arith.addi %add3A_267, %mul3A_266 : i32
            "tpu.region"() ({
              %run_scoped3A = tpu.sem_alloc : memref<!tpu.dma_semaphore, #tpu.memory_space<semaphore_mem>>
              %dma_start3A_277 = tpu.memref_slice %arg13[%add3A_268] : memref<15360xf32, #tpu.memory_space<vmem>> -> memref<256xf32, #tpu.memory_space<vmem>>
              %dma_start3A_278 = tpu.memref_slice %arg7[%add3A_260] : memref<492032xf32, #tpu.memory_space<hbm>> -> memref<256xf32, #tpu.memory_space<hbm>>
              %dma_start3A_279 = tpu.memref_slice %arg13[%add3A_268] : memref<15360xf32, #tpu.memory_space<vmem>> -> memref<256xf32, #tpu.memory_space<vmem>>
              %dma_start3A_280 = tpu.memref_slice %arg7[%add3A_260] : memref<492032xf32, #tpu.memory_space<hbm>> -> memref<256xf32, #tpu.memory_space<hbm>>
              tpu.enqueue_dma source(%dma_start3A_280 : memref<256xf32, #tpu.memory_space<hbm>>) target(%dma_start3A_279 : memref<256xf32, #tpu.memory_space<vmem>>) target_semaphore(%run_scoped3A : memref<!tpu.dma_semaphore, #tpu.memory_space<semaphore_mem>>)
              %dma_wait3A_281 = tpu.memref_slice %arg13[%add3A_268] : memref<15360xf32, #tpu.memory_space<vmem>> -> memref<256xf32, #tpu.memory_space<vmem>>
              %dma_wait3A_282 = tpu.memref_slice %arg7[%add3A_260] : memref<492032xf32, #tpu.memory_space<hbm>> -> memref<256xf32, #tpu.memory_space<hbm>>
              %dma_wait3A_283 = tpu.memref_slice %arg13[%add3A_268] : memref<15360xf32, #tpu.memory_space<vmem>> -> memref<256xf32, #tpu.memory_space<vmem>>
              %dma_wait3A_284 = tpu.memref_slice %arg7[%add3A_260] : memref<492032xf32, #tpu.memory_space<hbm>> -> memref<256xf32, #tpu.memory_space<hbm>>
              tpu.wait_dma2 semaphore(%run_scoped3A : memref<!tpu.dma_semaphore, #tpu.memory_space<semaphore_mem>>) src(%dma_wait3A_284 : memref<256xf32, #tpu.memory_space<hbm>>) dst(%dma_wait3A_283 : memref<256xf32, #tpu.memory_space<vmem>>)
              tpu.yield
            }) : () -> ()
            %scan3A_269 = arith.constant 0 : i32
            %scan3A_270 = arith.constant 0 : i32
            %scan3A_271 = arith.constant 16 : i32
            %scan3A_272 = arith.addi %scan3A_270, %scan3A_271 : i32
            %scan3A_273 = arith.constant 1 : i32
            %scan3A_274 = scf.for %scan3A_277 = %scan3A_270 to %scan3A_272 step %scan3A_273 iter_args(%scan3A_278 = %scan3A_269) -> (i32)  : i32 {
              %mul3A_279 = arith.constant 256 : i32
              %mul3A_280 = arith.muli %scan3A_196, %mul3A_279 : i32
              %add3A_281 = arith.constant 0 : i32
              %add3A_282 = arith.addi %add3A_281, %mul3A_280 : i32
              %mul3A_283 = arith.constant 16 : i32
              %mul3A_284 = arith.muli %scan3A_277, %mul3A_283 : i32
              %add3A_285 = arith.addi %add3A_282, %mul3A_284 : i32
              %get3A = arith.index_cast %add3A_285 : i32 to index
              %get3A_286 = tpu.vector_load %arg12[%get3A] {strides = array<i32>} : memref<15360xi32, #tpu.memory_space<vmem>>, vector<16xi32>,
              %get3A_287 = arith.index_cast %add3A_285 : i32 to index
              %get3A_288 = tpu.vector_load %arg13[%get3A_287] {strides = array<i32>} : memref<15360xf32, #tpu.memory_space<vmem>>, vector<16xf32>,
              %mul3A_289 = arith.constant 16 : i32
              %mul3A_290 = arith.muli %scan3A_277, %mul3A_289 : i32
              %add3A_291 = arith.addi %mul3A_253, %mul3A_290 : i32
              %add3A_292 = vector.broadcast %add3A_291 : i32 to vector<16xi32>
              %add3A_293 = arith.addi %add3A_292, %iota3A : vector<16xi32>
              %lt3A_294 = vector.broadcast %squeeze3A : i32 to vector<16xi32>
              %lt3A_295 = arith.cmpi slt, %add3A_293, %lt3A_294 : vector<16xi32>
              %sub3A_296 = vector.broadcast %mul3A_161 : i32 to vector<16xi32>
              %sub3A_297 = arith.subi %get3A_286, %sub3A_296 : vector<16xi32>
              %lt3A_298 = arith.constant 32768 : i32
              %lt3A_299 = vector.broadcast %lt3A_298 : i32 to vector<16xi32>
              %lt3A_300 = arith.cmpi ult, %sub3A_297, %lt3A_299 : vector<16xi32>
              %and3A = arith.andi %lt3A_295, %lt3A_300 : vector<16xi1>
              %and3A_301 = arith.constant 32767 : i32
              %and3A_302 = vector.broadcast %and3A_301 : i32 to vector<16xi32>
              %and3A_303 = arith.andi %sub3A_297, %and3A_302 : vector<16xi32>
              %shift_right_arithmetic3A_304 = arith.constant 8 : i32
              %shift_right_arithmetic3A_305 = vector.broadcast %shift_right_arithmetic3A_304 : i32 to vector<16xi32>
              %shift_right_arithmetic3A_306 = arith.shrsi %and3A_303, %shift_right_arithmetic3A_305 : vector<16xi32>
              %and3A_307 = arith.constant 255 : i32
              %and3A_308 = vector.broadcast %and3A_307 : i32 to vector<16xi32>
              %and3A_309 = arith.andi %and3A_303, %and3A_308 : vector<16xi32>
              tpu.vector_store_idx %arg9[%shift_right_arithmetic3A_306, %and3A_309], %get3A_288 masked %and3A {add = true} : memref<128x256xf32, #tpu.memory_space<vmem>>[vector<16xi32>, vector<16xi32>], vector<16xf32>, vector<16xi1>
              %scan3A_310 = arith.constant 0 : i32
              scf.yield %scan3A_310 : i32
            }
            %scan3A_275 = arith.constant 16 : i32
            %while3A_276 = arith.constant 0 : i32
            scf.yield %while3A_276 : i32
          }
        } else {
        }
        %scan3A_224 = arith.constant 0 : i32
        scf.yield %scan3A_224 : i32
      }
      %scan3A_189 = arith.constant 16 : i32
      %mul3A_190 = arith.constant 128 : i32
      %mul3A_191 = arith.muli %add3A_129, %mul3A_190 : i32
      %dma_start3A_192 = arith.constant 0 : i32
      %dma_start3A_193 = tpu.memref_slice %arg5[%mul3A_191, %dma_start3A_192] : memref<50176x256xf32, #tpu.memory_space<hbm>> -> memref<128x256xf32, #tpu.memory_space<hbm>>
      %dma_start3A_194 = arith.constant 0 : i32
      %dma_start3A_195 = tpu.memref_slice %arg5[%mul3A_191, %dma_start3A_194] : memref<50176x256xf32, #tpu.memory_space<hbm>> -> memref<128x256xf32, #tpu.memory_space<hbm>>
      tpu.enqueue_dma source(%arg9 : memref<128x256xf32, #tpu.memory_space<vmem>>) target(%dma_start3A_195 : memref<128x256xf32, #tpu.memory_space<hbm>>) target_semaphore(%arg31 : memref<!tpu.dma_semaphore, #tpu.memory_space<semaphore_mem>>)
    } else {
    }
    %scan3A_135 = arith.constant 0 : i32
    %scan3A_136 = arith.constant 1 : i32
    %scan3A_137 = arith.constant 5 : i32
    %scan3A_138 = arith.addi %scan3A_136, %scan3A_137 : i32
    %scan3A_139 = arith.constant 1 : i32
    %scan3A_140 = scf.for %scan3A_160 = %scan3A_136 to %scan3A_138 step %scan3A_139 iter_args(%scan3A_161 = %scan3A_135) -> (i32)  : i32 {
      %mul3A_162 = arith.constant 2 : i32
      %mul3A_163 = arith.muli %scan3A_160, %mul3A_162 : i32
      %mul3A_164 = arith.constant 32 : i32
      %mul3A_165 = arith.muli %mul3A_163, %mul3A_164 : i32
      %add3A_166 = arith.addi %mul3A_165, %add3A : i32
      %lt3A_167 = arith.constant 392 : i32
      %lt3A_168 = arith.cmpi slt, %add3A_166, %lt3A_167 : i32
      %convert_element_type3A_169 = arith.extui %lt3A_168 : i1 to i32
      %cond3A_170 = arith.constant 0 : i32
      %cond3A_171 = arith.cmpi ne, %convert_element_type3A_169, %cond3A_170 : i32
      scf.if %cond3A_171 {
        %mul3A_185 = arith.constant 32768 : i32
        %mul3A_186 = arith.muli %add3A_166, %mul3A_185 : i32
        %scan3A_187 = arith.constant 0 : i32
        %scan3A_188 = arith.constant 0 : i32
        %scan3A_189 = arith.constant 16 : i32
        %scan3A_190 = arith.addi %scan3A_188, %scan3A_189 : i32
        %scan3A_191 = arith.constant 1 : i32
        %scan3A_192 = scf.for %scan3A_227 = %scan3A_188 to %scan3A_190 step %scan3A_191 iter_args(%scan3A_228 = %scan3A_187) -> (i32)  : i32 {
          %mul3A_229 = arith.constant 512 : i32
          %mul3A_230 = arith.muli %scan3A_227, %mul3A_229 : i32
          %add3A_231 = arith.addi %mul3A_230, %add3A_166 : i32
          %broadcast_in_dim3A_232 = vector.broadcast %add3A_231 : i32 to vector<16xi32>
          %gather3A = tpu.vector_load_idx %arg10[%broadcast_in_dim3A_232] : memref<12544xi32, #tpu.memory_space<vmem>>[vector<16xi32>], vector<16xi32>,
          %slice3A = vector.extract_strided_slice %gather3A {offsets = [0], sizes = [1], strides = [1]} : vector<16xi32> to vector<1xi32>
          %squeeze3A = vector.extract %slice3A[0] : i32 from vector<1xi32>
          %multiple_of3A = tpu.assume_multiple %squeeze3A, 8 : i32
          %mul3A_233 = arith.constant 16 : i32
          %mul3A_234 = arith.muli %arg0, %mul3A_233 : i32
          %add3A_235 = arith.addi %mul3A_234, %scan3A_227 : i32
          %mul3A_236 = arith.constant 15360 : i32
          %mul3A_237 = arith.muli %add3A_235, %mul3A_236 : i32
          %add3A_238 = arith.addi %mul3A_237, %multiple_of3A : i32
          %mul3A_239 = arith.constant 256 : i32
          %mul3A_240 = arith.muli %scan3A_227, %mul3A_239 : i32
          %add3A_241 = arith.constant 0 : i32
          %add3A_242 = arith.addi %add3A_241, %mul3A_240 : i32
          %dma_start3A_243 = tpu.memref_slice %arg12[%add3A_242] : memref<15360xi32, #tpu.memory_space<vmem>> -> memref<256xi32, #tpu.memory_space<vmem>>
          %dma_start3A_244 = tpu.memref_slice %arg6[%add3A_238] : memref<492032xi32, #tpu.memory_space<hbm>> -> memref<256xi32, #tpu.memory_space<hbm>>
          %dma_start3A_245 = tpu.memref_slice %arg12[%add3A_242] : memref<15360xi32, #tpu.memory_space<vmem>> -> memref<256xi32, #tpu.memory_space<vmem>>
          %dma_start3A_246 = tpu.memref_slice %arg6[%add3A_238] : memref<492032xi32, #tpu.memory_space<hbm>> -> memref<256xi32, #tpu.memory_space<hbm>>
          tpu.enqueue_dma source(%dma_start3A_246 : memref<256xi32, #tpu.memory_space<hbm>>) target(%dma_start3A_245 : memref<256xi32, #tpu.memory_space<vmem>>) target_semaphore(%arg26 : memref<!tpu.dma_semaphore, #tpu.memory_space<semaphore_mem>>)
          %mul3A_247 = arith.constant 256 : i32
          %mul3A_248 = arith.muli %scan3A_227, %mul3A_247 : i32
          %add3A_249 = arith.constant 0 : i32
          %add3A_250 = arith.addi %add3A_249, %mul3A_248 : i32
          %dma_start3A_251 = tpu.memref_slice %arg13[%add3A_250] : memref<15360xf32, #tpu.memory_space<vmem>> -> memref<256xf32, #tpu.memory_space<vmem>>
          %dma_start3A_252 = tpu.memref_slice %arg7[%add3A_238] : memref<492032xf32, #tpu.memory_space<hbm>> -> memref<256xf32, #tpu.memory_space<hbm>>
          %dma_start3A_253 = tpu.memref_slice %arg13[%add3A_250] : memref<15360xf32, #tpu.memory_space<vmem>> -> memref<256xf32, #tpu.memory_space<vmem>>
          %dma_start3A_254 = tpu.memref_slice %arg7[%add3A_238] : memref<492032xf32, #tpu.memory_space<hbm>> -> memref<256xf32, #tpu.memory_space<hbm>>
          tpu.enqueue_dma source(%dma_start3A_254 : memref<256xf32, #tpu.memory_space<hbm>>) target(%dma_start3A_253 : memref<256xf32, #tpu.memory_space<vmem>>) target_semaphore(%arg27 : memref<!tpu.dma_semaphore, #tpu.memory_space<semaphore_mem>>)
          %scan3A_255 = arith.constant 0 : i32
          scf.yield %scan3A_255 : i32
        }
        %scan3A_193 = arith.constant 16 : i32
        %dma_wait3A_194 = arith.constant 0 : i32
        %dma_wait3A_195 = arith.constant 0 : i32
        %dma_wait3A_196 = tpu.memref_slice %arg5[%dma_wait3A_194, %dma_wait3A_195] : memref<50176x256xf32, #tpu.memory_space<hbm>> -> memref<128x256xf32, #tpu.memory_space<hbm>>
        %dma_wait3A_197 = arith.constant 0 : i32
        %dma_wait3A_198 = arith.constant 0 : i32
        %dma_wait3A_199 = tpu.memref_slice %arg5[%dma_wait3A_197, %dma_wait3A_198] : memref<50176x256xf32, #tpu.memory_space<hbm>> -> memref<128x256xf32, #tpu.memory_space<hbm>>
        tpu.wait_dma2 semaphore(%arg30 : memref<!tpu.dma_semaphore, #tpu.memory_space<semaphore_mem>>) src(%arg8 : memref<128x256xf32, #tpu.memory_space<vmem>>) dst(%dma_wait3A_199 : memref<128x256xf32, #tpu.memory_space<hbm>>)
        %scan3A_200 = arith.constant 0 : i32
        %scan3A_201 = arith.constant 0 : i32
        %scan3A_202 = arith.constant 128 : i32
        %scan3A_203 = arith.addi %scan3A_201, %scan3A_202 : i32
        %scan3A_204 = arith.constant 1 : i32
        %scan3A_205 = scf.for %scan3A_227 = %scan3A_201 to %scan3A_203 step %scan3A_204 iter_args(%scan3A_228 = %scan3A_200) -> (i32)  : i32 {
          %swap3A_229 = arith.index_cast %scan3A_227 : i32 to index
          %swap3A_230 = arith.constant 0 : index
          %swap3A_231 = tpu.vector_load %arg8[%swap3A_229, %swap3A_230] {strides = array<i32>} : memref<128x256xf32, #tpu.memory_space<vmem>>, vector<16xf32>,
          tpu.vector_store %arg8[%swap3A_229, %swap3A_230], %broadcast_in_dim3A_5 {strides = array<i32>} : memref<128x256xf32, #tpu.memory_space<vmem>>, vector<16xf32>,
          %swap3A_232 = arith.index_cast %scan3A_227 : i32 to index
          %swap3A_233 = arith.constant 16 : index
          %swap3A_234 = tpu.vector_load %arg8[%swap3A_232, %swap3A_233] {strides = array<i32>} : memref<128x256xf32, #tpu.memory_space<vmem>>, vector<16xf32>,
          tpu.vector_store %arg8[%swap3A_232, %swap3A_233], %broadcast_in_dim3A_5 {strides = array<i32>} : memref<128x256xf32, #tpu.memory_space<vmem>>, vector<16xf32>,
          %swap3A_235 = arith.index_cast %scan3A_227 : i32 to index
          %swap3A_236 = arith.constant 32 : index
          %swap3A_237 = tpu.vector_load %arg8[%swap3A_235, %swap3A_236] {strides = array<i32>} : memref<128x256xf32, #tpu.memory_space<vmem>>, vector<16xf32>,
          tpu.vector_store %arg8[%swap3A_235, %swap3A_236], %broadcast_in_dim3A_5 {strides = array<i32>} : memref<128x256xf32, #tpu.memory_space<vmem>>, vector<16xf32>,
          %swap3A_238 = arith.index_cast %scan3A_227 : i32 to index
          %swap3A_239 = arith.constant 48 : index
          %swap3A_240 = tpu.vector_load %arg8[%swap3A_238, %swap3A_239] {strides = array<i32>} : memref<128x256xf32, #tpu.memory_space<vmem>>, vector<16xf32>,
          tpu.vector_store %arg8[%swap3A_238, %swap3A_239], %broadcast_in_dim3A_5 {strides = array<i32>} : memref<128x256xf32, #tpu.memory_space<vmem>>, vector<16xf32>,
          %swap3A_241 = arith.index_cast %scan3A_227 : i32 to index
          %swap3A_242 = arith.constant 64 : index
          %swap3A_243 = tpu.vector_load %arg8[%swap3A_241, %swap3A_242] {strides = array<i32>} : memref<128x256xf32, #tpu.memory_space<vmem>>, vector<16xf32>,
          tpu.vector_store %arg8[%swap3A_241, %swap3A_242], %broadcast_in_dim3A_5 {strides = array<i32>} : memref<128x256xf32, #tpu.memory_space<vmem>>, vector<16xf32>,
          %swap3A_244 = arith.index_cast %scan3A_227 : i32 to index
          %swap3A_245 = arith.constant 80 : index
          %swap3A_246 = tpu.vector_load %arg8[%swap3A_244, %swap3A_245] {strides = array<i32>} : memref<128x256xf32, #tpu.memory_space<vmem>>, vector<16xf32>,
          tpu.vector_store %arg8[%swap3A_244, %swap3A_245], %broadcast_in_dim3A_5 {strides = array<i32>} : memref<128x256xf32, #tpu.memory_space<vmem>>, vector<16xf32>,
          %swap3A_247 = arith.index_cast %scan3A_227 : i32 to index
          %swap3A_248 = arith.constant 96 : index
          %swap3A_249 = tpu.vector_load %arg8[%swap3A_247, %swap3A_248] {strides = array<i32>} : memref<128x256xf32, #tpu.memory_space<vmem>>, vector<16xf32>,
          tpu.vector_store %arg8[%swap3A_247, %swap3A_248], %broadcast_in_dim3A_5 {strides = array<i32>} : memref<128x256xf32, #tpu.memory_space<vmem>>, vector<16xf32>,
          %swap3A_250 = arith.index_cast %scan3A_227 : i32 to index
          %swap3A_251 = arith.constant 112 : index
          %swap3A_252 = tpu.vector_load %arg8[%swap3A_250, %swap3A_251] {strides = array<i32>} : memref<128x256xf32, #tpu.memory_space<vmem>>, vector<16xf32>,
          tpu.vector_store %arg8[%swap3A_250, %swap3A_251], %broadcast_in_dim3A_5 {strides = array<i32>} : memref<128x256xf32, #tpu.memory_space<vmem>>, vector<16xf32>,
          %swap3A_253 = arith.index_cast %scan3A_227 : i32 to index
          %swap3A_254 = arith.constant 128 : index
          %swap3A_255 = tpu.vector_load %arg8[%swap3A_253, %swap3A_254] {strides = array<i32>} : memref<128x256xf32, #tpu.memory_space<vmem>>, vector<16xf32>,
          tpu.vector_store %arg8[%swap3A_253, %swap3A_254], %broadcast_in_dim3A_5 {strides = array<i32>} : memref<128x256xf32, #tpu.memory_space<vmem>>, vector<16xf32>,
          %swap3A_256 = arith.index_cast %scan3A_227 : i32 to index
          %swap3A_257 = arith.constant 144 : index
          %swap3A_258 = tpu.vector_load %arg8[%swap3A_256, %swap3A_257] {strides = array<i32>} : memref<128x256xf32, #tpu.memory_space<vmem>>, vector<16xf32>,
          tpu.vector_store %arg8[%swap3A_256, %swap3A_257], %broadcast_in_dim3A_5 {strides = array<i32>} : memref<128x256xf32, #tpu.memory_space<vmem>>, vector<16xf32>,
          %swap3A_259 = arith.index_cast %scan3A_227 : i32 to index
          %swap3A_260 = arith.constant 160 : index
          %swap3A_261 = tpu.vector_load %arg8[%swap3A_259, %swap3A_260] {strides = array<i32>} : memref<128x256xf32, #tpu.memory_space<vmem>>, vector<16xf32>,
          tpu.vector_store %arg8[%swap3A_259, %swap3A_260], %broadcast_in_dim3A_5 {strides = array<i32>} : memref<128x256xf32, #tpu.memory_space<vmem>>, vector<16xf32>,
          %swap3A_262 = arith.index_cast %scan3A_227 : i32 to index
          %swap3A_263 = arith.constant 176 : index
          %swap3A_264 = tpu.vector_load %arg8[%swap3A_262, %swap3A_263] {strides = array<i32>} : memref<128x256xf32, #tpu.memory_space<vmem>>, vector<16xf32>,
          tpu.vector_store %arg8[%swap3A_262, %swap3A_263], %broadcast_in_dim3A_5 {strides = array<i32>} : memref<128x256xf32, #tpu.memory_space<vmem>>, vector<16xf32>,
          %swap3A_265 = arith.index_cast %scan3A_227 : i32 to index
          %swap3A_266 = arith.constant 192 : index
          %swap3A_267 = tpu.vector_load %arg8[%swap3A_265, %swap3A_266] {strides = array<i32>} : memref<128x256xf32, #tpu.memory_space<vmem>>, vector<16xf32>,
          tpu.vector_store %arg8[%swap3A_265, %swap3A_266], %broadcast_in_dim3A_5 {strides = array<i32>} : memref<128x256xf32, #tpu.memory_space<vmem>>, vector<16xf32>,
          %swap3A_268 = arith.index_cast %scan3A_227 : i32 to index
          %swap3A_269 = arith.constant 208 : index
          %swap3A_270 = tpu.vector_load %arg8[%swap3A_268, %swap3A_269] {strides = array<i32>} : memref<128x256xf32, #tpu.memory_space<vmem>>, vector<16xf32>,
          tpu.vector_store %arg8[%swap3A_268, %swap3A_269], %broadcast_in_dim3A_5 {strides = array<i32>} : memref<128x256xf32, #tpu.memory_space<vmem>>, vector<16xf32>,
          %swap3A_271 = arith.index_cast %scan3A_227 : i32 to index
          %swap3A_272 = arith.constant 224 : index
          %swap3A_273 = tpu.vector_load %arg8[%swap3A_271, %swap3A_272] {strides = array<i32>} : memref<128x256xf32, #tpu.memory_space<vmem>>, vector<16xf32>,
          tpu.vector_store %arg8[%swap3A_271, %swap3A_272], %broadcast_in_dim3A_5 {strides = array<i32>} : memref<128x256xf32, #tpu.memory_space<vmem>>, vector<16xf32>,
          %swap3A_274 = arith.index_cast %scan3A_227 : i32 to index
          %swap3A_275 = arith.constant 240 : index
          %swap3A_276 = tpu.vector_load %arg8[%swap3A_274, %swap3A_275] {strides = array<i32>} : memref<128x256xf32, #tpu.memory_space<vmem>>, vector<16xf32>,
          tpu.vector_store %arg8[%swap3A_274, %swap3A_275], %broadcast_in_dim3A_5 {strides = array<i32>} : memref<128x256xf32, #tpu.memory_space<vmem>>, vector<16xf32>,
          %scan3A_277 = arith.constant 0 : i32
          scf.yield %scan3A_277 : i32
        }
        %scan3A_206 = arith.constant 128 : i32
        %scan3A_207 = arith.constant 0 : i32
        %scan3A_208 = arith.constant 0 : i32
        %scan3A_209 = arith.constant 16 : i32
        %scan3A_210 = arith.addi %scan3A_208, %scan3A_209 : i32
        %scan3A_211 = arith.constant 1 : i32
        %scan3A_212 = scf.for %scan3A_227 = %scan3A_208 to %scan3A_210 step %scan3A_211 iter_args(%scan3A_228 = %scan3A_207) -> (i32)  : i32 {
          %mul3A_229 = arith.constant 256 : i32
          %mul3A_230 = arith.muli %scan3A_227, %mul3A_229 : i32
          %add3A_231 = arith.constant 0 : i32
          %add3A_232 = arith.addi %add3A_231, %mul3A_230 : i32
          %dma_wait3A_233 = tpu.memref_slice %arg12[%add3A_232] : memref<15360xi32, #tpu.memory_space<vmem>> -> memref<256xi32, #tpu.memory_space<vmem>>
          %dma_wait3A_234 = arith.constant 0 : i32
          %dma_wait3A_235 = tpu.memref_slice %arg6[%dma_wait3A_234] : memref<492032xi32, #tpu.memory_space<hbm>> -> memref<256xi32, #tpu.memory_space<hbm>>
          %dma_wait3A_236 = tpu.memref_slice %arg12[%add3A_232] : memref<15360xi32, #tpu.memory_space<vmem>> -> memref<256xi32, #tpu.memory_space<vmem>>
          %dma_wait3A_237 = arith.constant 0 : i32
          %dma_wait3A_238 = tpu.memref_slice %arg6[%dma_wait3A_237] : memref<492032xi32, #tpu.memory_space<hbm>> -> memref<256xi32, #tpu.memory_space<hbm>>
          tpu.wait_dma2 semaphore(%arg26 : memref<!tpu.dma_semaphore, #tpu.memory_space<semaphore_mem>>) src(%dma_wait3A_238 : memref<256xi32, #tpu.memory_space<hbm>>) dst(%dma_wait3A_236 : memref<256xi32, #tpu.memory_space<vmem>>)
          %mul3A_239 = arith.constant 256 : i32
          %mul3A_240 = arith.muli %scan3A_227, %mul3A_239 : i32
          %add3A_241 = arith.constant 0 : i32
          %add3A_242 = arith.addi %add3A_241, %mul3A_240 : i32
          %dma_wait3A_243 = tpu.memref_slice %arg13[%add3A_242] : memref<15360xf32, #tpu.memory_space<vmem>> -> memref<256xf32, #tpu.memory_space<vmem>>
          %dma_wait3A_244 = arith.constant 0 : i32
          %dma_wait3A_245 = tpu.memref_slice %arg7[%dma_wait3A_244] : memref<492032xf32, #tpu.memory_space<hbm>> -> memref<256xf32, #tpu.memory_space<hbm>>
          %dma_wait3A_246 = tpu.memref_slice %arg13[%add3A_242] : memref<15360xf32, #tpu.memory_space<vmem>> -> memref<256xf32, #tpu.memory_space<vmem>>
          %dma_wait3A_247 = arith.constant 0 : i32
          %dma_wait3A_248 = tpu.memref_slice %arg7[%dma_wait3A_247] : memref<492032xf32, #tpu.memory_space<hbm>> -> memref<256xf32, #tpu.memory_space<hbm>>
          tpu.wait_dma2 semaphore(%arg27 : memref<!tpu.dma_semaphore, #tpu.memory_space<semaphore_mem>>) src(%dma_wait3A_248 : memref<256xf32, #tpu.memory_space<hbm>>) dst(%dma_wait3A_246 : memref<256xf32, #tpu.memory_space<vmem>>)
          %scan3A_249 = arith.constant 0 : i32
          scf.yield %scan3A_249 : i32
        }
        %scan3A_213 = arith.constant 16 : i32
        %scan3A_214 = arith.constant 0 : i32
        %scan3A_215 = arith.constant 0 : i32
        %scan3A_216 = arith.constant 16 : i32
        %scan3A_217 = arith.addi %scan3A_215, %scan3A_216 : i32
        %scan3A_218 = arith.constant 1 : i32
        %scan3A_219 = scf.for %scan3A_227 = %scan3A_215 to %scan3A_217 step %scan3A_218 iter_args(%scan3A_228 = %scan3A_214) -> (i32)  : i32 {
          %mul3A_229 = arith.constant 512 : i32
          %mul3A_230 = arith.muli %scan3A_227, %mul3A_229 : i32
          %add3A_231 = arith.constant 6144 : i32
          %add3A_232 = arith.addi %add3A_231, %mul3A_230 : i32
          %add3A_233 = arith.addi %add3A_232, %add3A_166 : i32
          %broadcast_in_dim3A_234 = vector.broadcast %add3A_233 : i32 to vector<16xi32>
          %gather3A = tpu.vector_load_idx %arg12[%broadcast_in_dim3A_234] : memref<15360xi32, #tpu.memory_space<vmem>>[vector<16xi32>], vector<16xi32>,
          %slice3A = vector.extract_strided_slice %gather3A {offsets = [0], sizes = [1], strides = [1]} : vector<16xi32> to vector<1xi32>
          %squeeze3A = vector.extract %slice3A[0] : i32 from vector<1xi32>
          %min3A = arith.constant 256 : i32
          %min3A_235 = arith.minsi %squeeze3A, %min3A : i32
          %add3A_236 = arith.constant 16 : i32
          %add3A_237 = arith.addi %min3A_235, %add3A_236 : i32
          %sub3A = arith.constant 1 : i32
          %sub3A_238 = arith.subi %add3A_237, %sub3A : i32
          %shift_right_arithmetic3A = arith.constant 4 : i32
          %shift_right_arithmetic3A_239 = arith.shrsi %sub3A_238, %shift_right_arithmetic3A : i32
          %while3A = arith.constant 0 : i32
          %while3A_240 = arith.constant 0 : i32
          %while3A_241 = arith.subi %shift_right_arithmetic3A_239, %while3A : i32
          %while3A_242 = arith.addi %while3A, %while3A_241 : i32
          %while3A_243 = arith.constant 1 : i32
          %while3A_244 = arith.divsi %while3A_241, %while3A_243 : i32
          %while3A_245 = arith.muli %while3A_244, %while3A_243 : i32
          %while3A_246 = arith.addi %while3A, %while3A_245 : i32
          %while3A_247 = arith.constant 1 : i32
          %while3A_248 = scf.for %while3A_256 = %while3A to %while3A_246 step %while3A_247 iter_args(%while3A_257 = %while3A_240) -> (i32)  : i32 {
            %mul3A_258 = arith.constant 256 : i32
            %mul3A_259 = arith.muli %scan3A_227, %mul3A_258 : i32
            %add3A_260 = arith.constant 0 : i32
            %add3A_261 = arith.addi %add3A_260, %mul3A_259 : i32
            %mul3A_262 = arith.constant 16 : i32
            %mul3A_263 = arith.muli %while3A_256, %mul3A_262 : i32
            %add3A_264 = arith.addi %add3A_261, %mul3A_263 : i32
            %get3A = arith.index_cast %add3A_264 : i32 to index
            %get3A_265 = tpu.vector_load %arg12[%get3A] {strides = array<i32>} : memref<15360xi32, #tpu.memory_space<vmem>>, vector<16xi32>,
            %get3A_266 = arith.index_cast %add3A_264 : i32 to index
            %get3A_267 = tpu.vector_load %arg13[%get3A_266] {strides = array<i32>} : memref<15360xf32, #tpu.memory_space<vmem>>, vector<16xf32>,
            %mul3A_268 = arith.constant 16 : i32
            %mul3A_269 = arith.muli %while3A_256, %mul3A_268 : i32
            %add3A_270 = vector.broadcast %mul3A_269 : i32 to vector<16xi32>
            %add3A_271 = arith.addi %add3A_270, %iota3A : vector<16xi32>
            %lt3A_272 = vector.broadcast %min3A_235 : i32 to vector<16xi32>
            %lt3A_273 = arith.cmpi slt, %add3A_271, %lt3A_272 : vector<16xi32>
            %sub3A_274 = vector.broadcast %mul3A_186 : i32 to vector<16xi32>
            %sub3A_275 = arith.subi %get3A_265, %sub3A_274 : vector<16xi32>
            %lt3A_276 = arith.constant 32768 : i32
            %lt3A_277 = vector.broadcast %lt3A_276 : i32 to vector<16xi32>
            %lt3A_278 = arith.cmpi ult, %sub3A_275, %lt3A_277 : vector<16xi32>
            %and3A = arith.andi %lt3A_273, %lt3A_278 : vector<16xi1>
            %and3A_279 = arith.constant 32767 : i32
            %and3A_280 = vector.broadcast %and3A_279 : i32 to vector<16xi32>
            %and3A_281 = arith.andi %sub3A_275, %and3A_280 : vector<16xi32>
            %shift_right_arithmetic3A_282 = arith.constant 8 : i32
            %shift_right_arithmetic3A_283 = vector.broadcast %shift_right_arithmetic3A_282 : i32 to vector<16xi32>
            %shift_right_arithmetic3A_284 = arith.shrsi %and3A_281, %shift_right_arithmetic3A_283 : vector<16xi32>
            %and3A_285 = arith.constant 255 : i32
            %and3A_286 = vector.broadcast %and3A_285 : i32 to vector<16xi32>
            %and3A_287 = arith.andi %and3A_281, %and3A_286 : vector<16xi32>
            tpu.vector_store_idx %arg8[%shift_right_arithmetic3A_284, %and3A_287], %get3A_267 masked %and3A {add = true} : memref<128x256xf32, #tpu.memory_space<vmem>>[vector<16xi32>, vector<16xi32>], vector<16xf32>, vector<16xi1>
            %while3A_288 = arith.constant 0 : i32
            scf.yield %while3A_288 : i32
          }
          %while3A_249 = arith.constant 1 : i32
          %while3A_250 = scf.for %while3A_256 = %while3A_246 to %while3A_242 step %while3A_249 iter_args(%while3A_257 = %while3A_248) -> (i32)  : i32 {
            %mul3A_258 = arith.constant 256 : i32
            %mul3A_259 = arith.muli %scan3A_227, %mul3A_258 : i32
            %add3A_260 = arith.constant 0 : i32
            %add3A_261 = arith.addi %add3A_260, %mul3A_259 : i32
            %mul3A_262 = arith.constant 16 : i32
            %mul3A_263 = arith.muli %while3A_256, %mul3A_262 : i32
            %add3A_264 = arith.addi %add3A_261, %mul3A_263 : i32
            %get3A = arith.index_cast %add3A_264 : i32 to index
            %get3A_265 = tpu.vector_load %arg12[%get3A] {strides = array<i32>} : memref<15360xi32, #tpu.memory_space<vmem>>, vector<16xi32>,
            %get3A_266 = arith.index_cast %add3A_264 : i32 to index
            %get3A_267 = tpu.vector_load %arg13[%get3A_266] {strides = array<i32>} : memref<15360xf32, #tpu.memory_space<vmem>>, vector<16xf32>,
            %mul3A_268 = arith.constant 16 : i32
            %mul3A_269 = arith.muli %while3A_256, %mul3A_268 : i32
            %add3A_270 = vector.broadcast %mul3A_269 : i32 to vector<16xi32>
            %add3A_271 = arith.addi %add3A_270, %iota3A : vector<16xi32>
            %lt3A_272 = vector.broadcast %min3A_235 : i32 to vector<16xi32>
            %lt3A_273 = arith.cmpi slt, %add3A_271, %lt3A_272 : vector<16xi32>
            %sub3A_274 = vector.broadcast %mul3A_186 : i32 to vector<16xi32>
            %sub3A_275 = arith.subi %get3A_265, %sub3A_274 : vector<16xi32>
            %lt3A_276 = arith.constant 32768 : i32
            %lt3A_277 = vector.broadcast %lt3A_276 : i32 to vector<16xi32>
            %lt3A_278 = arith.cmpi ult, %sub3A_275, %lt3A_277 : vector<16xi32>
            %and3A = arith.andi %lt3A_273, %lt3A_278 : vector<16xi1>
            %and3A_279 = arith.constant 32767 : i32
            %and3A_280 = vector.broadcast %and3A_279 : i32 to vector<16xi32>
            %and3A_281 = arith.andi %sub3A_275, %and3A_280 : vector<16xi32>
            %shift_right_arithmetic3A_282 = arith.constant 8 : i32
            %shift_right_arithmetic3A_283 = vector.broadcast %shift_right_arithmetic3A_282 : i32 to vector<16xi32>
            %shift_right_arithmetic3A_284 = arith.shrsi %and3A_281, %shift_right_arithmetic3A_283 : vector<16xi32>
            %and3A_285 = arith.constant 255 : i32
            %and3A_286 = vector.broadcast %and3A_285 : i32 to vector<16xi32>
            %and3A_287 = arith.andi %and3A_281, %and3A_286 : vector<16xi32>
            tpu.vector_store_idx %arg8[%shift_right_arithmetic3A_284, %and3A_287], %get3A_267 masked %and3A {add = true} : memref<128x256xf32, #tpu.memory_space<vmem>>[vector<16xi32>, vector<16xi32>], vector<16xf32>, vector<16xi1>
            %while3A_288 = arith.constant 0 : i32
            scf.yield %while3A_288 : i32
          }
          %gt3A = arith.constant 256 : i32
          %gt3A_251 = arith.cmpi sgt, %squeeze3A, %gt3A : i32
          %convert_element_type3A_252 = arith.extui %gt3A_251 : i1 to i32
          %cond3A_253 = arith.constant 0 : i32
          %cond3A_254 = arith.cmpi ne, %convert_element_type3A_252, %cond3A_253 : i32
          scf.if %cond3A_254 {
            %mul3A_256 = arith.constant 512 : i32
            %mul3A_257 = arith.muli %scan3A_227, %mul3A_256 : i32
            %add3A_258 = arith.addi %mul3A_257, %add3A_166 : i32
            %broadcast_in_dim3A_259 = vector.broadcast %add3A_258 : i32 to vector<16xi32>
            %gather3A_260 = tpu.vector_load_idx %arg10[%broadcast_in_dim3A_259] : memref<12544xi32, #tpu.memory_space<vmem>>[vector<16xi32>], vector<16xi32>,
            %slice3A_261 = vector.extract_strided_slice %gather3A_260 {offsets = [0], sizes = [1], strides = [1]} : vector<16xi32> to vector<1xi32>
            %squeeze3A_262 = vector.extract %slice3A_261[0] : i32 from vector<1xi32>
            %multiple_of3A = tpu.assume_multiple %squeeze3A_262, 8 : i32
            %sub3A_263 = arith.constant 1 : i32
            %sub3A_264 = arith.subi %squeeze3A, %sub3A_263 : i32
            %shift_right_arithmetic3A_265 = arith.constant 8 : i32
            %shift_right_arithmetic3A_266 = arith.shrsi %sub3A_264, %shift_right_arithmetic3A_265 : i32
            %while3A_267 = arith.constant 0 : i32
            %while3A_268 = arith.constant 0 : i32
            %while3A_269 = arith.subi %shift_right_arithmetic3A_266, %while3A_267 : i32
            %while3A_270 = arith.addi %while3A_267, %while3A_269 : i32
            %while3A_271 = arith.constant 1 : i32
            %while3A_272 = arith.divsi %while3A_269, %while3A_271 : i32
            %while3A_273 = arith.muli %while3A_272, %while3A_271 : i32
            %while3A_274 = arith.addi %while3A_267, %while3A_273 : i32
            %while3A_275 = arith.constant 1 : i32
            %while3A_276 = scf.for %while3A_279 = %while3A_267 to %while3A_274 step %while3A_275 iter_args(%while3A_280 = %while3A_268) -> (i32)  : i32 {
              %add3A_281 = arith.constant 1 : i32
              %add3A_282 = arith.addi %while3A_279, %add3A_281 : i32
              %mul3A_283 = arith.constant 256 : i32
              %mul3A_284 = arith.muli %add3A_282, %mul3A_283 : i32
              %mul3A_285 = arith.constant 16 : i32
              %mul3A_286 = arith.muli %arg0, %mul3A_285 : i32
              %add3A_287 = arith.addi %mul3A_286, %scan3A_227 : i32
              %mul3A_288 = arith.constant 15360 : i32
              %mul3A_289 = arith.muli %add3A_287, %mul3A_288 : i32
              %add3A_290 = arith.addi %mul3A_289, %multiple_of3A : i32
              %add3A_291 = arith.addi %add3A_290, %mul3A_284 : i32
              %mul3A_292 = arith.constant 256 : i32
              %mul3A_293 = arith.muli %scan3A_227, %mul3A_292 : i32
              %add3A_294 = arith.constant 0 : i32
              %add3A_295 = arith.addi %add3A_294, %mul3A_293 : i32
              "tpu.region"() ({
                %run_scoped3A = tpu.sem_alloc : memref<!tpu.dma_semaphore, #tpu.memory_space<semaphore_mem>>
                %dma_start3A_308 = tpu.memref_slice %arg12[%add3A_295] : memref<15360xi32, #tpu.memory_space<vmem>> -> memref<256xi32, #tpu.memory_space<vmem>>
                %dma_start3A_309 = tpu.memref_slice %arg6[%add3A_291] : memref<492032xi32, #tpu.memory_space<hbm>> -> memref<256xi32, #tpu.memory_space<hbm>>
                %dma_start3A_310 = tpu.memref_slice %arg12[%add3A_295] : memref<15360xi32, #tpu.memory_space<vmem>> -> memref<256xi32, #tpu.memory_space<vmem>>
                %dma_start3A_311 = tpu.memref_slice %arg6[%add3A_291] : memref<492032xi32, #tpu.memory_space<hbm>> -> memref<256xi32, #tpu.memory_space<hbm>>
                tpu.enqueue_dma source(%dma_start3A_311 : memref<256xi32, #tpu.memory_space<hbm>>) target(%dma_start3A_310 : memref<256xi32, #tpu.memory_space<vmem>>) target_semaphore(%run_scoped3A : memref<!tpu.dma_semaphore, #tpu.memory_space<semaphore_mem>>)
                %dma_wait3A_312 = tpu.memref_slice %arg12[%add3A_295] : memref<15360xi32, #tpu.memory_space<vmem>> -> memref<256xi32, #tpu.memory_space<vmem>>
                %dma_wait3A_313 = tpu.memref_slice %arg6[%add3A_291] : memref<492032xi32, #tpu.memory_space<hbm>> -> memref<256xi32, #tpu.memory_space<hbm>>
                %dma_wait3A_314 = tpu.memref_slice %arg12[%add3A_295] : memref<15360xi32, #tpu.memory_space<vmem>> -> memref<256xi32, #tpu.memory_space<vmem>>
                %dma_wait3A_315 = tpu.memref_slice %arg6[%add3A_291] : memref<492032xi32, #tpu.memory_space<hbm>> -> memref<256xi32, #tpu.memory_space<hbm>>
                tpu.wait_dma2 semaphore(%run_scoped3A : memref<!tpu.dma_semaphore, #tpu.memory_space<semaphore_mem>>) src(%dma_wait3A_315 : memref<256xi32, #tpu.memory_space<hbm>>) dst(%dma_wait3A_314 : memref<256xi32, #tpu.memory_space<vmem>>)
                tpu.yield
              }) : () -> ()
              %mul3A_296 = arith.constant 256 : i32
              %mul3A_297 = arith.muli %scan3A_227, %mul3A_296 : i32
              %add3A_298 = arith.constant 0 : i32
              %add3A_299 = arith.addi %add3A_298, %mul3A_297 : i32
              "tpu.region"() ({
                %run_scoped3A = tpu.sem_alloc : memref<!tpu.dma_semaphore, #tpu.memory_space<semaphore_mem>>
                %dma_start3A_308 = tpu.memref_slice %arg13[%add3A_299] : memref<15360xf32, #tpu.memory_space<vmem>> -> memref<256xf32, #tpu.memory_space<vmem>>
                %dma_start3A_309 = tpu.memref_slice %arg7[%add3A_291] : memref<492032xf32, #tpu.memory_space<hbm>> -> memref<256xf32, #tpu.memory_space<hbm>>
                %dma_start3A_310 = tpu.memref_slice %arg13[%add3A_299] : memref<15360xf32, #tpu.memory_space<vmem>> -> memref<256xf32, #tpu.memory_space<vmem>>
                %dma_start3A_311 = tpu.memref_slice %arg7[%add3A_291] : memref<492032xf32, #tpu.memory_space<hbm>> -> memref<256xf32, #tpu.memory_space<hbm>>
                tpu.enqueue_dma source(%dma_start3A_311 : memref<256xf32, #tpu.memory_space<hbm>>) target(%dma_start3A_310 : memref<256xf32, #tpu.memory_space<vmem>>) target_semaphore(%run_scoped3A : memref<!tpu.dma_semaphore, #tpu.memory_space<semaphore_mem>>)
                %dma_wait3A_312 = tpu.memref_slice %arg13[%add3A_299] : memref<15360xf32, #tpu.memory_space<vmem>> -> memref<256xf32, #tpu.memory_space<vmem>>
                %dma_wait3A_313 = tpu.memref_slice %arg7[%add3A_291] : memref<492032xf32, #tpu.memory_space<hbm>> -> memref<256xf32, #tpu.memory_space<hbm>>
                %dma_wait3A_314 = tpu.memref_slice %arg13[%add3A_299] : memref<15360xf32, #tpu.memory_space<vmem>> -> memref<256xf32, #tpu.memory_space<vmem>>
                %dma_wait3A_315 = tpu.memref_slice %arg7[%add3A_291] : memref<492032xf32, #tpu.memory_space<hbm>> -> memref<256xf32, #tpu.memory_space<hbm>>
                tpu.wait_dma2 semaphore(%run_scoped3A : memref<!tpu.dma_semaphore, #tpu.memory_space<semaphore_mem>>) src(%dma_wait3A_315 : memref<256xf32, #tpu.memory_space<hbm>>) dst(%dma_wait3A_314 : memref<256xf32, #tpu.memory_space<vmem>>)
                tpu.yield
              }) : () -> ()
              %scan3A_300 = arith.constant 0 : i32
              %scan3A_301 = arith.constant 0 : i32
              %scan3A_302 = arith.constant 16 : i32
              %scan3A_303 = arith.addi %scan3A_301, %scan3A_302 : i32
              %scan3A_304 = arith.constant 1 : i32
              %scan3A_305 = scf.for %scan3A_308 = %scan3A_301 to %scan3A_303 step %scan3A_304 iter_args(%scan3A_309 = %scan3A_300) -> (i32)  : i32 {
                %mul3A_310 = arith.constant 256 : i32
                %mul3A_311 = arith.muli %scan3A_227, %mul3A_310 : i32
                %add3A_312 = arith.constant 0 : i32
                %add3A_313 = arith.addi %add3A_312, %mul3A_311 : i32
                %mul3A_314 = arith.constant 16 : i32
                %mul3A_315 = arith.muli %scan3A_308, %mul3A_314 : i32
                %add3A_316 = arith.addi %add3A_313, %mul3A_315 : i32
                %get3A = arith.index_cast %add3A_316 : i32 to index
                %get3A_317 = tpu.vector_load %arg12[%get3A] {strides = array<i32>} : memref<15360xi32, #tpu.memory_space<vmem>>, vector<16xi32>,
                %get3A_318 = arith.index_cast %add3A_316 : i32 to index
                %get3A_319 = tpu.vector_load %arg13[%get3A_318] {strides = array<i32>} : memref<15360xf32, #tpu.memory_space<vmem>>, vector<16xf32>,
                %mul3A_320 = arith.constant 16 : i32
                %mul3A_321 = arith.muli %scan3A_308, %mul3A_320 : i32
                %add3A_322 = arith.addi %mul3A_284, %mul3A_321 : i32
                %add3A_323 = vector.broadcast %add3A_322 : i32 to vector<16xi32>
                %add3A_324 = arith.addi %add3A_323, %iota3A : vector<16xi32>
                %lt3A_325 = vector.broadcast %squeeze3A : i32 to vector<16xi32>
                %lt3A_326 = arith.cmpi slt, %add3A_324, %lt3A_325 : vector<16xi32>
                %sub3A_327 = vector.broadcast %mul3A_186 : i32 to vector<16xi32>
                %sub3A_328 = arith.subi %get3A_317, %sub3A_327 : vector<16xi32>
                %lt3A_329 = arith.constant 32768 : i32
                %lt3A_330 = vector.broadcast %lt3A_329 : i32 to vector<16xi32>
                %lt3A_331 = arith.cmpi ult, %sub3A_328, %lt3A_330 : vector<16xi32>
                %and3A = arith.andi %lt3A_326, %lt3A_331 : vector<16xi1>
                %and3A_332 = arith.constant 32767 : i32
                %and3A_333 = vector.broadcast %and3A_332 : i32 to vector<16xi32>
                %and3A_334 = arith.andi %sub3A_328, %and3A_333 : vector<16xi32>
                %shift_right_arithmetic3A_335 = arith.constant 8 : i32
                %shift_right_arithmetic3A_336 = vector.broadcast %shift_right_arithmetic3A_335 : i32 to vector<16xi32>
                %shift_right_arithmetic3A_337 = arith.shrsi %and3A_334, %shift_right_arithmetic3A_336 : vector<16xi32>
                %and3A_338 = arith.constant 255 : i32
                %and3A_339 = vector.broadcast %and3A_338 : i32 to vector<16xi32>
                %and3A_340 = arith.andi %and3A_334, %and3A_339 : vector<16xi32>
                tpu.vector_store_idx %arg8[%shift_right_arithmetic3A_337, %and3A_340], %get3A_319 masked %and3A {add = true} : memref<128x256xf32, #tpu.memory_space<vmem>>[vector<16xi32>, vector<16xi32>], vector<16xf32>, vector<16xi1>
                %scan3A_341 = arith.constant 0 : i32
                scf.yield %scan3A_341 : i32
              }
              %scan3A_306 = arith.constant 16 : i32
              %while3A_307 = arith.constant 0 : i32
              scf.yield %while3A_307 : i32
            }
            %while3A_277 = arith.constant 1 : i32
            %while3A_278 = scf.for %while3A_279 = %while3A_274 to %while3A_270 step %while3A_277 iter_args(%while3A_280 = %while3A_276) -> (i32)  : i32 {
              %add3A_281 = arith.constant 1 : i32
              %add3A_282 = arith.addi %while3A_279, %add3A_281 : i32
              %mul3A_283 = arith.constant 256 : i32
              %mul3A_284 = arith.muli %add3A_282, %mul3A_283 : i32
              %mul3A_285 = arith.constant 16 : i32
              %mul3A_286 = arith.muli %arg0, %mul3A_285 : i32
              %add3A_287 = arith.addi %mul3A_286, %scan3A_227 : i32
              %mul3A_288 = arith.constant 15360 : i32
              %mul3A_289 = arith.muli %add3A_287, %mul3A_288 : i32
              %add3A_290 = arith.addi %mul3A_289, %multiple_of3A : i32
              %add3A_291 = arith.addi %add3A_290, %mul3A_284 : i32
              %mul3A_292 = arith.constant 256 : i32
              %mul3A_293 = arith.muli %scan3A_227, %mul3A_292 : i32
              %add3A_294 = arith.constant 0 : i32
              %add3A_295 = arith.addi %add3A_294, %mul3A_293 : i32
              "tpu.region"() ({
                %run_scoped3A = tpu.sem_alloc : memref<!tpu.dma_semaphore, #tpu.memory_space<semaphore_mem>>
                %dma_start3A_308 = tpu.memref_slice %arg12[%add3A_295] : memref<15360xi32, #tpu.memory_space<vmem>> -> memref<256xi32, #tpu.memory_space<vmem>>
                %dma_start3A_309 = tpu.memref_slice %arg6[%add3A_291] : memref<492032xi32, #tpu.memory_space<hbm>> -> memref<256xi32, #tpu.memory_space<hbm>>
                %dma_start3A_310 = tpu.memref_slice %arg12[%add3A_295] : memref<15360xi32, #tpu.memory_space<vmem>> -> memref<256xi32, #tpu.memory_space<vmem>>
                %dma_start3A_311 = tpu.memref_slice %arg6[%add3A_291] : memref<492032xi32, #tpu.memory_space<hbm>> -> memref<256xi32, #tpu.memory_space<hbm>>
                tpu.enqueue_dma source(%dma_start3A_311 : memref<256xi32, #tpu.memory_space<hbm>>) target(%dma_start3A_310 : memref<256xi32, #tpu.memory_space<vmem>>) target_semaphore(%run_scoped3A : memref<!tpu.dma_semaphore, #tpu.memory_space<semaphore_mem>>)
                %dma_wait3A_312 = tpu.memref_slice %arg12[%add3A_295] : memref<15360xi32, #tpu.memory_space<vmem>> -> memref<256xi32, #tpu.memory_space<vmem>>
                %dma_wait3A_313 = tpu.memref_slice %arg6[%add3A_291] : memref<492032xi32, #tpu.memory_space<hbm>> -> memref<256xi32, #tpu.memory_space<hbm>>
                %dma_wait3A_314 = tpu.memref_slice %arg12[%add3A_295] : memref<15360xi32, #tpu.memory_space<vmem>> -> memref<256xi32, #tpu.memory_space<vmem>>
                %dma_wait3A_315 = tpu.memref_slice %arg6[%add3A_291] : memref<492032xi32, #tpu.memory_space<hbm>> -> memref<256xi32, #tpu.memory_space<hbm>>
                tpu.wait_dma2 semaphore(%run_scoped3A : memref<!tpu.dma_semaphore, #tpu.memory_space<semaphore_mem>>) src(%dma_wait3A_315 : memref<256xi32, #tpu.memory_space<hbm>>) dst(%dma_wait3A_314 : memref<256xi32, #tpu.memory_space<vmem>>)
                tpu.yield
              }) : () -> ()
              %mul3A_296 = arith.constant 256 : i32
              %mul3A_297 = arith.muli %scan3A_227, %mul3A_296 : i32
              %add3A_298 = arith.constant 0 : i32
              %add3A_299 = arith.addi %add3A_298, %mul3A_297 : i32
              "tpu.region"() ({
                %run_scoped3A = tpu.sem_alloc : memref<!tpu.dma_semaphore, #tpu.memory_space<semaphore_mem>>
                %dma_start3A_308 = tpu.memref_slice %arg13[%add3A_299] : memref<15360xf32, #tpu.memory_space<vmem>> -> memref<256xf32, #tpu.memory_space<vmem>>
                %dma_start3A_309 = tpu.memref_slice %arg7[%add3A_291] : memref<492032xf32, #tpu.memory_space<hbm>> -> memref<256xf32, #tpu.memory_space<hbm>>
                %dma_start3A_310 = tpu.memref_slice %arg13[%add3A_299] : memref<15360xf32, #tpu.memory_space<vmem>> -> memref<256xf32, #tpu.memory_space<vmem>>
                %dma_start3A_311 = tpu.memref_slice %arg7[%add3A_291] : memref<492032xf32, #tpu.memory_space<hbm>> -> memref<256xf32, #tpu.memory_space<hbm>>
                tpu.enqueue_dma source(%dma_start3A_311 : memref<256xf32, #tpu.memory_space<hbm>>) target(%dma_start3A_310 : memref<256xf32, #tpu.memory_space<vmem>>) target_semaphore(%run_scoped3A : memref<!tpu.dma_semaphore, #tpu.memory_space<semaphore_mem>>)
                %dma_wait3A_312 = tpu.memref_slice %arg13[%add3A_299] : memref<15360xf32, #tpu.memory_space<vmem>> -> memref<256xf32, #tpu.memory_space<vmem>>
                %dma_wait3A_313 = tpu.memref_slice %arg7[%add3A_291] : memref<492032xf32, #tpu.memory_space<hbm>> -> memref<256xf32, #tpu.memory_space<hbm>>
                %dma_wait3A_314 = tpu.memref_slice %arg13[%add3A_299] : memref<15360xf32, #tpu.memory_space<vmem>> -> memref<256xf32, #tpu.memory_space<vmem>>
                %dma_wait3A_315 = tpu.memref_slice %arg7[%add3A_291] : memref<492032xf32, #tpu.memory_space<hbm>> -> memref<256xf32, #tpu.memory_space<hbm>>
                tpu.wait_dma2 semaphore(%run_scoped3A : memref<!tpu.dma_semaphore, #tpu.memory_space<semaphore_mem>>) src(%dma_wait3A_315 : memref<256xf32, #tpu.memory_space<hbm>>) dst(%dma_wait3A_314 : memref<256xf32, #tpu.memory_space<vmem>>)
                tpu.yield
              }) : () -> ()
              %scan3A_300 = arith.constant 0 : i32
              %scan3A_301 = arith.constant 0 : i32
              %scan3A_302 = arith.constant 16 : i32
              %scan3A_303 = arith.addi %scan3A_301, %scan3A_302 : i32
              %scan3A_304 = arith.constant 1 : i32
              %scan3A_305 = scf.for %scan3A_308 = %scan3A_301 to %scan3A_303 step %scan3A_304 iter_args(%scan3A_309 = %scan3A_300) -> (i32)  : i32 {
                %mul3A_310 = arith.constant 256 : i32
                %mul3A_311 = arith.muli %scan3A_227, %mul3A_310 : i32
                %add3A_312 = arith.constant 0 : i32
                %add3A_313 = arith.addi %add3A_312, %mul3A_311 : i32
                %mul3A_314 = arith.constant 16 : i32
                %mul3A_315 = arith.muli %scan3A_308, %mul3A_314 : i32
                %add3A_316 = arith.addi %add3A_313, %mul3A_315 : i32
                %get3A = arith.index_cast %add3A_316 : i32 to index
                %get3A_317 = tpu.vector_load %arg12[%get3A] {strides = array<i32>} : memref<15360xi32, #tpu.memory_space<vmem>>, vector<16xi32>,
                %get3A_318 = arith.index_cast %add3A_316 : i32 to index
                %get3A_319 = tpu.vector_load %arg13[%get3A_318] {strides = array<i32>} : memref<15360xf32, #tpu.memory_space<vmem>>, vector<16xf32>,
                %mul3A_320 = arith.constant 16 : i32
                %mul3A_321 = arith.muli %scan3A_308, %mul3A_320 : i32
                %add3A_322 = arith.addi %mul3A_284, %mul3A_321 : i32
                %add3A_323 = vector.broadcast %add3A_322 : i32 to vector<16xi32>
                %add3A_324 = arith.addi %add3A_323, %iota3A : vector<16xi32>
                %lt3A_325 = vector.broadcast %squeeze3A : i32 to vector<16xi32>
                %lt3A_326 = arith.cmpi slt, %add3A_324, %lt3A_325 : vector<16xi32>
                %sub3A_327 = vector.broadcast %mul3A_186 : i32 to vector<16xi32>
                %sub3A_328 = arith.subi %get3A_317, %sub3A_327 : vector<16xi32>
                %lt3A_329 = arith.constant 32768 : i32
                %lt3A_330 = vector.broadcast %lt3A_329 : i32 to vector<16xi32>
                %lt3A_331 = arith.cmpi ult, %sub3A_328, %lt3A_330 : vector<16xi32>
                %and3A = arith.andi %lt3A_326, %lt3A_331 : vector<16xi1>
                %and3A_332 = arith.constant 32767 : i32
                %and3A_333 = vector.broadcast %and3A_332 : i32 to vector<16xi32>
                %and3A_334 = arith.andi %sub3A_328, %and3A_333 : vector<16xi32>
                %shift_right_arithmetic3A_335 = arith.constant 8 : i32
                %shift_right_arithmetic3A_336 = vector.broadcast %shift_right_arithmetic3A_335 : i32 to vector<16xi32>
                %shift_right_arithmetic3A_337 = arith.shrsi %and3A_334, %shift_right_arithmetic3A_336 : vector<16xi32>
                %and3A_338 = arith.constant 255 : i32
                %and3A_339 = vector.broadcast %and3A_338 : i32 to vector<16xi32>
                %and3A_340 = arith.andi %and3A_334, %and3A_339 : vector<16xi32>
                tpu.vector_store_idx %arg8[%shift_right_arithmetic3A_337, %and3A_340], %get3A_319 masked %and3A {add = true} : memref<128x256xf32, #tpu.memory_space<vmem>>[vector<16xi32>, vector<16xi32>], vector<16xf32>, vector<16xi1>
                %scan3A_341 = arith.constant 0 : i32
                scf.yield %scan3A_341 : i32
              }
              %scan3A_306 = arith.constant 16 : i32
              %while3A_307 = arith.constant 0 : i32
              scf.yield %while3A_307 : i32
            }
          } else {
          }
          %scan3A_255 = arith.constant 0 : i32
          scf.yield %scan3A_255 : i32
        }
        %scan3A_220 = arith.constant 16 : i32
        %mul3A_221 = arith.constant 128 : i32
        %mul3A_222 = arith.muli %add3A_166, %mul3A_221 : i32
        %dma_start3A_223 = arith.constant 0 : i32
        %dma_start3A_224 = tpu.memref_slice %arg5[%mul3A_222, %dma_start3A_223] : memref<50176x256xf32, #tpu.memory_space<hbm>> -> memref<128x256xf32, #tpu.memory_space<hbm>>
        %dma_start3A_225 = arith.constant 0 : i32
        %dma_start3A_226 = tpu.memref_slice %arg5[%mul3A_222, %dma_start3A_225] : memref<50176x256xf32, #tpu.memory_space<hbm>> -> memref<128x256xf32, #tpu.memory_space<hbm>>
        tpu.enqueue_dma source(%arg8 : memref<128x256xf32, #tpu.memory_space<vmem>>) target(%dma_start3A_226 : memref<128x256xf32, #tpu.memory_space<hbm>>) target_semaphore(%arg30 : memref<!tpu.dma_semaphore, #tpu.memory_space<semaphore_mem>>)
      } else {
      }
      %mul3A_172 = arith.constant 2 : i32
      %mul3A_173 = arith.muli %scan3A_160, %mul3A_172 : i32
      %add3A_174 = arith.constant 1 : i32
      %add3A_175 = arith.addi %mul3A_173, %add3A_174 : i32
      %mul3A_176 = arith.constant 32 : i32
      %mul3A_177 = arith.muli %add3A_175, %mul3A_176 : i32
      %add3A_178 = arith.addi %mul3A_177, %add3A : i32
      %lt3A_179 = arith.constant 392 : i32
      %lt3A_180 = arith.cmpi slt, %add3A_178, %lt3A_179 : i32
      %convert_element_type3A_181 = arith.extui %lt3A_180 : i1 to i32
      %cond3A_182 = arith.constant 0 : i32
      %cond3A_183 = arith.cmpi ne, %convert_element_type3A_181, %cond3A_182 : i32
      scf.if %cond3A_183 {
        %mul3A_185 = arith.constant 32768 : i32
        %mul3A_186 = arith.muli %add3A_178, %mul3A_185 : i32
        %scan3A_187 = arith.constant 0 : i32
        %scan3A_188 = arith.constant 0 : i32
        %scan3A_189 = arith.constant 16 : i32
        %scan3A_190 = arith.addi %scan3A_188, %scan3A_189 : i32
        %scan3A_191 = arith.constant 1 : i32
        %scan3A_192 = scf.for %scan3A_227 = %scan3A_188 to %scan3A_190 step %scan3A_191 iter_args(%scan3A_228 = %scan3A_187) -> (i32)  : i32 {
          %mul3A_229 = arith.constant 512 : i32
          %mul3A_230 = arith.muli %scan3A_227, %mul3A_229 : i32
          %add3A_231 = arith.addi %mul3A_230, %add3A_178 : i32
          %broadcast_in_dim3A_232 = vector.broadcast %add3A_231 : i32 to vector<16xi32>
          %gather3A = tpu.vector_load_idx %arg10[%broadcast_in_dim3A_232] : memref<12544xi32, #tpu.memory_space<vmem>>[vector<16xi32>], vector<16xi32>,
          %slice3A = vector.extract_strided_slice %gather3A {offsets = [0], sizes = [1], strides = [1]} : vector<16xi32> to vector<1xi32>
          %squeeze3A = vector.extract %slice3A[0] : i32 from vector<1xi32>
          %multiple_of3A = tpu.assume_multiple %squeeze3A, 8 : i32
          %mul3A_233 = arith.constant 16 : i32
          %mul3A_234 = arith.muli %arg0, %mul3A_233 : i32
          %add3A_235 = arith.addi %mul3A_234, %scan3A_227 : i32
          %mul3A_236 = arith.constant 15360 : i32
          %mul3A_237 = arith.muli %add3A_235, %mul3A_236 : i32
          %add3A_238 = arith.addi %mul3A_237, %multiple_of3A : i32
          %mul3A_239 = arith.constant 256 : i32
          %mul3A_240 = arith.muli %scan3A_227, %mul3A_239 : i32
          %add3A_241 = arith.constant 0 : i32
          %add3A_242 = arith.addi %add3A_241, %mul3A_240 : i32
          %dma_start3A_243 = tpu.memref_slice %arg12[%add3A_242] : memref<15360xi32, #tpu.memory_space<vmem>> -> memref<256xi32, #tpu.memory_space<vmem>>
          %dma_start3A_244 = tpu.memref_slice %arg6[%add3A_238] : memref<492032xi32, #tpu.memory_space<hbm>> -> memref<256xi32, #tpu.memory_space<hbm>>
          %dma_start3A_245 = tpu.memref_slice %arg12[%add3A_242] : memref<15360xi32, #tpu.memory_space<vmem>> -> memref<256xi32, #tpu.memory_space<vmem>>
          %dma_start3A_246 = tpu.memref_slice %arg6[%add3A_238] : memref<492032xi32, #tpu.memory_space<hbm>> -> memref<256xi32, #tpu.memory_space<hbm>>
          tpu.enqueue_dma source(%dma_start3A_246 : memref<256xi32, #tpu.memory_space<hbm>>) target(%dma_start3A_245 : memref<256xi32, #tpu.memory_space<vmem>>) target_semaphore(%arg26 : memref<!tpu.dma_semaphore, #tpu.memory_space<semaphore_mem>>)
          %mul3A_247 = arith.constant 256 : i32
          %mul3A_248 = arith.muli %scan3A_227, %mul3A_247 : i32
          %add3A_249 = arith.constant 0 : i32
          %add3A_250 = arith.addi %add3A_249, %mul3A_248 : i32
          %dma_start3A_251 = tpu.memref_slice %arg13[%add3A_250] : memref<15360xf32, #tpu.memory_space<vmem>> -> memref<256xf32, #tpu.memory_space<vmem>>
          %dma_start3A_252 = tpu.memref_slice %arg7[%add3A_238] : memref<492032xf32, #tpu.memory_space<hbm>> -> memref<256xf32, #tpu.memory_space<hbm>>
          %dma_start3A_253 = tpu.memref_slice %arg13[%add3A_250] : memref<15360xf32, #tpu.memory_space<vmem>> -> memref<256xf32, #tpu.memory_space<vmem>>
          %dma_start3A_254 = tpu.memref_slice %arg7[%add3A_238] : memref<492032xf32, #tpu.memory_space<hbm>> -> memref<256xf32, #tpu.memory_space<hbm>>
          tpu.enqueue_dma source(%dma_start3A_254 : memref<256xf32, #tpu.memory_space<hbm>>) target(%dma_start3A_253 : memref<256xf32, #tpu.memory_space<vmem>>) target_semaphore(%arg27 : memref<!tpu.dma_semaphore, #tpu.memory_space<semaphore_mem>>)
          %scan3A_255 = arith.constant 0 : i32
          scf.yield %scan3A_255 : i32
        }
        %scan3A_193 = arith.constant 16 : i32
        %dma_wait3A_194 = arith.constant 0 : i32
        %dma_wait3A_195 = arith.constant 0 : i32
        %dma_wait3A_196 = tpu.memref_slice %arg5[%dma_wait3A_194, %dma_wait3A_195] : memref<50176x256xf32, #tpu.memory_space<hbm>> -> memref<128x256xf32, #tpu.memory_space<hbm>>
        %dma_wait3A_197 = arith.constant 0 : i32
        %dma_wait3A_198 = arith.constant 0 : i32
        %dma_wait3A_199 = tpu.memref_slice %arg5[%dma_wait3A_197, %dma_wait3A_198] : memref<50176x256xf32, #tpu.memory_space<hbm>> -> memref<128x256xf32, #tpu.memory_space<hbm>>
        tpu.wait_dma2 semaphore(%arg31 : memref<!tpu.dma_semaphore, #tpu.memory_space<semaphore_mem>>) src(%arg9 : memref<128x256xf32, #tpu.memory_space<vmem>>) dst(%dma_wait3A_199 : memref<128x256xf32, #tpu.memory_space<hbm>>)
        %scan3A_200 = arith.constant 0 : i32
        %scan3A_201 = arith.constant 0 : i32
        %scan3A_202 = arith.constant 128 : i32
        %scan3A_203 = arith.addi %scan3A_201, %scan3A_202 : i32
        %scan3A_204 = arith.constant 1 : i32
        %scan3A_205 = scf.for %scan3A_227 = %scan3A_201 to %scan3A_203 step %scan3A_204 iter_args(%scan3A_228 = %scan3A_200) -> (i32)  : i32 {
          %swap3A_229 = arith.index_cast %scan3A_227 : i32 to index
          %swap3A_230 = arith.constant 0 : index
          %swap3A_231 = tpu.vector_load %arg9[%swap3A_229, %swap3A_230] {strides = array<i32>} : memref<128x256xf32, #tpu.memory_space<vmem>>, vector<16xf32>,
          tpu.vector_store %arg9[%swap3A_229, %swap3A_230], %broadcast_in_dim3A_5 {strides = array<i32>} : memref<128x256xf32, #tpu.memory_space<vmem>>, vector<16xf32>,
          %swap3A_232 = arith.index_cast %scan3A_227 : i32 to index
          %swap3A_233 = arith.constant 16 : index
          %swap3A_234 = tpu.vector_load %arg9[%swap3A_232, %swap3A_233] {strides = array<i32>} : memref<128x256xf32, #tpu.memory_space<vmem>>, vector<16xf32>,
          tpu.vector_store %arg9[%swap3A_232, %swap3A_233], %broadcast_in_dim3A_5 {strides = array<i32>} : memref<128x256xf32, #tpu.memory_space<vmem>>, vector<16xf32>,
          %swap3A_235 = arith.index_cast %scan3A_227 : i32 to index
          %swap3A_236 = arith.constant 32 : index
          %swap3A_237 = tpu.vector_load %arg9[%swap3A_235, %swap3A_236] {strides = array<i32>} : memref<128x256xf32, #tpu.memory_space<vmem>>, vector<16xf32>,
          tpu.vector_store %arg9[%swap3A_235, %swap3A_236], %broadcast_in_dim3A_5 {strides = array<i32>} : memref<128x256xf32, #tpu.memory_space<vmem>>, vector<16xf32>,
          %swap3A_238 = arith.index_cast %scan3A_227 : i32 to index
          %swap3A_239 = arith.constant 48 : index
          %swap3A_240 = tpu.vector_load %arg9[%swap3A_238, %swap3A_239] {strides = array<i32>} : memref<128x256xf32, #tpu.memory_space<vmem>>, vector<16xf32>,
          tpu.vector_store %arg9[%swap3A_238, %swap3A_239], %broadcast_in_dim3A_5 {strides = array<i32>} : memref<128x256xf32, #tpu.memory_space<vmem>>, vector<16xf32>,
          %swap3A_241 = arith.index_cast %scan3A_227 : i32 to index
          %swap3A_242 = arith.constant 64 : index
          %swap3A_243 = tpu.vector_load %arg9[%swap3A_241, %swap3A_242] {strides = array<i32>} : memref<128x256xf32, #tpu.memory_space<vmem>>, vector<16xf32>,
          tpu.vector_store %arg9[%swap3A_241, %swap3A_242], %broadcast_in_dim3A_5 {strides = array<i32>} : memref<128x256xf32, #tpu.memory_space<vmem>>, vector<16xf32>,
          %swap3A_244 = arith.index_cast %scan3A_227 : i32 to index
          %swap3A_245 = arith.constant 80 : index
          %swap3A_246 = tpu.vector_load %arg9[%swap3A_244, %swap3A_245] {strides = array<i32>} : memref<128x256xf32, #tpu.memory_space<vmem>>, vector<16xf32>,
          tpu.vector_store %arg9[%swap3A_244, %swap3A_245], %broadcast_in_dim3A_5 {strides = array<i32>} : memref<128x256xf32, #tpu.memory_space<vmem>>, vector<16xf32>,
          %swap3A_247 = arith.index_cast %scan3A_227 : i32 to index
          %swap3A_248 = arith.constant 96 : index
          %swap3A_249 = tpu.vector_load %arg9[%swap3A_247, %swap3A_248] {strides = array<i32>} : memref<128x256xf32, #tpu.memory_space<vmem>>, vector<16xf32>,
          tpu.vector_store %arg9[%swap3A_247, %swap3A_248], %broadcast_in_dim3A_5 {strides = array<i32>} : memref<128x256xf32, #tpu.memory_space<vmem>>, vector<16xf32>,
          %swap3A_250 = arith.index_cast %scan3A_227 : i32 to index
          %swap3A_251 = arith.constant 112 : index
          %swap3A_252 = tpu.vector_load %arg9[%swap3A_250, %swap3A_251] {strides = array<i32>} : memref<128x256xf32, #tpu.memory_space<vmem>>, vector<16xf32>,
          tpu.vector_store %arg9[%swap3A_250, %swap3A_251], %broadcast_in_dim3A_5 {strides = array<i32>} : memref<128x256xf32, #tpu.memory_space<vmem>>, vector<16xf32>,
          %swap3A_253 = arith.index_cast %scan3A_227 : i32 to index
          %swap3A_254 = arith.constant 128 : index
          %swap3A_255 = tpu.vector_load %arg9[%swap3A_253, %swap3A_254] {strides = array<i32>} : memref<128x256xf32, #tpu.memory_space<vmem>>, vector<16xf32>,
          tpu.vector_store %arg9[%swap3A_253, %swap3A_254], %broadcast_in_dim3A_5 {strides = array<i32>} : memref<128x256xf32, #tpu.memory_space<vmem>>, vector<16xf32>,
          %swap3A_256 = arith.index_cast %scan3A_227 : i32 to index
          %swap3A_257 = arith.constant 144 : index
          %swap3A_258 = tpu.vector_load %arg9[%swap3A_256, %swap3A_257] {strides = array<i32>} : memref<128x256xf32, #tpu.memory_space<vmem>>, vector<16xf32>,
          tpu.vector_store %arg9[%swap3A_256, %swap3A_257], %broadcast_in_dim3A_5 {strides = array<i32>} : memref<128x256xf32, #tpu.memory_space<vmem>>, vector<16xf32>,
          %swap3A_259 = arith.index_cast %scan3A_227 : i32 to index
          %swap3A_260 = arith.constant 160 : index
          %swap3A_261 = tpu.vector_load %arg9[%swap3A_259, %swap3A_260] {strides = array<i32>} : memref<128x256xf32, #tpu.memory_space<vmem>>, vector<16xf32>,
          tpu.vector_store %arg9[%swap3A_259, %swap3A_260], %broadcast_in_dim3A_5 {strides = array<i32>} : memref<128x256xf32, #tpu.memory_space<vmem>>, vector<16xf32>,
          %swap3A_262 = arith.index_cast %scan3A_227 : i32 to index
          %swap3A_263 = arith.constant 176 : index
          %swap3A_264 = tpu.vector_load %arg9[%swap3A_262, %swap3A_263] {strides = array<i32>} : memref<128x256xf32, #tpu.memory_space<vmem>>, vector<16xf32>,
          tpu.vector_store %arg9[%swap3A_262, %swap3A_263], %broadcast_in_dim3A_5 {strides = array<i32>} : memref<128x256xf32, #tpu.memory_space<vmem>>, vector<16xf32>,
          %swap3A_265 = arith.index_cast %scan3A_227 : i32 to index
          %swap3A_266 = arith.constant 192 : index
          %swap3A_267 = tpu.vector_load %arg9[%swap3A_265, %swap3A_266] {strides = array<i32>} : memref<128x256xf32, #tpu.memory_space<vmem>>, vector<16xf32>,
          tpu.vector_store %arg9[%swap3A_265, %swap3A_266], %broadcast_in_dim3A_5 {strides = array<i32>} : memref<128x256xf32, #tpu.memory_space<vmem>>, vector<16xf32>,
          %swap3A_268 = arith.index_cast %scan3A_227 : i32 to index
          %swap3A_269 = arith.constant 208 : index
          %swap3A_270 = tpu.vector_load %arg9[%swap3A_268, %swap3A_269] {strides = array<i32>} : memref<128x256xf32, #tpu.memory_space<vmem>>, vector<16xf32>,
          tpu.vector_store %arg9[%swap3A_268, %swap3A_269], %broadcast_in_dim3A_5 {strides = array<i32>} : memref<128x256xf32, #tpu.memory_space<vmem>>, vector<16xf32>,
          %swap3A_271 = arith.index_cast %scan3A_227 : i32 to index
          %swap3A_272 = arith.constant 224 : index
          %swap3A_273 = tpu.vector_load %arg9[%swap3A_271, %swap3A_272] {strides = array<i32>} : memref<128x256xf32, #tpu.memory_space<vmem>>, vector<16xf32>,
          tpu.vector_store %arg9[%swap3A_271, %swap3A_272], %broadcast_in_dim3A_5 {strides = array<i32>} : memref<128x256xf32, #tpu.memory_space<vmem>>, vector<16xf32>,
          %swap3A_274 = arith.index_cast %scan3A_227 : i32 to index
          %swap3A_275 = arith.constant 240 : index
          %swap3A_276 = tpu.vector_load %arg9[%swap3A_274, %swap3A_275] {strides = array<i32>} : memref<128x256xf32, #tpu.memory_space<vmem>>, vector<16xf32>,
          tpu.vector_store %arg9[%swap3A_274, %swap3A_275], %broadcast_in_dim3A_5 {strides = array<i32>} : memref<128x256xf32, #tpu.memory_space<vmem>>, vector<16xf32>,
          %scan3A_277 = arith.constant 0 : i32
          scf.yield %scan3A_277 : i32
        }
        %scan3A_206 = arith.constant 128 : i32
        %scan3A_207 = arith.constant 0 : i32
        %scan3A_208 = arith.constant 0 : i32
        %scan3A_209 = arith.constant 16 : i32
        %scan3A_210 = arith.addi %scan3A_208, %scan3A_209 : i32
        %scan3A_211 = arith.constant 1 : i32
        %scan3A_212 = scf.for %scan3A_227 = %scan3A_208 to %scan3A_210 step %scan3A_211 iter_args(%scan3A_228 = %scan3A_207) -> (i32)  : i32 {
          %mul3A_229 = arith.constant 256 : i32
          %mul3A_230 = arith.muli %scan3A_227, %mul3A_229 : i32
          %add3A_231 = arith.constant 0 : i32
          %add3A_232 = arith.addi %add3A_231, %mul3A_230 : i32
          %dma_wait3A_233 = tpu.memref_slice %arg12[%add3A_232] : memref<15360xi32, #tpu.memory_space<vmem>> -> memref<256xi32, #tpu.memory_space<vmem>>
          %dma_wait3A_234 = arith.constant 0 : i32
          %dma_wait3A_235 = tpu.memref_slice %arg6[%dma_wait3A_234] : memref<492032xi32, #tpu.memory_space<hbm>> -> memref<256xi32, #tpu.memory_space<hbm>>
          %dma_wait3A_236 = tpu.memref_slice %arg12[%add3A_232] : memref<15360xi32, #tpu.memory_space<vmem>> -> memref<256xi32, #tpu.memory_space<vmem>>
          %dma_wait3A_237 = arith.constant 0 : i32
          %dma_wait3A_238 = tpu.memref_slice %arg6[%dma_wait3A_237] : memref<492032xi32, #tpu.memory_space<hbm>> -> memref<256xi32, #tpu.memory_space<hbm>>
          tpu.wait_dma2 semaphore(%arg26 : memref<!tpu.dma_semaphore, #tpu.memory_space<semaphore_mem>>) src(%dma_wait3A_238 : memref<256xi32, #tpu.memory_space<hbm>>) dst(%dma_wait3A_236 : memref<256xi32, #tpu.memory_space<vmem>>)
          %mul3A_239 = arith.constant 256 : i32
          %mul3A_240 = arith.muli %scan3A_227, %mul3A_239 : i32
          %add3A_241 = arith.constant 0 : i32
          %add3A_242 = arith.addi %add3A_241, %mul3A_240 : i32
          %dma_wait3A_243 = tpu.memref_slice %arg13[%add3A_242] : memref<15360xf32, #tpu.memory_space<vmem>> -> memref<256xf32, #tpu.memory_space<vmem>>
          %dma_wait3A_244 = arith.constant 0 : i32
          %dma_wait3A_245 = tpu.memref_slice %arg7[%dma_wait3A_244] : memref<492032xf32, #tpu.memory_space<hbm>> -> memref<256xf32, #tpu.memory_space<hbm>>
          %dma_wait3A_246 = tpu.memref_slice %arg13[%add3A_242] : memref<15360xf32, #tpu.memory_space<vmem>> -> memref<256xf32, #tpu.memory_space<vmem>>
          %dma_wait3A_247 = arith.constant 0 : i32
          %dma_wait3A_248 = tpu.memref_slice %arg7[%dma_wait3A_247] : memref<492032xf32, #tpu.memory_space<hbm>> -> memref<256xf32, #tpu.memory_space<hbm>>
          tpu.wait_dma2 semaphore(%arg27 : memref<!tpu.dma_semaphore, #tpu.memory_space<semaphore_mem>>) src(%dma_wait3A_248 : memref<256xf32, #tpu.memory_space<hbm>>) dst(%dma_wait3A_246 : memref<256xf32, #tpu.memory_space<vmem>>)
          %scan3A_249 = arith.constant 0 : i32
          scf.yield %scan3A_249 : i32
        }
        %scan3A_213 = arith.constant 16 : i32
        %scan3A_214 = arith.constant 0 : i32
        %scan3A_215 = arith.constant 0 : i32
        %scan3A_216 = arith.constant 16 : i32
        %scan3A_217 = arith.addi %scan3A_215, %scan3A_216 : i32
        %scan3A_218 = arith.constant 1 : i32
        %scan3A_219 = scf.for %scan3A_227 = %scan3A_215 to %scan3A_217 step %scan3A_218 iter_args(%scan3A_228 = %scan3A_214) -> (i32)  : i32 {
          %mul3A_229 = arith.constant 512 : i32
          %mul3A_230 = arith.muli %scan3A_227, %mul3A_229 : i32
          %add3A_231 = arith.constant 6144 : i32
          %add3A_232 = arith.addi %add3A_231, %mul3A_230 : i32
          %add3A_233 = arith.addi %add3A_232, %add3A_178 : i32
          %broadcast_in_dim3A_234 = vector.broadcast %add3A_233 : i32 to vector<16xi32>
          %gather3A = tpu.vector_load_idx %arg12[%broadcast_in_dim3A_234] : memref<15360xi32, #tpu.memory_space<vmem>>[vector<16xi32>], vector<16xi32>,
          %slice3A = vector.extract_strided_slice %gather3A {offsets = [0], sizes = [1], strides = [1]} : vector<16xi32> to vector<1xi32>
          %squeeze3A = vector.extract %slice3A[0] : i32 from vector<1xi32>
          %min3A = arith.constant 256 : i32
          %min3A_235 = arith.minsi %squeeze3A, %min3A : i32
          %add3A_236 = arith.constant 16 : i32
          %add3A_237 = arith.addi %min3A_235, %add3A_236 : i32
          %sub3A = arith.constant 1 : i32
          %sub3A_238 = arith.subi %add3A_237, %sub3A : i32
          %shift_right_arithmetic3A = arith.constant 4 : i32
          %shift_right_arithmetic3A_239 = arith.shrsi %sub3A_238, %shift_right_arithmetic3A : i32
          %while3A = arith.constant 0 : i32
          %while3A_240 = arith.constant 0 : i32
          %while3A_241 = arith.subi %shift_right_arithmetic3A_239, %while3A : i32
          %while3A_242 = arith.addi %while3A, %while3A_241 : i32
          %while3A_243 = arith.constant 1 : i32
          %while3A_244 = arith.divsi %while3A_241, %while3A_243 : i32
          %while3A_245 = arith.muli %while3A_244, %while3A_243 : i32
          %while3A_246 = arith.addi %while3A, %while3A_245 : i32
          %while3A_247 = arith.constant 1 : i32
          %while3A_248 = scf.for %while3A_256 = %while3A to %while3A_246 step %while3A_247 iter_args(%while3A_257 = %while3A_240) -> (i32)  : i32 {
            %mul3A_258 = arith.constant 256 : i32
            %mul3A_259 = arith.muli %scan3A_227, %mul3A_258 : i32
            %add3A_260 = arith.constant 0 : i32
            %add3A_261 = arith.addi %add3A_260, %mul3A_259 : i32
            %mul3A_262 = arith.constant 16 : i32
            %mul3A_263 = arith.muli %while3A_256, %mul3A_262 : i32
            %add3A_264 = arith.addi %add3A_261, %mul3A_263 : i32
            %get3A = arith.index_cast %add3A_264 : i32 to index
            %get3A_265 = tpu.vector_load %arg12[%get3A] {strides = array<i32>} : memref<15360xi32, #tpu.memory_space<vmem>>, vector<16xi32>,
            %get3A_266 = arith.index_cast %add3A_264 : i32 to index
            %get3A_267 = tpu.vector_load %arg13[%get3A_266] {strides = array<i32>} : memref<15360xf32, #tpu.memory_space<vmem>>, vector<16xf32>,
            %mul3A_268 = arith.constant 16 : i32
            %mul3A_269 = arith.muli %while3A_256, %mul3A_268 : i32
            %add3A_270 = vector.broadcast %mul3A_269 : i32 to vector<16xi32>
            %add3A_271 = arith.addi %add3A_270, %iota3A : vector<16xi32>
            %lt3A_272 = vector.broadcast %min3A_235 : i32 to vector<16xi32>
            %lt3A_273 = arith.cmpi slt, %add3A_271, %lt3A_272 : vector<16xi32>
            %sub3A_274 = vector.broadcast %mul3A_186 : i32 to vector<16xi32>
            %sub3A_275 = arith.subi %get3A_265, %sub3A_274 : vector<16xi32>
            %lt3A_276 = arith.constant 32768 : i32
            %lt3A_277 = vector.broadcast %lt3A_276 : i32 to vector<16xi32>
            %lt3A_278 = arith.cmpi ult, %sub3A_275, %lt3A_277 : vector<16xi32>
            %and3A = arith.andi %lt3A_273, %lt3A_278 : vector<16xi1>
            %and3A_279 = arith.constant 32767 : i32
            %and3A_280 = vector.broadcast %and3A_279 : i32 to vector<16xi32>
            %and3A_281 = arith.andi %sub3A_275, %and3A_280 : vector<16xi32>
            %shift_right_arithmetic3A_282 = arith.constant 8 : i32
            %shift_right_arithmetic3A_283 = vector.broadcast %shift_right_arithmetic3A_282 : i32 to vector<16xi32>
            %shift_right_arithmetic3A_284 = arith.shrsi %and3A_281, %shift_right_arithmetic3A_283 : vector<16xi32>
            %and3A_285 = arith.constant 255 : i32
            %and3A_286 = vector.broadcast %and3A_285 : i32 to vector<16xi32>
            %and3A_287 = arith.andi %and3A_281, %and3A_286 : vector<16xi32>
            tpu.vector_store_idx %arg9[%shift_right_arithmetic3A_284, %and3A_287], %get3A_267 masked %and3A {add = true} : memref<128x256xf32, #tpu.memory_space<vmem>>[vector<16xi32>, vector<16xi32>], vector<16xf32>, vector<16xi1>
            %while3A_288 = arith.constant 0 : i32
            scf.yield %while3A_288 : i32
          }
          %while3A_249 = arith.constant 1 : i32
          %while3A_250 = scf.for %while3A_256 = %while3A_246 to %while3A_242 step %while3A_249 iter_args(%while3A_257 = %while3A_248) -> (i32)  : i32 {
            %mul3A_258 = arith.constant 256 : i32
            %mul3A_259 = arith.muli %scan3A_227, %mul3A_258 : i32
            %add3A_260 = arith.constant 0 : i32
            %add3A_261 = arith.addi %add3A_260, %mul3A_259 : i32
            %mul3A_262 = arith.constant 16 : i32
            %mul3A_263 = arith.muli %while3A_256, %mul3A_262 : i32
            %add3A_264 = arith.addi %add3A_261, %mul3A_263 : i32
            %get3A = arith.index_cast %add3A_264 : i32 to index
            %get3A_265 = tpu.vector_load %arg12[%get3A] {strides = array<i32>} : memref<15360xi32, #tpu.memory_space<vmem>>, vector<16xi32>,
            %get3A_266 = arith.index_cast %add3A_264 : i32 to index
            %get3A_267 = tpu.vector_load %arg13[%get3A_266] {strides = array<i32>} : memref<15360xf32, #tpu.memory_space<vmem>>, vector<16xf32>,
            %mul3A_268 = arith.constant 16 : i32
            %mul3A_269 = arith.muli %while3A_256, %mul3A_268 : i32
            %add3A_270 = vector.broadcast %mul3A_269 : i32 to vector<16xi32>
            %add3A_271 = arith.addi %add3A_270, %iota3A : vector<16xi32>
            %lt3A_272 = vector.broadcast %min3A_235 : i32 to vector<16xi32>
            %lt3A_273 = arith.cmpi slt, %add3A_271, %lt3A_272 : vector<16xi32>
            %sub3A_274 = vector.broadcast %mul3A_186 : i32 to vector<16xi32>
            %sub3A_275 = arith.subi %get3A_265, %sub3A_274 : vector<16xi32>
            %lt3A_276 = arith.constant 32768 : i32
            %lt3A_277 = vector.broadcast %lt3A_276 : i32 to vector<16xi32>
            %lt3A_278 = arith.cmpi ult, %sub3A_275, %lt3A_277 : vector<16xi32>
            %and3A = arith.andi %lt3A_273, %lt3A_278 : vector<16xi1>
            %and3A_279 = arith.constant 32767 : i32
            %and3A_280 = vector.broadcast %and3A_279 : i32 to vector<16xi32>
            %and3A_281 = arith.andi %sub3A_275, %and3A_280 : vector<16xi32>
            %shift_right_arithmetic3A_282 = arith.constant 8 : i32
            %shift_right_arithmetic3A_283 = vector.broadcast %shift_right_arithmetic3A_282 : i32 to vector<16xi32>
            %shift_right_arithmetic3A_284 = arith.shrsi %and3A_281, %shift_right_arithmetic3A_283 : vector<16xi32>
            %and3A_285 = arith.constant 255 : i32
            %and3A_286 = vector.broadcast %and3A_285 : i32 to vector<16xi32>
            %and3A_287 = arith.andi %and3A_281, %and3A_286 : vector<16xi32>
            tpu.vector_store_idx %arg9[%shift_right_arithmetic3A_284, %and3A_287], %get3A_267 masked %and3A {add = true} : memref<128x256xf32, #tpu.memory_space<vmem>>[vector<16xi32>, vector<16xi32>], vector<16xf32>, vector<16xi1>
            %while3A_288 = arith.constant 0 : i32
            scf.yield %while3A_288 : i32
          }
          %gt3A = arith.constant 256 : i32
          %gt3A_251 = arith.cmpi sgt, %squeeze3A, %gt3A : i32
          %convert_element_type3A_252 = arith.extui %gt3A_251 : i1 to i32
          %cond3A_253 = arith.constant 0 : i32
          %cond3A_254 = arith.cmpi ne, %convert_element_type3A_252, %cond3A_253 : i32
          scf.if %cond3A_254 {
            %mul3A_256 = arith.constant 512 : i32
            %mul3A_257 = arith.muli %scan3A_227, %mul3A_256 : i32
            %add3A_258 = arith.addi %mul3A_257, %add3A_178 : i32
            %broadcast_in_dim3A_259 = vector.broadcast %add3A_258 : i32 to vector<16xi32>
            %gather3A_260 = tpu.vector_load_idx %arg10[%broadcast_in_dim3A_259] : memref<12544xi32, #tpu.memory_space<vmem>>[vector<16xi32>], vector<16xi32>,
            %slice3A_261 = vector.extract_strided_slice %gather3A_260 {offsets = [0], sizes = [1], strides = [1]} : vector<16xi32> to vector<1xi32>
            %squeeze3A_262 = vector.extract %slice3A_261[0] : i32 from vector<1xi32>
            %multiple_of3A = tpu.assume_multiple %squeeze3A_262, 8 : i32
            %sub3A_263 = arith.constant 1 : i32
            %sub3A_264 = arith.subi %squeeze3A, %sub3A_263 : i32
            %shift_right_arithmetic3A_265 = arith.constant 8 : i32
            %shift_right_arithmetic3A_266 = arith.shrsi %sub3A_264, %shift_right_arithmetic3A_265 : i32
            %while3A_267 = arith.constant 0 : i32
            %while3A_268 = arith.constant 0 : i32
            %while3A_269 = arith.subi %shift_right_arithmetic3A_266, %while3A_267 : i32
            %while3A_270 = arith.addi %while3A_267, %while3A_269 : i32
            %while3A_271 = arith.constant 1 : i32
            %while3A_272 = arith.divsi %while3A_269, %while3A_271 : i32
            %while3A_273 = arith.muli %while3A_272, %while3A_271 : i32
            %while3A_274 = arith.addi %while3A_267, %while3A_273 : i32
            %while3A_275 = arith.constant 1 : i32
            %while3A_276 = scf.for %while3A_279 = %while3A_267 to %while3A_274 step %while3A_275 iter_args(%while3A_280 = %while3A_268) -> (i32)  : i32 {
              %add3A_281 = arith.constant 1 : i32
              %add3A_282 = arith.addi %while3A_279, %add3A_281 : i32
              %mul3A_283 = arith.constant 256 : i32
              %mul3A_284 = arith.muli %add3A_282, %mul3A_283 : i32
              %mul3A_285 = arith.constant 16 : i32
              %mul3A_286 = arith.muli %arg0, %mul3A_285 : i32
              %add3A_287 = arith.addi %mul3A_286, %scan3A_227 : i32
              %mul3A_288 = arith.constant 15360 : i32
              %mul3A_289 = arith.muli %add3A_287, %mul3A_288 : i32
              %add3A_290 = arith.addi %mul3A_289, %multiple_of3A : i32
              %add3A_291 = arith.addi %add3A_290, %mul3A_284 : i32
              %mul3A_292 = arith.constant 256 : i32
              %mul3A_293 = arith.muli %scan3A_227, %mul3A_292 : i32
              %add3A_294 = arith.constant 0 : i32
              %add3A_295 = arith.addi %add3A_294, %mul3A_293 : i32
              "tpu.region"() ({
                %run_scoped3A = tpu.sem_alloc : memref<!tpu.dma_semaphore, #tpu.memory_space<semaphore_mem>>
                %dma_start3A_308 = tpu.memref_slice %arg12[%add3A_295] : memref<15360xi32, #tpu.memory_space<vmem>> -> memref<256xi32, #tpu.memory_space<vmem>>
                %dma_start3A_309 = tpu.memref_slice %arg6[%add3A_291] : memref<492032xi32, #tpu.memory_space<hbm>> -> memref<256xi32, #tpu.memory_space<hbm>>
                %dma_start3A_310 = tpu.memref_slice %arg12[%add3A_295] : memref<15360xi32, #tpu.memory_space<vmem>> -> memref<256xi32, #tpu.memory_space<vmem>>
                %dma_start3A_311 = tpu.memref_slice %arg6[%add3A_291] : memref<492032xi32, #tpu.memory_space<hbm>> -> memref<256xi32, #tpu.memory_space<hbm>>
                tpu.enqueue_dma source(%dma_start3A_311 : memref<256xi32, #tpu.memory_space<hbm>>) target(%dma_start3A_310 : memref<256xi32, #tpu.memory_space<vmem>>) target_semaphore(%run_scoped3A : memref<!tpu.dma_semaphore, #tpu.memory_space<semaphore_mem>>)
                %dma_wait3A_312 = tpu.memref_slice %arg12[%add3A_295] : memref<15360xi32, #tpu.memory_space<vmem>> -> memref<256xi32, #tpu.memory_space<vmem>>
                %dma_wait3A_313 = tpu.memref_slice %arg6[%add3A_291] : memref<492032xi32, #tpu.memory_space<hbm>> -> memref<256xi32, #tpu.memory_space<hbm>>
                %dma_wait3A_314 = tpu.memref_slice %arg12[%add3A_295] : memref<15360xi32, #tpu.memory_space<vmem>> -> memref<256xi32, #tpu.memory_space<vmem>>
                %dma_wait3A_315 = tpu.memref_slice %arg6[%add3A_291] : memref<492032xi32, #tpu.memory_space<hbm>> -> memref<256xi32, #tpu.memory_space<hbm>>
                tpu.wait_dma2 semaphore(%run_scoped3A : memref<!tpu.dma_semaphore, #tpu.memory_space<semaphore_mem>>) src(%dma_wait3A_315 : memref<256xi32, #tpu.memory_space<hbm>>) dst(%dma_wait3A_314 : memref<256xi32, #tpu.memory_space<vmem>>)
                tpu.yield
              }) : () -> ()
              %mul3A_296 = arith.constant 256 : i32
              %mul3A_297 = arith.muli %scan3A_227, %mul3A_296 : i32
              %add3A_298 = arith.constant 0 : i32
              %add3A_299 = arith.addi %add3A_298, %mul3A_297 : i32
              "tpu.region"() ({
                %run_scoped3A = tpu.sem_alloc : memref<!tpu.dma_semaphore, #tpu.memory_space<semaphore_mem>>
                %dma_start3A_308 = tpu.memref_slice %arg13[%add3A_299] : memref<15360xf32, #tpu.memory_space<vmem>> -> memref<256xf32, #tpu.memory_space<vmem>>
                %dma_start3A_309 = tpu.memref_slice %arg7[%add3A_291] : memref<492032xf32, #tpu.memory_space<hbm>> -> memref<256xf32, #tpu.memory_space<hbm>>
                %dma_start3A_310 = tpu.memref_slice %arg13[%add3A_299] : memref<15360xf32, #tpu.memory_space<vmem>> -> memref<256xf32, #tpu.memory_space<vmem>>
                %dma_start3A_311 = tpu.memref_slice %arg7[%add3A_291] : memref<492032xf32, #tpu.memory_space<hbm>> -> memref<256xf32, #tpu.memory_space<hbm>>
                tpu.enqueue_dma source(%dma_start3A_311 : memref<256xf32, #tpu.memory_space<hbm>>) target(%dma_start3A_310 : memref<256xf32, #tpu.memory_space<vmem>>) target_semaphore(%run_scoped3A : memref<!tpu.dma_semaphore, #tpu.memory_space<semaphore_mem>>)
                %dma_wait3A_312 = tpu.memref_slice %arg13[%add3A_299] : memref<15360xf32, #tpu.memory_space<vmem>> -> memref<256xf32, #tpu.memory_space<vmem>>
                %dma_wait3A_313 = tpu.memref_slice %arg7[%add3A_291] : memref<492032xf32, #tpu.memory_space<hbm>> -> memref<256xf32, #tpu.memory_space<hbm>>
                %dma_wait3A_314 = tpu.memref_slice %arg13[%add3A_299] : memref<15360xf32, #tpu.memory_space<vmem>> -> memref<256xf32, #tpu.memory_space<vmem>>
                %dma_wait3A_315 = tpu.memref_slice %arg7[%add3A_291] : memref<492032xf32, #tpu.memory_space<hbm>> -> memref<256xf32, #tpu.memory_space<hbm>>
                tpu.wait_dma2 semaphore(%run_scoped3A : memref<!tpu.dma_semaphore, #tpu.memory_space<semaphore_mem>>) src(%dma_wait3A_315 : memref<256xf32, #tpu.memory_space<hbm>>) dst(%dma_wait3A_314 : memref<256xf32, #tpu.memory_space<vmem>>)
                tpu.yield
              }) : () -> ()
              %scan3A_300 = arith.constant 0 : i32
              %scan3A_301 = arith.constant 0 : i32
              %scan3A_302 = arith.constant 16 : i32
              %scan3A_303 = arith.addi %scan3A_301, %scan3A_302 : i32
              %scan3A_304 = arith.constant 1 : i32
              %scan3A_305 = scf.for %scan3A_308 = %scan3A_301 to %scan3A_303 step %scan3A_304 iter_args(%scan3A_309 = %scan3A_300) -> (i32)  : i32 {
                %mul3A_310 = arith.constant 256 : i32
                %mul3A_311 = arith.muli %scan3A_227, %mul3A_310 : i32
                %add3A_312 = arith.constant 0 : i32
                %add3A_313 = arith.addi %add3A_312, %mul3A_311 : i32
                %mul3A_314 = arith.constant 16 : i32
                %mul3A_315 = arith.muli %scan3A_308, %mul3A_314 : i32
                %add3A_316 = arith.addi %add3A_313, %mul3A_315 : i32
                %get3A = arith.index_cast %add3A_316 : i32 to index
                %get3A_317 = tpu.vector_load %arg12[%get3A] {strides = array<i32>} : memref<15360xi32, #tpu.memory_space<vmem>>, vector<16xi32>,
                %get3A_318 = arith.index_cast %add3A_316 : i32 to index
                %get3A_319 = tpu.vector_load %arg13[%get3A_318] {strides = array<i32>} : memref<15360xf32, #tpu.memory_space<vmem>>, vector<16xf32>,
                %mul3A_320 = arith.constant 16 : i32
                %mul3A_321 = arith.muli %scan3A_308, %mul3A_320 : i32
                %add3A_322 = arith.addi %mul3A_284, %mul3A_321 : i32
                %add3A_323 = vector.broadcast %add3A_322 : i32 to vector<16xi32>
                %add3A_324 = arith.addi %add3A_323, %iota3A : vector<16xi32>
                %lt3A_325 = vector.broadcast %squeeze3A : i32 to vector<16xi32>
                %lt3A_326 = arith.cmpi slt, %add3A_324, %lt3A_325 : vector<16xi32>
                %sub3A_327 = vector.broadcast %mul3A_186 : i32 to vector<16xi32>
                %sub3A_328 = arith.subi %get3A_317, %sub3A_327 : vector<16xi32>
                %lt3A_329 = arith.constant 32768 : i32
                %lt3A_330 = vector.broadcast %lt3A_329 : i32 to vector<16xi32>
                %lt3A_331 = arith.cmpi ult, %sub3A_328, %lt3A_330 : vector<16xi32>
                %and3A = arith.andi %lt3A_326, %lt3A_331 : vector<16xi1>
                %and3A_332 = arith.constant 32767 : i32
                %and3A_333 = vector.broadcast %and3A_332 : i32 to vector<16xi32>
                %and3A_334 = arith.andi %sub3A_328, %and3A_333 : vector<16xi32>
                %shift_right_arithmetic3A_335 = arith.constant 8 : i32
                %shift_right_arithmetic3A_336 = vector.broadcast %shift_right_arithmetic3A_335 : i32 to vector<16xi32>
                %shift_right_arithmetic3A_337 = arith.shrsi %and3A_334, %shift_right_arithmetic3A_336 : vector<16xi32>
                %and3A_338 = arith.constant 255 : i32
                %and3A_339 = vector.broadcast %and3A_338 : i32 to vector<16xi32>
                %and3A_340 = arith.andi %and3A_334, %and3A_339 : vector<16xi32>
                tpu.vector_store_idx %arg9[%shift_right_arithmetic3A_337, %and3A_340], %get3A_319 masked %and3A {add = true} : memref<128x256xf32, #tpu.memory_space<vmem>>[vector<16xi32>, vector<16xi32>], vector<16xf32>, vector<16xi1>
                %scan3A_341 = arith.constant 0 : i32
                scf.yield %scan3A_341 : i32
              }
              %scan3A_306 = arith.constant 16 : i32
              %while3A_307 = arith.constant 0 : i32
              scf.yield %while3A_307 : i32
            }
            %while3A_277 = arith.constant 1 : i32
            %while3A_278 = scf.for %while3A_279 = %while3A_274 to %while3A_270 step %while3A_277 iter_args(%while3A_280 = %while3A_276) -> (i32)  : i32 {
              %add3A_281 = arith.constant 1 : i32
              %add3A_282 = arith.addi %while3A_279, %add3A_281 : i32
              %mul3A_283 = arith.constant 256 : i32
              %mul3A_284 = arith.muli %add3A_282, %mul3A_283 : i32
              %mul3A_285 = arith.constant 16 : i32
              %mul3A_286 = arith.muli %arg0, %mul3A_285 : i32
              %add3A_287 = arith.addi %mul3A_286, %scan3A_227 : i32
              %mul3A_288 = arith.constant 15360 : i32
              %mul3A_289 = arith.muli %add3A_287, %mul3A_288 : i32
              %add3A_290 = arith.addi %mul3A_289, %multiple_of3A : i32
              %add3A_291 = arith.addi %add3A_290, %mul3A_284 : i32
              %mul3A_292 = arith.constant 256 : i32
              %mul3A_293 = arith.muli %scan3A_227, %mul3A_292 : i32
              %add3A_294 = arith.constant 0 : i32
              %add3A_295 = arith.addi %add3A_294, %mul3A_293 : i32
              "tpu.region"() ({
                %run_scoped3A = tpu.sem_alloc : memref<!tpu.dma_semaphore, #tpu.memory_space<semaphore_mem>>
                %dma_start3A_308 = tpu.memref_slice %arg12[%add3A_295] : memref<15360xi32, #tpu.memory_space<vmem>> -> memref<256xi32, #tpu.memory_space<vmem>>
                %dma_start3A_309 = tpu.memref_slice %arg6[%add3A_291] : memref<492032xi32, #tpu.memory_space<hbm>> -> memref<256xi32, #tpu.memory_space<hbm>>
                %dma_start3A_310 = tpu.memref_slice %arg12[%add3A_295] : memref<15360xi32, #tpu.memory_space<vmem>> -> memref<256xi32, #tpu.memory_space<vmem>>
                %dma_start3A_311 = tpu.memref_slice %arg6[%add3A_291] : memref<492032xi32, #tpu.memory_space<hbm>> -> memref<256xi32, #tpu.memory_space<hbm>>
                tpu.enqueue_dma source(%dma_start3A_311 : memref<256xi32, #tpu.memory_space<hbm>>) target(%dma_start3A_310 : memref<256xi32, #tpu.memory_space<vmem>>) target_semaphore(%run_scoped3A : memref<!tpu.dma_semaphore, #tpu.memory_space<semaphore_mem>>)
                %dma_wait3A_312 = tpu.memref_slice %arg12[%add3A_295] : memref<15360xi32, #tpu.memory_space<vmem>> -> memref<256xi32, #tpu.memory_space<vmem>>
                %dma_wait3A_313 = tpu.memref_slice %arg6[%add3A_291] : memref<492032xi32, #tpu.memory_space<hbm>> -> memref<256xi32, #tpu.memory_space<hbm>>
                %dma_wait3A_314 = tpu.memref_slice %arg12[%add3A_295] : memref<15360xi32, #tpu.memory_space<vmem>> -> memref<256xi32, #tpu.memory_space<vmem>>
                %dma_wait3A_315 = tpu.memref_slice %arg6[%add3A_291] : memref<492032xi32, #tpu.memory_space<hbm>> -> memref<256xi32, #tpu.memory_space<hbm>>
                tpu.wait_dma2 semaphore(%run_scoped3A : memref<!tpu.dma_semaphore, #tpu.memory_space<semaphore_mem>>) src(%dma_wait3A_315 : memref<256xi32, #tpu.memory_space<hbm>>) dst(%dma_wait3A_314 : memref<256xi32, #tpu.memory_space<vmem>>)
                tpu.yield
              }) : () -> ()
              %mul3A_296 = arith.constant 256 : i32
              %mul3A_297 = arith.muli %scan3A_227, %mul3A_296 : i32
              %add3A_298 = arith.constant 0 : i32
              %add3A_299 = arith.addi %add3A_298, %mul3A_297 : i32
              "tpu.region"() ({
                %run_scoped3A = tpu.sem_alloc : memref<!tpu.dma_semaphore, #tpu.memory_space<semaphore_mem>>
                %dma_start3A_308 = tpu.memref_slice %arg13[%add3A_299] : memref<15360xf32, #tpu.memory_space<vmem>> -> memref<256xf32, #tpu.memory_space<vmem>>
                %dma_start3A_309 = tpu.memref_slice %arg7[%add3A_291] : memref<492032xf32, #tpu.memory_space<hbm>> -> memref<256xf32, #tpu.memory_space<hbm>>
                %dma_start3A_310 = tpu.memref_slice %arg13[%add3A_299] : memref<15360xf32, #tpu.memory_space<vmem>> -> memref<256xf32, #tpu.memory_space<vmem>>
                %dma_start3A_311 = tpu.memref_slice %arg7[%add3A_291] : memref<492032xf32, #tpu.memory_space<hbm>> -> memref<256xf32, #tpu.memory_space<hbm>>
                tpu.enqueue_dma source(%dma_start3A_311 : memref<256xf32, #tpu.memory_space<hbm>>) target(%dma_start3A_310 : memref<256xf32, #tpu.memory_space<vmem>>) target_semaphore(%run_scoped3A : memref<!tpu.dma_semaphore, #tpu.memory_space<semaphore_mem>>)
                %dma_wait3A_312 = tpu.memref_slice %arg13[%add3A_299] : memref<15360xf32, #tpu.memory_space<vmem>> -> memref<256xf32, #tpu.memory_space<vmem>>
                %dma_wait3A_313 = tpu.memref_slice %arg7[%add3A_291] : memref<492032xf32, #tpu.memory_space<hbm>> -> memref<256xf32, #tpu.memory_space<hbm>>
                %dma_wait3A_314 = tpu.memref_slice %arg13[%add3A_299] : memref<15360xf32, #tpu.memory_space<vmem>> -> memref<256xf32, #tpu.memory_space<vmem>>
                %dma_wait3A_315 = tpu.memref_slice %arg7[%add3A_291] : memref<492032xf32, #tpu.memory_space<hbm>> -> memref<256xf32, #tpu.memory_space<hbm>>
                tpu.wait_dma2 semaphore(%run_scoped3A : memref<!tpu.dma_semaphore, #tpu.memory_space<semaphore_mem>>) src(%dma_wait3A_315 : memref<256xf32, #tpu.memory_space<hbm>>) dst(%dma_wait3A_314 : memref<256xf32, #tpu.memory_space<vmem>>)
                tpu.yield
              }) : () -> ()
              %scan3A_300 = arith.constant 0 : i32
              %scan3A_301 = arith.constant 0 : i32
              %scan3A_302 = arith.constant 16 : i32
              %scan3A_303 = arith.addi %scan3A_301, %scan3A_302 : i32
              %scan3A_304 = arith.constant 1 : i32
              %scan3A_305 = scf.for %scan3A_308 = %scan3A_301 to %scan3A_303 step %scan3A_304 iter_args(%scan3A_309 = %scan3A_300) -> (i32)  : i32 {
                %mul3A_310 = arith.constant 256 : i32
                %mul3A_311 = arith.muli %scan3A_227, %mul3A_310 : i32
                %add3A_312 = arith.constant 0 : i32
                %add3A_313 = arith.addi %add3A_312, %mul3A_311 : i32
                %mul3A_314 = arith.constant 16 : i32
                %mul3A_315 = arith.muli %scan3A_308, %mul3A_314 : i32
                %add3A_316 = arith.addi %add3A_313, %mul3A_315 : i32
                %get3A = arith.index_cast %add3A_316 : i32 to index
                %get3A_317 = tpu.vector_load %arg12[%get3A] {strides = array<i32>} : memref<15360xi32, #tpu.memory_space<vmem>>, vector<16xi32>,
                %get3A_318 = arith.index_cast %add3A_316 : i32 to index
                %get3A_319 = tpu.vector_load %arg13[%get3A_318] {strides = array<i32>} : memref<15360xf32, #tpu.memory_space<vmem>>, vector<16xf32>,
                %mul3A_320 = arith.constant 16 : i32
                %mul3A_321 = arith.muli %scan3A_308, %mul3A_320 : i32
                %add3A_322 = arith.addi %mul3A_284, %mul3A_321 : i32
                %add3A_323 = vector.broadcast %add3A_322 : i32 to vector<16xi32>
                %add3A_324 = arith.addi %add3A_323, %iota3A : vector<16xi32>
                %lt3A_325 = vector.broadcast %squeeze3A : i32 to vector<16xi32>
                %lt3A_326 = arith.cmpi slt, %add3A_324, %lt3A_325 : vector<16xi32>
                %sub3A_327 = vector.broadcast %mul3A_186 : i32 to vector<16xi32>
                %sub3A_328 = arith.subi %get3A_317, %sub3A_327 : vector<16xi32>
                %lt3A_329 = arith.constant 32768 : i32
                %lt3A_330 = vector.broadcast %lt3A_329 : i32 to vector<16xi32>
                %lt3A_331 = arith.cmpi ult, %sub3A_328, %lt3A_330 : vector<16xi32>
                %and3A = arith.andi %lt3A_326, %lt3A_331 : vector<16xi1>
                %and3A_332 = arith.constant 32767 : i32
                %and3A_333 = vector.broadcast %and3A_332 : i32 to vector<16xi32>
                %and3A_334 = arith.andi %sub3A_328, %and3A_333 : vector<16xi32>
                %shift_right_arithmetic3A_335 = arith.constant 8 : i32
                %shift_right_arithmetic3A_336 = vector.broadcast %shift_right_arithmetic3A_335 : i32 to vector<16xi32>
                %shift_right_arithmetic3A_337 = arith.shrsi %and3A_334, %shift_right_arithmetic3A_336 : vector<16xi32>
                %and3A_338 = arith.constant 255 : i32
                %and3A_339 = vector.broadcast %and3A_338 : i32 to vector<16xi32>
                %and3A_340 = arith.andi %and3A_334, %and3A_339 : vector<16xi32>
                tpu.vector_store_idx %arg9[%shift_right_arithmetic3A_337, %and3A_340], %get3A_319 masked %and3A {add = true} : memref<128x256xf32, #tpu.memory_space<vmem>>[vector<16xi32>, vector<16xi32>], vector<16xf32>, vector<16xi1>
                %scan3A_341 = arith.constant 0 : i32
                scf.yield %scan3A_341 : i32
              }
              %scan3A_306 = arith.constant 16 : i32
              %while3A_307 = arith.constant 0 : i32
              scf.yield %while3A_307 : i32
            }
          } else {
          }
          %scan3A_255 = arith.constant 0 : i32
          scf.yield %scan3A_255 : i32
        }
        %scan3A_220 = arith.constant 16 : i32
        %mul3A_221 = arith.constant 128 : i32
        %mul3A_222 = arith.muli %add3A_178, %mul3A_221 : i32
        %dma_start3A_223 = arith.constant 0 : i32
        %dma_start3A_224 = tpu.memref_slice %arg5[%mul3A_222, %dma_start3A_223] : memref<50176x256xf32, #tpu.memory_space<hbm>> -> memref<128x256xf32, #tpu.memory_space<hbm>>
        %dma_start3A_225 = arith.constant 0 : i32
        %dma_start3A_226 = tpu.memref_slice %arg5[%mul3A_222, %dma_start3A_225] : memref<50176x256xf32, #tpu.memory_space<hbm>> -> memref<128x256xf32, #tpu.memory_space<hbm>>
        tpu.enqueue_dma source(%arg9 : memref<128x256xf32, #tpu.memory_space<vmem>>) target(%dma_start3A_226 : memref<128x256xf32, #tpu.memory_space<hbm>>) target_semaphore(%arg31 : memref<!tpu.dma_semaphore, #tpu.memory_space<semaphore_mem>>)
      } else {
      }
      %scan3A_184 = arith.constant 0 : i32
      scf.yield %scan3A_184 : i32
    }
    %scan3A_141 = arith.constant 5 : i32
    %add3A_142 = arith.constant 384 : i32
    %add3A_143 = arith.addi %add3A_142, %add3A : i32
    %lt3A_144 = arith.constant 392 : i32
    %lt3A_145 = arith.cmpi slt, %add3A_143, %lt3A_144 : i32
    %convert_element_type3A_146 = arith.extui %lt3A_145 : i1 to i32
    %cond3A_147 = arith.constant 0 : i32
    %cond3A_148 = arith.cmpi ne, %convert_element_type3A_146, %cond3A_147 : i32
    scf.if %cond3A_148 {
      %mul3A_160 = arith.constant 32768 : i32
      %mul3A_161 = arith.muli %add3A_143, %mul3A_160 : i32
      %scan3A_162 = arith.constant 0 : i32
      %scan3A_163 = arith.constant 0 : i32
      %scan3A_164 = arith.constant 16 : i32
      %scan3A_165 = arith.addi %scan3A_163, %scan3A_164 : i32
      %scan3A_166 = arith.constant 1 : i32
      %scan3A_167 = scf.for %scan3A_202 = %scan3A_163 to %scan3A_165 step %scan3A_166 iter_args(%scan3A_203 = %scan3A_162) -> (i32)  : i32 {
        %mul3A_204 = arith.constant 512 : i32
        %mul3A_205 = arith.muli %scan3A_202, %mul3A_204 : i32
        %add3A_206 = arith.addi %mul3A_205, %add3A_143 : i32
        %broadcast_in_dim3A_207 = vector.broadcast %add3A_206 : i32 to vector<16xi32>
        %gather3A = tpu.vector_load_idx %arg10[%broadcast_in_dim3A_207] : memref<12544xi32, #tpu.memory_space<vmem>>[vector<16xi32>], vector<16xi32>,
        %slice3A = vector.extract_strided_slice %gather3A {offsets = [0], sizes = [1], strides = [1]} : vector<16xi32> to vector<1xi32>
        %squeeze3A = vector.extract %slice3A[0] : i32 from vector<1xi32>
        %multiple_of3A = tpu.assume_multiple %squeeze3A, 8 : i32
        %mul3A_208 = arith.constant 16 : i32
        %mul3A_209 = arith.muli %arg0, %mul3A_208 : i32
        %add3A_210 = arith.addi %mul3A_209, %scan3A_202 : i32
        %mul3A_211 = arith.constant 15360 : i32
        %mul3A_212 = arith.muli %add3A_210, %mul3A_211 : i32
        %add3A_213 = arith.addi %mul3A_212, %multiple_of3A : i32
        %mul3A_214 = arith.constant 256 : i32
        %mul3A_215 = arith.muli %scan3A_202, %mul3A_214 : i32
        %add3A_216 = arith.constant 0 : i32
        %add3A_217 = arith.addi %add3A_216, %mul3A_215 : i32
        %dma_start3A_218 = tpu.memref_slice %arg12[%add3A_217] : memref<15360xi32, #tpu.memory_space<vmem>> -> memref<256xi32, #tpu.memory_space<vmem>>
        %dma_start3A_219 = tpu.memref_slice %arg6[%add3A_213] : memref<492032xi32, #tpu.memory_space<hbm>> -> memref<256xi32, #tpu.memory_space<hbm>>
        %dma_start3A_220 = tpu.memref_slice %arg12[%add3A_217] : memref<15360xi32, #tpu.memory_space<vmem>> -> memref<256xi32, #tpu.memory_space<vmem>>
        %dma_start3A_221 = tpu.memref_slice %arg6[%add3A_213] : memref<492032xi32, #tpu.memory_space<hbm>> -> memref<256xi32, #tpu.memory_space<hbm>>
        tpu.enqueue_dma source(%dma_start3A_221 : memref<256xi32, #tpu.memory_space<hbm>>) target(%dma_start3A_220 : memref<256xi32, #tpu.memory_space<vmem>>) target_semaphore(%arg26 : memref<!tpu.dma_semaphore, #tpu.memory_space<semaphore_mem>>)
        %mul3A_222 = arith.constant 256 : i32
        %mul3A_223 = arith.muli %scan3A_202, %mul3A_222 : i32
        %add3A_224 = arith.constant 0 : i32
        %add3A_225 = arith.addi %add3A_224, %mul3A_223 : i32
        %dma_start3A_226 = tpu.memref_slice %arg13[%add3A_225] : memref<15360xf32, #tpu.memory_space<vmem>> -> memref<256xf32, #tpu.memory_space<vmem>>
        %dma_start3A_227 = tpu.memref_slice %arg7[%add3A_213] : memref<492032xf32, #tpu.memory_space<hbm>> -> memref<256xf32, #tpu.memory_space<hbm>>
        %dma_start3A_228 = tpu.memref_slice %arg13[%add3A_225] : memref<15360xf32, #tpu.memory_space<vmem>> -> memref<256xf32, #tpu.memory_space<vmem>>
        %dma_start3A_229 = tpu.memref_slice %arg7[%add3A_213] : memref<492032xf32, #tpu.memory_space<hbm>> -> memref<256xf32, #tpu.memory_space<hbm>>
        tpu.enqueue_dma source(%dma_start3A_229 : memref<256xf32, #tpu.memory_space<hbm>>) target(%dma_start3A_228 : memref<256xf32, #tpu.memory_space<vmem>>) target_semaphore(%arg27 : memref<!tpu.dma_semaphore, #tpu.memory_space<semaphore_mem>>)
        %scan3A_230 = arith.constant 0 : i32
        scf.yield %scan3A_230 : i32
      }
      %scan3A_168 = arith.constant 16 : i32
      %dma_wait3A_169 = arith.constant 0 : i32
      %dma_wait3A_170 = arith.constant 0 : i32
      %dma_wait3A_171 = tpu.memref_slice %arg5[%dma_wait3A_169, %dma_wait3A_170] : memref<50176x256xf32, #tpu.memory_space<hbm>> -> memref<128x256xf32, #tpu.memory_space<hbm>>
      %dma_wait3A_172 = arith.constant 0 : i32
      %dma_wait3A_173 = arith.constant 0 : i32
      %dma_wait3A_174 = tpu.memref_slice %arg5[%dma_wait3A_172, %dma_wait3A_173] : memref<50176x256xf32, #tpu.memory_space<hbm>> -> memref<128x256xf32, #tpu.memory_space<hbm>>
      tpu.wait_dma2 semaphore(%arg30 : memref<!tpu.dma_semaphore, #tpu.memory_space<semaphore_mem>>) src(%arg8 : memref<128x256xf32, #tpu.memory_space<vmem>>) dst(%dma_wait3A_174 : memref<128x256xf32, #tpu.memory_space<hbm>>)
      %scan3A_175 = arith.constant 0 : i32
      %scan3A_176 = arith.constant 0 : i32
      %scan3A_177 = arith.constant 128 : i32
      %scan3A_178 = arith.addi %scan3A_176, %scan3A_177 : i32
      %scan3A_179 = arith.constant 1 : i32
      %scan3A_180 = scf.for %scan3A_202 = %scan3A_176 to %scan3A_178 step %scan3A_179 iter_args(%scan3A_203 = %scan3A_175) -> (i32)  : i32 {
        %swap3A_204 = arith.index_cast %scan3A_202 : i32 to index
        %swap3A_205 = arith.constant 0 : index
        %swap3A_206 = tpu.vector_load %arg8[%swap3A_204, %swap3A_205] {strides = array<i32>} : memref<128x256xf32, #tpu.memory_space<vmem>>, vector<16xf32>,
        tpu.vector_store %arg8[%swap3A_204, %swap3A_205], %broadcast_in_dim3A_5 {strides = array<i32>} : memref<128x256xf32, #tpu.memory_space<vmem>>, vector<16xf32>,
        %swap3A_207 = arith.index_cast %scan3A_202 : i32 to index
        %swap3A_208 = arith.constant 16 : index
        %swap3A_209 = tpu.vector_load %arg8[%swap3A_207, %swap3A_208] {strides = array<i32>} : memref<128x256xf32, #tpu.memory_space<vmem>>, vector<16xf32>,
        tpu.vector_store %arg8[%swap3A_207, %swap3A_208], %broadcast_in_dim3A_5 {strides = array<i32>} : memref<128x256xf32, #tpu.memory_space<vmem>>, vector<16xf32>,
        %swap3A_210 = arith.index_cast %scan3A_202 : i32 to index
        %swap3A_211 = arith.constant 32 : index
        %swap3A_212 = tpu.vector_load %arg8[%swap3A_210, %swap3A_211] {strides = array<i32>} : memref<128x256xf32, #tpu.memory_space<vmem>>, vector<16xf32>,
        tpu.vector_store %arg8[%swap3A_210, %swap3A_211], %broadcast_in_dim3A_5 {strides = array<i32>} : memref<128x256xf32, #tpu.memory_space<vmem>>, vector<16xf32>,
        %swap3A_213 = arith.index_cast %scan3A_202 : i32 to index
        %swap3A_214 = arith.constant 48 : index
        %swap3A_215 = tpu.vector_load %arg8[%swap3A_213, %swap3A_214] {strides = array<i32>} : memref<128x256xf32, #tpu.memory_space<vmem>>, vector<16xf32>,
        tpu.vector_store %arg8[%swap3A_213, %swap3A_214], %broadcast_in_dim3A_5 {strides = array<i32>} : memref<128x256xf32, #tpu.memory_space<vmem>>, vector<16xf32>,
        %swap3A_216 = arith.index_cast %scan3A_202 : i32 to index
        %swap3A_217 = arith.constant 64 : index
        %swap3A_218 = tpu.vector_load %arg8[%swap3A_216, %swap3A_217] {strides = array<i32>} : memref<128x256xf32, #tpu.memory_space<vmem>>, vector<16xf32>,
        tpu.vector_store %arg8[%swap3A_216, %swap3A_217], %broadcast_in_dim3A_5 {strides = array<i32>} : memref<128x256xf32, #tpu.memory_space<vmem>>, vector<16xf32>,
        %swap3A_219 = arith.index_cast %scan3A_202 : i32 to index
        %swap3A_220 = arith.constant 80 : index
        %swap3A_221 = tpu.vector_load %arg8[%swap3A_219, %swap3A_220] {strides = array<i32>} : memref<128x256xf32, #tpu.memory_space<vmem>>, vector<16xf32>,
        tpu.vector_store %arg8[%swap3A_219, %swap3A_220], %broadcast_in_dim3A_5 {strides = array<i32>} : memref<128x256xf32, #tpu.memory_space<vmem>>, vector<16xf32>,
        %swap3A_222 = arith.index_cast %scan3A_202 : i32 to index
        %swap3A_223 = arith.constant 96 : index
        %swap3A_224 = tpu.vector_load %arg8[%swap3A_222, %swap3A_223] {strides = array<i32>} : memref<128x256xf32, #tpu.memory_space<vmem>>, vector<16xf32>,
        tpu.vector_store %arg8[%swap3A_222, %swap3A_223], %broadcast_in_dim3A_5 {strides = array<i32>} : memref<128x256xf32, #tpu.memory_space<vmem>>, vector<16xf32>,
        %swap3A_225 = arith.index_cast %scan3A_202 : i32 to index
        %swap3A_226 = arith.constant 112 : index
        %swap3A_227 = tpu.vector_load %arg8[%swap3A_225, %swap3A_226] {strides = array<i32>} : memref<128x256xf32, #tpu.memory_space<vmem>>, vector<16xf32>,
        tpu.vector_store %arg8[%swap3A_225, %swap3A_226], %broadcast_in_dim3A_5 {strides = array<i32>} : memref<128x256xf32, #tpu.memory_space<vmem>>, vector<16xf32>,
        %swap3A_228 = arith.index_cast %scan3A_202 : i32 to index
        %swap3A_229 = arith.constant 128 : index
        %swap3A_230 = tpu.vector_load %arg8[%swap3A_228, %swap3A_229] {strides = array<i32>} : memref<128x256xf32, #tpu.memory_space<vmem>>, vector<16xf32>,
        tpu.vector_store %arg8[%swap3A_228, %swap3A_229], %broadcast_in_dim3A_5 {strides = array<i32>} : memref<128x256xf32, #tpu.memory_space<vmem>>, vector<16xf32>,
        %swap3A_231 = arith.index_cast %scan3A_202 : i32 to index
        %swap3A_232 = arith.constant 144 : index
        %swap3A_233 = tpu.vector_load %arg8[%swap3A_231, %swap3A_232] {strides = array<i32>} : memref<128x256xf32, #tpu.memory_space<vmem>>, vector<16xf32>,
        tpu.vector_store %arg8[%swap3A_231, %swap3A_232], %broadcast_in_dim3A_5 {strides = array<i32>} : memref<128x256xf32, #tpu.memory_space<vmem>>, vector<16xf32>,
        %swap3A_234 = arith.index_cast %scan3A_202 : i32 to index
        %swap3A_235 = arith.constant 160 : index
        %swap3A_236 = tpu.vector_load %arg8[%swap3A_234, %swap3A_235] {strides = array<i32>} : memref<128x256xf32, #tpu.memory_space<vmem>>, vector<16xf32>,
        tpu.vector_store %arg8[%swap3A_234, %swap3A_235], %broadcast_in_dim3A_5 {strides = array<i32>} : memref<128x256xf32, #tpu.memory_space<vmem>>, vector<16xf32>,
        %swap3A_237 = arith.index_cast %scan3A_202 : i32 to index
        %swap3A_238 = arith.constant 176 : index
        %swap3A_239 = tpu.vector_load %arg8[%swap3A_237, %swap3A_238] {strides = array<i32>} : memref<128x256xf32, #tpu.memory_space<vmem>>, vector<16xf32>,
        tpu.vector_store %arg8[%swap3A_237, %swap3A_238], %broadcast_in_dim3A_5 {strides = array<i32>} : memref<128x256xf32, #tpu.memory_space<vmem>>, vector<16xf32>,
        %swap3A_240 = arith.index_cast %scan3A_202 : i32 to index
        %swap3A_241 = arith.constant 192 : index
        %swap3A_242 = tpu.vector_load %arg8[%swap3A_240, %swap3A_241] {strides = array<i32>} : memref<128x256xf32, #tpu.memory_space<vmem>>, vector<16xf32>,
        tpu.vector_store %arg8[%swap3A_240, %swap3A_241], %broadcast_in_dim3A_5 {strides = array<i32>} : memref<128x256xf32, #tpu.memory_space<vmem>>, vector<16xf32>,
        %swap3A_243 = arith.index_cast %scan3A_202 : i32 to index
        %swap3A_244 = arith.constant 208 : index
        %swap3A_245 = tpu.vector_load %arg8[%swap3A_243, %swap3A_244] {strides = array<i32>} : memref<128x256xf32, #tpu.memory_space<vmem>>, vector<16xf32>,
        tpu.vector_store %arg8[%swap3A_243, %swap3A_244], %broadcast_in_dim3A_5 {strides = array<i32>} : memref<128x256xf32, #tpu.memory_space<vmem>>, vector<16xf32>,
        %swap3A_246 = arith.index_cast %scan3A_202 : i32 to index
        %swap3A_247 = arith.constant 224 : index
        %swap3A_248 = tpu.vector_load %arg8[%swap3A_246, %swap3A_247] {strides = array<i32>} : memref<128x256xf32, #tpu.memory_space<vmem>>, vector<16xf32>,
        tpu.vector_store %arg8[%swap3A_246, %swap3A_247], %broadcast_in_dim3A_5 {strides = array<i32>} : memref<128x256xf32, #tpu.memory_space<vmem>>, vector<16xf32>,
        %swap3A_249 = arith.index_cast %scan3A_202 : i32 to index
        %swap3A_250 = arith.constant 240 : index
        %swap3A_251 = tpu.vector_load %arg8[%swap3A_249, %swap3A_250] {strides = array<i32>} : memref<128x256xf32, #tpu.memory_space<vmem>>, vector<16xf32>,
        tpu.vector_store %arg8[%swap3A_249, %swap3A_250], %broadcast_in_dim3A_5 {strides = array<i32>} : memref<128x256xf32, #tpu.memory_space<vmem>>, vector<16xf32>,
        %scan3A_252 = arith.constant 0 : i32
        scf.yield %scan3A_252 : i32
      }
      %scan3A_181 = arith.constant 128 : i32
      %scan3A_182 = arith.constant 0 : i32
      %scan3A_183 = arith.constant 0 : i32
      %scan3A_184 = arith.constant 16 : i32
      %scan3A_185 = arith.addi %scan3A_183, %scan3A_184 : i32
      %scan3A_186 = arith.constant 1 : i32
      %scan3A_187 = scf.for %scan3A_202 = %scan3A_183 to %scan3A_185 step %scan3A_186 iter_args(%scan3A_203 = %scan3A_182) -> (i32)  : i32 {
        %mul3A_204 = arith.constant 256 : i32
        %mul3A_205 = arith.muli %scan3A_202, %mul3A_204 : i32
        %add3A_206 = arith.constant 0 : i32
        %add3A_207 = arith.addi %add3A_206, %mul3A_205 : i32
        %dma_wait3A_208 = tpu.memref_slice %arg12[%add3A_207] : memref<15360xi32, #tpu.memory_space<vmem>> -> memref<256xi32, #tpu.memory_space<vmem>>
        %dma_wait3A_209 = arith.constant 0 : i32
        %dma_wait3A_210 = tpu.memref_slice %arg6[%dma_wait3A_209] : memref<492032xi32, #tpu.memory_space<hbm>> -> memref<256xi32, #tpu.memory_space<hbm>>
        %dma_wait3A_211 = tpu.memref_slice %arg12[%add3A_207] : memref<15360xi32, #tpu.memory_space<vmem>> -> memref<256xi32, #tpu.memory_space<vmem>>
        %dma_wait3A_212 = arith.constant 0 : i32
        %dma_wait3A_213 = tpu.memref_slice %arg6[%dma_wait3A_212] : memref<492032xi32, #tpu.memory_space<hbm>> -> memref<256xi32, #tpu.memory_space<hbm>>
        tpu.wait_dma2 semaphore(%arg26 : memref<!tpu.dma_semaphore, #tpu.memory_space<semaphore_mem>>) src(%dma_wait3A_213 : memref<256xi32, #tpu.memory_space<hbm>>) dst(%dma_wait3A_211 : memref<256xi32, #tpu.memory_space<vmem>>)
        %mul3A_214 = arith.constant 256 : i32
        %mul3A_215 = arith.muli %scan3A_202, %mul3A_214 : i32
        %add3A_216 = arith.constant 0 : i32
        %add3A_217 = arith.addi %add3A_216, %mul3A_215 : i32
        %dma_wait3A_218 = tpu.memref_slice %arg13[%add3A_217] : memref<15360xf32, #tpu.memory_space<vmem>> -> memref<256xf32, #tpu.memory_space<vmem>>
        %dma_wait3A_219 = arith.constant 0 : i32
        %dma_wait3A_220 = tpu.memref_slice %arg7[%dma_wait3A_219] : memref<492032xf32, #tpu.memory_space<hbm>> -> memref<256xf32, #tpu.memory_space<hbm>>
        %dma_wait3A_221 = tpu.memref_slice %arg13[%add3A_217] : memref<15360xf32, #tpu.memory_space<vmem>> -> memref<256xf32, #tpu.memory_space<vmem>>
        %dma_wait3A_222 = arith.constant 0 : i32
        %dma_wait3A_223 = tpu.memref_slice %arg7[%dma_wait3A_222] : memref<492032xf32, #tpu.memory_space<hbm>> -> memref<256xf32, #tpu.memory_space<hbm>>
        tpu.wait_dma2 semaphore(%arg27 : memref<!tpu.dma_semaphore, #tpu.memory_space<semaphore_mem>>) src(%dma_wait3A_223 : memref<256xf32, #tpu.memory_space<hbm>>) dst(%dma_wait3A_221 : memref<256xf32, #tpu.memory_space<vmem>>)
        %scan3A_224 = arith.constant 0 : i32
        scf.yield %scan3A_224 : i32
      }
      %scan3A_188 = arith.constant 16 : i32
      %scan3A_189 = arith.constant 0 : i32
      %scan3A_190 = arith.constant 0 : i32
      %scan3A_191 = arith.constant 16 : i32
      %scan3A_192 = arith.addi %scan3A_190, %scan3A_191 : i32
      %scan3A_193 = arith.constant 1 : i32
      %scan3A_194 = scf.for %scan3A_202 = %scan3A_190 to %scan3A_192 step %scan3A_193 iter_args(%scan3A_203 = %scan3A_189) -> (i32)  : i32 {
        %mul3A_204 = arith.constant 512 : i32
        %mul3A_205 = arith.muli %scan3A_202, %mul3A_204 : i32
        %add3A_206 = arith.constant 6144 : i32
        %add3A_207 = arith.addi %add3A_206, %mul3A_205 : i32
        %add3A_208 = arith.addi %add3A_207, %add3A_143 : i32
        %broadcast_in_dim3A_209 = vector.broadcast %add3A_208 : i32 to vector<16xi32>
        %gather3A = tpu.vector_load_idx %arg12[%broadcast_in_dim3A_209] : memref<15360xi32, #tpu.memory_space<vmem>>[vector<16xi32>], vector<16xi32>,
        %slice3A = vector.extract_strided_slice %gather3A {offsets = [0], sizes = [1], strides = [1]} : vector<16xi32> to vector<1xi32>
        %squeeze3A = vector.extract %slice3A[0] : i32 from vector<1xi32>
        %min3A = arith.constant 256 : i32
        %min3A_210 = arith.minsi %squeeze3A, %min3A : i32
        %add3A_211 = arith.constant 16 : i32
        %add3A_212 = arith.addi %min3A_210, %add3A_211 : i32
        %sub3A = arith.constant 1 : i32
        %sub3A_213 = arith.subi %add3A_212, %sub3A : i32
        %shift_right_arithmetic3A = arith.constant 4 : i32
        %shift_right_arithmetic3A_214 = arith.shrsi %sub3A_213, %shift_right_arithmetic3A : i32
        %while3A = arith.constant 0 : i32
        %while3A_215 = arith.constant 0 : i32
        %while3A_216 = arith.subi %shift_right_arithmetic3A_214, %while3A : i32
        %while3A_217 = arith.addi %while3A, %while3A_216 : i32
        %while3A_218 = arith.constant 1 : i32
        %while3A_219 = arith.divsi %while3A_216, %while3A_218 : i32
        %while3A_220 = arith.muli %while3A_219, %while3A_218 : i32
        %while3A_221 = arith.addi %while3A, %while3A_220 : i32
        %while3A_222 = arith.constant 1 : i32
        %while3A_223 = scf.for %while3A_231 = %while3A to %while3A_221 step %while3A_222 iter_args(%while3A_232 = %while3A_215) -> (i32)  : i32 {
          %mul3A_233 = arith.constant 256 : i32
          %mul3A_234 = arith.muli %scan3A_202, %mul3A_233 : i32
          %add3A_235 = arith.constant 0 : i32
          %add3A_236 = arith.addi %add3A_235, %mul3A_234 : i32
          %mul3A_237 = arith.constant 16 : i32
          %mul3A_238 = arith.muli %while3A_231, %mul3A_237 : i32
          %add3A_239 = arith.addi %add3A_236, %mul3A_238 : i32
          %get3A = arith.index_cast %add3A_239 : i32 to index
          %get3A_240 = tpu.vector_load %arg12[%get3A] {strides = array<i32>} : memref<15360xi32, #tpu.memory_space<vmem>>, vector<16xi32>,
          %get3A_241 = arith.index_cast %add3A_239 : i32 to index
          %get3A_242 = tpu.vector_load %arg13[%get3A_241] {strides = array<i32>} : memref<15360xf32, #tpu.memory_space<vmem>>, vector<16xf32>,
          %mul3A_243 = arith.constant 16 : i32
          %mul3A_244 = arith.muli %while3A_231, %mul3A_243 : i32
          %add3A_245 = vector.broadcast %mul3A_244 : i32 to vector<16xi32>
          %add3A_246 = arith.addi %add3A_245, %iota3A : vector<16xi32>
          %lt3A_247 = vector.broadcast %min3A_210 : i32 to vector<16xi32>
          %lt3A_248 = arith.cmpi slt, %add3A_246, %lt3A_247 : vector<16xi32>
          %sub3A_249 = vector.broadcast %mul3A_161 : i32 to vector<16xi32>
          %sub3A_250 = arith.subi %get3A_240, %sub3A_249 : vector<16xi32>
          %lt3A_251 = arith.constant 32768 : i32
          %lt3A_252 = vector.broadcast %lt3A_251 : i32 to vector<16xi32>
          %lt3A_253 = arith.cmpi ult, %sub3A_250, %lt3A_252 : vector<16xi32>
          %and3A = arith.andi %lt3A_248, %lt3A_253 : vector<16xi1>
          %and3A_254 = arith.constant 32767 : i32
          %and3A_255 = vector.broadcast %and3A_254 : i32 to vector<16xi32>
          %and3A_256 = arith.andi %sub3A_250, %and3A_255 : vector<16xi32>
          %shift_right_arithmetic3A_257 = arith.constant 8 : i32
          %shift_right_arithmetic3A_258 = vector.broadcast %shift_right_arithmetic3A_257 : i32 to vector<16xi32>
          %shift_right_arithmetic3A_259 = arith.shrsi %and3A_256, %shift_right_arithmetic3A_258 : vector<16xi32>
          %and3A_260 = arith.constant 255 : i32
          %and3A_261 = vector.broadcast %and3A_260 : i32 to vector<16xi32>
          %and3A_262 = arith.andi %and3A_256, %and3A_261 : vector<16xi32>
          tpu.vector_store_idx %arg8[%shift_right_arithmetic3A_259, %and3A_262], %get3A_242 masked %and3A {add = true} : memref<128x256xf32, #tpu.memory_space<vmem>>[vector<16xi32>, vector<16xi32>], vector<16xf32>, vector<16xi1>
          %while3A_263 = arith.constant 0 : i32
          scf.yield %while3A_263 : i32
        }
        %while3A_224 = arith.constant 1 : i32
        %while3A_225 = scf.for %while3A_231 = %while3A_221 to %while3A_217 step %while3A_224 iter_args(%while3A_232 = %while3A_223) -> (i32)  : i32 {
          %mul3A_233 = arith.constant 256 : i32
          %mul3A_234 = arith.muli %scan3A_202, %mul3A_233 : i32
          %add3A_235 = arith.constant 0 : i32
          %add3A_236 = arith.addi %add3A_235, %mul3A_234 : i32
          %mul3A_237 = arith.constant 16 : i32
          %mul3A_238 = arith.muli %while3A_231, %mul3A_237 : i32
          %add3A_239 = arith.addi %add3A_236, %mul3A_238 : i32
          %get3A = arith.index_cast %add3A_239 : i32 to index
          %get3A_240 = tpu.vector_load %arg12[%get3A] {strides = array<i32>} : memref<15360xi32, #tpu.memory_space<vmem>>, vector<16xi32>,
          %get3A_241 = arith.index_cast %add3A_239 : i32 to index
          %get3A_242 = tpu.vector_load %arg13[%get3A_241] {strides = array<i32>} : memref<15360xf32, #tpu.memory_space<vmem>>, vector<16xf32>,
          %mul3A_243 = arith.constant 16 : i32
          %mul3A_244 = arith.muli %while3A_231, %mul3A_243 : i32
          %add3A_245 = vector.broadcast %mul3A_244 : i32 to vector<16xi32>
          %add3A_246 = arith.addi %add3A_245, %iota3A : vector<16xi32>
          %lt3A_247 = vector.broadcast %min3A_210 : i32 to vector<16xi32>
          %lt3A_248 = arith.cmpi slt, %add3A_246, %lt3A_247 : vector<16xi32>
          %sub3A_249 = vector.broadcast %mul3A_161 : i32 to vector<16xi32>
          %sub3A_250 = arith.subi %get3A_240, %sub3A_249 : vector<16xi32>
          %lt3A_251 = arith.constant 32768 : i32
          %lt3A_252 = vector.broadcast %lt3A_251 : i32 to vector<16xi32>
          %lt3A_253 = arith.cmpi ult, %sub3A_250, %lt3A_252 : vector<16xi32>
          %and3A = arith.andi %lt3A_248, %lt3A_253 : vector<16xi1>
          %and3A_254 = arith.constant 32767 : i32
          %and3A_255 = vector.broadcast %and3A_254 : i32 to vector<16xi32>
          %and3A_256 = arith.andi %sub3A_250, %and3A_255 : vector<16xi32>
          %shift_right_arithmetic3A_257 = arith.constant 8 : i32
          %shift_right_arithmetic3A_258 = vector.broadcast %shift_right_arithmetic3A_257 : i32 to vector<16xi32>
          %shift_right_arithmetic3A_259 = arith.shrsi %and3A_256, %shift_right_arithmetic3A_258 : vector<16xi32>
          %and3A_260 = arith.constant 255 : i32
          %and3A_261 = vector.broadcast %and3A_260 : i32 to vector<16xi32>
          %and3A_262 = arith.andi %and3A_256, %and3A_261 : vector<16xi32>
          tpu.vector_store_idx %arg8[%shift_right_arithmetic3A_259, %and3A_262], %get3A_242 masked %and3A {add = true} : memref<128x256xf32, #tpu.memory_space<vmem>>[vector<16xi32>, vector<16xi32>], vector<16xf32>, vector<16xi1>
          %while3A_263 = arith.constant 0 : i32
          scf.yield %while3A_263 : i32
        }
        %gt3A = arith.constant 256 : i32
        %gt3A_226 = arith.cmpi sgt, %squeeze3A, %gt3A : i32
        %convert_element_type3A_227 = arith.extui %gt3A_226 : i1 to i32
        %cond3A_228 = arith.constant 0 : i32
        %cond3A_229 = arith.cmpi ne, %convert_element_type3A_227, %cond3A_228 : i32
        scf.if %cond3A_229 {
          %mul3A_231 = arith.constant 512 : i32
          %mul3A_232 = arith.muli %scan3A_202, %mul3A_231 : i32
          %add3A_233 = arith.addi %mul3A_232, %add3A_143 : i32
          %broadcast_in_dim3A_234 = vector.broadcast %add3A_233 : i32 to vector<16xi32>
          %gather3A_235 = tpu.vector_load_idx %arg10[%broadcast_in_dim3A_234] : memref<12544xi32, #tpu.memory_space<vmem>>[vector<16xi32>], vector<16xi32>,
          %slice3A_236 = vector.extract_strided_slice %gather3A_235 {offsets = [0], sizes = [1], strides = [1]} : vector<16xi32> to vector<1xi32>
          %squeeze3A_237 = vector.extract %slice3A_236[0] : i32 from vector<1xi32>
          %multiple_of3A = tpu.assume_multiple %squeeze3A_237, 8 : i32
          %sub3A_238 = arith.constant 1 : i32
          %sub3A_239 = arith.subi %squeeze3A, %sub3A_238 : i32
          %shift_right_arithmetic3A_240 = arith.constant 8 : i32
          %shift_right_arithmetic3A_241 = arith.shrsi %sub3A_239, %shift_right_arithmetic3A_240 : i32
          %while3A_242 = arith.constant 0 : i32
          %while3A_243 = arith.constant 0 : i32
          %while3A_244 = arith.subi %shift_right_arithmetic3A_241, %while3A_242 : i32
          %while3A_245 = arith.addi %while3A_242, %while3A_244 : i32
          %while3A_246 = arith.constant 1 : i32
          %while3A_247 = arith.divsi %while3A_244, %while3A_246 : i32
          %while3A_248 = arith.muli %while3A_247, %while3A_246 : i32
          %while3A_249 = arith.addi %while3A_242, %while3A_248 : i32
          %while3A_250 = arith.constant 1 : i32
          %while3A_251 = scf.for %while3A_254 = %while3A_242 to %while3A_249 step %while3A_250 iter_args(%while3A_255 = %while3A_243) -> (i32)  : i32 {
            %add3A_256 = arith.constant 1 : i32
            %add3A_257 = arith.addi %while3A_254, %add3A_256 : i32
            %mul3A_258 = arith.constant 256 : i32
            %mul3A_259 = arith.muli %add3A_257, %mul3A_258 : i32
            %mul3A_260 = arith.constant 16 : i32
            %mul3A_261 = arith.muli %arg0, %mul3A_260 : i32
            %add3A_262 = arith.addi %mul3A_261, %scan3A_202 : i32
            %mul3A_263 = arith.constant 15360 : i32
            %mul3A_264 = arith.muli %add3A_262, %mul3A_263 : i32
            %add3A_265 = arith.addi %mul3A_264, %multiple_of3A : i32
            %add3A_266 = arith.addi %add3A_265, %mul3A_259 : i32
            %mul3A_267 = arith.constant 256 : i32
            %mul3A_268 = arith.muli %scan3A_202, %mul3A_267 : i32
            %add3A_269 = arith.constant 0 : i32
            %add3A_270 = arith.addi %add3A_269, %mul3A_268 : i32
            "tpu.region"() ({
              %run_scoped3A = tpu.sem_alloc : memref<!tpu.dma_semaphore, #tpu.memory_space<semaphore_mem>>
              %dma_start3A_283 = tpu.memref_slice %arg12[%add3A_270] : memref<15360xi32, #tpu.memory_space<vmem>> -> memref<256xi32, #tpu.memory_space<vmem>>
              %dma_start3A_284 = tpu.memref_slice %arg6[%add3A_266] : memref<492032xi32, #tpu.memory_space<hbm>> -> memref<256xi32, #tpu.memory_space<hbm>>
              %dma_start3A_285 = tpu.memref_slice %arg12[%add3A_270] : memref<15360xi32, #tpu.memory_space<vmem>> -> memref<256xi32, #tpu.memory_space<vmem>>
              %dma_start3A_286 = tpu.memref_slice %arg6[%add3A_266] : memref<492032xi32, #tpu.memory_space<hbm>> -> memref<256xi32, #tpu.memory_space<hbm>>
              tpu.enqueue_dma source(%dma_start3A_286 : memref<256xi32, #tpu.memory_space<hbm>>) target(%dma_start3A_285 : memref<256xi32, #tpu.memory_space<vmem>>) target_semaphore(%run_scoped3A : memref<!tpu.dma_semaphore, #tpu.memory_space<semaphore_mem>>)
              %dma_wait3A_287 = tpu.memref_slice %arg12[%add3A_270] : memref<15360xi32, #tpu.memory_space<vmem>> -> memref<256xi32, #tpu.memory_space<vmem>>
              %dma_wait3A_288 = tpu.memref_slice %arg6[%add3A_266] : memref<492032xi32, #tpu.memory_space<hbm>> -> memref<256xi32, #tpu.memory_space<hbm>>
              %dma_wait3A_289 = tpu.memref_slice %arg12[%add3A_270] : memref<15360xi32, #tpu.memory_space<vmem>> -> memref<256xi32, #tpu.memory_space<vmem>>
              %dma_wait3A_290 = tpu.memref_slice %arg6[%add3A_266] : memref<492032xi32, #tpu.memory_space<hbm>> -> memref<256xi32, #tpu.memory_space<hbm>>
              tpu.wait_dma2 semaphore(%run_scoped3A : memref<!tpu.dma_semaphore, #tpu.memory_space<semaphore_mem>>) src(%dma_wait3A_290 : memref<256xi32, #tpu.memory_space<hbm>>) dst(%dma_wait3A_289 : memref<256xi32, #tpu.memory_space<vmem>>)
              tpu.yield
            }) : () -> ()
            %mul3A_271 = arith.constant 256 : i32
            %mul3A_272 = arith.muli %scan3A_202, %mul3A_271 : i32
            %add3A_273 = arith.constant 0 : i32
            %add3A_274 = arith.addi %add3A_273, %mul3A_272 : i32
            "tpu.region"() ({
              %run_scoped3A = tpu.sem_alloc : memref<!tpu.dma_semaphore, #tpu.memory_space<semaphore_mem>>
              %dma_start3A_283 = tpu.memref_slice %arg13[%add3A_274] : memref<15360xf32, #tpu.memory_space<vmem>> -> memref<256xf32, #tpu.memory_space<vmem>>
              %dma_start3A_284 = tpu.memref_slice %arg7[%add3A_266] : memref<492032xf32, #tpu.memory_space<hbm>> -> memref<256xf32, #tpu.memory_space<hbm>>
              %dma_start3A_285 = tpu.memref_slice %arg13[%add3A_274] : memref<15360xf32, #tpu.memory_space<vmem>> -> memref<256xf32, #tpu.memory_space<vmem>>
              %dma_start3A_286 = tpu.memref_slice %arg7[%add3A_266] : memref<492032xf32, #tpu.memory_space<hbm>> -> memref<256xf32, #tpu.memory_space<hbm>>
              tpu.enqueue_dma source(%dma_start3A_286 : memref<256xf32, #tpu.memory_space<hbm>>) target(%dma_start3A_285 : memref<256xf32, #tpu.memory_space<vmem>>) target_semaphore(%run_scoped3A : memref<!tpu.dma_semaphore, #tpu.memory_space<semaphore_mem>>)
              %dma_wait3A_287 = tpu.memref_slice %arg13[%add3A_274] : memref<15360xf32, #tpu.memory_space<vmem>> -> memref<256xf32, #tpu.memory_space<vmem>>
              %dma_wait3A_288 = tpu.memref_slice %arg7[%add3A_266] : memref<492032xf32, #tpu.memory_space<hbm>> -> memref<256xf32, #tpu.memory_space<hbm>>
              %dma_wait3A_289 = tpu.memref_slice %arg13[%add3A_274] : memref<15360xf32, #tpu.memory_space<vmem>> -> memref<256xf32, #tpu.memory_space<vmem>>
              %dma_wait3A_290 = tpu.memref_slice %arg7[%add3A_266] : memref<492032xf32, #tpu.memory_space<hbm>> -> memref<256xf32, #tpu.memory_space<hbm>>
              tpu.wait_dma2 semaphore(%run_scoped3A : memref<!tpu.dma_semaphore, #tpu.memory_space<semaphore_mem>>) src(%dma_wait3A_290 : memref<256xf32, #tpu.memory_space<hbm>>) dst(%dma_wait3A_289 : memref<256xf32, #tpu.memory_space<vmem>>)
              tpu.yield
            }) : () -> ()
            %scan3A_275 = arith.constant 0 : i32
            %scan3A_276 = arith.constant 0 : i32
            %scan3A_277 = arith.constant 16 : i32
            %scan3A_278 = arith.addi %scan3A_276, %scan3A_277 : i32
            %scan3A_279 = arith.constant 1 : i32
            %scan3A_280 = scf.for %scan3A_283 = %scan3A_276 to %scan3A_278 step %scan3A_279 iter_args(%scan3A_284 = %scan3A_275) -> (i32)  : i32 {
              %mul3A_285 = arith.constant 256 : i32
              %mul3A_286 = arith.muli %scan3A_202, %mul3A_285 : i32
              %add3A_287 = arith.constant 0 : i32
              %add3A_288 = arith.addi %add3A_287, %mul3A_286 : i32
              %mul3A_289 = arith.constant 16 : i32
              %mul3A_290 = arith.muli %scan3A_283, %mul3A_289 : i32
              %add3A_291 = arith.addi %add3A_288, %mul3A_290 : i32
              %get3A = arith.index_cast %add3A_291 : i32 to index
              %get3A_292 = tpu.vector_load %arg12[%get3A] {strides = array<i32>} : memref<15360xi32, #tpu.memory_space<vmem>>, vector<16xi32>,
              %get3A_293 = arith.index_cast %add3A_291 : i32 to index
              %get3A_294 = tpu.vector_load %arg13[%get3A_293] {strides = array<i32>} : memref<15360xf32, #tpu.memory_space<vmem>>, vector<16xf32>,
              %mul3A_295 = arith.constant 16 : i32
              %mul3A_296 = arith.muli %scan3A_283, %mul3A_295 : i32
              %add3A_297 = arith.addi %mul3A_259, %mul3A_296 : i32
              %add3A_298 = vector.broadcast %add3A_297 : i32 to vector<16xi32>
              %add3A_299 = arith.addi %add3A_298, %iota3A : vector<16xi32>
              %lt3A_300 = vector.broadcast %squeeze3A : i32 to vector<16xi32>
              %lt3A_301 = arith.cmpi slt, %add3A_299, %lt3A_300 : vector<16xi32>
              %sub3A_302 = vector.broadcast %mul3A_161 : i32 to vector<16xi32>
              %sub3A_303 = arith.subi %get3A_292, %sub3A_302 : vector<16xi32>
              %lt3A_304 = arith.constant 32768 : i32
              %lt3A_305 = vector.broadcast %lt3A_304 : i32 to vector<16xi32>
              %lt3A_306 = arith.cmpi ult, %sub3A_303, %lt3A_305 : vector<16xi32>
              %and3A = arith.andi %lt3A_301, %lt3A_306 : vector<16xi1>
              %and3A_307 = arith.constant 32767 : i32
              %and3A_308 = vector.broadcast %and3A_307 : i32 to vector<16xi32>
              %and3A_309 = arith.andi %sub3A_303, %and3A_308 : vector<16xi32>
              %shift_right_arithmetic3A_310 = arith.constant 8 : i32
              %shift_right_arithmetic3A_311 = vector.broadcast %shift_right_arithmetic3A_310 : i32 to vector<16xi32>
              %shift_right_arithmetic3A_312 = arith.shrsi %and3A_309, %shift_right_arithmetic3A_311 : vector<16xi32>
              %and3A_313 = arith.constant 255 : i32
              %and3A_314 = vector.broadcast %and3A_313 : i32 to vector<16xi32>
              %and3A_315 = arith.andi %and3A_309, %and3A_314 : vector<16xi32>
              tpu.vector_store_idx %arg8[%shift_right_arithmetic3A_312, %and3A_315], %get3A_294 masked %and3A {add = true} : memref<128x256xf32, #tpu.memory_space<vmem>>[vector<16xi32>, vector<16xi32>], vector<16xf32>, vector<16xi1>
              %scan3A_316 = arith.constant 0 : i32
              scf.yield %scan3A_316 : i32
            }
            %scan3A_281 = arith.constant 16 : i32
            %while3A_282 = arith.constant 0 : i32
            scf.yield %while3A_282 : i32
          }
          %while3A_252 = arith.constant 1 : i32
          %while3A_253 = scf.for %while3A_254 = %while3A_249 to %while3A_245 step %while3A_252 iter_args(%while3A_255 = %while3A_251) -> (i32)  : i32 {
            %add3A_256 = arith.constant 1 : i32
            %add3A_257 = arith.addi %while3A_254, %add3A_256 : i32
            %mul3A_258 = arith.constant 256 : i32
            %mul3A_259 = arith.muli %add3A_257, %mul3A_258 : i32
            %mul3A_260 = arith.constant 16 : i32
            %mul3A_261 = arith.muli %arg0, %mul3A_260 : i32
            %add3A_262 = arith.addi %mul3A_261, %scan3A_202 : i32
            %mul3A_263 = arith.constant 15360 : i32
            %mul3A_264 = arith.muli %add3A_262, %mul3A_263 : i32
            %add3A_265 = arith.addi %mul3A_264, %multiple_of3A : i32
            %add3A_266 = arith.addi %add3A_265, %mul3A_259 : i32
            %mul3A_267 = arith.constant 256 : i32
            %mul3A_268 = arith.muli %scan3A_202, %mul3A_267 : i32
            %add3A_269 = arith.constant 0 : i32
            %add3A_270 = arith.addi %add3A_269, %mul3A_268 : i32
            "tpu.region"() ({
              %run_scoped3A = tpu.sem_alloc : memref<!tpu.dma_semaphore, #tpu.memory_space<semaphore_mem>>
              %dma_start3A_283 = tpu.memref_slice %arg12[%add3A_270] : memref<15360xi32, #tpu.memory_space<vmem>> -> memref<256xi32, #tpu.memory_space<vmem>>
              %dma_start3A_284 = tpu.memref_slice %arg6[%add3A_266] : memref<492032xi32, #tpu.memory_space<hbm>> -> memref<256xi32, #tpu.memory_space<hbm>>
              %dma_start3A_285 = tpu.memref_slice %arg12[%add3A_270] : memref<15360xi32, #tpu.memory_space<vmem>> -> memref<256xi32, #tpu.memory_space<vmem>>
              %dma_start3A_286 = tpu.memref_slice %arg6[%add3A_266] : memref<492032xi32, #tpu.memory_space<hbm>> -> memref<256xi32, #tpu.memory_space<hbm>>
              tpu.enqueue_dma source(%dma_start3A_286 : memref<256xi32, #tpu.memory_space<hbm>>) target(%dma_start3A_285 : memref<256xi32, #tpu.memory_space<vmem>>) target_semaphore(%run_scoped3A : memref<!tpu.dma_semaphore, #tpu.memory_space<semaphore_mem>>)
              %dma_wait3A_287 = tpu.memref_slice %arg12[%add3A_270] : memref<15360xi32, #tpu.memory_space<vmem>> -> memref<256xi32, #tpu.memory_space<vmem>>
              %dma_wait3A_288 = tpu.memref_slice %arg6[%add3A_266] : memref<492032xi32, #tpu.memory_space<hbm>> -> memref<256xi32, #tpu.memory_space<hbm>>
              %dma_wait3A_289 = tpu.memref_slice %arg12[%add3A_270] : memref<15360xi32, #tpu.memory_space<vmem>> -> memref<256xi32, #tpu.memory_space<vmem>>
              %dma_wait3A_290 = tpu.memref_slice %arg6[%add3A_266] : memref<492032xi32, #tpu.memory_space<hbm>> -> memref<256xi32, #tpu.memory_space<hbm>>
              tpu.wait_dma2 semaphore(%run_scoped3A : memref<!tpu.dma_semaphore, #tpu.memory_space<semaphore_mem>>) src(%dma_wait3A_290 : memref<256xi32, #tpu.memory_space<hbm>>) dst(%dma_wait3A_289 : memref<256xi32, #tpu.memory_space<vmem>>)
              tpu.yield
            }) : () -> ()
            %mul3A_271 = arith.constant 256 : i32
            %mul3A_272 = arith.muli %scan3A_202, %mul3A_271 : i32
            %add3A_273 = arith.constant 0 : i32
            %add3A_274 = arith.addi %add3A_273, %mul3A_272 : i32
            "tpu.region"() ({
              %run_scoped3A = tpu.sem_alloc : memref<!tpu.dma_semaphore, #tpu.memory_space<semaphore_mem>>
              %dma_start3A_283 = tpu.memref_slice %arg13[%add3A_274] : memref<15360xf32, #tpu.memory_space<vmem>> -> memref<256xf32, #tpu.memory_space<vmem>>
              %dma_start3A_284 = tpu.memref_slice %arg7[%add3A_266] : memref<492032xf32, #tpu.memory_space<hbm>> -> memref<256xf32, #tpu.memory_space<hbm>>
              %dma_start3A_285 = tpu.memref_slice %arg13[%add3A_274] : memref<15360xf32, #tpu.memory_space<vmem>> -> memref<256xf32, #tpu.memory_space<vmem>>
              %dma_start3A_286 = tpu.memref_slice %arg7[%add3A_266] : memref<492032xf32, #tpu.memory_space<hbm>> -> memref<256xf32, #tpu.memory_space<hbm>>
              tpu.enqueue_dma source(%dma_start3A_286 : memref<256xf32, #tpu.memory_space<hbm>>) target(%dma_start3A_285 : memref<256xf32, #tpu.memory_space<vmem>>) target_semaphore(%run_scoped3A : memref<!tpu.dma_semaphore, #tpu.memory_space<semaphore_mem>>)
              %dma_wait3A_287 = tpu.memref_slice %arg13[%add3A_274] : memref<15360xf32, #tpu.memory_space<vmem>> -> memref<256xf32, #tpu.memory_space<vmem>>
              %dma_wait3A_288 = tpu.memref_slice %arg7[%add3A_266] : memref<492032xf32, #tpu.memory_space<hbm>> -> memref<256xf32, #tpu.memory_space<hbm>>
              %dma_wait3A_289 = tpu.memref_slice %arg13[%add3A_274] : memref<15360xf32, #tpu.memory_space<vmem>> -> memref<256xf32, #tpu.memory_space<vmem>>
              %dma_wait3A_290 = tpu.memref_slice %arg7[%add3A_266] : memref<492032xf32, #tpu.memory_space<hbm>> -> memref<256xf32, #tpu.memory_space<hbm>>
              tpu.wait_dma2 semaphore(%run_scoped3A : memref<!tpu.dma_semaphore, #tpu.memory_space<semaphore_mem>>) src(%dma_wait3A_290 : memref<256xf32, #tpu.memory_space<hbm>>) dst(%dma_wait3A_289 : memref<256xf32, #tpu.memory_space<vmem>>)
              tpu.yield
            }) : () -> ()
            %scan3A_275 = arith.constant 0 : i32
            %scan3A_276 = arith.constant 0 : i32
            %scan3A_277 = arith.constant 16 : i32
            %scan3A_278 = arith.addi %scan3A_276, %scan3A_277 : i32
            %scan3A_279 = arith.constant 1 : i32
            %scan3A_280 = scf.for %scan3A_283 = %scan3A_276 to %scan3A_278 step %scan3A_279 iter_args(%scan3A_284 = %scan3A_275) -> (i32)  : i32 {
              %mul3A_285 = arith.constant 256 : i32
              %mul3A_286 = arith.muli %scan3A_202, %mul3A_285 : i32
              %add3A_287 = arith.constant 0 : i32
              %add3A_288 = arith.addi %add3A_287, %mul3A_286 : i32
              %mul3A_289 = arith.constant 16 : i32
              %mul3A_290 = arith.muli %scan3A_283, %mul3A_289 : i32
              %add3A_291 = arith.addi %add3A_288, %mul3A_290 : i32
              %get3A = arith.index_cast %add3A_291 : i32 to index
              %get3A_292 = tpu.vector_load %arg12[%get3A] {strides = array<i32>} : memref<15360xi32, #tpu.memory_space<vmem>>, vector<16xi32>,
              %get3A_293 = arith.index_cast %add3A_291 : i32 to index
              %get3A_294 = tpu.vector_load %arg13[%get3A_293] {strides = array<i32>} : memref<15360xf32, #tpu.memory_space<vmem>>, vector<16xf32>,
              %mul3A_295 = arith.constant 16 : i32
              %mul3A_296 = arith.muli %scan3A_283, %mul3A_295 : i32
              %add3A_297 = arith.addi %mul3A_259, %mul3A_296 : i32
              %add3A_298 = vector.broadcast %add3A_297 : i32 to vector<16xi32>
              %add3A_299 = arith.addi %add3A_298, %iota3A : vector<16xi32>
              %lt3A_300 = vector.broadcast %squeeze3A : i32 to vector<16xi32>
              %lt3A_301 = arith.cmpi slt, %add3A_299, %lt3A_300 : vector<16xi32>
              %sub3A_302 = vector.broadcast %mul3A_161 : i32 to vector<16xi32>
              %sub3A_303 = arith.subi %get3A_292, %sub3A_302 : vector<16xi32>
              %lt3A_304 = arith.constant 32768 : i32
              %lt3A_305 = vector.broadcast %lt3A_304 : i32 to vector<16xi32>
              %lt3A_306 = arith.cmpi ult, %sub3A_303, %lt3A_305 : vector<16xi32>
              %and3A = arith.andi %lt3A_301, %lt3A_306 : vector<16xi1>
              %and3A_307 = arith.constant 32767 : i32
              %and3A_308 = vector.broadcast %and3A_307 : i32 to vector<16xi32>
              %and3A_309 = arith.andi %sub3A_303, %and3A_308 : vector<16xi32>
              %shift_right_arithmetic3A_310 = arith.constant 8 : i32
              %shift_right_arithmetic3A_311 = vector.broadcast %shift_right_arithmetic3A_310 : i32 to vector<16xi32>
              %shift_right_arithmetic3A_312 = arith.shrsi %and3A_309, %shift_right_arithmetic3A_311 : vector<16xi32>
              %and3A_313 = arith.constant 255 : i32
              %and3A_314 = vector.broadcast %and3A_313 : i32 to vector<16xi32>
              %and3A_315 = arith.andi %and3A_309, %and3A_314 : vector<16xi32>
              tpu.vector_store_idx %arg8[%shift_right_arithmetic3A_312, %and3A_315], %get3A_294 masked %and3A {add = true} : memref<128x256xf32, #tpu.memory_space<vmem>>[vector<16xi32>, vector<16xi32>], vector<16xf32>, vector<16xi1>
              %scan3A_316 = arith.constant 0 : i32
              scf.yield %scan3A_316 : i32
            }
            %scan3A_281 = arith.constant 16 : i32
            %while3A_282 = arith.constant 0 : i32
            scf.yield %while3A_282 : i32
          }
        } else {
        }
        %scan3A_230 = arith.constant 0 : i32
        scf.yield %scan3A_230 : i32
      }
      %scan3A_195 = arith.constant 16 : i32
      %mul3A_196 = arith.constant 128 : i32
      %mul3A_197 = arith.muli %add3A_143, %mul3A_196 : i32
      %dma_start3A_198 = arith.constant 0 : i32
      %dma_start3A_199 = tpu.memref_slice %arg5[%mul3A_197, %dma_start3A_198] : memref<50176x256xf32, #tpu.memory_space<hbm>> -> memref<128x256xf32, #tpu.memory_space<hbm>>
      %dma_start3A_200 = arith.constant 0 : i32
      %dma_start3A_201 = tpu.memref_slice %arg5[%mul3A_197, %dma_start3A_200] : memref<50176x256xf32, #tpu.memory_space<hbm>> -> memref<128x256xf32, #tpu.memory_space<hbm>>
      tpu.enqueue_dma source(%arg8 : memref<128x256xf32, #tpu.memory_space<vmem>>) target(%dma_start3A_201 : memref<128x256xf32, #tpu.memory_space<hbm>>) target_semaphore(%arg30 : memref<!tpu.dma_semaphore, #tpu.memory_space<semaphore_mem>>)
    } else {
    }
    %dma_wait3A = arith.constant 0 : i32
    %dma_wait3A_149 = arith.constant 0 : i32
    %dma_wait3A_150 = tpu.memref_slice %arg5[%dma_wait3A, %dma_wait3A_149] : memref<50176x256xf32, #tpu.memory_space<hbm>> -> memref<128x256xf32, #tpu.memory_space<hbm>>
    %dma_wait3A_151 = arith.constant 0 : i32
    %dma_wait3A_152 = arith.constant 0 : i32
    %dma_wait3A_153 = tpu.memref_slice %arg5[%dma_wait3A_151, %dma_wait3A_152] : memref<50176x256xf32, #tpu.memory_space<hbm>> -> memref<128x256xf32, #tpu.memory_space<hbm>>
    tpu.wait_dma2 semaphore(%arg30 : memref<!tpu.dma_semaphore, #tpu.memory_space<semaphore_mem>>) src(%arg8 : memref<128x256xf32, #tpu.memory_space<vmem>>) dst(%dma_wait3A_153 : memref<128x256xf32, #tpu.memory_space<hbm>>)
    %dma_wait3A_154 = arith.constant 0 : i32
    %dma_wait3A_155 = arith.constant 0 : i32
    %dma_wait3A_156 = tpu.memref_slice %arg5[%dma_wait3A_154, %dma_wait3A_155] : memref<50176x256xf32, #tpu.memory_space<hbm>> -> memref<128x256xf32, #tpu.memory_space<hbm>>
    %dma_wait3A_157 = arith.constant 0 : i32
    %dma_wait3A_158 = arith.constant 0 : i32
    %dma_wait3A_159 = tpu.memref_slice %arg5[%dma_wait3A_157, %dma_wait3A_158] : memref<50176x256xf32, #tpu.memory_space<hbm>> -> memref<128x256xf32, #tpu.memory_space<hbm>>
    tpu.wait_dma2 semaphore(%arg31 : memref<!tpu.dma_semaphore, #tpu.memory_space<semaphore_mem>>) src(%arg9 : memref<128x256xf32, #tpu.memory_space<vmem>>) dst(%dma_wait3A_159 : memref<128x256xf32, #tpu.memory_space<hbm>>)
    return
  }
}

</mosaic_0001>

<sc_bundles>
// kernel: _sc_scatter.3.cloned.1.call-start
scs
__scs_entry_jumppad:
0x0: {  	(pc) =	sbr.rel $0x88, $3  }
0x1: {  	(tag) =	ssettag $0x0;
	lr =	simm.s32 $0x1  }
0x2: {  	[smem:$0x3F9E] =	sst lr;
	_ =	strace $0xD0000000  }
0x3: {  	_ = 	snop  }
0x4: {  	_ = 	snop  }
0x5: {  	_ = 	snop  }
0x6: {  	_ = 	snop  }
0x7: {  	_ = 	snop  }
__scs_overlays_trampoline_lowered:
0x8: {  	[smem:$0x3FAD] =	sst s0  }
0x9: {  	[smem:$0x3FAE] =	sst s1  }
0xa: {  	[smem:$0x3FAF] =	sst s2  }
0xb: {  	[smem:$0x3FB0] =	sst s3  }
0xc: {  	[smem:$0x3FB1] =	sst s4  }
0xd: {  	[smem:$0x3FB2] =	sst s5  }
0xe: {  	[smem:$0x3FB3] =	sst s6  }
0xf: {  	[smem:$0x3FB4] =	sst s7  }
0x10: {  	[smem:$0x3FB5] =	sst s8  }
0x11: {  	[smem:$0x3FB6] =	sst s9;
	s0 =	simm.s32 @!p0 $0x0  }
0x12: {  	s1 =	sld [smem:$0x3F9C];
	s0 =	simm.s32 @p0 $0x1  }
0x13: {  	[smem:$0x3FB7] =	sst s0;
	s0 =	simm.s32 @!p1 $0x0  }
0x14: {  	s2 =	sld [smem:$0x3F9B];
	s0 =	simm.s32 @p1 $0x1  }
0x15: {  	[smem:$0x3FB8] =	sst s0;
	s0 =	simm.s32 @!p2 $0x0  }
0x16: {  	s3 =	sld [smem:$0x3FDB];
	s0 =	simm.s32 @p2 $0x1  }
0x17: {  	s4 =	simm.s32 $0x1BF5;
	[smem:$0x3FBA] =	sst s0  }
0x18: {  	s0 =	sld [smem:$0x3F9D];
	_ =	swait.ge [sflag:s4], $0x0  }
0x19: {  	s7 =	sld [smem:$0x3F9E]  }
0x1a: {  	s8 =	sadd.s32 $0xFFFFE003, lr  }
0x1b: {  	s9 =	sadd.s32 $0xFFFFFEF7, lr;
	s5 =	simm.s32 $0xFFFFFFFF;
	p2 =	slt.u32 s8, $0xFFFFF086  }
0x1c: {  	p1 =	slt.u32 s9, $0xF7A;
	s5 =	simm.s32 @!p2 $0x0  }
0x1d: {  	s5 =	simm.s32 @p1 $0x1;
	p0 =	seq.s32 s7, s2  }
0x1e: {  	s7 =	smul.u32 @!p0 $0xF7A, s2;
	p2 =	seq.s32 @!p0 s5, $0x0  }
0x1f: {  	s9 =	smul.u32 $0xF7A, s1;
	s8 =	simm.s32 @!p0 $0x1BF5;
	p2 =	por !p2, p0  }
0x20: {  	[sflag:s8] =	ssyncset.s32 @!p0 $0xFFFFF086;
	s6 =	sadd.s32 @!p0 s3, s7;
	s7 =	simm.s32 @!p0 $0x108  }
0x21: {  	s3 =	sadd.s32 s3, s9;
	s6 =	sadd.s32 @!p0 $0x88, s6;
	s7 =	simm.s32 @p2 $0x1082  }
0x22: {  	[simem:s7], [sflag:s8] =	dma.local @!p0 [hbm:s6], $0xF7A  }
0x23: {  	s9 =	sor.u32 $0xD0000000, s2;
	s6 =	simm.s32 $0x108;
	_ =	swait.ge @!p0 [sflag:s8], $0x0  }
0x24: {  	s3 =	sadd.s32 $0x88, s3;
	s6 =	simm.s32 @!p1 $0x1082;
	[sflag:s4] =	ssyncset.s32 $0xFFFFF086  }
0x25: {  	[simem:s6], [sflag:s4] =	dma.local [hbm:s3], $0xF7A  }
0x26: {  	[smem:$0x3F9E] =	sst s1;
	(tag) =	ssettag s2;
	_ =	strace s9  }
0x27: {  	s1 =	sld [smem:$0x3FAE]  }
0x28: {  	s2 =	sld [smem:$0x3FAF]  }
0x29: {  	s4 =	sld [smem:$0x3FB1]  }
0x2a: {  	p0 =	seq.s32 s5, $0x0;
	s5 =	sld [smem:$0x3FB2]  }
0x2b: {  	s6 =	sld [smem:$0x3FB3]  }
0x2c: {  	s7 =	sld [smem:$0x3FB4]  }
0x2d: {  	s3 =	simm.s32 $0x108;
	s8 =	sld [smem:$0x3FB5]  }
0x2e: {  	s3 =	simm.s32 @!p0 $0x1082;
	s9 =	sld [smem:$0x3FB6]  }
0x2f: {  	lr =	sadd.s32 s0, s3;
	s0 =	sld [smem:$0x3FAD]  }
0x30: {  	s3 =	sld [smem:$0x3FB0]  }
0x31: {  	[smem:$0x3FB9] =	sst s10  }
0x32: {  	s10 =	sld [smem:$0x3FB7];
	_ =	sdelay $0x3  }
0x33: {  	p0 =	seq.s32 s10, $0x1;
	s10 =	sld [smem:$0x3FB9];
	_ =	sdelay $0x3  }
0x34: {  	[smem:$0x3FB9] =	sst s10  }
0x35: {  	s10 =	sld [smem:$0x3FB8];
	_ =	sdelay $0x3  }
0x36: {  	p1 =	seq.s32 s10, $0x1;
	s10 =	sld [smem:$0x3FB9];
	_ =	sdelay $0x3  }
0x37: {  	[smem:$0x3FB9] =	sst s10  }
0x38: {  	s10 =	sld [smem:$0x3FBA]  }
0x39: {  	_ = 	snop;
	(pc) =	sbr.ind lr, $3  }
0x3a: {  	_ = 	snop  }
0x3b: {  	_ = 	snop  }
0x3c: {  	p2 =	seq.s32 s10, $0x1;
	s10 =	sld [smem:$0x3FB9]  }
0x3d: {  	_ =	shalt  }
0x3e: {  	_ =	shalt  }
0x3f: {  	_ =	shalt  }
0x40: {  	_ =	shalt  }
0x41: {  	_ =	shalt  }
0x42: {  	_ =	shalt  }
0x43: {  	_ =	shalt  }
0x44: {  	_ =	shalt  }
0x45: {  	_ =	shalt  }
0x46: {  	_ =	shalt  }
0x47: {  	_ =	shalt  }
0x48: {  	_ =	shalt  }
0x49: {  	_ =	shalt  }
0x4a: {  	_ =	shalt  }
0x4b: {  	_ =	shalt  }
0x4c: {  	_ =	shalt  }
0x4d: {  	_ =	shalt  }
0x4e: {  	_ =	shalt  }
0x4f: {  	_ =	shalt  }
0x50: {  	_ =	shalt  }
0x51: {  	_ =	shalt  }
0x52: {  	_ =	shalt  }
0x53: {  	_ =	shalt  }
0x54: {  	_ =	shalt  }
0x55: {  	_ =	shalt  }
0x56: {  	_ =	shalt  }
0x57: {  	_ =	shalt  }
0x58: {  	_ =	shalt  }
0x59: {  	_ =	shalt  }
0x5a: {  	_ =	shalt  }
0x5b: {  	_ =	shalt  }
0x5c: {  	_ =	shalt  }
0x5d: {  	_ =	shalt  }
0x5e: {  	_ =	shalt  }
0x5f: {  	_ =	shalt  }
0x60: {  	_ =	shalt  }
0x61: {  	_ =	shalt  }
0x62: {  	_ =	shalt  }
0x63: {  	_ =	shalt  }
0x64: {  	_ =	shalt  }
0x65: {  	_ =	shalt  }
0x66: {  	_ =	shalt  }
0x67: {  	_ =	shalt  }
0x68: {  	_ =	shalt  }
0x69: {  	_ =	shalt  }
0x6a: {  	_ =	shalt  }
0x6b: {  	_ =	shalt  }
0x6c: {  	_ =	shalt  }
0x6d: {  	_ =	shalt  }
0x6e: {  	_ =	shalt  }
0x6f: {  	_ =	shalt  }
0x70: {  	_ =	shalt  }
0x71: {  	_ =	shalt  }
0x72: {  	_ =	shalt  }
0x73: {  	_ =	shalt  }
0x74: {  	_ =	shalt  }
0x75: {  	_ =	shalt  }
0x76: {  	_ =	shalt  }
0x77: {  	_ =	shalt  }
0x78: {  	_ =	shalt  }
0x79: {  	_ =	shalt  }
0x7a: {  	_ =	shalt  }
0x7b: {  	_ =	shalt  }
0x7c: {  	_ =	shalt  }
0x7d: {  	_ =	shalt  }
0x7e: {  	_ =	shalt  }
0x7f: {  	_ =	shalt  }
0x80: {  	_ =	shalt  }
0x81: {  	_ =	shalt  }
0x82: {  	_ =	shalt  }
0x83: {  	_ =	shalt  }
0x84: {  	_ =	shalt  }
0x85: {  	_ =	shalt  }
0x86: {  	_ =	shalt  }
0x87: {  	_ =	shalt  }
.Lfunc_end0:
.L_simem_size_0:
called_computation_lowered:
.L_overlay_start_0:
0x88: {  	s2 =	sld [smem:$0x3FD9]  }
0x89: {  	s3 =	sld [smem:$0x3FFE];
	_ =	sdelay $0x1  }
0x8a: {  	s1 =	srdreg.scid  }
0x8b: {  	s0 =	sand.u32 $0x1, s1  }
0x8c: {  	s15 =	sshll.u32 s0, $0xA;
	s2 =	sadd.s32 s3, s2  }
0x8d: {  	s2 =	sadd.s32 s2, s15  }
0x8e: {  	[smem:$0x3FC5] =	sst s2  }
0x8f: {  	_ = 	snop  }
0x90: {  	s2 =	sld [smem:$0x3FD0]  }
0x91: {  	s16 =	sld [smem:$0x3FC9]  }
0x92: {  	s4 =	sld [smem:$0x3FC8]  }
0x93: {  	s6 =	simm.s32 $0xA;
	s7 =	simm.s32 $0x10;
	s5 =	sld [smem:$0x3FC7]  }
0x94: {  	[smem:s7], [sflag:s6] =	dma.local [hbm:s2], $0x1  }
0x95: {  	_ =	swait.eq [sflag:s6], $0x1  }
0x96: {  	s17 =	sld [smem:$0x10];
	[sflag:s6] =	ssyncset.done $0x0  }
0x97: {  	s18 =	sld [smem:$0x11];
	[sflag:s6] =	ssyncadd.s32 $0xFFFFFFFF  }
0x98: {  	s19 =	sld [smem:$0x12];
	(tm) =	ssettm $0x1  }
0x99: {  	s8 =	sld [smem:$0x3FFB];
	_ =	sdelay $0x3  }
0x9a: {  	_ =	strace s8  }
0x9b: {  	s8 =	sld [smem:$0x3FFC];
	_ =	sdelay $0x3  }
0x9c: {  	_ =	strace s8  }
0x9d: {  	s8 =	sld [smem:$0x3FFD];
	_ =	sdelay $0x3  }
0x9e: {  	_ =	strace s8  }
0x9f: {  	_ =	strace $0x8FFFFFFF  }
0xa0: {  	s20 =	sld [smem:$0x3FDB];
	_ =	sdelay $0x1  }
0xa1: {  	s9 =	simm.s32 $_scs_section_size  }
0xa2: {  	s10 =	simm.s32 $_size__tile_overlayer_lowered;
	s11 =	simm.s32 $_tile_overlayer_lowered  }
0xa3: {  	s23 =	simm.s32 $0x1BFF;
	s22 =	sshll.u32 s11, $0x1;
	s8 =	sadd.s32 s9, s20  }
0xa4: {  	s12 =	simm.s32 $0x0;
	s21 =	sshll.u32 s10, $0x1;
	s10 =	sadd.s32 s22, s8  }
0xa5: {  	[timem:s12], [sflag:s23] =	dma.local [hbm:s10], s21  }
0xa6: {  	_ =	swait.ge [sflag:s23], s21  }
0xa7: {  	s9 =	ssub.s32 $0x0, s21;
	[sflag:s23] =	ssyncset.done $0x0  }
0xa8: {  	[sflag:s23] =	ssyncadd.s32 s9;
	_ =	sdelay $0x1  }
0xa9: {  	s24 =	simm.s32 $0x1B8B  }
0xaa: {  	_ =	swait.ge [sflag:s24], $0x1  }
0xab: {  	[sflag:s24] =	ssyncset.done $0x0  }
0xac: {  	s25 =	simm.s32 $0x1B8E;
	[sflag:s24] =	ssyncadd.s32 $0xFFFFFFFF  }
0xad: {  	s26 =	simm.s32 $execute0_lowered;
	[smem:$0x3FD2] =	sst s25  }
0xae: {  	s9 =	sshll.u32 s26, $0x1;
	_ =	strace $0x80000046;
	[dreg:$0x1] =	wrdreg $0xFFFFFFFF  }
0xaf: {  	s28 =	simm.s32 $_size_execute0_lowered;
	s8 =	sadd.s32 s8, s9;
	[dreg:$0x0] =	wrdreg $0x0  }
0xb0: {  	s9 =	sshll.u32 s28, $0x1;
	[dreg:$0x2] =	wrdreg s8  }
0xb1: {  	[dreg:$0x3] =	wrdreg s9  }
0xb2: {  	[dreg:$0x4] =	wrdreg $0xC0  }
0xb3: {  	_ =	task [dreg:s12], $0x5FFFF  }
0xb4: {  	[dreg:$0x1] =	wrdreg $0xFFFFFFFF  }
0xb5: {  	[dreg:$0x0] =	wrdreg $0x60  }
0xb6: {  	[dreg:$0x2] =	wrdreg s16  }
0xb7: {  	[dreg:$0x3] =	wrdreg s4  }
0xb8: {  	[dreg:$0x4] =	wrdreg s5  }
0xb9: {  	[dreg:$0x5] =	wrdreg s17  }
0xba: {  	[dreg:$0x6] =	wrdreg s18  }
0xbb: {  	[dreg:$0x7] =	wrdreg s19  }
0xbc: {  	[dreg:$0x8] =	wrdreg $0x1F7000  }
0xbd: {  	[dreg:$0x9] =	wrdreg $0x1F9000  }
0xbe: {  	[dreg:$0xa] =	wrdreg $0x9  }
0xbf: {  	_ =	task.clear_ibuf [dreg:s12], $0xBFFFF;
	_ =	strace $0x90000046  }
0xc0: {  	s29 =	simm.s32 $0x9;
	_ =	strace $0x80000048  }
0xc1: {  	_ =	swait.ge [sflag:s29], $0x1  }
0xc2: {  	[sflag:s29] =	ssyncadd.s32 $0xFFFFFFFF  }
0xc3: {  	_ =	strace $0x90000048  }
0xc4: {  	_ =	sfence  }
0xc5: {  	s30 =	sld [smem:$0x0];
	_ =	sdelay $0x2  }
0xc6: {  	s31 =	sshll.u32 s1, $0xD;
	s1 =	sshrl.u32 s1, $0x2  }
0xc7: {  	s3 =	sand.u32 $0x4000, s31;
	s1 =	sadd.s32 s1, s30  }
0xc8: {  	s0 =	sor.u32 s3, s0;
	s1 =	sshll.u32 s1, $0x11  }
0xc9: {  	s0 =	sor.u32 s1, s0  }
0xca: {  	s0 =	sadd.s32 $0x8F2B, s0  }
0xcb: {  	[sflag:s0] =	ssyncadd.remote.s32 $0x1  }
0xcc: {  	_ =	sfence.sel $0xFFFF  }
0xcd: {  	[dreg:$0x0] =	wrdreg $0xFFFFFFFF;
	(pc) =	sbr.abs _section_cstart, $3  }
0xce: {  	[dreg:$0x1] =	wrdreg $0xFFFFFFFF  }
0xcf: {  	_ =	task.clear_ibuf [dreg:s12], $0x2FFFF;
	_ =	strace $0x9FFFFFFF  }
0xd0: {  	(tm) =	ssettm $0x7FFFFFFF  }
0xd1: {  	_ =	shalt  }
tec
execute0_lowered:
.L_overlay_start_1:
0x0: {  	(tag) =	ssettag $0x1  }
0x1: {  	s20 =	rddreg [dreg:$0x0]  }
0x2: {  	s21 =	rddreg [dreg:$0x1]  }
0x3: {  	s24 =	rddreg [dreg:$0x2]  }
0x4: {  	s8 =	rddreg [dreg:$0x3]  }
0x5: {  	s5 =	rddreg [dreg:$0x4]  }
0x6: {  	s6 =	rddreg [dreg:$0x5]  }
0x7: {  	s9 =	rddreg [dreg:$0x6]  }
0x8: {  	s12 =	rddreg [dreg:$0x7];
	s0 =	srdreg.scid;
	s10 =	simm.s32 $0x0  }
0x9: {  	s11 =	stileid.u32;
	s0 =	sand.u32 $0x1, s0;
	[smem:$0x7FF] =	sst s10  }
0xa: {  	s2 =	smul.u32 $0x3100, s11;
	s18 =	sshll.u32 s11, $0x1;
	s1 =	ssub.s32 $0x2, s0  }
0xb: {  	s14 =	sor.u32 s0, s18;
	s13 =	sshll.u32 s0, $0x4;
	s0 =	smul.u32 $0x3C000, s0  }
0xc: {  	_ =	strace $0x80000047;
	s4 =	sshrl.u32 s2, $0x3;
	[dreg:$0x9] =	wrdreg s14  }
0xd: {  	s19 =	sadd.s32 s20, s4;
	[dreg:$0x1c] =	wrdreg s0  }
0xe: {  	s22 =	sadd.s32 s21, s4;
	[dreg:$0xa] =	wrdreg s19  }
0xf: {  	s23 =	sadd.s32 $0x62, s4;
	s4 =	sadd.s32 s24, s4;
	[dreg:$0xb] =	wrdreg s22  }
0x10: {  	s17 =	sshll.u32 s11, $0x9;
	[dreg:$0xc] =	wrdreg s4;
	s25 =	sadd.s32 s20, s23  }
0x11: {  	s3 =	sshrl.u32 s1, $0x1;
	s15 =	sadd.s32 s21, s23;
	[dreg:$0xd] =	wrdreg s25  }
0x12: {  	s1 =	ssub.s32 s1, s3;
	s3 =	sadd.s32 s24, s23;
	[dreg:$0xe] =	wrdreg s15  }
0x13: {  	s28 =	simm.s32 $0x7;
	s19 =	sadd.s32 s17, s9;
	[dreg:$0xf] =	wrdreg s3  }
0x14: {  	s7 =	sor.u32 s11, s13;
	s1 =	smax.u32 s1, $0x1;
	[dreg:$0x14] =	wrdreg s19  }
0x15: {  	s26 =	smul.u32 $0x780, s7;
	s23 =	sor.u32 $0x20, s14;
	[dreg:$0x1b] =	wrdreg s1  }
0x16: {  	s25 =	sadd.s32 $0x620, s2;
	s2 =	sadd.s32 $0x930, s2;
	[dreg:$0x16] =	wrdreg s23  }
0x17: {  	s29 =	simm.s32 $0x10000;
	s16 =	sadd.s32 s5, s26;
	[dreg:$0x11] =	wrdreg s2  }
0x18: {  	s31 =	simm.s32 $0x1;
	s18 =	sadd.s32 s6, s26;
	[dreg:$0x12] =	wrdreg s16  }
0x19: {  	s30 =	simm.s32 $0x2;
	s26 =	sor.u32 $0x180, s14;
	[dreg:$0x13] =	wrdreg s18  }
0x1a: {  	p0 =	sgt.u32 s11, $0x3;
	s22 =	sshll.u32 s14, $0xC;
	[dreg:$0x17] =	wrdreg s26  }
0x1b: {  	s3 =	sshll.u32 s23, $0xC;
	s2 =	sadd.s32 s17, s12;
	[dreg:$0x10] =	wrdreg s25  }
0x1c: {  	s15 =	sshll.u32 s14, $0xF;
	s16 =	sor.u32 $0x1800, s14;
	[dreg:$0x15] =	wrdreg s2  }
0x1d: {  	s9 =	sshll.u32 s26, $0xC;
	s18 =	sor.u32 $0x1820, s14;
	[dreg:$0x1d] =	wrdreg s16  }
0x1e: {  	s17 =	sshll.u32 s23, $0xF;
	s23 =	sor.u32 $0x40, s14;
	[dreg:$0x1e] =	wrdreg s18  }
0x1f: {  	s19 =	sshll.u32 s26, $0xF;
	s26 =	sor.u32 $0x60, s14;
	[smem:$0x7FC] =	sst s23  }
.Ltmp0:
0x20: {  	s2 =	sadd.s32 s8, s22;
	[smem:$0x7FD] =	sst s26;
	(pc) =	sbr.rel .LBB2_1-.Ltmp0, $4  }
0x21: {  	s12 =	sadd.s32 s8, s9;
	s22 =	sor.u32 $0x1980, s14;
	[dreg:$0x18] =	wrdreg s2  }
0x22: {  	v3 =	vimm.s32 $0x0;
	v4 =	vimm.s32 $0x1;
	s18 =	simm.s32 $0x1EF00;
	s23 =	simm.s32 $0x16200;
	[dreg:$0x1a] =	wrdreg s12  }
0x23: {  	v5 =	vimm.s32 $0xFFFFFFFF;
	v6 =	vimm.f32 $0.0e+00;
	v7 =	vlaneseq.u32;
	s2 =	sadd.s32 s8, s3;
	[dreg:$0x1f] =	wrdreg s22;
	s22 =	simm.s32 $0x1F500  }
0x24: {  	v0 =	vmov s15;
	v1 =	vmov s17;
	v2 =	vmov s19;
	s12 =	simm.s32 $0x8000;
	[dreg:$0x19] =	wrdreg s2;
	s2 =	simm.s32 $0x0  }
.LBB2_107:
0x25: {  	s0 =	rddreg [dreg:$0x1a]  }
0x26: {  	s2 =	sld [smem:$0x7FB]  }
0x27: {  	[hbm4b:s0+s10] =	stream.linear.scatter [tilespmem:s10], [sflag:$0x5], $0x8000, $0x38;
	[tilespmem:$0x1FB00] =	vst v63  }
.LBB2_108:
0x28: {  	s0 =	simm.s32 $0x5  }
0x29: {  	_ =	swait.ge [sflag:s0], $0x8000  }
0x2a: {  	[sflag:s0] =	ssyncset.done $0x0  }
0x2b: {  	s1 =	simm.s32 $0x6;
	[sflag:s0] =	ssyncadd.s32 $0xFFFF8000  }
0x2c: {  	_ =	swait.ge [sflag:s1], $0x8000  }
0x2d: {  	s2 =	sadd.s32 $0x1, s2;
	s26 =	rddreg [dreg:$0x1b]  }
0x2e: {  	p1 =	sne.s32 s2, s26  }
.Ltmp1:
0x2f: {  	_ = 	snop;
	(pc) =	sbr.rel @!p1 .LBB2_109-.Ltmp1, $3  }
0x30: {  	_ =	sdelay $0x1  }
0x31: {  	[sflag:s1] =	ssyncset.done $0x0  }
0x32: {  	[sflag:s1] =	ssyncadd.s32 $0xFFFF8000  }
.LBB2_1:
0x33: {  	[tilespmem:$0x1EF00] =	vst v3  }
0x34: {  	[tilespmem:$0x1EF10] =	vst v3  }
0x35: {  	[tilespmem:$0x1EF20] =	vst v3  }
0x36: {  	[tilespmem:$0x1EF30] =	vst v3  }
0x37: {  	[tilespmem:$0x1EF40] =	vst v3  }
0x38: {  	[tilespmem:$0x1EF50] =	vst v3  }
0x39: {  	[tilespmem:$0x1EF60] =	vst v3  }
0x3a: {  	[tilespmem:$0x1EF70] =	vst v3  }
0x3b: {  	[tilespmem:$0x1EF80] =	vst v3  }
0x3c: {  	[tilespmem:$0x1EF90] =	vst v3  }
0x3d: {  	[tilespmem:$0x1EFA0] =	vst v3  }
0x3e: {  	[tilespmem:$0x1EFB0] =	vst v3  }
0x3f: {  	[tilespmem:$0x1EFC0] =	vst v3  }
0x40: {  	[tilespmem:$0x1EFD0] =	vst v3  }
0x41: {  	[tilespmem:$0x1EFE0] =	vst v3  }
0x42: {  	[tilespmem:$0x1EFF0] =	vst v3  }
0x43: {  	[tilespmem:$0x1F000] =	vst v3  }
0x44: {  	[tilespmem:$0x1F010] =	vst v3  }
0x45: {  	[tilespmem:$0x1F020] =	vst v3  }
0x46: {  	[tilespmem:$0x1F030] =	vst v3  }
0x47: {  	[tilespmem:$0x1F040] =	vst v3  }
0x48: {  	[tilespmem:$0x1F050] =	vst v3  }
0x49: {  	[tilespmem:$0x1F060] =	vst v3  }
0x4a: {  	[tilespmem:$0x1F070] =	vst v3  }
0x4b: {  	[tilespmem:$0x1F080] =	vst v3  }
0x4c: {  	[tilespmem:$0x1F090] =	vst v3  }
0x4d: {  	[tilespmem:$0x1F0A0] =	vst v3  }
0x4e: {  	[tilespmem:$0x1F0B0] =	vst v3  }
0x4f: {  	[smem:$0x7FB] =	sst s2;
	[tilespmem:$0x1F0C0] =	vst v3  }
0x50: {  	[tilespmem:$0x1F0D0] =	vst v3;
	s0 =	rddreg [dreg:$0xa]  }
0x51: {  	[tilespmem:$0x1F0E0] =	vst v3;
	s7 =	rddreg [dreg:$0xb]  }
0x52: {  	[tilespmem:$0x1F0F0] =	vst v3;
	s1 =	simm.s32 $0x1DA00;
	s9 =	rddreg [dreg:$0xc]  }
0x53: {  	[tilespmem:s1], [sflag:$0x3] =	stream.linear.gather [hbm4b:s0+s10], $0x310, $0x38;
	[tilespmem:$0x1FB00] =	vst v63  }
0x54: {  	s8 =	simm.s32 $0x1DD80;
	s14 =	rddreg [dreg:$0xd]  }
0x55: {  	[tilespmem:s8], [sflag:$0x3] =	stream.linear.gather [hbm4b:s7+s10], $0x310, $0x38;
	[tilespmem:$0x1FB00] =	vst v63  }
0x56: {  	s11 =	simm.s32 $0x1E100;
	s16 =	rddreg [dreg:$0xe]  }
0x57: {  	[tilespmem:s11], [sflag:$0x3] =	stream.linear.gather [hbm4b:s9+s10], $0x310, $0x38;
	[tilespmem:$0x1FB00] =	vst v63  }
0x58: {  	s15 =	simm.s32 $0x1E480;
	s17 =	simm.s32 $0x1E800;
	s19 =	rddreg [dreg:$0xf]  }
0x59: {  	[tilespmem:s15], [sflag:$0x4] =	stream.linear.gather [hbm4b:s14+s10], $0x310, $0x38;
	[tilespmem:$0x1FB00] =	vst v63  }
0x5a: {  	s26 =	simm.s32 $0x1EB80;
	s3 =	simm.s32 $0x13410;
	s4 =	simm.s32 $0x10000  }
0x5b: {  	[tilespmem:s17], [sflag:$0x4] =	stream.linear.gather [hbm4b:s16+s10], $0x310, $0x38;
	[tilespmem:$0x1FB00] =	vst v63  }
0x5c: {  	s0 =	simm.s32 $0x13100;
	s1 =	simm.s32 $0x10310;
	s14 =	simm.s32 $0x0  }
0x5d: {  	[tilespmem:s26], [sflag:$0x4] =	stream.linear.gather [hbm4b:s19+s10], $0x310, $0x38;
	[tilespmem:$0x1FB00] =	vst v63  }
.LBB2_2:
0x5e: {  	s2 =	simm.s32 $0x3  }
0x5f: {  	_ =	swait.ge [sflag:s2], $0x310  }
0x60: {  	[sflag:s2] =	ssyncset.done $0x0  }
0x61: {  	[sflag:s2] =	ssyncadd.s32 $0xFFFFFCF0  }
0x62: {  	_ =	swait.ge [sflag:s2], $0x310  }
0x63: {  	[sflag:s2] =	ssyncset.done $0x0  }
0x64: {  	[sflag:s2] =	ssyncadd.s32 $0xFFFFFCF0  }
0x65: {  	_ =	swait.ge [sflag:s2], $0x310  }
0x66: {  	[sflag:s2] =	ssyncset.done $0x0  }
0x67: {  	s8 =	simm.s32 $0x0;
	[sflag:s2] =	ssyncadd.s32 $0xFFFFFCF0  }
0x68: {  	v8 =	vld [tilespmem:s8+$0x1DA00]  }
0x69: {  	v10 =	vld [tilespmem:s8+$0x1DD80];
	_ =	sdelay $0x1  }
0x6a: {  	v9 =	vmov s4;
	_ =	sdelay $0x1  }
0x6b: {  	v8 =	vshll.u32 v8, $0x8  }
0x6c: {  	v8 =	vadd.s32 v8, v10  }
0x6d: {  	v10 =	vadd.s32 $0xFFFF3CB0, v8  }
0x6e: {  	[tilespmem:v9+s8+$0x0 ss:$0x1] =	vst.idx.msk $0xffff, v10  }
0x6f: {  	v11 =	vld [tilespmem:s8+$0x1E100]  }
0x70: {  	v8 =	vmov s0;
	vm0 =	vgt.s32 v10, $0x0  }
0x71: {  	v10 =	vnsel vm0, $0x0, v10  }
0x72: {  	v10 =	vshrl.u32 v10, $0xF;
	_ =	sdelay $0x1  }
0x73: {  	v11 =	vmax.f32 v11, $0.0e+00  }
0x74: {  	s15 =	smul.u32 $0x620, s14;
	s7 =	simm.s32 $0x80;
	s2 =	simm.s32 $0x40;
	[tilespmem:v8+s8+$0x0 ss:$0x1] =	vst.idx.msk $0xffff, v11  }
.LBB2_3:
0x75: {  	p1 =	sne.s32 s7, $0xC00  }
0x76: {  	s8 =	sshra.s32 s2, $0x2;
	[tilespmem:v10+s18+$0x0] =	vst.idx.add.s32.msk $0xffff, v4;
	s2 =	smov.u32 s7;
	s7 =	sadd.s32 $0x40, s7  }
0x77: {  	v10 =	vld [tilespmem:s8+$0x1DA00]  }
0x78: {  	v11 =	vld [tilespmem:s8+$0x1DD80];
	_ =	sdelay $0x3  }
0x79: {  	v10 =	vshll.u32 v10, $0x8  }
0x7a: {  	v10 =	vadd.s32 v10, v11  }
0x7b: {  	v10 =	vadd.s32 $0xFFFF3CB0, v10  }
0x7c: {  	[tilespmem:v9+s8+$0x0 ss:$0x1] =	vst.idx.msk $0xffff, v10;
	vm0 =	vgt.s32 v10, $0x0  }
0x7d: {  	v11 =	vld [tilespmem:s8+$0x1E100];
	v10 =	vnsel vm0, $0x0, v10;
	_ =	sdelay $0x1  }
.Ltmp2:
0x7e: {  	v10 =	vshrl.u32 v10, $0xF;
	(pc) =	sbr.rel @p1 .LBB2_3-.Ltmp2, $3  }
0x7f: {  	_ =	sdelay $0x1  }
0x80: {  	v11 =	vmax.f32 v11, $0.0e+00  }
0x81: {  	[tilespmem:v8+s8+$0x0 ss:$0x1] =	vst.idx.msk $0xffff, v11  }
0x82: {  	_ =	sdelay $0x3  }
0x83: {  	s2 =	sshra.s32 s2, $0x2;
	[tilespmem:v10+s18+$0x0] =	vst.idx.add.s32.msk $0xffff, v4  }
0x84: {  	v10 =	vld [tilespmem:s2+$0x1DA00]  }
0x85: {  	v11 =	vld [tilespmem:s2+$0x1DD80];
	_ =	sdelay $0x3  }
0x86: {  	v10 =	vshll.u32 v10, $0x8  }
0x87: {  	v10 =	vadd.s32 v10, v11  }
0x88: {  	v10 =	vadd.s32 $0xFFFF3CB0, v10  }
0x89: {  	[tilespmem:v9+s2+$0x0 ss:$0x1] =	vst.idx.msk $0xffff, v10  }
0x8a: {  	vm0 =	vgt.s32 v10, $0x0;
	v9 =	vld [tilespmem:s2+$0x1E100]  }
0x8b: {  	v10 =	vnsel vm0, $0x0, v10  }
0x8c: {  	v10 =	vshrl.u32 v10, $0xF;
	_ =	sdelay $0x1  }
0x8d: {  	p1 =	seq.s32 s14, $0x7  }
0x8e: {  	s7 =	sadd.s32 @!p1 s15, s25;
	v9 =	vmax.f32 v9, $0.0e+00  }
0x8f: {  	[tilespmem:v8+s2+$0x0 ss:$0x1] =	vst.idx.msk $0xffff, v9;
	s2 =	sshrl.u32 @!p1 s7, $0x3  }
0x90: {  	s8 =	simm.s32 @!p1 $0x0;
	s9 =	simm.s32 @!p1 $0x1DA00;
	[tilespmem:v10+s18+$0x0] =	vst.idx.add.s32.msk $0xffff, v4;
	s7 =	sadd.s32 @!p1 s20, s2  }
0x91: {  	[tilespmem:s9], [sflag:$0x3] =	stream.linear.gather @!p1 [hbm4b:s7+s8], $0x310, $0x38;
	[tilespmem:$0x1FB00] =	vst v63  }
0x92: {  	s7 =	sadd.s32 @!p1 s21, s2;
	s9 =	simm.s32 @!p1 $0x1DD80  }
0x93: {  	[tilespmem:s9], [sflag:$0x3] =	stream.linear.gather @!p1 [hbm4b:s7+s8], $0x310, $0x38;
	[tilespmem:$0x1FB00] =	vst v63  }
0x94: {  	s19 =	simm.s32 $0x4;
	s2 =	sadd.s32 @!p1 s24, s2;
	s7 =	simm.s32 @!p1 $0x1E100  }
0x95: {  	[tilespmem:s7], [sflag:$0x3] =	stream.linear.gather @!p1 [hbm4b:s2+s8], $0x310, $0x38;
	[tilespmem:$0x1FB00] =	vst v63  }
0x96: {  	_ =	swait.ge [sflag:s19], $0x310  }
0x97: {  	[sflag:s19] =	ssyncset.done $0x0  }
0x98: {  	[sflag:s19] =	ssyncadd.s32 $0xFFFFFCF0  }
0x99: {  	_ =	swait.ge [sflag:s19], $0x310  }
0x9a: {  	[sflag:s19] =	ssyncset.done $0x0  }
0x9b: {  	[sflag:s19] =	ssyncadd.s32 $0xFFFFFCF0  }
0x9c: {  	_ =	swait.ge [sflag:s19], $0x310  }
0x9d: {  	[sflag:s19] =	ssyncset.done $0x0  }
0x9e: {  	s26 =	simm.s32 $0x0;
	[sflag:s19] =	ssyncadd.s32 $0xFFFFFCF0  }
0x9f: {  	v9 =	vld [tilespmem:s26+$0x1E480]  }
0xa0: {  	v10 =	vld [tilespmem:s26+$0x1E800];
	_ =	sdelay $0x1  }
0xa1: {  	v8 =	vmov s1;
	_ =	sdelay $0x1  }
0xa2: {  	v9 =	vshll.u32 v9, $0x8  }
0xa3: {  	v9 =	vadd.s32 v9, v10  }
0xa4: {  	v10 =	vadd.s32 $0xFFFF3CB0, v9  }
0xa5: {  	[tilespmem:v8+s26+$0x0 ss:$0x1] =	vst.idx.msk $0xffff, v10  }
0xa6: {  	v11 =	vld [tilespmem:s26+$0x1EB80]  }
0xa7: {  	v9 =	vmov s3;
	vm15 =	vgt.s32 v10, $0x0  }
0xa8: {  	v10 =	vnsel vm15, $0x0, v10  }
0xa9: {  	v10 =	vshrl.u32 v10, $0xF;
	_ =	sdelay $0x1  }
0xaa: {  	v11 =	vmax.f32 v11, $0.0e+00  }
0xab: {  	s2 =	simm.s32 $0x40;
	s7 =	simm.s32 $0x80;
	[tilespmem:v9+s26+$0x0 ss:$0x1] =	vst.idx.msk $0xffff, v11  }
.LBB2_5:
0xac: {  	p2 =	sne.s32 s7, $0xC00  }
0xad: {  	s8 =	sshra.s32 s2, $0x2;
	[tilespmem:v10+s18+$0x0] =	vst.idx.add.s32.msk $0xffff, v4;
	s2 =	smov.u32 s7;
	s7 =	sadd.s32 $0x40, s7  }
0xae: {  	v10 =	vld [tilespmem:s8+$0x1E480]  }
0xaf: {  	v11 =	vld [tilespmem:s8+$0x1E800];
	_ =	sdelay $0x3  }
0xb0: {  	v10 =	vshll.u32 v10, $0x8  }
0xb1: {  	v10 =	vadd.s32 v10, v11  }
0xb2: {  	v10 =	vadd.s32 $0xFFFF3CB0, v10  }
0xb3: {  	[tilespmem:v8+s8+$0x0 ss:$0x1] =	vst.idx.msk $0xffff, v10;
	vm0 =	vgt.s32 v10, $0x0  }
0xb4: {  	v11 =	vld [tilespmem:s8+$0x1EB80];
	v10 =	vnsel vm0, $0x0, v10;
	_ =	sdelay $0x1  }
.Ltmp3:
0xb5: {  	v10 =	vshrl.u32 v10, $0xF;
	(pc) =	sbr.rel @p2 .LBB2_5-.Ltmp3, $3  }
0xb6: {  	_ =	sdelay $0x1  }
0xb7: {  	v11 =	vmax.f32 v11, $0.0e+00  }
0xb8: {  	[tilespmem:v9+s8+$0x0 ss:$0x1] =	vst.idx.msk $0xffff, v11  }
0xb9: {  	_ =	sdelay $0x3  }
0xba: {  	s2 =	sshra.s32 s2, $0x2;
	[tilespmem:v10+s18+$0x0] =	vst.idx.add.s32.msk $0xffff, v4  }
0xbb: {  	v10 =	vld [tilespmem:s2+$0x1E480]  }
0xbc: {  	v11 =	vld [tilespmem:s2+$0x1E800];
	_ =	sdelay $0x3  }
0xbd: {  	v10 =	vshll.u32 v10, $0x8  }
0xbe: {  	v10 =	vadd.s32 v10, v11  }
0xbf: {  	v10 =	vadd.s32 $0xFFFF3CB0, v10  }
0xc0: {  	[tilespmem:v8+s2+$0x0 ss:$0x1] =	vst.idx.msk $0xffff, v10  }
0xc1: {  	vm0 =	vgt.s32 v10, $0x0;
	v8 =	vld [tilespmem:s2+$0x1EB80]  }
0xc2: {  	v10 =	vnsel vm0, $0x0, v10  }
0xc3: {  	v10 =	vshrl.u32 v10, $0xF  }
.Ltmp4:
0xc4: {  	_ = 	snop;
	(pc) =	sbr.rel @p1 .LBB2_8-.Ltmp4, $4  }
0xc5: {  	_ = 	snop  }
0xc6: {  	v8 =	vmax.f32 v8, $0.0e+00  }
0xc7: {  	[tilespmem:v9+s2+$0x0 ss:$0x1] =	vst.idx.msk $0xffff, v8  }
0xc8: {  	s16 =	simm.s32 $0x0;
	[tilespmem:v10+s18+$0x0] =	vst.idx.add.s32.msk $0xffff, v4  }
0xc9: {  	s2 =	rddreg [dreg:$0x11]  }
0xca: {  	s2 =	sadd.s32 s15, s2  }
0xcb: {  	s2 =	sshrl.u32 s2, $0x3  }
0xcc: {  	s8 =	simm.s32 $0x1E480;
	s19 =	simm.s32 $0x1E800;
	s7 =	sadd.s32 s20, s2  }
0xcd: {  	[tilespmem:s8], [sflag:$0x4] =	stream.linear.gather [hbm4b:s7+s10], $0x310, $0x38;
	[tilespmem:$0x1FB00] =	vst v63  }
.Ltmp5:
0xce: {  	s26 =	simm.s32 $0x1EB80;
	s14 =	sadd.s32 $0x1, s14;
	(pc) =	sbr.rel .LBB2_2-.Ltmp5, $4  }
0xcf: {  	s4 =	sadd.s32 $0x620, s4;
	s0 =	sadd.s32 $0x620, s0;
	s17 =	sadd.s32 s21, s2  }
0xd0: {  	[tilespmem:s19], [sflag:$0x4] =	stream.linear.gather [hbm4b:s17+s10], $0x310, $0x38;
	[tilespmem:$0x1FB00] =	vst v63  }
0xd1: {  	s1 =	sadd.s32 $0x620, s1;
	s3 =	sadd.s32 $0x620, s3;
	s2 =	sadd.s32 s24, s2  }
0xd2: {  	[tilespmem:s26], [sflag:$0x4] =	stream.linear.gather [hbm4b:s2+s10], $0x310, $0x38;
	[tilespmem:$0x1FB00] =	vst v63  }
.LBB2_8:
0xd3: {  	s4 =	simm.s32 $0x0  }
0xd4: {  	v8 =	vld [tilespmem:s4+$0x1EF00];
	_ =	sdelay $0x4  }
0xd5: {  	v8 =	vadd.s32 $0x7, v8  }
0xd6: {  	s2 =	simm.s32 $0x10;
	v8 =	vand.u32 $0xFFFFFFF8, v8  }
0xd7: {  	s0 =	simm.s32 $0x20;
	v9 =	vld [tilespmem:s2+$0x1EF00];
	[tilespmem:s4+$0x1F100] =	vst v8  }
0xd8: {  	v10 =	vld [tilespmem:s0+$0x1EF00];
	_ =	sdelay $0x2  }
0xd9: {  	(xrf0) =	vadd.scan.msk.s32 $0xffff, v8  }
0xda: {  	v9 =	vadd.s32 $0x7, v9  }
0xdb: {  	v9 =	vand.u32 $0xFFFFFFF8, v9;
	v10 =	vadd.s32 $0x7, v10  }
0xdc: {  	(xrf0) =	vadd.scan.msk.s32 $0xffff, v9;
	v10 =	vand.u32 $0xFFFFFFF8, v10  }
0xdd: {  	(xrf0) =	vadd.scan.msk.s32 $0xffff, v10;
	_ =	sdelay $0x1  }
0xde: {  	v12, _, _ =	vpop (xrf0)  }
0xdf: {  	(v2sf) =	vpush v12, $0xF;
	_ =	sdelay $0x1  }
0xe0: {  	v61, _, _ =	vpop (xrf0)  }
0xe1: {  	s1 =	simm.s32 $0x30;
	[tilespmem:s2+$0x1F100] =	vst v9;
	(v2sf) =	vpush v61, $0xF;
	v63, _, _ =	vpop (xrf0)  }
0xe2: {  	v11 =	vld [tilespmem:s1+$0x1EF00];
	(v2sf) =	vpush v63, $0xF;
	_ =	sdelay $0x4  }
0xe3: {  	s3 =	simm.s32 $0x40;
	v13 =	vadd.s32 $0x7, v11;
	[tilespmem:s0+$0x1F100] =	vst v10  }
0xe4: {  	v14 =	vsub.s32 v12, v8;
	v8 =	vand.u32 $0xFFFFFFF8, v13;
	v11 =	vld [tilespmem:s3+$0x1EF00]  }
0xe5: {  	v62 =	vadd.s32 s16, v14;
	[tilespmem:s1+$0x1F100] =	vst v8;
	(xrf0) =	vadd.scan.msk.s32 $0xffff, v8  }
0xe6: {  	[tilespmem:s4+$0x1F300] =	vst v62  }
0xe7: {  	s7 =	simm.s32 $0x140;
	v9 =	vsub.s32 v61, v9;
	[tilespmem:s4+$0x1F500] =	vst v62;
	s4 =	simm.s32 $0x0;
	v10 =	vsub.s32 v63, v10  }
.LBB2_9:
0xe8: {  	s8 =	smov.u32 s3;
	s3 =	sshra.s32 s7, $0x2;
	p1 =	sne.s32 s7, $0x7C0  }
.Ltmp6:
0xe9: {  	s7 =	sadd.s32 $0x40, s7;
	v12 =	vadd.s32 $0x7, v11;
	s9 =	spop (v2sf);
	(pc) =	sbr.rel @p1 .LBB2_9-.Ltmp6, $4  }
0xea: {  	v11 =	vld [tilespmem:s3+$0x1EF00];
	v12 =	vand.u32 $0xFFFFFFF8, v12;
	s4 =	sadd.s32 s4, s9  }
0xeb: {  	[tilespmem:s8+$0x1F100] =	vst v12;
	(xrf0) =	vadd.scan.msk.s32 $0xffff, v12;
	v13, _, _ =	vpop (xrf0);
	v14 =	vadd.s32 s4, v9;
	v9 =	vmov v10  }
0xec: {  	v10 =	vsub.s32 v13, v8;
	(v2sf) =	vpush v13, $0xF;
	[tilespmem:s2+$0x1F300] =	vst v14;
	v8 =	vmov v12  }
0xed: {  	[tilespmem:s2+$0x1F500] =	vst v14;
	s2 =	smov.u32 s0;
	s0 =	smov.u32 s1;
	s1 =	smov.u32 s8  }
0xee: {  	_ = 	snop  }
0xef: {  	v11 =	vadd.s32 $0x7, v11  }
0xf0: {  	v11 =	vand.u32 $0xFFFFFFF8, v11  }
0xf1: {  	(xrf0) =	vadd.scan.msk.s32 $0xffff, v11;
	_ =	sdelay $0x1  }
0xf2: {  	v12, _, _ =	vpop (xrf0)  }
0xf3: {  	(v2sf) =	vpush v12, $0xF;
	_ =	sdelay $0x2  }
0xf4: {  	v13, _, _ =	vpop (xrf0)  }
0xf5: {  	(v2sf) =	vpush v13, $0xF;
	_ =	sdelay $0x4  }
0xf6: {  	s7 =	spop (v2sf)  }
0xf7: {  	s4 =	sadd.s32 s4, s7  }
0xf8: {  	s21 =	spop (v2sf);
	v9 =	vadd.s32 s4, v9;
	[tilespmem:s3+$0x1F100] =	vst v11  }
0xf9: {  	s4 =	sadd.s32 s4, s21;
	[tilespmem:s2+$0x1F300] =	vst v9  }
0xfa: {  	v62 =	vadd.s32 s4, v10;
	[tilespmem:s2+$0x1F500] =	vst v9;
	s24 =	spop (v2sf)  }
0xfb: {  	v8 =	vsub.s32 v12, v8;
	[tilespmem:s0+$0x1F300] =	vst v62;
	s2 =	sadd.s32 s4, s24  }
0xfc: {  	[tilespmem:s0+$0x1F500] =	vst v62;
	v8 =	vadd.s32 s2, v8;
	s25 =	spop (v2sf)  }
0xfd: {  	v63 =	vsub.s32 v13, v11;
	[tilespmem:s1+$0x1F300] =	vst v8;
	s0 =	sadd.s32 s2, s25  }
0xfe: {  	[tilespmem:s1+$0x1F500] =	vst v8;
	v8 =	vadd.s32 s0, v63  }
0xff: {  	[tilespmem:s3+$0x1F300] =	vst v8  }
0x100: {  	s20 =	rddreg [dreg:$0x16];
	[tilespmem:s3+$0x1F500] =	vst v8;
	s26 =	spop (v2sf)  }
.LBB2_11:
0x101: {  	p1 =	sne.s32 s16, $0xEF00  }
.Ltmp7:
0x102: {  	s0 =	sshra.s32 s16, $0x2;
	(pc) =	sbr.rel @p1 .LBB2_11-.Ltmp7, $4  }
0x103: {  	[tilespmem:s0+$0x16200] =	vst v5  }
0x104: {  	[tilespmem:s0+$0x16210] =	vst v5  }
0x105: {  	[tilespmem:s0+$0x16220] =	vst v5  }
0x106: {  	s16 =	sadd.s32 $0x100, s16;
	[tilespmem:s0+$0x16230] =	vst v5  }
0x107: {  	s0 =	simm.s32 $0x0  }
0x108: {  	v8 =	vld [tilespmem:s0+$0x10000]  }
0x109: {  	s2 =	simm.s32 $0x19E00;
	v9 =	vld [tilespmem:s0+$0x13100];
	s0 =	simm.s32 $0x40  }
.LBB2_13:
0x10a: {  	p1 =	sne.s32 s0, $0xC3C0;
	_ =	sdelay $0x2  }
0x10b: {  	vm0 =	vgt.s32 v8, $0x0  }
0x10c: {  	v10 =	vnsel vm0, $0x0, v8  }
0x10d: {  	v10 =	vshrl.u32 v10, $0xF  }
0x10e: {  	(xrf1) =	vunique.msk.u32 $0xffff, v10;
	_ =	sdelay $0x8  }
0x10f: {  	v11 =	vld.idx.msk [tilespmem:v10+s22+$0x0], $0xffff;
	_ =	sdelay $0x4  }
0x110: {  	_, v12, _ =	vpop (xrf1)  }
0x111: {  	v11 =	vadd.s32 v12, v11  }
0x112: {  	v11 =	vadd.s32 $0xFFFFFFFF, v11;
	_ =	sdelay $0x4  }
.Ltmp8:
0x113: {  	[tilespmem:v11+s23+$0x0] =	vst.idx.msk $0xffff, v8;
	(pc) =	sbr.rel @p1 .LBB2_13-.Ltmp8, $4  }
0x114: {  	[tilespmem:v11+s2+$0x0] =	vst.idx.msk $0xffff, v9  }
0x115: {  	s1 =	sshra.s32 s0, $0x2;
	[tilespmem:v10+s22+$0x0] =	vst.idx.add.s32.msk $0xffff, v4  }
0x116: {  	v8 =	vld [tilespmem:s1+$0x10000]  }
0x117: {  	s0 =	sadd.s32 $0x40, s0;
	v9 =	vld [tilespmem:s1+$0x13100]  }
0x118: {  	_ =	sdelay $0x2  }
0x119: {  	vm0 =	vgt.s32 v8, $0x0  }
0x11a: {  	v10 =	vnsel vm0, $0x0, v8  }
0x11b: {  	v10 =	vshrl.u32 v10, $0xF  }
0x11c: {  	(xrf1) =	vunique.msk.u32 $0xffff, v10;
	_ =	sdelay $0x9  }
0x11d: {  	v11 =	vld.idx.msk [tilespmem:v10+s22+$0x0], $0xffff;
	_ =	sdelay $0x3  }
0x11e: {  	_, v12, _ =	vpop (xrf1)  }
0x11f: {  	v11 =	vadd.s32 v12, v11  }
0x120: {  	v11 =	vadd.s32 $0xFFFFFFFF, v11;
	_ =	sdelay $0x4  }
0x121: {  	[tilespmem:v11+s23+$0x0] =	vst.idx.msk $0xffff, v8  }
0x122: {  	[tilespmem:v11+s2+$0x0] =	vst.idx.msk $0xffff, v9  }
0x123: {  	s0 =	simm.s32 $0x0;
	s1 =	rddreg [dreg:$0x12];
	[tilespmem:v10+s22+$0x0] =	vst.idx.add.s32.msk $0xffff, v4  }
0x124: {  	[hbm4b:s1+s0] =	stream.linear.scatter [tilespmem:s23], [sflag:$0x7], $0x3C00, $0x38;
	[tilespmem:$0x1FB00] =	vst v63  }
0x125: {  	_ =	swait.ge [sflag:s28], $0x3C00  }
0x126: {  	[sflag:s28] =	ssyncset.done $0x0  }
0x127: {  	s14 =	rddreg [dreg:$0x13];
	[sflag:s28] =	ssyncadd.s32 $0xFFFFC400  }
0x128: {  	[hbm4b:s14+s0] =	stream.linear.scatter [tilespmem:s2], [sflag:$0x7], $0x3C00, $0x38;
	[tilespmem:$0x1FB00] =	vst v63  }
0x129: {  	_ =	swait.ge [sflag:s28], $0x3C00  }
0x12a: {  	[sflag:s28] =	ssyncset.done $0x0  }
0x12b: {  	s16 =	simm.s32 $0x1F300;
	s15 =	rddreg [dreg:$0x14];
	[sflag:s28] =	ssyncadd.s32 $0xFFFFC400  }
0x12c: {  	[spmem:s15] =	stream.linear.scatter [tilespmem:s16], [sflag:$0x7], $0x200, $0x38;
	[tilespmem:$0x1FB00] =	vst v63  }
0x12d: {  	_ =	swait.ge [sflag:s28], $0x200  }
0x12e: {  	[sflag:s28] =	ssyncset.done $0x0  }
0x12f: {  	s19 =	simm.s32 $0x1F100;
	s17 =	rddreg [dreg:$0x15];
	[sflag:s28] =	ssyncadd.s32 $0xFFFFFE00  }
0x130: {  	[spmem:s17] =	stream.linear.scatter [tilespmem:s19], [sflag:$0x7], $0x200, $0x38;
	[tilespmem:$0x1FB00] =	vst v63  }
0x131: {  	_ =	swait.ge [sflag:s28], $0x200  }
0x132: {  	[sflag:s28] =	ssyncset.done $0x0  }
0x133: {  	[sflag:s28] =	ssyncadd.s32 $0xFFFFFE00  }
0x134: {  	[bflag:$0x0] =	sbarrier.arrive $0xFFFF  }
0x135: {  	s21 =	rddreg [dreg:$0x6]  }
0x136: {  	[tilespmem:s29], [sflag:$0x7] =	stream.linear.gather [spmem:s21], $0x2000, $0x38;
	[tilespmem:$0x1FB00] =	vst v63  }
0x137: {  	_ =	swait.ge [sflag:s28], $0x2000  }
0x138: {  	[sflag:s28] =	ssyncset.done $0x0  }
0x139: {  	s3 =	rddreg [dreg:$0x9];
	[sflag:s28] =	ssyncadd.s32 $0xFFFFE000  }
0x13a: {  	s25 =	simm.s32 $0x17A00;
	v8 =	vmov s3;
	s24 =	rddreg [dreg:$0x7]  }
0x13b: {  	[tilespmem:s25], [sflag:$0x7] =	stream.linear.gather [spmem:s24], $0x2000, $0x38;
	[tilespmem:$0x1FB00] =	vst v63  }
0x13c: {  	_ =	swait.ge [sflag:s28], $0x2000  }
0x13d: {  	[sflag:s28] =	ssyncset.done $0x0  }
0x13e: {  	[sflag:s28] =	ssyncadd.s32 $0xFFFFE000  }
0x13f: {  	v8 =	vld.idx.msk [tilespmem:v8+s29+$0x0], $0xffff;
	_ =	sdelay $0x4  }
0x140: {  	(v2sf) =	vpush v8, $0x0;
	_ =	sdelay $0xd  }
0x141: {  	s7 =	simm.s32 $0x0  }
0x142: {  	s4 =	simm.s32 $0x800;
	s11 =	rddreg [dreg:$0x1c];
	s26 =	spop (v2sf)  }
0x143: {  	s8 =	simm.s32 $0x16200;
	s3 =	sadd.s32 $0x200, s3;
	s2 =	sadd.s32 s11, s26  }
0x144: {  	s1 =	simm.s32 $0x400;
	v8 =	vmov s3;
	s9 =	sshrl.u32 s2, $0x3;
	s2 =	smov.u32 s11  }
.LBB2_15:
0x145: {  	p1 =	sne.s32 s4, $0x3C00;
	s11 =	sadd.s32 s5, s9;
	s9 =	sadd.s32 s6, s9  }
0x146: {  	[tilespmem:s8], [sflag:$0x1] =	stream.linear.gather [hbm4b:s11+s0], $0x100, $0x38;
	[tilespmem:$0x1FB00] =	vst v63  }
0x147: {  	s7 =	sadd.s32 $0x19E00, s7;
	s8 =	smov.u32 s1;
	s1 =	smov.u32 s4  }
0x148: {  	[tilespmem:s7], [sflag:$0x2] =	stream.linear.gather [hbm4b:s9+s0], $0x100, $0x38;
	[tilespmem:$0x1FB00] =	vst v63  }
0x149: {  	v8 =	vld.idx.msk [tilespmem:v8+s29+$0x0], $0xffff;
	_ =	sdelay $0x5  }
0x14a: {  	(v2sf) =	vpush v8, $0x0;
	_ =	sdelay $0xc  }
.Ltmp9:
0x14b: {  	(pc) =	sbr.rel @p1 .LBB2_15-.Ltmp9, $4  }
0x14c: {  	_ = 	snop  }
0x14d: {  	s2 =	sadd.s32 $0x3C00, s2;
	s9 =	spop (v2sf)  }
0x14e: {  	s3 =	sadd.s32 $0x200, s3;
	s7 =	sshra.s32 s8, $0x2;
	s9 =	sadd.s32 s2, s9  }
0x14f: {  	s4 =	sadd.s32 $0x400, s4;
	s8 =	sadd.s32 $0x16200, s7;
	v8 =	vmov s3;
	s9 =	sshrl.u32 s9, $0x3  }
0x150: {  	s3 =	sadd.s32 s5, s9  }
0x151: {  	[tilespmem:s8], [sflag:$0x1] =	stream.linear.gather [hbm4b:s3+s0], $0x100, $0x38;
	[tilespmem:$0x1FB00] =	vst v63  }
0x152: {  	s16 =	sadd.s32 s6, s9;
	s4 =	sadd.s32 $0x19E00, s7  }
0x153: {  	[tilespmem:s4], [sflag:$0x2] =	stream.linear.gather [hbm4b:s16+s0], $0x100, $0x38;
	[tilespmem:$0x1FB00] =	vst v63  }
0x154: {  	v8 =	vld.idx.msk [tilespmem:v8+s29+$0x0], $0xffff;
	_ =	sdelay $0x4  }
0x155: {  	(v2sf) =	vpush v8, $0x0;
	_ =	sdelay $0xe  }
0x156: {  	s2 =	sadd.s32 $0x3C00, s2;
	s17 =	spop (v2sf)  }
0x157: {  	s2 =	sadd.s32 s2, s17  }
0x158: {  	s1 =	sshra.s32 s1, $0x2;
	s2 =	sshrl.u32 s2, $0x3  }
0x159: {  	s24 =	sand.u32 $0x7800, s0;
	s19 =	sadd.s32 $0x16200, s1;
	s21 =	sadd.s32 s5, s2  }
0x15a: {  	[tilespmem:s19], [sflag:$0x1] =	stream.linear.gather [hbm4b:s21+s0], $0x100, $0x38;
	[tilespmem:$0x1FB00] =	vst v63  }
0x15b: {  	s25 =	sand.u32 $0x380, s0;
	s1 =	sadd.s32 $0x19E00, s1;
	s2 =	sadd.s32 s6, s2  }
0x15c: {  	[tilespmem:s1], [sflag:$0x2] =	stream.linear.gather [hbm4b:s2+s0], $0x100, $0x38;
	[tilespmem:$0x1FB00] =	vst v63  }
0x15d: {  	s0 =	sor.u32 s25, s24  }
0x15e: {  	[tilespmem:s0+$0x470] =	vst v6  }
0x15f: {  	[tilespmem:s0+$0x0] =	vst v6  }
0x160: {  	[tilespmem:s0+$0x10] =	vst v6  }
0x161: {  	[tilespmem:s0+$0x20] =	vst v6  }
0x162: {  	[tilespmem:s0+$0x30] =	vst v6  }
0x163: {  	[tilespmem:s0+$0x40] =	vst v6  }
0x164: {  	[tilespmem:s0+$0x50] =	vst v6  }
0x165: {  	[tilespmem:s0+$0x60] =	vst v6  }
0x166: {  	[tilespmem:s0+$0x70] =	vst v6  }
0x167: {  	[tilespmem:s0+$0x400] =	vst v6  }
0x168: {  	[tilespmem:s0+$0x410] =	vst v6  }
0x169: {  	[tilespmem:s0+$0x420] =	vst v6  }
0x16a: {  	[tilespmem:s0+$0x430] =	vst v6  }
0x16b: {  	s26 =	simm.s32 $0x100;
	s1 =	simm.s32 $0x80;
	[tilespmem:s0+$0x440] =	vst v6  }
0x16c: {  	s3 =	sand.u32 $0x7800, s26;
	s2 =	simm.s32 $0x200;
	s4 =	sand.u32 $0x380, s1;
	[tilespmem:s0+$0x450] =	vst v6  }
.LBB2_17:
0x16d: {  	p1 =	sne.s32 s2, $0x7F00;
	[tilespmem:s0+$0x460] =	vst v6;
	s0 =	sor.u32 s4, s3  }
0x16e: {  	[tilespmem:s0+$0x470] =	vst v6  }
0x16f: {  	[tilespmem:s0+$0x0] =	vst v6  }
0x170: {  	[tilespmem:s0+$0x10] =	vst v6  }
0x171: {  	[tilespmem:s0+$0x20] =	vst v6  }
0x172: {  	[tilespmem:s0+$0x30] =	vst v6  }
0x173: {  	[tilespmem:s0+$0x40] =	vst v6  }
0x174: {  	[tilespmem:s0+$0x50] =	vst v6  }
0x175: {  	[tilespmem:s0+$0x60] =	vst v6  }
0x176: {  	[tilespmem:s0+$0x70] =	vst v6  }
0x177: {  	[tilespmem:s0+$0x400] =	vst v6  }
.Ltmp10:
0x178: {  	[tilespmem:s0+$0x410] =	vst v6;
	(pc) =	sbr.rel @p1 .LBB2_17-.Ltmp10, $4  }
0x179: {  	[tilespmem:s0+$0x420] =	vst v6  }
0x17a: {  	[tilespmem:s0+$0x430] =	vst v6  }
0x17b: {  	s1 =	sadd.s32 $0x80, s1;
	[tilespmem:s0+$0x440] =	vst v6  }
0x17c: {  	s3 =	sand.u32 $0x7800, s2;
	s2 =	sadd.s32 $0x100, s2;
	s4 =	sand.u32 $0x380, s1;
	[tilespmem:s0+$0x450] =	vst v6  }
0x17d: {  	s1 =	sor.u32 s4, s3;
	[tilespmem:s0+$0x460] =	vst v6  }
0x17e: {  	[tilespmem:s1+$0x470] =	vst v6  }
0x17f: {  	[tilespmem:s1+$0x0] =	vst v6  }
0x180: {  	[tilespmem:s1+$0x10] =	vst v6  }
0x181: {  	[tilespmem:s1+$0x20] =	vst v6  }
0x182: {  	[tilespmem:s1+$0x30] =	vst v6  }
0x183: {  	[tilespmem:s1+$0x40] =	vst v6  }
0x184: {  	[tilespmem:s1+$0x50] =	vst v6  }
0x185: {  	[tilespmem:s1+$0x60] =	vst v6  }
0x186: {  	[tilespmem:s1+$0x70] =	vst v6  }
0x187: {  	[tilespmem:s1+$0x400] =	vst v6  }
0x188: {  	[tilespmem:s1+$0x410] =	vst v6  }
0x189: {  	[tilespmem:s1+$0x420] =	vst v6  }
0x18a: {  	[tilespmem:s1+$0x430] =	vst v6  }
0x18b: {  	[tilespmem:s1+$0x440] =	vst v6  }
0x18c: {  	[tilespmem:s1+$0x450] =	vst v6  }
0x18d: {  	[tilespmem:s1+$0x460] =	vst v6  }
0x18e: {  	_ =	swait.ge [sflag:s31], $0x100  }
0x18f: {  	[sflag:s31] =	ssyncset.done $0x0  }
0x190: {  	[sflag:s31] =	ssyncadd.s32 $0xFFFFFF00  }
0x191: {  	_ =	swait.ge [sflag:s30], $0x100  }
0x192: {  	[sflag:s30] =	ssyncset.done $0x0  }
0x193: {  	[sflag:s30] =	ssyncadd.s32 $0xFFFFFF00  }
0x194: {  	_ =	swait.ge [sflag:s31], $0x100  }
0x195: {  	[sflag:s31] =	ssyncset.done $0x0  }
0x196: {  	[sflag:s31] =	ssyncadd.s32 $0xFFFFFF00  }
0x197: {  	_ =	swait.ge [sflag:s30], $0x100  }
0x198: {  	[sflag:s30] =	ssyncset.done $0x0  }
0x199: {  	[sflag:s30] =	ssyncadd.s32 $0xFFFFFF00  }
0x19a: {  	_ =	swait.ge [sflag:s31], $0x100  }
0x19b: {  	[sflag:s31] =	ssyncset.done $0x0  }
0x19c: {  	[sflag:s31] =	ssyncadd.s32 $0xFFFFFF00  }
0x19d: {  	_ =	swait.ge [sflag:s30], $0x100  }
0x19e: {  	[sflag:s30] =	ssyncset.done $0x0  }
0x19f: {  	[sflag:s30] =	ssyncadd.s32 $0xFFFFFF00  }
0x1a0: {  	_ =	swait.ge [sflag:s31], $0x100  }
0x1a1: {  	[sflag:s31] =	ssyncset.done $0x0  }
0x1a2: {  	[sflag:s31] =	ssyncadd.s32 $0xFFFFFF00  }
0x1a3: {  	_ =	swait.ge [sflag:s30], $0x100  }
0x1a4: {  	[sflag:s30] =	ssyncset.done $0x0  }
0x1a5: {  	[sflag:s30] =	ssyncadd.s32 $0xFFFFFF00  }
0x1a6: {  	_ =	swait.ge [sflag:s31], $0x100  }
0x1a7: {  	[sflag:s31] =	ssyncset.done $0x0  }
0x1a8: {  	[sflag:s31] =	ssyncadd.s32 $0xFFFFFF00  }
0x1a9: {  	_ =	swait.ge [sflag:s30], $0x100  }
0x1aa: {  	[sflag:s30] =	ssyncset.done $0x0  }
0x1ab: {  	[sflag:s30] =	ssyncadd.s32 $0xFFFFFF00  }
0x1ac: {  	_ =	swait.ge [sflag:s31], $0x100  }
0x1ad: {  	[sflag:s31] =	ssyncset.done $0x0  }
0x1ae: {  	[sflag:s31] =	ssyncadd.s32 $0xFFFFFF00  }
0x1af: {  	_ =	swait.ge [sflag:s30], $0x100  }
0x1b0: {  	[sflag:s30] =	ssyncset.done $0x0  }
0x1b1: {  	[sflag:s30] =	ssyncadd.s32 $0xFFFFFF00  }
0x1b2: {  	_ =	swait.ge [sflag:s31], $0x100  }
0x1b3: {  	[sflag:s31] =	ssyncset.done $0x0  }
0x1b4: {  	[sflag:s31] =	ssyncadd.s32 $0xFFFFFF00  }
0x1b5: {  	_ =	swait.ge [sflag:s30], $0x100  }
0x1b6: {  	[sflag:s30] =	ssyncset.done $0x0  }
0x1b7: {  	[sflag:s30] =	ssyncadd.s32 $0xFFFFFF00  }
0x1b8: {  	_ =	swait.ge [sflag:s31], $0x100  }
0x1b9: {  	[sflag:s31] =	ssyncset.done $0x0  }
0x1ba: {  	[sflag:s31] =	ssyncadd.s32 $0xFFFFFF00  }
0x1bb: {  	_ =	swait.ge [sflag:s30], $0x100  }
0x1bc: {  	[sflag:s30] =	ssyncset.done $0x0  }
0x1bd: {  	[sflag:s30] =	ssyncadd.s32 $0xFFFFFF00  }
0x1be: {  	_ =	swait.ge [sflag:s31], $0x100  }
0x1bf: {  	[sflag:s31] =	ssyncset.done $0x0  }
0x1c0: {  	[sflag:s31] =	ssyncadd.s32 $0xFFFFFF00  }
0x1c1: {  	_ =	swait.ge [sflag:s30], $0x100  }
0x1c2: {  	[sflag:s30] =	ssyncset.done $0x0  }
0x1c3: {  	[sflag:s30] =	ssyncadd.s32 $0xFFFFFF00  }
0x1c4: {  	_ =	swait.ge [sflag:s31], $0x100  }
0x1c5: {  	[sflag:s31] =	ssyncset.done $0x0  }
0x1c6: {  	[sflag:s31] =	ssyncadd.s32 $0xFFFFFF00  }
0x1c7: {  	_ =	swait.ge [sflag:s30], $0x100  }
0x1c8: {  	[sflag:s30] =	ssyncset.done $0x0  }
0x1c9: {  	[sflag:s30] =	ssyncadd.s32 $0xFFFFFF00  }
0x1ca: {  	_ =	swait.ge [sflag:s31], $0x100  }
0x1cb: {  	[sflag:s31] =	ssyncset.done $0x0  }
0x1cc: {  	[sflag:s31] =	ssyncadd.s32 $0xFFFFFF00  }
0x1cd: {  	_ =	swait.ge [sflag:s30], $0x100  }
0x1ce: {  	[sflag:s30] =	ssyncset.done $0x0  }
0x1cf: {  	[sflag:s30] =	ssyncadd.s32 $0xFFFFFF00  }
0x1d0: {  	_ =	swait.ge [sflag:s31], $0x100  }
0x1d1: {  	[sflag:s31] =	ssyncset.done $0x0  }
0x1d2: {  	[sflag:s31] =	ssyncadd.s32 $0xFFFFFF00  }
0x1d3: {  	_ =	swait.ge [sflag:s30], $0x100  }
0x1d4: {  	[sflag:s30] =	ssyncset.done $0x0  }
0x1d5: {  	[sflag:s30] =	ssyncadd.s32 $0xFFFFFF00  }
0x1d6: {  	_ =	swait.ge [sflag:s31], $0x100  }
0x1d7: {  	[sflag:s31] =	ssyncset.done $0x0  }
0x1d8: {  	[sflag:s31] =	ssyncadd.s32 $0xFFFFFF00  }
0x1d9: {  	_ =	swait.ge [sflag:s30], $0x100  }
0x1da: {  	[sflag:s30] =	ssyncset.done $0x0  }
0x1db: {  	[sflag:s30] =	ssyncadd.s32 $0xFFFFFF00  }
0x1dc: {  	_ =	swait.ge [sflag:s31], $0x100  }
0x1dd: {  	[sflag:s31] =	ssyncset.done $0x0  }
0x1de: {  	[sflag:s31] =	ssyncadd.s32 $0xFFFFFF00  }
0x1df: {  	_ =	swait.ge [sflag:s30], $0x100  }
0x1e0: {  	[sflag:s30] =	ssyncset.done $0x0  }
0x1e1: {  	[sflag:s30] =	ssyncadd.s32 $0xFFFFFF00  }
0x1e2: {  	_ =	swait.ge [sflag:s31], $0x100  }
0x1e3: {  	[sflag:s31] =	ssyncset.done $0x0  }
0x1e4: {  	[sflag:s31] =	ssyncadd.s32 $0xFFFFFF00  }
0x1e5: {  	_ =	swait.ge [sflag:s30], $0x100  }
0x1e6: {  	[sflag:s30] =	ssyncset.done $0x0  }
0x1e7: {  	[sflag:s30] =	ssyncadd.s32 $0xFFFFFF00  }
0x1e8: {  	_ =	swait.ge [sflag:s31], $0x100  }
.Ltmp11:
0x1e9: {  	[sflag:s31] =	ssyncset.done $0x0;
	(pc) =	sbr.rel .LBB2_19-.Ltmp11, $4  }
0x1ea: {  	[sflag:s31] =	ssyncadd.s32 $0xFFFFFF00  }
0x1eb: {  	_ =	swait.ge [sflag:s30], $0x100  }
0x1ec: {  	s0 =	simm.s32 $0x0;
	s14 =	simm.s32 $0x19E00;
	[sflag:s30] =	ssyncset.done $0x0  }
0x1ed: {  	s3 =	simm.s32 $0x0;
	s1 =	simm.s32 $0x16200;
	[sflag:s30] =	ssyncadd.s32 $0xFFFFFF00  }
.LBB2_31:
0x1ee: {  	s3 =	sadd.s32 $0x1, s3  }
0x1ef: {  	p1 =	sne.s32 s3, $0x10  }
.Ltmp12:
0x1f0: {  	_ = 	snop;
	(pc) =	sbr.rel @!p1 .LBB2_32-.Ltmp12, $2  }
0x1f1: {  	_ =	sdelay $0x2  }
0x1f2: {  	s0 =	sadd.s32 $0x100, s0;
	s14 =	sadd.s32 $0x100, s14;
	s1 =	sadd.s32 $0x100, s1  }
.LBB2_19:
0x1f3: {  	s4 =	sshll.u32 s3, $0x9;
	s2 =	rddreg [dreg:$0x1d]  }
0x1f4: {  	s2 =	sadd.s32 s2, s4  }
0x1f5: {  	v8 =	vmov s2;
	_ =	sdelay $0x4  }
0x1f6: {  	v8 =	vld.idx.msk [tilespmem:v8+s23+$0x0], $0xffff;
	_ =	sdelay $0x4  }
0x1f7: {  	(v2sf) =	vpush v8, $0x0;
	_ =	sdelay $0xe  }
0x1f8: {  	s15 =	spop (v2sf)  }
0x1f9: {  	p1 =	slt.s32 s15, $0x100;
	s7 =	smov.u32 s15  }
0x1fa: {  	s7 =	simm.s32 @!p1 $0x100  }
0x1fb: {  	s26 =	sadd.s32 $0xF, s7  }
0x1fc: {  	s9 =	sshra.s32 s26, $0x4  }
0x1fd: {  	p1 =	slt.s32 s9, $0x1  }
.Ltmp13:
0x1fe: {  	_ = 	snop;
	(pc) =	sbr.rel @p1 .LBB2_25-.Ltmp13, $1  }
0x1ff: {  	_ =	sdelay $0x3  }
0x200: {  	p2 =	sne.s32 s9, $0x1  }
.Ltmp14:
0x201: {  	_ = 	snop;
	(pc) =	sbr.rel @!p2 .LBB2_21-.Ltmp14, $3  }
0x202: {  	_ =	sdelay $0x1  }
0x203: {  	s2 =	simm.s32 $0x0  }
0x204: {  	v9 =	vmov s7;
	s8 =	sadd.s32 $0x0, s0;
	s7 =	sadd.s32 $0xFFFFFFFF, s9;
	p1 =	por $0x0, $0x0  }
0x205: {  	s8 =	sand.u32 $0xFFFFFF80, s8;
	s9 =	sand.u32 $0x70, s2  }
0x206: {  	s8 =	sor.u32 s9, s8  }
0x207: {  	v10 =	vld [tilespmem:s8+$0x16200];
	_ =	sdelay $0x2  }
0x208: {  	v11 =	vor.u32 s2, v7  }
0x209: {  	vm0 =	vlt.s32 v11, v9  }
0x20a: {  	v11 =	vsub.s32 v10, v0;
	v12 =	vshll.u32 v10, $0x3;
	v13 =	vshrl.u32 v10, $0x1  }
0x20b: {  	p2 =	sne.s32 s7, $0x1;
	v10 =	vand.u32 $0x787F, v10;
	v12 =	vand.u32 $0x400, v12;
	vm1 =	vlt.u32 v11, $0x8000  }
.Ltmp15:
0x20c: {  	v11 =	vand.u32 $0x380, v13;
	v12 =	vor.u32 v12, v10;
	vm0 =	vmand vm0, vm1;
	(pc) =	sbr.rel @!p2 .LBB2_24-.Ltmp15, $3  }
0x20d: {  	v10 =	vld [tilespmem:s8+$0x19E00];
	v11 =	vor.u32 v11, v12;
	_ =	sdelay $0x1  }
0x20e: {  	s2 =	simm.s32 $0x10  }
0x20f: {  	s7 =	sadd.s32 $0xFFFFFFFF, s7;
	p1 =	por $0x1, $0x1;
	s8 =	sadd.s32 $0x10, s0  }
.LBB2_23:
0x210: {  	p2 =	sne.s32 s7, $0x1;
	s8 =	sand.u32 $0xFFFFFF80, s8;
	s9 =	sand.u32 $0x70, s2  }
0x211: {  	s8 =	sor.u32 s9, s8;
	[tilespmem:v11+s10+$0x0] =	vst.idx.add.f32.msk vm0, v10  }
0x212: {  	v10 =	vld [tilespmem:s8+$0x16200];
	_ =	sdelay $0x2  }
0x213: {  	v11 =	vor.u32 s2, v7  }
0x214: {  	vm0 =	vlt.s32 v11, v9  }
0x215: {  	v11 =	vsub.s32 v10, v0;
	v12 =	vshll.u32 v10, $0x3;
	v13 =	vshrl.u32 v10, $0x1  }
0x216: {  	v10 =	vand.u32 $0x787F, v10;
	vm1 =	vlt.u32 v11, $0x8000;
	v11 =	vand.u32 $0x400, v12  }
.Ltmp16:
0x217: {  	v12 =	vand.u32 $0x380, v13;
	vm0 =	vmand vm0, vm1;
	v11 =	vor.u32 v11, v10;
	(pc) =	sbr.rel @p2 .LBB2_23-.Ltmp16, $3  }
0x218: {  	v10 =	vld [tilespmem:s8+$0x19E00];
	v11 =	vor.u32 v12, v11;
	_ =	sdelay $0x1  }
0x219: {  	s2 =	sadd.s32 $0x10, s2  }
0x21a: {  	s7 =	sadd.s32 $0xFFFFFFFF, s7;
	s8 =	sadd.s32 s2, s0  }
.LBB2_24:
0x21b: {  	_ =	sdelay $0x3  }
0x21c: {  	s7 =	sand.u32 $0xFFFFFF80, s8;
	s26 =	sand.u32 $0x70, s2  }
0x21d: {  	s7 =	sor.u32 s26, s7;
	[tilespmem:v11+s10+$0x0] =	vst.idx.add.f32.msk @p1 vm0, v10  }
0x21e: {  	v10 =	vld [tilespmem:s7+$0x16200];
	_ =	sdelay $0x2  }
0x21f: {  	v11 =	vor.u32 s2, v7  }
0x220: {  	vm15 =	vlt.s32 v11, v9  }
0x221: {  	v9 =	vsub.s32 v10, v0;
	v11 =	vshll.u32 v10, $0x3;
	v12 =	vshrl.u32 v10, $0x1  }
0x222: {  	v10 =	vand.u32 $0x787F, v10;
	vm1 =	vlt.u32 v9, $0x8000;
	v9 =	vand.u32 $0x400, v11  }
0x223: {  	v11 =	vand.u32 $0x380, v12;
	vm0 =	vmand vm15, vm1;
	v9 =	vor.u32 v9, v10  }
0x224: {  	v10 =	vld [tilespmem:s7+$0x19E00];
	v9 =	vor.u32 v11, v9;
	_ =	sdelay $0x4  }
0x225: {  	[tilespmem:v9+s10+$0x0] =	vst.idx.add.f32.msk vm0, v10  }
.LBB2_25:
0x226: {  	p1 =	slt.s32 s15, $0x101  }
.Ltmp17:
0x227: {  	_ = 	snop;
	(pc) =	sbr.rel @p1 .LBB2_31-.Ltmp17, $1  }
0x228: {  	_ =	sdelay $0x3  }
0x229: {  	s2 =	rddreg [dreg:$0x9]  }
0x22a: {  	s2 =	sor.u32 s2, s4  }
0x22b: {  	v9 =	vmov s2;
	_ =	sdelay $0x4  }
0x22c: {  	v9 =	vld.idx.msk [tilespmem:v9+s29+$0x0], $0xffff;
	_ =	sdelay $0x4  }
0x22d: {  	(v2sf) =	vpush v9, $0x0;
	_ =	sdelay $0xb  }
0x22e: {  	v9 =	vmov s1  }
0x22f: {  	s25 =	sadd.s32 s13, s3;
	s26 =	sadd.s32 $0xFFFFFFFF, s15;
	s9 =	sshll.u32 s3, $0x8  }
0x230: {  	s11 =	simm.s32 $0x0;
	s16 =	simm.s32 $0x0;
	s2 =	smul.u32 $0x3C00, s25  }
0x231: {  	s4 =	sshrl.u32 s26, $0x8;
	s8 =	sadd.s32 $0x16200, s9;
	s7 =	spop (v2sf)  }
0x232: {  	v8 =	vbroadcast v8, $0x0;
	v10 =	vmov s14;
	s15 =	sadd.s32 s2, s7;
	s7 =	sadd.s32 $0x19E00, s9;
	s9 =	simm.s32 $0x100  }
.LBB2_28:
0x233: {  	s16 =	sadd.s32 $0x1, s16  }
0x234: {  	s2 =	sshll.u32 s16, $0x8  }
0x235: {  	s2 =	sadd.s32 s2, s15  }
0x236: {  	s2 =	sshrl.u32 s2, $0x3  }
0x237: {  	s17 =	sadd.s32 s5, s2  }
0x238: {  	[tilespmem:s8], [sflag:$0x7] =	stream.linear.gather [hbm4b:s17+s11], $0x100, $0x38;
	[tilespmem:$0x1FB00] =	vst v63  }
0x239: {  	_ =	swait.ge [sflag:s28], $0x100  }
0x23a: {  	[sflag:s28] =	ssyncset.done $0x0  }
0x23b: {  	s2 =	sadd.s32 s6, s2;
	[sflag:s28] =	ssyncadd.s32 $0xFFFFFF00  }
0x23c: {  	[tilespmem:s7], [sflag:$0x7] =	stream.linear.gather [hbm4b:s2+s11], $0x100, $0x38;
	[tilespmem:$0x1FB00] =	vst v63  }
0x23d: {  	_ =	swait.ge [sflag:s28], $0x100  }
0x23e: {  	[sflag:s28] =	ssyncset.done $0x0  }
0x23f: {  	s26 =	simm.s32 $0x0;
	[sflag:s28] =	ssyncadd.s32 $0xFFFFFF00  }
0x240: {  	v11 =	vld.idx.msk [tilespmem:v9+s26+$0x0 ss:$0x1], $0xffff;
	_ =	sdelay $0x2  }
0x241: {  	v12 =	vor.u32 s9, v7  }
0x242: {  	vm0 =	vlt.s32 v12, v8  }
0x243: {  	v60 =	vsub.s32 v11, v0;
	v13 =	vshll.u32 v11, $0x3;
	v14 =	vshrl.u32 v11, $0x1  }
0x244: {  	v11 =	vand.u32 $0x787F, v11;
	vm1 =	vlt.u32 v60, $0x8000;
	v61 =	vand.u32 $0x400, v13  }
0x245: {  	v62 =	vand.u32 $0x380, v14;
	vm0 =	vmand vm0, vm1;
	v11 =	vor.u32 v61, v11  }
0x246: {  	v63 =	vld.idx.msk [tilespmem:v10+s26+$0x0 ss:$0x1], $0xffff;
	v11 =	vor.u32 v62, v11;
	_ =	sdelay $0x4  }
0x247: {  	s19 =	simm.s32 $0x80;
	s17 =	smov.u32 s9;
	s2 =	simm.s32 $0x10;
	[tilespmem:v11+s10+$0x0] =	vst.idx.add.f32.msk vm0, v63  }
.LBB2_29:
0x248: {  	p1 =	seq.s32 s19, $0x3C0;
	v11 =	vld.idx.msk [tilespmem:v9+s2+$0x0 ss:$0x1], $0xffff;
	_ =	sdelay $0x2  }
0x249: {  	s17 =	sadd.s32 $0x10, s17  }
0x24a: {  	v12 =	vor.u32 s17, v7  }
0x24b: {  	vm0 =	vlt.s32 v12, v8  }
0x24c: {  	v12 =	vsub.s32 v11, v0;
	v13 =	vshll.u32 v11, $0x3;
	v14 =	vshrl.u32 v11, $0x1  }
0x24d: {  	v11 =	vand.u32 $0x787F, v11;
	vm1 =	vlt.u32 v12, $0x8000;
	v12 =	vand.u32 $0x400, v13  }
0x24e: {  	v14 =	vand.u32 $0x380, v14;
	vm0 =	vmand vm0, vm1;
	v11 =	vor.u32 v12, v11;
	v13 =	vld.idx.msk [tilespmem:v10+s2+$0x0 ss:$0x1], $0xffff  }
0x24f: {  	v11 =	vor.u32 v14, v11  }
.Ltmp18:
0x250: {  	(pc) =	sbr.rel @!p1 .LBB2_29-.Ltmp18, $2  }
0x251: {  	_ =	sdelay $0x2  }
0x252: {  	s2 =	sshra.s32 s19, $0x2;
	s19 =	sadd.s32 $0x40, s19;
	[tilespmem:v11+s10+$0x0] =	vst.idx.add.f32.msk vm0, v13  }
0x253: {  	_ =	sdelay $0x3  }
0x254: {  	v11 =	vld.idx.msk [tilespmem:v9+s2+$0x0 ss:$0x1], $0xffff;
	_ =	sdelay $0x1  }
0x255: {  	s17 =	sadd.s32 $0x10, s17  }
0x256: {  	v12 =	vor.u32 s17, v7  }
0x257: {  	vm0 =	vlt.s32 v12, v8  }
0x258: {  	v60 =	vsub.s32 v11, v0;
	v13 =	vshll.u32 v11, $0x3;
	v14 =	vshrl.u32 v11, $0x1  }
0x259: {  	v11 =	vand.u32 $0x787F, v11;
	vm1 =	vlt.u32 v60, $0x8000;
	v61 =	vand.u32 $0x400, v13  }
0x25a: {  	v62 =	vand.u32 $0x380, v14;
	vm0 =	vmand vm0, vm1;
	v11 =	vor.u32 v61, v11  }
0x25b: {  	v63 =	vld.idx.msk [tilespmem:v10+s2+$0x0 ss:$0x1], $0xffff;
	v11 =	vor.u32 v62, v11;
	_ =	sdelay $0x4  }
0x25c: {  	[tilespmem:v11+s10+$0x0] =	vst.idx.add.f32.msk vm0, v63  }
0x25d: {  	p1 =	seq.s32 s16, s4  }
.Ltmp19:
0x25e: {  	_ = 	snop;
	(pc) =	sbr.rel @!p1 .LBB2_28-.Ltmp19, $4  }
.Ltmp20:
0x25f: {  	_ = 	snop;
	(pc) =	sbr.rel @p1 .LBB2_31-.Ltmp20, $4  }
0x260: {  	_ = 	snop  }
0x261: {  	_ = 	snop  }
0x262: {  	s9 =	sadd.s32 $0x100, s9  }
0x263: {  	_ = 	snop  }
.LBB2_21:
.Ltmp21:
0x264: {  	(pc) =	sbr.rel .LBB2_24-.Ltmp21, $2  }
0x265: {  	_ =	sdelay $0x2  }
0x266: {  	_ = 	snop  }
.LBB2_32:
0x267: {  	v8 =	vmov s20;
	_ =	sdelay $0x2  }
0x268: {  	s0 =	simm.s32 $0x0;
	s1 =	rddreg [dreg:$0x18]  }
0x269: {  	[hbm4b:s1+s0] =	stream.linear.scatter [tilespmem:s0], [sflag:$0x5], $0x8000, $0x38;
	[tilespmem:$0x1FB00] =	vst v63  }
0x26a: {  	v8 =	vld.idx.msk [tilespmem:v8+s29+$0x0], $0xffff;
	_ =	sdelay $0x4  }
0x26b: {  	(v2sf) =	vpush v8, $0x0;
	_ =	sdelay $0xd  }
0x26c: {  	s7 =	simm.s32 $0x0  }
0x26d: {  	s11 =	rddreg [dreg:$0x1c];
	s3 =	sadd.s32 $0x200, s20;
	s2 =	spop (v2sf)  }
0x26e: {  	s4 =	simm.s32 $0x800;
	s8 =	simm.s32 $0x16200;
	s2 =	sadd.s32 s11, s2  }
0x26f: {  	s1 =	simm.s32 $0x400;
	v8 =	vmov s3;
	s9 =	sshrl.u32 s2, $0x3;
	s2 =	smov.u32 s11  }
.LBB2_33:
0x270: {  	p1 =	sne.s32 s4, $0x3C00;
	s11 =	sadd.s32 s5, s9;
	s9 =	sadd.s32 s6, s9  }
0x271: {  	[tilespmem:s8], [sflag:$0x1] =	stream.linear.gather [hbm4b:s11+s0], $0x100, $0x38;
	[tilespmem:$0x1FB00] =	vst v63  }
0x272: {  	s7 =	sadd.s32 $0x19E00, s7;
	s8 =	smov.u32 s1;
	s1 =	smov.u32 s4  }
0x273: {  	[tilespmem:s7], [sflag:$0x2] =	stream.linear.gather [hbm4b:s9+s0], $0x100, $0x38;
	[tilespmem:$0x1FB00] =	vst v63  }
0x274: {  	v8 =	vld.idx.msk [tilespmem:v8+s29+$0x0], $0xffff;
	_ =	sdelay $0x5  }
0x275: {  	(v2sf) =	vpush v8, $0x0;
	_ =	sdelay $0xc  }
.Ltmp22:
0x276: {  	(pc) =	sbr.rel @p1 .LBB2_33-.Ltmp22, $4  }
0x277: {  	_ = 	snop  }
0x278: {  	s2 =	sadd.s32 $0x3C00, s2;
	s9 =	spop (v2sf)  }
0x279: {  	s3 =	sadd.s32 $0x200, s3;
	s7 =	sshra.s32 s8, $0x2;
	s9 =	sadd.s32 s2, s9  }
0x27a: {  	s4 =	sadd.s32 $0x400, s4;
	s8 =	sadd.s32 $0x16200, s7;
	v8 =	vmov s3;
	s9 =	sshrl.u32 s9, $0x3  }
0x27b: {  	s3 =	sadd.s32 s5, s9  }
0x27c: {  	[tilespmem:s8], [sflag:$0x1] =	stream.linear.gather [hbm4b:s3+s0], $0x100, $0x38;
	[tilespmem:$0x1FB00] =	vst v63  }
0x27d: {  	s16 =	sadd.s32 s6, s9;
	s4 =	sadd.s32 $0x19E00, s7  }
0x27e: {  	[tilespmem:s4], [sflag:$0x2] =	stream.linear.gather [hbm4b:s16+s0], $0x100, $0x38;
	[tilespmem:$0x1FB00] =	vst v63  }
0x27f: {  	v8 =	vld.idx.msk [tilespmem:v8+s29+$0x0], $0xffff;
	_ =	sdelay $0x4  }
0x280: {  	(v2sf) =	vpush v8, $0x0;
	_ =	sdelay $0xe  }
0x281: {  	s2 =	sadd.s32 $0x3C00, s2;
	s17 =	spop (v2sf)  }
0x282: {  	s2 =	sadd.s32 s2, s17  }
0x283: {  	s1 =	sshra.s32 s1, $0x2;
	s2 =	sshrl.u32 s2, $0x3  }
0x284: {  	s24 =	sand.u32 $0x7800, s0;
	s19 =	sadd.s32 $0x16200, s1;
	s21 =	sadd.s32 s5, s2  }
0x285: {  	[tilespmem:s19], [sflag:$0x1] =	stream.linear.gather [hbm4b:s21+s0], $0x100, $0x38;
	[tilespmem:$0x1FB00] =	vst v63  }
0x286: {  	s25 =	sand.u32 $0x380, s0;
	s1 =	sadd.s32 $0x19E00, s1;
	s2 =	sadd.s32 s6, s2  }
0x287: {  	[tilespmem:s1], [sflag:$0x2] =	stream.linear.gather [hbm4b:s2+s0], $0x100, $0x38;
	[tilespmem:$0x1FB00] =	vst v63  }
0x288: {  	s0 =	sor.u32 s25, s24  }
0x289: {  	[tilespmem:s0+$0x8470] =	vst v6  }
0x28a: {  	[tilespmem:s0+$0x8000] =	vst v6  }
0x28b: {  	[tilespmem:s0+$0x8010] =	vst v6  }
0x28c: {  	[tilespmem:s0+$0x8020] =	vst v6  }
0x28d: {  	[tilespmem:s0+$0x8030] =	vst v6  }
0x28e: {  	[tilespmem:s0+$0x8040] =	vst v6  }
0x28f: {  	[tilespmem:s0+$0x8050] =	vst v6  }
0x290: {  	[tilespmem:s0+$0x8060] =	vst v6  }
0x291: {  	[tilespmem:s0+$0x8070] =	vst v6  }
0x292: {  	[tilespmem:s0+$0x8400] =	vst v6  }
0x293: {  	[tilespmem:s0+$0x8410] =	vst v6  }
0x294: {  	[tilespmem:s0+$0x8420] =	vst v6  }
0x295: {  	[tilespmem:s0+$0x8430] =	vst v6  }
0x296: {  	s26 =	simm.s32 $0x100;
	s1 =	simm.s32 $0x80;
	[tilespmem:s0+$0x8440] =	vst v6  }
0x297: {  	s3 =	sand.u32 $0x7800, s26;
	s2 =	simm.s32 $0x200;
	s4 =	sand.u32 $0x380, s1;
	[tilespmem:s0+$0x8450] =	vst v6  }
.LBB2_35:
0x298: {  	p1 =	sne.s32 s2, $0x7F00;
	[tilespmem:s0+$0x8460] =	vst v6;
	s0 =	sor.u32 s4, s3  }
0x299: {  	[tilespmem:s0+$0x8470] =	vst v6  }
0x29a: {  	[tilespmem:s0+$0x8000] =	vst v6  }
0x29b: {  	[tilespmem:s0+$0x8010] =	vst v6  }
0x29c: {  	[tilespmem:s0+$0x8020] =	vst v6  }
0x29d: {  	[tilespmem:s0+$0x8030] =	vst v6  }
0x29e: {  	[tilespmem:s0+$0x8040] =	vst v6  }
0x29f: {  	[tilespmem:s0+$0x8050] =	vst v6  }
0x2a0: {  	[tilespmem:s0+$0x8060] =	vst v6  }
0x2a1: {  	[tilespmem:s0+$0x8070] =	vst v6  }
0x2a2: {  	[tilespmem:s0+$0x8400] =	vst v6  }
.Ltmp23:
0x2a3: {  	[tilespmem:s0+$0x8410] =	vst v6;
	(pc) =	sbr.rel @p1 .LBB2_35-.Ltmp23, $4  }
0x2a4: {  	[tilespmem:s0+$0x8420] =	vst v6  }
0x2a5: {  	[tilespmem:s0+$0x8430] =	vst v6  }
0x2a6: {  	s1 =	sadd.s32 $0x80, s1;
	[tilespmem:s0+$0x8440] =	vst v6  }
0x2a7: {  	s3 =	sand.u32 $0x7800, s2;
	s2 =	sadd.s32 $0x100, s2;
	s4 =	sand.u32 $0x380, s1;
	[tilespmem:s0+$0x8450] =	vst v6  }
0x2a8: {  	s1 =	sor.u32 s4, s3;
	[tilespmem:s0+$0x8460] =	vst v6  }
0x2a9: {  	[tilespmem:s1+$0x8470] =	vst v6  }
0x2aa: {  	[tilespmem:s1+$0x8000] =	vst v6  }
0x2ab: {  	[tilespmem:s1+$0x8010] =	vst v6  }
0x2ac: {  	[tilespmem:s1+$0x8020] =	vst v6  }
0x2ad: {  	[tilespmem:s1+$0x8030] =	vst v6  }
0x2ae: {  	[tilespmem:s1+$0x8040] =	vst v6  }
0x2af: {  	[tilespmem:s1+$0x8050] =	vst v6  }
0x2b0: {  	[tilespmem:s1+$0x8060] =	vst v6  }
0x2b1: {  	[tilespmem:s1+$0x8070] =	vst v6  }
0x2b2: {  	[tilespmem:s1+$0x8400] =	vst v6  }
0x2b3: {  	[tilespmem:s1+$0x8410] =	vst v6  }
0x2b4: {  	[tilespmem:s1+$0x8420] =	vst v6  }
0x2b5: {  	[tilespmem:s1+$0x8430] =	vst v6  }
0x2b6: {  	[tilespmem:s1+$0x8440] =	vst v6  }
0x2b7: {  	[tilespmem:s1+$0x8450] =	vst v6  }
0x2b8: {  	[tilespmem:s1+$0x8460] =	vst v6  }
0x2b9: {  	_ =	swait.ge [sflag:s31], $0x100  }
0x2ba: {  	[sflag:s31] =	ssyncset.done $0x0  }
0x2bb: {  	[sflag:s31] =	ssyncadd.s32 $0xFFFFFF00  }
0x2bc: {  	_ =	swait.ge [sflag:s30], $0x100  }
0x2bd: {  	[sflag:s30] =	ssyncset.done $0x0  }
0x2be: {  	[sflag:s30] =	ssyncadd.s32 $0xFFFFFF00  }
0x2bf: {  	_ =	swait.ge [sflag:s31], $0x100  }
0x2c0: {  	[sflag:s31] =	ssyncset.done $0x0  }
0x2c1: {  	[sflag:s31] =	ssyncadd.s32 $0xFFFFFF00  }
0x2c2: {  	_ =	swait.ge [sflag:s30], $0x100  }
0x2c3: {  	[sflag:s30] =	ssyncset.done $0x0  }
0x2c4: {  	[sflag:s30] =	ssyncadd.s32 $0xFFFFFF00  }
0x2c5: {  	_ =	swait.ge [sflag:s31], $0x100  }
0x2c6: {  	[sflag:s31] =	ssyncset.done $0x0  }
0x2c7: {  	[sflag:s31] =	ssyncadd.s32 $0xFFFFFF00  }
0x2c8: {  	_ =	swait.ge [sflag:s30], $0x100  }
0x2c9: {  	[sflag:s30] =	ssyncset.done $0x0  }
0x2ca: {  	[sflag:s30] =	ssyncadd.s32 $0xFFFFFF00  }
0x2cb: {  	_ =	swait.ge [sflag:s31], $0x100  }
0x2cc: {  	[sflag:s31] =	ssyncset.done $0x0  }
0x2cd: {  	[sflag:s31] =	ssyncadd.s32 $0xFFFFFF00  }
0x2ce: {  	_ =	swait.ge [sflag:s30], $0x100  }
0x2cf: {  	[sflag:s30] =	ssyncset.done $0x0  }
0x2d0: {  	[sflag:s30] =	ssyncadd.s32 $0xFFFFFF00  }
0x2d1: {  	_ =	swait.ge [sflag:s31], $0x100  }
0x2d2: {  	[sflag:s31] =	ssyncset.done $0x0  }
0x2d3: {  	[sflag:s31] =	ssyncadd.s32 $0xFFFFFF00  }
0x2d4: {  	_ =	swait.ge [sflag:s30], $0x100  }
0x2d5: {  	[sflag:s30] =	ssyncset.done $0x0  }
0x2d6: {  	[sflag:s30] =	ssyncadd.s32 $0xFFFFFF00  }
0x2d7: {  	_ =	swait.ge [sflag:s31], $0x100  }
0x2d8: {  	[sflag:s31] =	ssyncset.done $0x0  }
0x2d9: {  	[sflag:s31] =	ssyncadd.s32 $0xFFFFFF00  }
0x2da: {  	_ =	swait.ge [sflag:s30], $0x100  }
0x2db: {  	[sflag:s30] =	ssyncset.done $0x0  }
0x2dc: {  	[sflag:s30] =	ssyncadd.s32 $0xFFFFFF00  }
0x2dd: {  	_ =	swait.ge [sflag:s31], $0x100  }
0x2de: {  	[sflag:s31] =	ssyncset.done $0x0  }
0x2df: {  	[sflag:s31] =	ssyncadd.s32 $0xFFFFFF00  }
0x2e0: {  	_ =	swait.ge [sflag:s30], $0x100  }
0x2e1: {  	[sflag:s30] =	ssyncset.done $0x0  }
0x2e2: {  	[sflag:s30] =	ssyncadd.s32 $0xFFFFFF00  }
0x2e3: {  	_ =	swait.ge [sflag:s31], $0x100  }
0x2e4: {  	[sflag:s31] =	ssyncset.done $0x0  }
0x2e5: {  	[sflag:s31] =	ssyncadd.s32 $0xFFFFFF00  }
0x2e6: {  	_ =	swait.ge [sflag:s30], $0x100  }
0x2e7: {  	[sflag:s30] =	ssyncset.done $0x0  }
0x2e8: {  	[sflag:s30] =	ssyncadd.s32 $0xFFFFFF00  }
0x2e9: {  	_ =	swait.ge [sflag:s31], $0x100  }
0x2ea: {  	[sflag:s31] =	ssyncset.done $0x0  }
0x2eb: {  	[sflag:s31] =	ssyncadd.s32 $0xFFFFFF00  }
0x2ec: {  	_ =	swait.ge [sflag:s30], $0x100  }
0x2ed: {  	[sflag:s30] =	ssyncset.done $0x0  }
0x2ee: {  	[sflag:s30] =	ssyncadd.s32 $0xFFFFFF00  }
0x2ef: {  	_ =	swait.ge [sflag:s31], $0x100  }
0x2f0: {  	[sflag:s31] =	ssyncset.done $0x0  }
0x2f1: {  	[sflag:s31] =	ssyncadd.s32 $0xFFFFFF00  }
0x2f2: {  	_ =	swait.ge [sflag:s30], $0x100  }
0x2f3: {  	[sflag:s30] =	ssyncset.done $0x0  }
0x2f4: {  	[sflag:s30] =	ssyncadd.s32 $0xFFFFFF00  }
0x2f5: {  	_ =	swait.ge [sflag:s31], $0x100  }
0x2f6: {  	[sflag:s31] =	ssyncset.done $0x0  }
0x2f7: {  	[sflag:s31] =	ssyncadd.s32 $0xFFFFFF00  }
0x2f8: {  	_ =	swait.ge [sflag:s30], $0x100  }
0x2f9: {  	[sflag:s30] =	ssyncset.done $0x0  }
0x2fa: {  	[sflag:s30] =	ssyncadd.s32 $0xFFFFFF00  }
0x2fb: {  	_ =	swait.ge [sflag:s31], $0x100  }
0x2fc: {  	[sflag:s31] =	ssyncset.done $0x0  }
0x2fd: {  	[sflag:s31] =	ssyncadd.s32 $0xFFFFFF00  }
0x2fe: {  	_ =	swait.ge [sflag:s30], $0x100  }
0x2ff: {  	[sflag:s30] =	ssyncset.done $0x0  }
0x300: {  	[sflag:s30] =	ssyncadd.s32 $0xFFFFFF00  }
0x301: {  	_ =	swait.ge [sflag:s31], $0x100  }
0x302: {  	[sflag:s31] =	ssyncset.done $0x0  }
0x303: {  	[sflag:s31] =	ssyncadd.s32 $0xFFFFFF00  }
0x304: {  	_ =	swait.ge [sflag:s30], $0x100  }
0x305: {  	[sflag:s30] =	ssyncset.done $0x0  }
0x306: {  	[sflag:s30] =	ssyncadd.s32 $0xFFFFFF00  }
0x307: {  	_ =	swait.ge [sflag:s31], $0x100  }
0x308: {  	[sflag:s31] =	ssyncset.done $0x0  }
0x309: {  	[sflag:s31] =	ssyncadd.s32 $0xFFFFFF00  }
0x30a: {  	_ =	swait.ge [sflag:s30], $0x100  }
0x30b: {  	[sflag:s30] =	ssyncset.done $0x0  }
0x30c: {  	[sflag:s30] =	ssyncadd.s32 $0xFFFFFF00  }
0x30d: {  	_ =	swait.ge [sflag:s31], $0x100  }
0x30e: {  	[sflag:s31] =	ssyncset.done $0x0  }
0x30f: {  	[sflag:s31] =	ssyncadd.s32 $0xFFFFFF00  }
0x310: {  	_ =	swait.ge [sflag:s30], $0x100  }
0x311: {  	[sflag:s30] =	ssyncset.done $0x0  }
0x312: {  	[sflag:s30] =	ssyncadd.s32 $0xFFFFFF00  }
0x313: {  	_ =	swait.ge [sflag:s31], $0x100  }
.Ltmp24:
0x314: {  	[sflag:s31] =	ssyncset.done $0x0;
	(pc) =	sbr.rel .LBB2_37-.Ltmp24, $4  }
0x315: {  	[sflag:s31] =	ssyncadd.s32 $0xFFFFFF00  }
0x316: {  	_ =	swait.ge [sflag:s30], $0x100  }
0x317: {  	s0 =	simm.s32 $0x0;
	s14 =	simm.s32 $0x19E00;
	[sflag:s30] =	ssyncset.done $0x0  }
0x318: {  	s3 =	simm.s32 $0x0;
	s1 =	simm.s32 $0x16200;
	[sflag:s30] =	ssyncadd.s32 $0xFFFFFF00  }
.LBB2_49:
0x319: {  	s3 =	sadd.s32 $0x1, s3  }
0x31a: {  	p1 =	sne.s32 s3, $0x10  }
.Ltmp25:
0x31b: {  	_ = 	snop;
	(pc) =	sbr.rel @!p1 .LBB2_50-.Ltmp25, $2  }
0x31c: {  	_ =	sdelay $0x2  }
0x31d: {  	s0 =	sadd.s32 $0x100, s0;
	s14 =	sadd.s32 $0x100, s14;
	s1 =	sadd.s32 $0x100, s1  }
.LBB2_37:
0x31e: {  	s4 =	sshll.u32 s3, $0x9;
	s2 =	rddreg [dreg:$0x1e]  }
0x31f: {  	s2 =	sadd.s32 s2, s4  }
0x320: {  	v8 =	vmov s2;
	_ =	sdelay $0x4  }
0x321: {  	v8 =	vld.idx.msk [tilespmem:v8+s23+$0x0], $0xffff;
	_ =	sdelay $0x4  }
0x322: {  	(v2sf) =	vpush v8, $0x0;
	_ =	sdelay $0xe  }
0x323: {  	s15 =	spop (v2sf)  }
0x324: {  	p1 =	slt.s32 s15, $0x100;
	s7 =	smov.u32 s15  }
0x325: {  	s7 =	simm.s32 @!p1 $0x100  }
0x326: {  	s26 =	sadd.s32 $0xF, s7  }
0x327: {  	s9 =	sshra.s32 s26, $0x4  }
0x328: {  	p1 =	slt.s32 s9, $0x1  }
.Ltmp26:
0x329: {  	_ = 	snop;
	(pc) =	sbr.rel @p1 .LBB2_43-.Ltmp26, $1  }
0x32a: {  	_ =	sdelay $0x3  }
0x32b: {  	p2 =	sne.s32 s9, $0x1  }
.Ltmp27:
0x32c: {  	_ = 	snop;
	(pc) =	sbr.rel @!p2 .LBB2_39-.Ltmp27, $3  }
0x32d: {  	_ =	sdelay $0x1  }
0x32e: {  	s2 =	simm.s32 $0x0  }
0x32f: {  	v9 =	vmov s7;
	s8 =	sadd.s32 $0x0, s0;
	s7 =	sadd.s32 $0xFFFFFFFF, s9;
	p1 =	por $0x0, $0x0  }
0x330: {  	s8 =	sand.u32 $0xFFFFFF80, s8;
	s9 =	sand.u32 $0x70, s2  }
0x331: {  	s8 =	sor.u32 s9, s8  }
0x332: {  	v10 =	vld [tilespmem:s8+$0x16200];
	_ =	sdelay $0x2  }
0x333: {  	v11 =	vor.u32 s2, v7  }
0x334: {  	vm0 =	vlt.s32 v11, v9  }
0x335: {  	v11 =	vsub.s32 v10, v1;
	v12 =	vshll.u32 v10, $0x3;
	v13 =	vshrl.u32 v10, $0x1  }
0x336: {  	p2 =	sne.s32 s7, $0x1;
	v10 =	vand.u32 $0x787F, v10;
	v12 =	vand.u32 $0x400, v12;
	vm1 =	vlt.u32 v11, $0x8000  }
.Ltmp28:
0x337: {  	v11 =	vand.u32 $0x380, v13;
	v12 =	vor.u32 v12, v10;
	vm0 =	vmand vm0, vm1;
	(pc) =	sbr.rel @!p2 .LBB2_42-.Ltmp28, $3  }
0x338: {  	v10 =	vld [tilespmem:s8+$0x19E00];
	v11 =	vor.u32 v11, v12;
	_ =	sdelay $0x1  }
0x339: {  	s2 =	simm.s32 $0x10  }
0x33a: {  	s7 =	sadd.s32 $0xFFFFFFFF, s7;
	p1 =	por $0x1, $0x1;
	s8 =	sadd.s32 $0x10, s0  }
.LBB2_41:
0x33b: {  	p2 =	sne.s32 s7, $0x1;
	s8 =	sand.u32 $0xFFFFFF80, s8;
	s9 =	sand.u32 $0x70, s2  }
0x33c: {  	s8 =	sor.u32 s9, s8;
	[tilespmem:v11+s12+$0x0] =	vst.idx.add.f32.msk vm0, v10  }
0x33d: {  	v10 =	vld [tilespmem:s8+$0x16200];
	_ =	sdelay $0x2  }
0x33e: {  	v11 =	vor.u32 s2, v7  }
0x33f: {  	vm0 =	vlt.s32 v11, v9  }
0x340: {  	v11 =	vsub.s32 v10, v1;
	v12 =	vshll.u32 v10, $0x3;
	v13 =	vshrl.u32 v10, $0x1  }
0x341: {  	v10 =	vand.u32 $0x787F, v10;
	vm1 =	vlt.u32 v11, $0x8000;
	v11 =	vand.u32 $0x400, v12  }
.Ltmp29:
0x342: {  	v12 =	vand.u32 $0x380, v13;
	vm0 =	vmand vm0, vm1;
	v11 =	vor.u32 v11, v10;
	(pc) =	sbr.rel @p2 .LBB2_41-.Ltmp29, $3  }
0x343: {  	v10 =	vld [tilespmem:s8+$0x19E00];
	v11 =	vor.u32 v12, v11;
	_ =	sdelay $0x1  }
0x344: {  	s2 =	sadd.s32 $0x10, s2  }
0x345: {  	s7 =	sadd.s32 $0xFFFFFFFF, s7;
	s8 =	sadd.s32 s2, s0  }
.LBB2_42:
0x346: {  	_ =	sdelay $0x3  }
0x347: {  	s7 =	sand.u32 $0xFFFFFF80, s8;
	s26 =	sand.u32 $0x70, s2  }
0x348: {  	s7 =	sor.u32 s26, s7;
	[tilespmem:v11+s12+$0x0] =	vst.idx.add.f32.msk @p1 vm0, v10  }
0x349: {  	v10 =	vld [tilespmem:s7+$0x16200];
	_ =	sdelay $0x2  }
0x34a: {  	v11 =	vor.u32 s2, v7  }
0x34b: {  	vm15 =	vlt.s32 v11, v9  }
0x34c: {  	v9 =	vsub.s32 v10, v1;
	v11 =	vshll.u32 v10, $0x3;
	v12 =	vshrl.u32 v10, $0x1  }
0x34d: {  	v10 =	vand.u32 $0x787F, v10;
	vm1 =	vlt.u32 v9, $0x8000;
	v9 =	vand.u32 $0x400, v11  }
0x34e: {  	v11 =	vand.u32 $0x380, v12;
	vm0 =	vmand vm15, vm1;
	v9 =	vor.u32 v9, v10  }
0x34f: {  	v10 =	vld [tilespmem:s7+$0x19E00];
	v9 =	vor.u32 v11, v9;
	_ =	sdelay $0x4  }
0x350: {  	[tilespmem:v9+s12+$0x0] =	vst.idx.add.f32.msk vm0, v10  }
.LBB2_43:
0x351: {  	p1 =	slt.s32 s15, $0x101  }
.Ltmp30:
0x352: {  	_ = 	snop;
	(pc) =	sbr.rel @p1 .LBB2_49-.Ltmp30, $1  }
0x353: {  	_ =	sdelay $0x3  }
0x354: {  	s2 =	sor.u32 s20, s4  }
0x355: {  	v9 =	vmov s2;
	_ =	sdelay $0x4  }
0x356: {  	v9 =	vld.idx.msk [tilespmem:v9+s29+$0x0], $0xffff;
	_ =	sdelay $0x4  }
0x357: {  	(v2sf) =	vpush v9, $0x0;
	_ =	sdelay $0xb  }
0x358: {  	v9 =	vmov s1  }
0x359: {  	s25 =	sadd.s32 s13, s3;
	s26 =	sadd.s32 $0xFFFFFFFF, s15;
	s9 =	sshll.u32 s3, $0x8  }
0x35a: {  	s11 =	simm.s32 $0x0;
	s16 =	simm.s32 $0x0;
	s2 =	smul.u32 $0x3C00, s25  }
0x35b: {  	s4 =	sshrl.u32 s26, $0x8;
	s8 =	sadd.s32 $0x16200, s9;
	s7 =	spop (v2sf)  }
0x35c: {  	v8 =	vbroadcast v8, $0x0;
	v10 =	vmov s14;
	s15 =	sadd.s32 s2, s7;
	s7 =	sadd.s32 $0x19E00, s9;
	s9 =	simm.s32 $0x100  }
.LBB2_46:
0x35d: {  	s16 =	sadd.s32 $0x1, s16  }
0x35e: {  	s2 =	sshll.u32 s16, $0x8  }
0x35f: {  	s2 =	sadd.s32 s2, s15  }
0x360: {  	s2 =	sshrl.u32 s2, $0x3  }
0x361: {  	s17 =	sadd.s32 s5, s2  }
0x362: {  	[tilespmem:s8], [sflag:$0x7] =	stream.linear.gather [hbm4b:s17+s11], $0x100, $0x38;
	[tilespmem:$0x1FB00] =	vst v63  }
0x363: {  	_ =	swait.ge [sflag:s28], $0x100  }
0x364: {  	[sflag:s28] =	ssyncset.done $0x0  }
0x365: {  	s2 =	sadd.s32 s6, s2;
	[sflag:s28] =	ssyncadd.s32 $0xFFFFFF00  }
0x366: {  	[tilespmem:s7], [sflag:$0x7] =	stream.linear.gather [hbm4b:s2+s11], $0x100, $0x38;
	[tilespmem:$0x1FB00] =	vst v63  }
0x367: {  	_ =	swait.ge [sflag:s28], $0x100  }
0x368: {  	[sflag:s28] =	ssyncset.done $0x0  }
0x369: {  	s26 =	simm.s32 $0x0;
	[sflag:s28] =	ssyncadd.s32 $0xFFFFFF00  }
0x36a: {  	v11 =	vld.idx.msk [tilespmem:v9+s26+$0x0 ss:$0x1], $0xffff;
	_ =	sdelay $0x2  }
0x36b: {  	v12 =	vor.u32 s9, v7  }
0x36c: {  	vm0 =	vlt.s32 v12, v8  }
0x36d: {  	v60 =	vsub.s32 v11, v1;
	v13 =	vshll.u32 v11, $0x3;
	v14 =	vshrl.u32 v11, $0x1  }
0x36e: {  	v11 =	vand.u32 $0x787F, v11;
	vm1 =	vlt.u32 v60, $0x8000;
	v61 =	vand.u32 $0x400, v13  }
0x36f: {  	v62 =	vand.u32 $0x380, v14;
	vm0 =	vmand vm0, vm1;
	v11 =	vor.u32 v61, v11  }
0x370: {  	v63 =	vld.idx.msk [tilespmem:v10+s26+$0x0 ss:$0x1], $0xffff;
	v11 =	vor.u32 v62, v11;
	_ =	sdelay $0x4  }
0x371: {  	s19 =	simm.s32 $0x80;
	s17 =	smov.u32 s9;
	s2 =	simm.s32 $0x10;
	[tilespmem:v11+s12+$0x0] =	vst.idx.add.f32.msk vm0, v63  }
.LBB2_47:
0x372: {  	p1 =	seq.s32 s19, $0x3C0;
	v11 =	vld.idx.msk [tilespmem:v9+s2+$0x0 ss:$0x1], $0xffff;
	_ =	sdelay $0x2  }
0x373: {  	s17 =	sadd.s32 $0x10, s17  }
0x374: {  	v12 =	vor.u32 s17, v7  }
0x375: {  	vm0 =	vlt.s32 v12, v8  }
0x376: {  	v12 =	vsub.s32 v11, v1;
	v13 =	vshll.u32 v11, $0x3;
	v14 =	vshrl.u32 v11, $0x1  }
0x377: {  	v11 =	vand.u32 $0x787F, v11;
	vm1 =	vlt.u32 v12, $0x8000;
	v12 =	vand.u32 $0x400, v13  }
0x378: {  	v14 =	vand.u32 $0x380, v14;
	vm0 =	vmand vm0, vm1;
	v11 =	vor.u32 v12, v11;
	v13 =	vld.idx.msk [tilespmem:v10+s2+$0x0 ss:$0x1], $0xffff  }
0x379: {  	v11 =	vor.u32 v14, v11  }
.Ltmp31:
0x37a: {  	(pc) =	sbr.rel @!p1 .LBB2_47-.Ltmp31, $2  }
0x37b: {  	_ =	sdelay $0x2  }
0x37c: {  	s2 =	sshra.s32 s19, $0x2;
	s19 =	sadd.s32 $0x40, s19;
	[tilespmem:v11+s12+$0x0] =	vst.idx.add.f32.msk vm0, v13  }
0x37d: {  	_ =	sdelay $0x3  }
0x37e: {  	v11 =	vld.idx.msk [tilespmem:v9+s2+$0x0 ss:$0x1], $0xffff;
	_ =	sdelay $0x1  }
0x37f: {  	s17 =	sadd.s32 $0x10, s17  }
0x380: {  	v12 =	vor.u32 s17, v7  }
0x381: {  	vm0 =	vlt.s32 v12, v8  }
0x382: {  	v60 =	vsub.s32 v11, v1;
	v13 =	vshll.u32 v11, $0x3;
	v14 =	vshrl.u32 v11, $0x1  }
0x383: {  	v11 =	vand.u32 $0x787F, v11;
	vm1 =	vlt.u32 v60, $0x8000;
	v61 =	vand.u32 $0x400, v13  }
0x384: {  	v62 =	vand.u32 $0x380, v14;
	vm0 =	vmand vm0, vm1;
	v11 =	vor.u32 v61, v11  }
0x385: {  	v63 =	vld.idx.msk [tilespmem:v10+s2+$0x0 ss:$0x1], $0xffff;
	v11 =	vor.u32 v62, v11;
	_ =	sdelay $0x4  }
0x386: {  	[tilespmem:v11+s12+$0x0] =	vst.idx.add.f32.msk vm0, v63  }
0x387: {  	p1 =	seq.s32 s16, s4  }
.Ltmp32:
0x388: {  	_ = 	snop;
	(pc) =	sbr.rel @!p1 .LBB2_46-.Ltmp32, $4  }
.Ltmp33:
0x389: {  	_ = 	snop;
	(pc) =	sbr.rel @p1 .LBB2_49-.Ltmp33, $4  }
0x38a: {  	_ = 	snop  }
0x38b: {  	_ = 	snop  }
0x38c: {  	s9 =	sadd.s32 $0x100, s9  }
0x38d: {  	_ = 	snop  }
.LBB2_39:
.Ltmp34:
0x38e: {  	(pc) =	sbr.rel .LBB2_42-.Ltmp34, $2  }
0x38f: {  	_ =	sdelay $0x2  }
0x390: {  	_ = 	snop  }
.LBB2_50:
.Ltmp35:
0x391: {  	(pc) =	sbr.rel .LBB2_51-.Ltmp35, $4  }
0x392: {  	s0 =	rddreg [dreg:$0x19]  }
0x393: {  	s15 =	sld [smem:$0x7FD]  }
0x394: {  	s14 =	simm.s32 $0x1;
	s16 =	sld [smem:$0x7FC]  }
0x395: {  	[hbm4b:s0+s10] =	stream.linear.scatter [tilespmem:s12], [sflag:$0x6], $0x8000, $0x38;
	[tilespmem:$0x1FB00] =	vst v63  }
.LBB2_87:
0x396: {  	s14 =	sadd.s32 $0x1, s14  }
0x397: {  	p1 =	sne.s32 s14, $0x6  }
.Ltmp36:
0x398: {  	_ = 	snop;
	(pc) =	sbr.rel @!p1 .LBB2_88-.Ltmp36, $4  }
0x399: {  	_ = 	snop  }
0x39a: {  	s0 =	sshll.u32 s20, $0xC;
	s1 =	rddreg [dreg:$0x3]  }
0x39b: {  	s15 =	sadd.s32 $0x40, s15;
	s0 =	sadd.s32 s1, s0;
	s16 =	sadd.s32 $0x40, s16  }
0x39c: {  	[hbm4b:s0+s10] =	stream.linear.scatter [tilespmem:s12], [sflag:$0x6], $0x8000, $0x38;
	[tilespmem:$0x1FB00] =	vst v63  }
.LBB2_51:
0x39d: {  	_ = 	snop  }
0x39e: {  	v8 =	vmov s16;
	_ =	sdelay $0x4  }
0x39f: {  	v8 =	vld.idx.msk [tilespmem:v8+s29+$0x0], $0xffff;
	_ =	sdelay $0x4  }
0x3a0: {  	(v2sf) =	vpush v8, $0x0;
	_ =	sdelay $0xc  }
0x3a1: {  	s1 =	rddreg [dreg:$0x9]  }
0x3a2: {  	s0 =	sshll.u32 s14, $0x6;
	s4 =	simm.s32 $0x0;
	s9 =	rddreg [dreg:$0x1c]  }
0x3a3: {  	s3 =	simm.s32 $0x800;
	s7 =	simm.s32 $0x16200;
	s26 =	spop (v2sf)  }
0x3a4: {  	s25 =	sor.u32 s1, s0;
	s2 =	sadd.s32 $0x200, s16;
	s1 =	sadd.s32 s9, s26  }
0x3a5: {  	s0 =	simm.s32 $0x400;
	v8 =	vmov s2;
	s8 =	sshrl.u32 s1, $0x3;
	s1 =	smov.u32 s9  }
.LBB2_52:
0x3a6: {  	p1 =	sne.s32 s3, $0x3C00;
	s9 =	sadd.s32 s5, s8;
	s8 =	sadd.s32 s6, s8  }
0x3a7: {  	[tilespmem:s7], [sflag:$0x1] =	stream.linear.gather [hbm4b:s9+s10], $0x100, $0x38;
	[tilespmem:$0x1FB00] =	vst v63  }
0x3a8: {  	s4 =	sadd.s32 $0x19E00, s4;
	s7 =	smov.u32 s0;
	s0 =	smov.u32 s3  }
0x3a9: {  	[tilespmem:s4], [sflag:$0x2] =	stream.linear.gather [hbm4b:s8+s10], $0x100, $0x38;
	[tilespmem:$0x1FB00] =	vst v63  }
0x3aa: {  	v8 =	vld.idx.msk [tilespmem:v8+s29+$0x0], $0xffff;
	_ =	sdelay $0x5  }
0x3ab: {  	(v2sf) =	vpush v8, $0x0;
	_ =	sdelay $0xc  }
.Ltmp37:
0x3ac: {  	(pc) =	sbr.rel @p1 .LBB2_52-.Ltmp37, $4  }
0x3ad: {  	_ = 	snop  }
0x3ae: {  	s1 =	sadd.s32 $0x3C00, s1;
	s8 =	spop (v2sf)  }
0x3af: {  	s2 =	sadd.s32 $0x200, s2;
	s4 =	sshra.s32 s7, $0x2;
	s8 =	sadd.s32 s1, s8  }
0x3b0: {  	s3 =	sadd.s32 $0x400, s3;
	s7 =	sadd.s32 $0x16200, s4;
	v8 =	vmov s2;
	s8 =	sshrl.u32 s8, $0x3  }
0x3b1: {  	s2 =	sadd.s32 s5, s8  }
0x3b2: {  	[tilespmem:s7], [sflag:$0x1] =	stream.linear.gather [hbm4b:s2+s10], $0x100, $0x38;
	[tilespmem:$0x1FB00] =	vst v63  }
0x3b3: {  	s9 =	sadd.s32 s6, s8;
	s3 =	sadd.s32 $0x19E00, s4  }
0x3b4: {  	[tilespmem:s3], [sflag:$0x2] =	stream.linear.gather [hbm4b:s9+s10], $0x100, $0x38;
	[tilespmem:$0x1FB00] =	vst v63  }
0x3b5: {  	v8 =	vld.idx.msk [tilespmem:v8+s29+$0x0], $0xffff;
	_ =	sdelay $0x4  }
0x3b6: {  	(v2sf) =	vpush v8, $0x0;
	_ =	sdelay $0xe  }
0x3b7: {  	s1 =	sadd.s32 $0x3C00, s1;
	s11 =	spop (v2sf)  }
0x3b8: {  	s1 =	sadd.s32 s1, s11  }
0x3b9: {  	s0 =	sshra.s32 s0, $0x2;
	s1 =	sshrl.u32 s1, $0x3  }
0x3ba: {  	s17 =	sadd.s32 $0x16200, s0;
	s19 =	sadd.s32 s5, s1  }
0x3bb: {  	[tilespmem:s17], [sflag:$0x1] =	stream.linear.gather [hbm4b:s19+s10], $0x100, $0x38;
	[tilespmem:$0x1FB00] =	vst v63  }
0x3bc: {  	s20 =	simm.s32 $0x5;
	s0 =	sadd.s32 $0x19E00, s0;
	s1 =	sadd.s32 s6, s1  }
0x3bd: {  	[tilespmem:s0], [sflag:$0x2] =	stream.linear.gather [hbm4b:s1+s10], $0x100, $0x38;
	[tilespmem:$0x1FB00] =	vst v63  }
0x3be: {  	s21 =	simm.s32 $0x0;
	_ =	swait.ge [sflag:s20], $0x8000  }
0x3bf: {  	s24 =	sand.u32 $0x7800, s21;
	s0 =	sand.u32 $0x380, s21;
	[sflag:s20] =	ssyncset.done $0x0  }
0x3c0: {  	s0 =	sor.u32 s0, s24;
	[sflag:s20] =	ssyncadd.s32 $0xFFFF8000  }
0x3c1: {  	[tilespmem:s0+$0x470] =	vst v6  }
0x3c2: {  	[tilespmem:s0+$0x0] =	vst v6  }
0x3c3: {  	[tilespmem:s0+$0x10] =	vst v6  }
0x3c4: {  	[tilespmem:s0+$0x20] =	vst v6  }
0x3c5: {  	[tilespmem:s0+$0x30] =	vst v6  }
0x3c6: {  	[tilespmem:s0+$0x40] =	vst v6  }
0x3c7: {  	[tilespmem:s0+$0x50] =	vst v6  }
0x3c8: {  	[tilespmem:s0+$0x60] =	vst v6  }
0x3c9: {  	[tilespmem:s0+$0x70] =	vst v6  }
0x3ca: {  	[tilespmem:s0+$0x400] =	vst v6  }
0x3cb: {  	[tilespmem:s0+$0x410] =	vst v6  }
0x3cc: {  	[tilespmem:s0+$0x420] =	vst v6  }
0x3cd: {  	[tilespmem:s0+$0x430] =	vst v6  }
0x3ce: {  	s26 =	simm.s32 $0x100;
	s1 =	simm.s32 $0x80;
	[tilespmem:s0+$0x440] =	vst v6  }
0x3cf: {  	s2 =	simm.s32 $0x200;
	s3 =	sand.u32 $0x7800, s26;
	s4 =	sand.u32 $0x380, s1;
	[tilespmem:s0+$0x450] =	vst v6  }
.LBB2_54:
0x3d0: {  	p1 =	sne.s32 s2, $0x7F00;
	[tilespmem:s0+$0x460] =	vst v6;
	s0 =	sor.u32 s4, s3  }
0x3d1: {  	[tilespmem:s0+$0x470] =	vst v6  }
0x3d2: {  	[tilespmem:s0+$0x0] =	vst v6  }
0x3d3: {  	[tilespmem:s0+$0x10] =	vst v6  }
0x3d4: {  	[tilespmem:s0+$0x20] =	vst v6  }
0x3d5: {  	[tilespmem:s0+$0x30] =	vst v6  }
0x3d6: {  	[tilespmem:s0+$0x40] =	vst v6  }
0x3d7: {  	[tilespmem:s0+$0x50] =	vst v6  }
0x3d8: {  	[tilespmem:s0+$0x60] =	vst v6  }
0x3d9: {  	[tilespmem:s0+$0x70] =	vst v6  }
0x3da: {  	[tilespmem:s0+$0x400] =	vst v6  }
.Ltmp38:
0x3db: {  	[tilespmem:s0+$0x410] =	vst v6;
	(pc) =	sbr.rel @p1 .LBB2_54-.Ltmp38, $4  }
0x3dc: {  	[tilespmem:s0+$0x420] =	vst v6  }
0x3dd: {  	[tilespmem:s0+$0x430] =	vst v6  }
0x3de: {  	s1 =	sadd.s32 $0x80, s1;
	[tilespmem:s0+$0x440] =	vst v6  }
0x3df: {  	s3 =	sand.u32 $0x7800, s2;
	s2 =	sadd.s32 $0x100, s2;
	s4 =	sand.u32 $0x380, s1;
	[tilespmem:s0+$0x450] =	vst v6  }
0x3e0: {  	s1 =	sor.u32 s4, s3;
	[tilespmem:s0+$0x460] =	vst v6  }
0x3e1: {  	[tilespmem:s1+$0x470] =	vst v6  }
0x3e2: {  	[tilespmem:s1+$0x0] =	vst v6  }
0x3e3: {  	[tilespmem:s1+$0x10] =	vst v6  }
0x3e4: {  	[tilespmem:s1+$0x20] =	vst v6  }
0x3e5: {  	[tilespmem:s1+$0x30] =	vst v6  }
0x3e6: {  	[tilespmem:s1+$0x40] =	vst v6  }
0x3e7: {  	[tilespmem:s1+$0x50] =	vst v6  }
0x3e8: {  	[tilespmem:s1+$0x60] =	vst v6  }
0x3e9: {  	[tilespmem:s1+$0x70] =	vst v6  }
0x3ea: {  	[tilespmem:s1+$0x400] =	vst v6  }
0x3eb: {  	[tilespmem:s1+$0x410] =	vst v6  }
0x3ec: {  	[tilespmem:s1+$0x420] =	vst v6  }
0x3ed: {  	[tilespmem:s1+$0x430] =	vst v6  }
0x3ee: {  	[tilespmem:s1+$0x440] =	vst v6  }
0x3ef: {  	[tilespmem:s1+$0x450] =	vst v6  }
0x3f0: {  	[tilespmem:s1+$0x460] =	vst v6  }
0x3f1: {  	_ =	swait.ge [sflag:s31], $0x100  }
0x3f2: {  	[sflag:s31] =	ssyncset.done $0x0  }
0x3f3: {  	[sflag:s31] =	ssyncadd.s32 $0xFFFFFF00  }
0x3f4: {  	_ =	swait.ge [sflag:s30], $0x100  }
0x3f5: {  	[sflag:s30] =	ssyncset.done $0x0  }
0x3f6: {  	[sflag:s30] =	ssyncadd.s32 $0xFFFFFF00  }
0x3f7: {  	_ =	swait.ge [sflag:s31], $0x100  }
0x3f8: {  	[sflag:s31] =	ssyncset.done $0x0  }
0x3f9: {  	[sflag:s31] =	ssyncadd.s32 $0xFFFFFF00  }
0x3fa: {  	_ =	swait.ge [sflag:s30], $0x100  }
0x3fb: {  	[sflag:s30] =	ssyncset.done $0x0  }
0x3fc: {  	[sflag:s30] =	ssyncadd.s32 $0xFFFFFF00  }
0x3fd: {  	_ =	swait.ge [sflag:s31], $0x100  }
0x3fe: {  	[sflag:s31] =	ssyncset.done $0x0  }
0x3ff: {  	[sflag:s31] =	ssyncadd.s32 $0xFFFFFF00  }
0x400: {  	_ =	swait.ge [sflag:s30], $0x100  }
0x401: {  	[sflag:s30] =	ssyncset.done $0x0  }
0x402: {  	[sflag:s30] =	ssyncadd.s32 $0xFFFFFF00  }
0x403: {  	_ =	swait.ge [sflag:s31], $0x100  }
0x404: {  	[sflag:s31] =	ssyncset.done $0x0  }
0x405: {  	[sflag:s31] =	ssyncadd.s32 $0xFFFFFF00  }
0x406: {  	_ =	swait.ge [sflag:s30], $0x100  }
0x407: {  	[sflag:s30] =	ssyncset.done $0x0  }
0x408: {  	[sflag:s30] =	ssyncadd.s32 $0xFFFFFF00  }
0x409: {  	_ =	swait.ge [sflag:s31], $0x100  }
0x40a: {  	[sflag:s31] =	ssyncset.done $0x0  }
0x40b: {  	[sflag:s31] =	ssyncadd.s32 $0xFFFFFF00  }
0x40c: {  	_ =	swait.ge [sflag:s30], $0x100  }
0x40d: {  	[sflag:s30] =	ssyncset.done $0x0  }
0x40e: {  	[sflag:s30] =	ssyncadd.s32 $0xFFFFFF00  }
0x40f: {  	_ =	swait.ge [sflag:s31], $0x100  }
0x410: {  	[sflag:s31] =	ssyncset.done $0x0  }
0x411: {  	[sflag:s31] =	ssyncadd.s32 $0xFFFFFF00  }
0x412: {  	_ =	swait.ge [sflag:s30], $0x100  }
0x413: {  	[sflag:s30] =	ssyncset.done $0x0  }
0x414: {  	[sflag:s30] =	ssyncadd.s32 $0xFFFFFF00  }
0x415: {  	_ =	swait.ge [sflag:s31], $0x100  }
0x416: {  	[sflag:s31] =	ssyncset.done $0x0  }
0x417: {  	[sflag:s31] =	ssyncadd.s32 $0xFFFFFF00  }
0x418: {  	_ =	swait.ge [sflag:s30], $0x100  }
0x419: {  	[sflag:s30] =	ssyncset.done $0x0  }
0x41a: {  	[sflag:s30] =	ssyncadd.s32 $0xFFFFFF00  }
0x41b: {  	_ =	swait.ge [sflag:s31], $0x100  }
0x41c: {  	[sflag:s31] =	ssyncset.done $0x0  }
0x41d: {  	[sflag:s31] =	ssyncadd.s32 $0xFFFFFF00  }
0x41e: {  	_ =	swait.ge [sflag:s30], $0x100  }
0x41f: {  	[sflag:s30] =	ssyncset.done $0x0  }
0x420: {  	[sflag:s30] =	ssyncadd.s32 $0xFFFFFF00  }
0x421: {  	_ =	swait.ge [sflag:s31], $0x100  }
0x422: {  	[sflag:s31] =	ssyncset.done $0x0  }
0x423: {  	[sflag:s31] =	ssyncadd.s32 $0xFFFFFF00  }
0x424: {  	_ =	swait.ge [sflag:s30], $0x100  }
0x425: {  	[sflag:s30] =	ssyncset.done $0x0  }
0x426: {  	[sflag:s30] =	ssyncadd.s32 $0xFFFFFF00  }
0x427: {  	_ =	swait.ge [sflag:s31], $0x100  }
0x428: {  	[sflag:s31] =	ssyncset.done $0x0  }
0x429: {  	[sflag:s31] =	ssyncadd.s32 $0xFFFFFF00  }
0x42a: {  	_ =	swait.ge [sflag:s30], $0x100  }
0x42b: {  	[sflag:s30] =	ssyncset.done $0x0  }
0x42c: {  	[sflag:s30] =	ssyncadd.s32 $0xFFFFFF00  }
0x42d: {  	_ =	swait.ge [sflag:s31], $0x100  }
0x42e: {  	[sflag:s31] =	ssyncset.done $0x0  }
0x42f: {  	[sflag:s31] =	ssyncadd.s32 $0xFFFFFF00  }
0x430: {  	_ =	swait.ge [sflag:s30], $0x100  }
0x431: {  	[sflag:s30] =	ssyncset.done $0x0  }
0x432: {  	[sflag:s30] =	ssyncadd.s32 $0xFFFFFF00  }
0x433: {  	_ =	swait.ge [sflag:s31], $0x100  }
0x434: {  	[sflag:s31] =	ssyncset.done $0x0  }
0x435: {  	[sflag:s31] =	ssyncadd.s32 $0xFFFFFF00  }
0x436: {  	_ =	swait.ge [sflag:s30], $0x100  }
0x437: {  	[sflag:s30] =	ssyncset.done $0x0  }
0x438: {  	[sflag:s30] =	ssyncadd.s32 $0xFFFFFF00  }
0x439: {  	_ =	swait.ge [sflag:s31], $0x100  }
0x43a: {  	[sflag:s31] =	ssyncset.done $0x0  }
0x43b: {  	[sflag:s31] =	ssyncadd.s32 $0xFFFFFF00  }
0x43c: {  	_ =	swait.ge [sflag:s30], $0x100  }
0x43d: {  	[sflag:s30] =	ssyncset.done $0x0  }
0x43e: {  	[sflag:s30] =	ssyncadd.s32 $0xFFFFFF00  }
0x43f: {  	_ =	swait.ge [sflag:s31], $0x100  }
0x440: {  	[sflag:s31] =	ssyncset.done $0x0  }
0x441: {  	[sflag:s31] =	ssyncadd.s32 $0xFFFFFF00  }
0x442: {  	_ =	swait.ge [sflag:s30], $0x100  }
0x443: {  	[sflag:s30] =	ssyncset.done $0x0  }
0x444: {  	[sflag:s30] =	ssyncadd.s32 $0xFFFFFF00  }
0x445: {  	_ =	swait.ge [sflag:s31], $0x100  }
0x446: {  	[sflag:s31] =	ssyncset.done $0x0  }
0x447: {  	[sflag:s31] =	ssyncadd.s32 $0xFFFFFF00  }
0x448: {  	_ =	swait.ge [sflag:s30], $0x100  }
0x449: {  	[sflag:s30] =	ssyncset.done $0x0  }
0x44a: {  	[sflag:s30] =	ssyncadd.s32 $0xFFFFFF00  }
0x44b: {  	_ =	swait.ge [sflag:s31], $0x100  }
.Ltmp39:
0x44c: {  	[sflag:s31] =	ssyncset.done $0x0;
	(pc) =	sbr.rel .LBB2_56-.Ltmp39, $4  }
0x44d: {  	[sflag:s31] =	ssyncadd.s32 $0xFFFFFF00  }
0x44e: {  	s26 =	sshll.u32 s25, $0xF;
	s20 =	sor.u32 $0x1800, s25;
	_ =	swait.ge [sflag:s30], $0x100  }
0x44f: {  	s0 =	simm.s32 $0x0;
	s3 =	simm.s32 $0x16200;
	[sflag:s30] =	ssyncset.done $0x0  }
0x450: {  	s4 =	simm.s32 $0x0;
	v8 =	vmov s26;
	s1 =	simm.s32 $0x19E00;
	[sflag:s30] =	ssyncadd.s32 $0xFFFFFF00  }
.LBB2_68:
0x451: {  	s4 =	sadd.s32 $0x1, s4  }
0x452: {  	p1 =	sne.s32 s4, $0x10  }
.Ltmp40:
0x453: {  	_ = 	snop;
	(pc) =	sbr.rel @!p1 .LBB2_69-.Ltmp40, $2  }
0x454: {  	_ =	sdelay $0x2  }
0x455: {  	s0 =	sadd.s32 $0x100, s0;
	s1 =	sadd.s32 $0x100, s1;
	s3 =	sadd.s32 $0x100, s3  }
.LBB2_56:
0x456: {  	s19 =	sshll.u32 s4, $0x9  }
0x457: {  	s2 =	sadd.s32 s20, s19  }
0x458: {  	v9 =	vmov s2;
	_ =	sdelay $0x4  }
0x459: {  	v9 =	vld.idx.msk [tilespmem:v9+s23+$0x0], $0xffff;
	_ =	sdelay $0x4  }
0x45a: {  	(v2sf) =	vpush v9, $0x0;
	_ =	sdelay $0xe  }
0x45b: {  	s8 =	spop (v2sf)  }
0x45c: {  	p1 =	slt.s32 s8, $0x100;
	s7 =	smov.u32 s8  }
0x45d: {  	s7 =	simm.s32 @!p1 $0x100  }
0x45e: {  	s26 =	sadd.s32 $0xF, s7  }
0x45f: {  	s11 =	sshra.s32 s26, $0x4  }
0x460: {  	p1 =	slt.s32 s11, $0x1  }
.Ltmp41:
0x461: {  	_ = 	snop;
	(pc) =	sbr.rel @p1 .LBB2_62-.Ltmp41, $1  }
0x462: {  	_ =	sdelay $0x3  }
0x463: {  	p2 =	sne.s32 s11, $0x1  }
.Ltmp42:
0x464: {  	_ = 	snop;
	(pc) =	sbr.rel @!p2 .LBB2_58-.Ltmp42, $3  }
0x465: {  	_ =	sdelay $0x1  }
0x466: {  	s2 =	simm.s32 $0x0  }
0x467: {  	v10 =	vmov s7;
	s9 =	sadd.s32 $0x0, s0;
	s7 =	sadd.s32 $0xFFFFFFFF, s11;
	p1 =	por $0x0, $0x0  }
0x468: {  	s9 =	sand.u32 $0xFFFFFF80, s9;
	s11 =	sand.u32 $0x70, s2  }
0x469: {  	s9 =	sor.u32 s11, s9  }
0x46a: {  	v11 =	vld [tilespmem:s9+$0x16200];
	_ =	sdelay $0x2  }
0x46b: {  	v12 =	vor.u32 s2, v7  }
0x46c: {  	vm0 =	vlt.s32 v12, v10  }
0x46d: {  	v12 =	vsub.s32 v11, v8;
	v13 =	vshll.u32 v11, $0x3;
	v14 =	vshrl.u32 v11, $0x1  }
0x46e: {  	p2 =	sne.s32 s7, $0x1;
	v11 =	vand.u32 $0x787F, v11;
	v13 =	vand.u32 $0x400, v13;
	vm1 =	vlt.u32 v12, $0x8000  }
.Ltmp43:
0x46f: {  	v12 =	vand.u32 $0x380, v14;
	v13 =	vor.u32 v13, v11;
	vm0 =	vmand vm0, vm1;
	(pc) =	sbr.rel @!p2 .LBB2_61-.Ltmp43, $3  }
0x470: {  	v11 =	vld [tilespmem:s9+$0x19E00];
	v12 =	vor.u32 v12, v13;
	_ =	sdelay $0x1  }
0x471: {  	s2 =	simm.s32 $0x10  }
0x472: {  	s7 =	sadd.s32 $0xFFFFFFFF, s7;
	p1 =	por $0x1, $0x1;
	s9 =	sadd.s32 $0x10, s0  }
.LBB2_60:
0x473: {  	p2 =	sne.s32 s7, $0x1;
	s9 =	sand.u32 $0xFFFFFF80, s9;
	s11 =	sand.u32 $0x70, s2  }
0x474: {  	s9 =	sor.u32 s11, s9;
	[tilespmem:v12+s10+$0x0] =	vst.idx.add.f32.msk vm0, v11  }
0x475: {  	v11 =	vld [tilespmem:s9+$0x16200];
	_ =	sdelay $0x2  }
0x476: {  	v12 =	vor.u32 s2, v7  }
0x477: {  	vm0 =	vlt.s32 v12, v10  }
0x478: {  	v12 =	vsub.s32 v11, v8;
	v13 =	vshll.u32 v11, $0x3;
	v14 =	vshrl.u32 v11, $0x1  }
0x479: {  	v11 =	vand.u32 $0x787F, v11;
	vm1 =	vlt.u32 v12, $0x8000;
	v12 =	vand.u32 $0x400, v13  }
.Ltmp44:
0x47a: {  	v13 =	vand.u32 $0x380, v14;
	vm0 =	vmand vm0, vm1;
	v12 =	vor.u32 v12, v11;
	(pc) =	sbr.rel @p2 .LBB2_60-.Ltmp44, $3  }
0x47b: {  	v11 =	vld [tilespmem:s9+$0x19E00];
	v12 =	vor.u32 v13, v12;
	_ =	sdelay $0x1  }
0x47c: {  	s2 =	sadd.s32 $0x10, s2  }
0x47d: {  	s7 =	sadd.s32 $0xFFFFFFFF, s7;
	s9 =	sadd.s32 s2, s0  }
.LBB2_61:
0x47e: {  	_ =	sdelay $0x3  }
0x47f: {  	s7 =	sand.u32 $0xFFFFFF80, s9;
	s26 =	sand.u32 $0x70, s2  }
0x480: {  	s7 =	sor.u32 s26, s7;
	[tilespmem:v12+s10+$0x0] =	vst.idx.add.f32.msk @p1 vm0, v11  }
0x481: {  	v11 =	vld [tilespmem:s7+$0x16200];
	_ =	sdelay $0x2  }
0x482: {  	v61 =	vor.u32 s2, v7  }
0x483: {  	vm15 =	vlt.s32 v61, v10  }
0x484: {  	v10 =	vsub.s32 v11, v8;
	v62 =	vshll.u32 v11, $0x3;
	v13 =	vshrl.u32 v11, $0x1  }
0x485: {  	v11 =	vand.u32 $0x787F, v11;
	vm1 =	vlt.u32 v10, $0x8000;
	v10 =	vand.u32 $0x400, v62  }
0x486: {  	v63 =	vand.u32 $0x380, v13;
	vm0 =	vmand vm15, vm1;
	v10 =	vor.u32 v10, v11  }
0x487: {  	v11 =	vld [tilespmem:s7+$0x19E00];
	v10 =	vor.u32 v63, v10;
	_ =	sdelay $0x4  }
0x488: {  	[tilespmem:v10+s10+$0x0] =	vst.idx.add.f32.msk vm0, v11  }
.LBB2_62:
0x489: {  	p1 =	slt.s32 s8, $0x101  }
.Ltmp45:
0x48a: {  	_ = 	snop;
	(pc) =	sbr.rel @p1 .LBB2_68-.Ltmp45, $1  }
0x48b: {  	_ =	sdelay $0x3  }
0x48c: {  	s2 =	sor.u32 s25, s19  }
0x48d: {  	v10 =	vmov s2;
	_ =	sdelay $0x4  }
0x48e: {  	v10 =	vld.idx.msk [tilespmem:v10+s29+$0x0], $0xffff;
	_ =	sdelay $0x4  }
0x48f: {  	(v2sf) =	vpush v10, $0x0;
	_ =	sdelay $0xb  }
0x490: {  	v10 =	vmov s3  }
0x491: {  	s26 =	sadd.s32 s13, s4;
	s7 =	sadd.s32 $0xFFFFFFFF, s8;
	s11 =	sshll.u32 s4, $0x8  }
0x492: {  	s21 =	simm.s32 $0x100;
	s2 =	smul.u32 $0x3C00, s26;
	s8 =	sshrl.u32 s7, $0x8  }
0x493: {  	s19 =	sadd.s32 $0x16200, s11;
	s11 =	sadd.s32 $0x19E00, s11;
	s9 =	spop (v2sf)  }
0x494: {  	v9 =	vbroadcast v9, $0x0;
	v11 =	vmov s1;
	s7 =	sadd.s32 s2, s9;
	s9 =	simm.s32 $0x0;
	s2 =	simm.s32 $0x0  }
.LBB2_65:
0x495: {  	s2 =	sadd.s32 $0x1, s2  }
0x496: {  	s17 =	sshll.u32 s2, $0x8  }
0x497: {  	s17 =	sadd.s32 s17, s7  }
0x498: {  	s17 =	sshrl.u32 s17, $0x3  }
0x499: {  	s24 =	sadd.s32 s5, s17  }
0x49a: {  	[tilespmem:s19], [sflag:$0x7] =	stream.linear.gather [hbm4b:s24+s9], $0x100, $0x38;
	[tilespmem:$0x1FB00] =	vst v63  }
0x49b: {  	_ =	swait.ge [sflag:s28], $0x100  }
0x49c: {  	[sflag:s28] =	ssyncset.done $0x0  }
0x49d: {  	s17 =	sadd.s32 s6, s17;
	[sflag:s28] =	ssyncadd.s32 $0xFFFFFF00  }
0x49e: {  	[tilespmem:s11], [sflag:$0x7] =	stream.linear.gather [hbm4b:s17+s9], $0x100, $0x38;
	[tilespmem:$0x1FB00] =	vst v63  }
0x49f: {  	_ =	swait.ge [sflag:s28], $0x100  }
0x4a0: {  	[sflag:s28] =	ssyncset.done $0x0  }
0x4a1: {  	s26 =	simm.s32 $0x0;
	[sflag:s28] =	ssyncadd.s32 $0xFFFFFF00  }
0x4a2: {  	v12 =	vld.idx.msk [tilespmem:v10+s26+$0x0 ss:$0x1], $0xffff;
	_ =	sdelay $0x2  }
0x4a3: {  	v13 =	vor.u32 s21, v7  }
0x4a4: {  	vm0 =	vlt.s32 v13, v9  }
0x4a5: {  	v60 =	vsub.s32 v12, v8;
	v14 =	vshll.u32 v12, $0x3;
	v15 =	vshrl.u32 v12, $0x1  }
0x4a6: {  	v12 =	vand.u32 $0x787F, v12;
	vm1 =	vlt.u32 v60, $0x8000;
	v61 =	vand.u32 $0x400, v14  }
0x4a7: {  	v62 =	vand.u32 $0x380, v15;
	vm0 =	vmand vm0, vm1;
	v12 =	vor.u32 v61, v12  }
0x4a8: {  	v63 =	vld.idx.msk [tilespmem:v11+s26+$0x0 ss:$0x1], $0xffff;
	v12 =	vor.u32 v62, v12;
	_ =	sdelay $0x4  }
0x4a9: {  	s24 =	simm.s32 $0x80;
	s17 =	simm.s32 $0x10;
	s26 =	smov.u32 s21;
	[tilespmem:v12+s10+$0x0] =	vst.idx.add.f32.msk vm0, v63  }
.LBB2_66:
0x4aa: {  	p1 =	seq.s32 s24, $0x3C0;
	v12 =	vld.idx.msk [tilespmem:v10+s17+$0x0 ss:$0x1], $0xffff;
	_ =	sdelay $0x2  }
0x4ab: {  	s26 =	sadd.s32 $0x10, s26  }
0x4ac: {  	v13 =	vor.u32 s26, v7  }
0x4ad: {  	vm0 =	vlt.s32 v13, v9  }
0x4ae: {  	v13 =	vsub.s32 v12, v8;
	v14 =	vshll.u32 v12, $0x3;
	v15 =	vshrl.u32 v12, $0x1  }
0x4af: {  	v12 =	vand.u32 $0x787F, v12;
	vm1 =	vlt.u32 v13, $0x8000;
	v13 =	vand.u32 $0x400, v14  }
0x4b0: {  	v15 =	vand.u32 $0x380, v15;
	vm0 =	vmand vm0, vm1;
	v12 =	vor.u32 v13, v12;
	v14 =	vld.idx.msk [tilespmem:v11+s17+$0x0 ss:$0x1], $0xffff  }
0x4b1: {  	v12 =	vor.u32 v15, v12  }
.Ltmp46:
0x4b2: {  	(pc) =	sbr.rel @!p1 .LBB2_66-.Ltmp46, $2  }
0x4b3: {  	_ =	sdelay $0x2  }
0x4b4: {  	s17 =	sshra.s32 s24, $0x2;
	s24 =	sadd.s32 $0x40, s24;
	[tilespmem:v12+s10+$0x0] =	vst.idx.add.f32.msk vm0, v14  }
0x4b5: {  	_ =	sdelay $0x3  }
0x4b6: {  	v12 =	vld.idx.msk [tilespmem:v10+s17+$0x0 ss:$0x1], $0xffff;
	_ =	sdelay $0x1  }
0x4b7: {  	s24 =	sadd.s32 $0x10, s26  }
0x4b8: {  	v13 =	vor.u32 s24, v7  }
0x4b9: {  	vm0 =	vlt.s32 v13, v9  }
0x4ba: {  	v60 =	vsub.s32 v12, v8;
	v14 =	vshll.u32 v12, $0x3;
	v15 =	vshrl.u32 v12, $0x1  }
0x4bb: {  	v12 =	vand.u32 $0x787F, v12;
	vm1 =	vlt.u32 v60, $0x8000;
	v61 =	vand.u32 $0x400, v14  }
0x4bc: {  	v62 =	vand.u32 $0x380, v15;
	vm0 =	vmand vm0, vm1;
	v12 =	vor.u32 v61, v12  }
0x4bd: {  	v63 =	vld.idx.msk [tilespmem:v11+s17+$0x0 ss:$0x1], $0xffff;
	v12 =	vor.u32 v62, v12;
	_ =	sdelay $0x4  }
0x4be: {  	[tilespmem:v12+s10+$0x0] =	vst.idx.add.f32.msk vm0, v63  }
0x4bf: {  	p1 =	seq.s32 s2, s8  }
.Ltmp47:
0x4c0: {  	_ = 	snop;
	(pc) =	sbr.rel @!p1 .LBB2_65-.Ltmp47, $4  }
.Ltmp48:
0x4c1: {  	_ = 	snop;
	(pc) =	sbr.rel @p1 .LBB2_68-.Ltmp48, $4  }
0x4c2: {  	_ = 	snop  }
0x4c3: {  	_ = 	snop  }
0x4c4: {  	s21 =	sadd.s32 $0x100, s21  }
0x4c5: {  	_ = 	snop  }
.LBB2_58:
.Ltmp49:
0x4c6: {  	(pc) =	sbr.rel .LBB2_61-.Ltmp49, $2  }
0x4c7: {  	_ =	sdelay $0x2  }
0x4c8: {  	_ = 	snop  }
.LBB2_69:
0x4c9: {  	v8 =	vmov s15;
	_ =	sdelay $0x1  }
0x4ca: {  	s0 =	sshll.u32 s25, $0xC;
	s1 =	rddreg [dreg:$0x3]  }
0x4cb: {  	s24 =	simm.s32 $0x0;
	s0 =	sadd.s32 s1, s0  }
0x4cc: {  	[hbm4b:s0+s24] =	stream.linear.scatter [tilespmem:s24], [sflag:$0x5], $0x8000, $0x38;
	[tilespmem:$0x1FB00] =	vst v63  }
0x4cd: {  	v8 =	vld.idx.msk [tilespmem:v8+s29+$0x0], $0xffff;
	_ =	sdelay $0x4  }
0x4ce: {  	(v2sf) =	vpush v8, $0x0;
	_ =	sdelay $0xd  }
0x4cf: {  	s20 =	sor.u32 $0x20, s25;
	s4 =	simm.s32 $0x0  }
0x4d0: {  	s9 =	rddreg [dreg:$0x1c];
	s2 =	sadd.s32 $0x200, s15;
	s26 =	spop (v2sf)  }
0x4d1: {  	s3 =	simm.s32 $0x800;
	s7 =	simm.s32 $0x16200;
	s1 =	sadd.s32 s9, s26  }
0x4d2: {  	s0 =	simm.s32 $0x400;
	v8 =	vmov s2;
	s8 =	sshrl.u32 s1, $0x3;
	s1 =	smov.u32 s9  }
.LBB2_70:
0x4d3: {  	p1 =	sne.s32 s3, $0x3C00;
	s9 =	sadd.s32 s5, s8;
	s8 =	sadd.s32 s6, s8  }
0x4d4: {  	[tilespmem:s7], [sflag:$0x1] =	stream.linear.gather [hbm4b:s9+s10], $0x100, $0x38;
	[tilespmem:$0x1FB00] =	vst v63  }
0x4d5: {  	s4 =	sadd.s32 $0x19E00, s4;
	s7 =	smov.u32 s0;
	s0 =	smov.u32 s3  }
0x4d6: {  	[tilespmem:s4], [sflag:$0x2] =	stream.linear.gather [hbm4b:s8+s10], $0x100, $0x38;
	[tilespmem:$0x1FB00] =	vst v63  }
0x4d7: {  	v8 =	vld.idx.msk [tilespmem:v8+s29+$0x0], $0xffff;
	_ =	sdelay $0x5  }
0x4d8: {  	(v2sf) =	vpush v8, $0x0;
	_ =	sdelay $0xc  }
.Ltmp50:
0x4d9: {  	(pc) =	sbr.rel @p1 .LBB2_70-.Ltmp50, $4  }
0x4da: {  	_ = 	snop  }
0x4db: {  	s1 =	sadd.s32 $0x3C00, s1;
	s8 =	spop (v2sf)  }
0x4dc: {  	s2 =	sadd.s32 $0x200, s2;
	s4 =	sshra.s32 s7, $0x2;
	s8 =	sadd.s32 s1, s8  }
0x4dd: {  	s3 =	sadd.s32 $0x400, s3;
	s7 =	sadd.s32 $0x16200, s4;
	v8 =	vmov s2;
	s8 =	sshrl.u32 s8, $0x3  }
0x4de: {  	s2 =	sadd.s32 s5, s8  }
0x4df: {  	[tilespmem:s7], [sflag:$0x1] =	stream.linear.gather [hbm4b:s2+s10], $0x100, $0x38;
	[tilespmem:$0x1FB00] =	vst v63  }
0x4e0: {  	s8 =	sadd.s32 s6, s8;
	s3 =	sadd.s32 $0x19E00, s4  }
0x4e1: {  	[tilespmem:s3], [sflag:$0x2] =	stream.linear.gather [hbm4b:s8+s10], $0x100, $0x38;
	[tilespmem:$0x1FB00] =	vst v63  }
0x4e2: {  	v8 =	vld.idx.msk [tilespmem:v8+s29+$0x0], $0xffff;
	_ =	sdelay $0x4  }
0x4e3: {  	(v2sf) =	vpush v8, $0x0;
	_ =	sdelay $0xe  }
0x4e4: {  	s1 =	sadd.s32 $0x3C00, s1;
	s9 =	spop (v2sf)  }
0x4e5: {  	s1 =	sadd.s32 s1, s9  }
0x4e6: {  	s0 =	sshra.s32 s0, $0x2;
	s1 =	sshrl.u32 s1, $0x3  }
0x4e7: {  	s11 =	sadd.s32 $0x16200, s0;
	s17 =	sadd.s32 s5, s1  }
0x4e8: {  	[tilespmem:s11], [sflag:$0x1] =	stream.linear.gather [hbm4b:s17+s10], $0x100, $0x38;
	[tilespmem:$0x1FB00] =	vst v63  }
0x4e9: {  	s19 =	simm.s32 $0x6;
	s0 =	sadd.s32 $0x19E00, s0;
	s1 =	sadd.s32 s6, s1  }
0x4ea: {  	[tilespmem:s0], [sflag:$0x2] =	stream.linear.gather [hbm4b:s1+s10], $0x100, $0x38;
	[tilespmem:$0x1FB00] =	vst v63  }
0x4eb: {  	s21 =	simm.s32 $0x0;
	_ =	swait.ge [sflag:s19], $0x8000  }
0x4ec: {  	s24 =	sand.u32 $0x7800, s21;
	s0 =	sand.u32 $0x380, s21;
	[sflag:s19] =	ssyncset.done $0x0  }
0x4ed: {  	s0 =	sor.u32 s0, s24;
	[sflag:s19] =	ssyncadd.s32 $0xFFFF8000  }
0x4ee: {  	[tilespmem:s0+$0x8470] =	vst v6  }
0x4ef: {  	[tilespmem:s0+$0x8000] =	vst v6  }
0x4f0: {  	[tilespmem:s0+$0x8010] =	vst v6  }
0x4f1: {  	[tilespmem:s0+$0x8020] =	vst v6  }
0x4f2: {  	[tilespmem:s0+$0x8030] =	vst v6  }
0x4f3: {  	[tilespmem:s0+$0x8040] =	vst v6  }
0x4f4: {  	[tilespmem:s0+$0x8050] =	vst v6  }
0x4f5: {  	[tilespmem:s0+$0x8060] =	vst v6  }
0x4f6: {  	[tilespmem:s0+$0x8070] =	vst v6  }
0x4f7: {  	[tilespmem:s0+$0x8400] =	vst v6  }
0x4f8: {  	[tilespmem:s0+$0x8410] =	vst v6  }
0x4f9: {  	[tilespmem:s0+$0x8420] =	vst v6  }
0x4fa: {  	[tilespmem:s0+$0x8430] =	vst v6  }
0x4fb: {  	s26 =	simm.s32 $0x100;
	s1 =	simm.s32 $0x80;
	[tilespmem:s0+$0x8440] =	vst v6  }
0x4fc: {  	s2 =	simm.s32 $0x200;
	s3 =	sand.u32 $0x7800, s26;
	s4 =	sand.u32 $0x380, s1;
	[tilespmem:s0+$0x8450] =	vst v6  }
.LBB2_72:
0x4fd: {  	p1 =	sne.s32 s2, $0x7F00;
	[tilespmem:s0+$0x8460] =	vst v6;
	s0 =	sor.u32 s4, s3  }
0x4fe: {  	[tilespmem:s0+$0x8470] =	vst v6  }
0x4ff: {  	[tilespmem:s0+$0x8000] =	vst v6  }
0x500: {  	[tilespmem:s0+$0x8010] =	vst v6  }
0x501: {  	[tilespmem:s0+$0x8020] =	vst v6  }
0x502: {  	[tilespmem:s0+$0x8030] =	vst v6  }
0x503: {  	[tilespmem:s0+$0x8040] =	vst v6  }
0x504: {  	[tilespmem:s0+$0x8050] =	vst v6  }
0x505: {  	[tilespmem:s0+$0x8060] =	vst v6  }
0x506: {  	[tilespmem:s0+$0x8070] =	vst v6  }
0x507: {  	[tilespmem:s0+$0x8400] =	vst v6  }
.Ltmp51:
0x508: {  	[tilespmem:s0+$0x8410] =	vst v6;
	(pc) =	sbr.rel @p1 .LBB2_72-.Ltmp51, $4  }
0x509: {  	[tilespmem:s0+$0x8420] =	vst v6  }
0x50a: {  	[tilespmem:s0+$0x8430] =	vst v6  }
0x50b: {  	s1 =	sadd.s32 $0x80, s1;
	[tilespmem:s0+$0x8440] =	vst v6  }
0x50c: {  	s3 =	sand.u32 $0x7800, s2;
	s2 =	sadd.s32 $0x100, s2;
	s4 =	sand.u32 $0x380, s1;
	[tilespmem:s0+$0x8450] =	vst v6  }
0x50d: {  	s1 =	sor.u32 s4, s3;
	[tilespmem:s0+$0x8460] =	vst v6  }
0x50e: {  	[tilespmem:s1+$0x8470] =	vst v6  }
0x50f: {  	[tilespmem:s1+$0x8000] =	vst v6  }
0x510: {  	[tilespmem:s1+$0x8010] =	vst v6  }
0x511: {  	[tilespmem:s1+$0x8020] =	vst v6  }
0x512: {  	[tilespmem:s1+$0x8030] =	vst v6  }
0x513: {  	[tilespmem:s1+$0x8040] =	vst v6  }
0x514: {  	[tilespmem:s1+$0x8050] =	vst v6  }
0x515: {  	[tilespmem:s1+$0x8060] =	vst v6  }
0x516: {  	[tilespmem:s1+$0x8070] =	vst v6  }
0x517: {  	[tilespmem:s1+$0x8400] =	vst v6  }
0x518: {  	[tilespmem:s1+$0x8410] =	vst v6  }
0x519: {  	[tilespmem:s1+$0x8420] =	vst v6  }
0x51a: {  	[tilespmem:s1+$0x8430] =	vst v6  }
0x51b: {  	[tilespmem:s1+$0x8440] =	vst v6  }
0x51c: {  	[tilespmem:s1+$0x8450] =	vst v6  }
0x51d: {  	[tilespmem:s1+$0x8460] =	vst v6  }
0x51e: {  	_ =	swait.ge [sflag:s31], $0x100  }
0x51f: {  	[sflag:s31] =	ssyncset.done $0x0  }
0x520: {  	[sflag:s31] =	ssyncadd.s32 $0xFFFFFF00  }
0x521: {  	_ =	swait.ge [sflag:s30], $0x100  }
0x522: {  	[sflag:s30] =	ssyncset.done $0x0  }
0x523: {  	[sflag:s30] =	ssyncadd.s32 $0xFFFFFF00  }
0x524: {  	_ =	swait.ge [sflag:s31], $0x100  }
0x525: {  	[sflag:s31] =	ssyncset.done $0x0  }
0x526: {  	[sflag:s31] =	ssyncadd.s32 $0xFFFFFF00  }
0x527: {  	_ =	swait.ge [sflag:s30], $0x100  }
0x528: {  	[sflag:s30] =	ssyncset.done $0x0  }
0x529: {  	[sflag:s30] =	ssyncadd.s32 $0xFFFFFF00  }
0x52a: {  	_ =	swait.ge [sflag:s31], $0x100  }
0x52b: {  	[sflag:s31] =	ssyncset.done $0x0  }
0x52c: {  	[sflag:s31] =	ssyncadd.s32 $0xFFFFFF00  }
0x52d: {  	_ =	swait.ge [sflag:s30], $0x100  }
0x52e: {  	[sflag:s30] =	ssyncset.done $0x0  }
0x52f: {  	[sflag:s30] =	ssyncadd.s32 $0xFFFFFF00  }
0x530: {  	_ =	swait.ge [sflag:s31], $0x100  }
0x531: {  	[sflag:s31] =	ssyncset.done $0x0  }
0x532: {  	[sflag:s31] =	ssyncadd.s32 $0xFFFFFF00  }
0x533: {  	_ =	swait.ge [sflag:s30], $0x100  }
0x534: {  	[sflag:s30] =	ssyncset.done $0x0  }
0x535: {  	[sflag:s30] =	ssyncadd.s32 $0xFFFFFF00  }
0x536: {  	_ =	swait.ge [sflag:s31], $0x100  }
0x537: {  	[sflag:s31] =	ssyncset.done $0x0  }
0x538: {  	[sflag:s31] =	ssyncadd.s32 $0xFFFFFF00  }
0x539: {  	_ =	swait.ge [sflag:s30], $0x100  }
0x53a: {  	[sflag:s30] =	ssyncset.done $0x0  }
0x53b: {  	[sflag:s30] =	ssyncadd.s32 $0xFFFFFF00  }
0x53c: {  	_ =	swait.ge [sflag:s31], $0x100  }
0x53d: {  	[sflag:s31] =	ssyncset.done $0x0  }
0x53e: {  	[sflag:s31] =	ssyncadd.s32 $0xFFFFFF00  }
0x53f: {  	_ =	swait.ge [sflag:s30], $0x100  }
0x540: {  	[sflag:s30] =	ssyncset.done $0x0  }
0x541: {  	[sflag:s30] =	ssyncadd.s32 $0xFFFFFF00  }
0x542: {  	_ =	swait.ge [sflag:s31], $0x100  }
0x543: {  	[sflag:s31] =	ssyncset.done $0x0  }
0x544: {  	[sflag:s31] =	ssyncadd.s32 $0xFFFFFF00  }
0x545: {  	_ =	swait.ge [sflag:s30], $0x100  }
0x546: {  	[sflag:s30] =	ssyncset.done $0x0  }
0x547: {  	[sflag:s30] =	ssyncadd.s32 $0xFFFFFF00  }
0x548: {  	_ =	swait.ge [sflag:s31], $0x100  }
0x549: {  	[sflag:s31] =	ssyncset.done $0x0  }
0x54a: {  	[sflag:s31] =	ssyncadd.s32 $0xFFFFFF00  }
0x54b: {  	_ =	swait.ge [sflag:s30], $0x100  }
0x54c: {  	[sflag:s30] =	ssyncset.done $0x0  }
0x54d: {  	[sflag:s30] =	ssyncadd.s32 $0xFFFFFF00  }
0x54e: {  	_ =	swait.ge [sflag:s31], $0x100  }
0x54f: {  	[sflag:s31] =	ssyncset.done $0x0  }
0x550: {  	[sflag:s31] =	ssyncadd.s32 $0xFFFFFF00  }
0x551: {  	_ =	swait.ge [sflag:s30], $0x100  }
0x552: {  	[sflag:s30] =	ssyncset.done $0x0  }
0x553: {  	[sflag:s30] =	ssyncadd.s32 $0xFFFFFF00  }
0x554: {  	_ =	swait.ge [sflag:s31], $0x100  }
0x555: {  	[sflag:s31] =	ssyncset.done $0x0  }
0x556: {  	[sflag:s31] =	ssyncadd.s32 $0xFFFFFF00  }
0x557: {  	_ =	swait.ge [sflag:s30], $0x100  }
0x558: {  	[sflag:s30] =	ssyncset.done $0x0  }
0x559: {  	[sflag:s30] =	ssyncadd.s32 $0xFFFFFF00  }
0x55a: {  	_ =	swait.ge [sflag:s31], $0x100  }
0x55b: {  	[sflag:s31] =	ssyncset.done $0x0  }
0x55c: {  	[sflag:s31] =	ssyncadd.s32 $0xFFFFFF00  }
0x55d: {  	_ =	swait.ge [sflag:s30], $0x100  }
0x55e: {  	[sflag:s30] =	ssyncset.done $0x0  }
0x55f: {  	[sflag:s30] =	ssyncadd.s32 $0xFFFFFF00  }
0x560: {  	_ =	swait.ge [sflag:s31], $0x100  }
0x561: {  	[sflag:s31] =	ssyncset.done $0x0  }
0x562: {  	[sflag:s31] =	ssyncadd.s32 $0xFFFFFF00  }
0x563: {  	_ =	swait.ge [sflag:s30], $0x100  }
0x564: {  	[sflag:s30] =	ssyncset.done $0x0  }
0x565: {  	[sflag:s30] =	ssyncadd.s32 $0xFFFFFF00  }
0x566: {  	_ =	swait.ge [sflag:s31], $0x100  }
0x567: {  	[sflag:s31] =	ssyncset.done $0x0  }
0x568: {  	[sflag:s31] =	ssyncadd.s32 $0xFFFFFF00  }
0x569: {  	_ =	swait.ge [sflag:s30], $0x100  }
0x56a: {  	[sflag:s30] =	ssyncset.done $0x0  }
0x56b: {  	[sflag:s30] =	ssyncadd.s32 $0xFFFFFF00  }
0x56c: {  	_ =	swait.ge [sflag:s31], $0x100  }
0x56d: {  	[sflag:s31] =	ssyncset.done $0x0  }
0x56e: {  	[sflag:s31] =	ssyncadd.s32 $0xFFFFFF00  }
0x56f: {  	_ =	swait.ge [sflag:s30], $0x100  }
0x570: {  	[sflag:s30] =	ssyncset.done $0x0  }
0x571: {  	[sflag:s30] =	ssyncadd.s32 $0xFFFFFF00  }
0x572: {  	_ =	swait.ge [sflag:s31], $0x100  }
0x573: {  	[sflag:s31] =	ssyncset.done $0x0  }
0x574: {  	[sflag:s31] =	ssyncadd.s32 $0xFFFFFF00  }
0x575: {  	_ =	swait.ge [sflag:s30], $0x100  }
0x576: {  	[sflag:s30] =	ssyncset.done $0x0  }
0x577: {  	[sflag:s30] =	ssyncadd.s32 $0xFFFFFF00  }
0x578: {  	_ =	swait.ge [sflag:s31], $0x100  }
.Ltmp52:
0x579: {  	[sflag:s31] =	ssyncset.done $0x0;
	(pc) =	sbr.rel .LBB2_74-.Ltmp52, $4  }
0x57a: {  	[sflag:s31] =	ssyncadd.s32 $0xFFFFFF00  }
0x57b: {  	s26 =	sshll.u32 s20, $0xF;
	s25 =	sor.u32 $0x1820, s25;
	_ =	swait.ge [sflag:s30], $0x100  }
0x57c: {  	s0 =	simm.s32 $0x0;
	s3 =	simm.s32 $0x16200;
	[sflag:s30] =	ssyncset.done $0x0  }
0x57d: {  	s4 =	simm.s32 $0x0;
	v8 =	vmov s26;
	s1 =	simm.s32 $0x19E00;
	[sflag:s30] =	ssyncadd.s32 $0xFFFFFF00  }
.LBB2_86:
0x57e: {  	s4 =	sadd.s32 $0x1, s4  }
0x57f: {  	p1 =	sne.s32 s4, $0x10  }
.Ltmp53:
0x580: {  	_ = 	snop;
	(pc) =	sbr.rel @!p1 .LBB2_87-.Ltmp53, $2  }
0x581: {  	_ =	sdelay $0x2  }
0x582: {  	s0 =	sadd.s32 $0x100, s0;
	s1 =	sadd.s32 $0x100, s1;
	s3 =	sadd.s32 $0x100, s3  }
.LBB2_74:
0x583: {  	s8 =	sshll.u32 s4, $0x9  }
0x584: {  	s2 =	sadd.s32 s25, s8  }
0x585: {  	v9 =	vmov s2;
	_ =	sdelay $0x4  }
0x586: {  	v9 =	vld.idx.msk [tilespmem:v9+s23+$0x0], $0xffff;
	_ =	sdelay $0x4  }
0x587: {  	(v2sf) =	vpush v9, $0x0;
	_ =	sdelay $0xe  }
0x588: {  	s19 =	spop (v2sf)  }
0x589: {  	p1 =	slt.s32 s19, $0x100;
	s7 =	smov.u32 s19  }
0x58a: {  	s7 =	simm.s32 @!p1 $0x100  }
0x58b: {  	s26 =	sadd.s32 $0xF, s7  }
0x58c: {  	s11 =	sshra.s32 s26, $0x4  }
0x58d: {  	p1 =	slt.s32 s11, $0x1  }
.Ltmp54:
0x58e: {  	_ = 	snop;
	(pc) =	sbr.rel @p1 .LBB2_80-.Ltmp54, $1  }
0x58f: {  	_ =	sdelay $0x3  }
0x590: {  	p2 =	sne.s32 s11, $0x1  }
.Ltmp55:
0x591: {  	_ = 	snop;
	(pc) =	sbr.rel @!p2 .LBB2_76-.Ltmp55, $3  }
0x592: {  	_ =	sdelay $0x1  }
0x593: {  	s2 =	simm.s32 $0x0  }
0x594: {  	v10 =	vmov s7;
	s9 =	sadd.s32 $0x0, s0;
	s7 =	sadd.s32 $0xFFFFFFFF, s11;
	p1 =	por $0x0, $0x0  }
0x595: {  	s9 =	sand.u32 $0xFFFFFF80, s9;
	s11 =	sand.u32 $0x70, s2  }
0x596: {  	s9 =	sor.u32 s11, s9  }
0x597: {  	v11 =	vld [tilespmem:s9+$0x16200];
	_ =	sdelay $0x2  }
0x598: {  	v12 =	vor.u32 s2, v7  }
0x599: {  	vm0 =	vlt.s32 v12, v10  }
0x59a: {  	v12 =	vsub.s32 v11, v8;
	v13 =	vshll.u32 v11, $0x3;
	v14 =	vshrl.u32 v11, $0x1  }
0x59b: {  	p2 =	sne.s32 s7, $0x1;
	v11 =	vand.u32 $0x787F, v11;
	v13 =	vand.u32 $0x400, v13;
	vm1 =	vlt.u32 v12, $0x8000  }
.Ltmp56:
0x59c: {  	v12 =	vand.u32 $0x380, v14;
	v13 =	vor.u32 v13, v11;
	vm0 =	vmand vm0, vm1;
	(pc) =	sbr.rel @!p2 .LBB2_79-.Ltmp56, $3  }
0x59d: {  	v11 =	vld [tilespmem:s9+$0x19E00];
	v12 =	vor.u32 v12, v13;
	_ =	sdelay $0x1  }
0x59e: {  	s2 =	simm.s32 $0x10  }
0x59f: {  	s7 =	sadd.s32 $0xFFFFFFFF, s7;
	p1 =	por $0x1, $0x1;
	s9 =	sadd.s32 $0x10, s0  }
.LBB2_78:
0x5a0: {  	p2 =	sne.s32 s7, $0x1;
	s9 =	sand.u32 $0xFFFFFF80, s9;
	s11 =	sand.u32 $0x70, s2  }
0x5a1: {  	s9 =	sor.u32 s11, s9;
	[tilespmem:v12+s12+$0x0] =	vst.idx.add.f32.msk vm0, v11  }
0x5a2: {  	v11 =	vld [tilespmem:s9+$0x16200];
	_ =	sdelay $0x2  }
0x5a3: {  	v12 =	vor.u32 s2, v7  }
0x5a4: {  	vm0 =	vlt.s32 v12, v10  }
0x5a5: {  	v12 =	vsub.s32 v11, v8;
	v13 =	vshll.u32 v11, $0x3;
	v14 =	vshrl.u32 v11, $0x1  }
0x5a6: {  	v11 =	vand.u32 $0x787F, v11;
	vm1 =	vlt.u32 v12, $0x8000;
	v12 =	vand.u32 $0x400, v13  }
.Ltmp57:
0x5a7: {  	v13 =	vand.u32 $0x380, v14;
	vm0 =	vmand vm0, vm1;
	v12 =	vor.u32 v12, v11;
	(pc) =	sbr.rel @p2 .LBB2_78-.Ltmp57, $3  }
0x5a8: {  	v11 =	vld [tilespmem:s9+$0x19E00];
	v12 =	vor.u32 v13, v12;
	_ =	sdelay $0x1  }
0x5a9: {  	s2 =	sadd.s32 $0x10, s2  }
0x5aa: {  	s7 =	sadd.s32 $0xFFFFFFFF, s7;
	s9 =	sadd.s32 s2, s0  }
.LBB2_79:
0x5ab: {  	_ =	sdelay $0x3  }
0x5ac: {  	s7 =	sand.u32 $0xFFFFFF80, s9;
	s26 =	sand.u32 $0x70, s2  }
0x5ad: {  	s7 =	sor.u32 s26, s7;
	[tilespmem:v12+s12+$0x0] =	vst.idx.add.f32.msk @p1 vm0, v11  }
0x5ae: {  	v11 =	vld [tilespmem:s7+$0x16200];
	_ =	sdelay $0x2  }
0x5af: {  	v61 =	vor.u32 s2, v7  }
0x5b0: {  	vm15 =	vlt.s32 v61, v10  }
0x5b1: {  	v10 =	vsub.s32 v11, v8;
	v62 =	vshll.u32 v11, $0x3;
	v13 =	vshrl.u32 v11, $0x1  }
0x5b2: {  	v11 =	vand.u32 $0x787F, v11;
	vm1 =	vlt.u32 v10, $0x8000;
	v10 =	vand.u32 $0x400, v62  }
0x5b3: {  	v63 =	vand.u32 $0x380, v13;
	vm0 =	vmand vm15, vm1;
	v10 =	vor.u32 v10, v11  }
0x5b4: {  	v11 =	vld [tilespmem:s7+$0x19E00];
	v10 =	vor.u32 v63, v10;
	_ =	sdelay $0x4  }
0x5b5: {  	[tilespmem:v10+s12+$0x0] =	vst.idx.add.f32.msk vm0, v11  }
.LBB2_80:
0x5b6: {  	p1 =	slt.s32 s19, $0x101  }
.Ltmp58:
0x5b7: {  	_ = 	snop;
	(pc) =	sbr.rel @p1 .LBB2_86-.Ltmp58, $1  }
0x5b8: {  	_ =	sdelay $0x3  }
0x5b9: {  	s2 =	sor.u32 s20, s8  }
0x5ba: {  	v10 =	vmov s2;
	_ =	sdelay $0x4  }
0x5bb: {  	v10 =	vld.idx.msk [tilespmem:v10+s29+$0x0], $0xffff;
	_ =	sdelay $0x4  }
0x5bc: {  	(v2sf) =	vpush v10, $0x0;
	_ =	sdelay $0xb  }
0x5bd: {  	v10 =	vmov s3  }
0x5be: {  	s26 =	sadd.s32 s13, s4;
	s7 =	sadd.s32 $0xFFFFFFFF, s19;
	s11 =	sshll.u32 s4, $0x8  }
0x5bf: {  	s2 =	smul.u32 $0x3C00, s26;
	s8 =	sshrl.u32 s7, $0x8;
	s19 =	sadd.s32 $0x16200, s11  }
0x5c0: {  	s11 =	sadd.s32 $0x19E00, s11;
	s26 =	simm.s32 $0x100;
	s9 =	spop (v2sf)  }
0x5c1: {  	v9 =	vbroadcast v9, $0x0;
	v11 =	vmov s1;
	s7 =	sadd.s32 s2, s9;
	s9 =	simm.s32 $0x0;
	s2 =	simm.s32 $0x0  }
.LBB2_83:
0x5c2: {  	s2 =	sadd.s32 $0x1, s2  }
0x5c3: {  	s17 =	sshll.u32 s2, $0x8  }
0x5c4: {  	s17 =	sadd.s32 s17, s7  }
0x5c5: {  	s17 =	sshrl.u32 s17, $0x3  }
0x5c6: {  	s21 =	sadd.s32 s5, s17  }
0x5c7: {  	[tilespmem:s19], [sflag:$0x7] =	stream.linear.gather [hbm4b:s21+s9], $0x100, $0x38;
	[tilespmem:$0x1FB00] =	vst v63  }
0x5c8: {  	_ =	swait.ge [sflag:s28], $0x100  }
0x5c9: {  	[sflag:s28] =	ssyncset.done $0x0  }
0x5ca: {  	s17 =	sadd.s32 s6, s17;
	[sflag:s28] =	ssyncadd.s32 $0xFFFFFF00  }
0x5cb: {  	[tilespmem:s11], [sflag:$0x7] =	stream.linear.gather [hbm4b:s17+s9], $0x100, $0x38;
	[tilespmem:$0x1FB00] =	vst v63  }
0x5cc: {  	_ =	swait.ge [sflag:s28], $0x100  }
0x5cd: {  	[sflag:s28] =	ssyncset.done $0x0  }
0x5ce: {  	s24 =	simm.s32 $0x0;
	[sflag:s28] =	ssyncadd.s32 $0xFFFFFF00  }
0x5cf: {  	v12 =	vld.idx.msk [tilespmem:v10+s24+$0x0 ss:$0x1], $0xffff;
	_ =	sdelay $0x2  }
0x5d0: {  	v13 =	vor.u32 s26, v7  }
0x5d1: {  	vm0 =	vlt.s32 v13, v9  }
0x5d2: {  	v60 =	vsub.s32 v12, v8;
	v14 =	vshll.u32 v12, $0x3;
	v15 =	vshrl.u32 v12, $0x1  }
0x5d3: {  	v12 =	vand.u32 $0x787F, v12;
	vm1 =	vlt.u32 v60, $0x8000;
	v61 =	vand.u32 $0x400, v14  }
0x5d4: {  	v62 =	vand.u32 $0x380, v15;
	vm0 =	vmand vm0, vm1;
	v12 =	vor.u32 v61, v12  }
0x5d5: {  	v63 =	vld.idx.msk [tilespmem:v11+s24+$0x0 ss:$0x1], $0xffff;
	v12 =	vor.u32 v62, v12;
	_ =	sdelay $0x4  }
0x5d6: {  	s21 =	smov.u32 s26;
	s17 =	simm.s32 $0x10;
	s24 =	simm.s32 $0x80;
	[tilespmem:v12+s12+$0x0] =	vst.idx.add.f32.msk vm0, v63  }
.LBB2_84:
0x5d7: {  	p1 =	seq.s32 s24, $0x3C0;
	v12 =	vld.idx.msk [tilespmem:v10+s17+$0x0 ss:$0x1], $0xffff;
	_ =	sdelay $0x2  }
0x5d8: {  	s21 =	sadd.s32 $0x10, s21  }
0x5d9: {  	v13 =	vor.u32 s21, v7  }
0x5da: {  	vm0 =	vlt.s32 v13, v9  }
0x5db: {  	v13 =	vsub.s32 v12, v8;
	v14 =	vshll.u32 v12, $0x3;
	v15 =	vshrl.u32 v12, $0x1  }
0x5dc: {  	v12 =	vand.u32 $0x787F, v12;
	vm1 =	vlt.u32 v13, $0x8000;
	v13 =	vand.u32 $0x400, v14  }
0x5dd: {  	v15 =	vand.u32 $0x380, v15;
	vm0 =	vmand vm0, vm1;
	v12 =	vor.u32 v13, v12;
	v14 =	vld.idx.msk [tilespmem:v11+s17+$0x0 ss:$0x1], $0xffff  }
0x5de: {  	v12 =	vor.u32 v15, v12  }
.Ltmp59:
0x5df: {  	(pc) =	sbr.rel @!p1 .LBB2_84-.Ltmp59, $2  }
0x5e0: {  	_ =	sdelay $0x2  }
0x5e1: {  	s17 =	sshra.s32 s24, $0x2;
	s24 =	sadd.s32 $0x40, s24;
	[tilespmem:v12+s12+$0x0] =	vst.idx.add.f32.msk vm0, v14  }
0x5e2: {  	_ =	sdelay $0x3  }
0x5e3: {  	v12 =	vld.idx.msk [tilespmem:v10+s17+$0x0 ss:$0x1], $0xffff;
	_ =	sdelay $0x1  }
0x5e4: {  	s21 =	sadd.s32 $0x10, s21  }
0x5e5: {  	v13 =	vor.u32 s21, v7  }
0x5e6: {  	vm0 =	vlt.s32 v13, v9  }
0x5e7: {  	v60 =	vsub.s32 v12, v8;
	v14 =	vshll.u32 v12, $0x3;
	v15 =	vshrl.u32 v12, $0x1  }
0x5e8: {  	v12 =	vand.u32 $0x787F, v12;
	vm1 =	vlt.u32 v60, $0x8000;
	v61 =	vand.u32 $0x400, v14  }
0x5e9: {  	v62 =	vand.u32 $0x380, v15;
	vm0 =	vmand vm0, vm1;
	v12 =	vor.u32 v61, v12  }
0x5ea: {  	v63 =	vld.idx.msk [tilespmem:v11+s17+$0x0 ss:$0x1], $0xffff;
	v12 =	vor.u32 v62, v12;
	_ =	sdelay $0x4  }
0x5eb: {  	[tilespmem:v12+s12+$0x0] =	vst.idx.add.f32.msk vm0, v63  }
0x5ec: {  	p1 =	seq.s32 s2, s8  }
.Ltmp60:
0x5ed: {  	_ = 	snop;
	(pc) =	sbr.rel @!p1 .LBB2_83-.Ltmp60, $4  }
.Ltmp61:
0x5ee: {  	_ = 	snop;
	(pc) =	sbr.rel @p1 .LBB2_86-.Ltmp61, $4  }
0x5ef: {  	_ = 	snop  }
0x5f0: {  	_ = 	snop  }
0x5f1: {  	s26 =	sadd.s32 $0x100, s26  }
0x5f2: {  	_ = 	snop  }
.LBB2_76:
.Ltmp62:
0x5f3: {  	(pc) =	sbr.rel .LBB2_79-.Ltmp62, $2  }
0x5f4: {  	_ =	sdelay $0x2  }
0x5f5: {  	_ = 	snop  }
.LBB2_88:
.Ltmp63:
0x5f6: {  	s20 =	rddreg [dreg:$0x0];
	(pc) =	sbr.rel @p0 .LBB2_108-.Ltmp63, $4  }
0x5f7: {  	s21 =	rddreg [dreg:$0x1]  }
0x5f8: {  	s24 =	rddreg [dreg:$0x2]  }
0x5f9: {  	s25 =	rddreg [dreg:$0x10]  }
0x5fa: {  	s2 =	sld [smem:$0x7FB]  }
0x5fb: {  	s2 =	rddreg [dreg:$0x17]  }
0x5fc: {  	v8 =	vmov s2;
	_ =	sdelay $0x4  }
0x5fd: {  	v8 =	vld.idx.msk [tilespmem:v8+s29+$0x0], $0xffff;
	_ =	sdelay $0x4  }
0x5fe: {  	(v2sf) =	vpush v8, $0x0;
	_ =	sdelay $0xd  }
0x5ff: {  	s0 =	simm.s32 $0x400  }
0x600: {  	s4 =	simm.s32 $0x0;
	s9 =	rddreg [dreg:$0x1c];
	s1 =	spop (v2sf)  }
0x601: {  	s3 =	simm.s32 $0x800;
	s2 =	sadd.s32 $0x200, s2;
	s1 =	sadd.s32 s9, s1  }
0x602: {  	s7 =	simm.s32 $0x16200;
	v8 =	vmov s2;
	s8 =	sshrl.u32 s1, $0x3;
	s1 =	smov.u32 s9  }
.LBB2_90:
0x603: {  	p1 =	sne.s32 s3, $0x3C00;
	s9 =	sadd.s32 s5, s8;
	s8 =	sadd.s32 s6, s8  }
0x604: {  	[tilespmem:s7], [sflag:$0x1] =	stream.linear.gather [hbm4b:s9+s10], $0x100, $0x38;
	[tilespmem:$0x1FB00] =	vst v63  }
0x605: {  	s4 =	sadd.s32 $0x19E00, s4;
	s7 =	smov.u32 s0;
	s0 =	smov.u32 s3  }
0x606: {  	[tilespmem:s4], [sflag:$0x2] =	stream.linear.gather [hbm4b:s8+s10], $0x100, $0x38;
	[tilespmem:$0x1FB00] =	vst v63  }
0x607: {  	v8 =	vld.idx.msk [tilespmem:v8+s29+$0x0], $0xffff;
	_ =	sdelay $0x5  }
0x608: {  	(v2sf) =	vpush v8, $0x0;
	_ =	sdelay $0xc  }
.Ltmp64:
0x609: {  	(pc) =	sbr.rel @p1 .LBB2_90-.Ltmp64, $4  }
0x60a: {  	_ = 	snop  }
0x60b: {  	s1 =	sadd.s32 $0x3C00, s1;
	s8 =	spop (v2sf)  }
0x60c: {  	s2 =	sadd.s32 $0x200, s2;
	s4 =	sshra.s32 s7, $0x2;
	s8 =	sadd.s32 s1, s8  }
0x60d: {  	s3 =	sadd.s32 $0x400, s3;
	s7 =	sadd.s32 $0x16200, s4;
	v8 =	vmov s2;
	s8 =	sshrl.u32 s8, $0x3  }
0x60e: {  	s2 =	sadd.s32 s5, s8  }
0x60f: {  	[tilespmem:s7], [sflag:$0x1] =	stream.linear.gather [hbm4b:s2+s10], $0x100, $0x38;
	[tilespmem:$0x1FB00] =	vst v63  }
0x610: {  	s9 =	sadd.s32 s6, s8;
	s3 =	sadd.s32 $0x19E00, s4  }
0x611: {  	[tilespmem:s3], [sflag:$0x2] =	stream.linear.gather [hbm4b:s9+s10], $0x100, $0x38;
	[tilespmem:$0x1FB00] =	vst v63  }
0x612: {  	v8 =	vld.idx.msk [tilespmem:v8+s29+$0x0], $0xffff;
	_ =	sdelay $0x4  }
0x613: {  	(v2sf) =	vpush v8, $0x0;
	_ =	sdelay $0xe  }
0x614: {  	s1 =	sadd.s32 $0x3C00, s1;
	s11 =	spop (v2sf)  }
0x615: {  	s1 =	sadd.s32 s1, s11  }
0x616: {  	s0 =	sshra.s32 s0, $0x2;
	s1 =	sshrl.u32 s1, $0x3  }
0x617: {  	s14 =	sadd.s32 $0x16200, s0;
	s15 =	sadd.s32 s5, s1  }
0x618: {  	[tilespmem:s14], [sflag:$0x1] =	stream.linear.gather [hbm4b:s15+s10], $0x100, $0x38;
	[tilespmem:$0x1FB00] =	vst v63  }
0x619: {  	s16 =	simm.s32 $0x5;
	s0 =	sadd.s32 $0x19E00, s0;
	s1 =	sadd.s32 s6, s1  }
0x61a: {  	[tilespmem:s0], [sflag:$0x2] =	stream.linear.gather [hbm4b:s1+s10], $0x100, $0x38;
	[tilespmem:$0x1FB00] =	vst v63  }
0x61b: {  	s17 =	simm.s32 $0x0;
	_ =	swait.ge [sflag:s16], $0x8000  }
0x61c: {  	s19 =	sand.u32 $0x7800, s17;
	s0 =	sand.u32 $0x380, s17;
	[sflag:s16] =	ssyncset.done $0x0  }
0x61d: {  	s0 =	sor.u32 s0, s19;
	[sflag:s16] =	ssyncadd.s32 $0xFFFF8000  }
0x61e: {  	[tilespmem:s0+$0x470] =	vst v6  }
0x61f: {  	[tilespmem:s0+$0x0] =	vst v6  }
0x620: {  	[tilespmem:s0+$0x10] =	vst v6  }
0x621: {  	[tilespmem:s0+$0x20] =	vst v6  }
0x622: {  	[tilespmem:s0+$0x30] =	vst v6  }
0x623: {  	[tilespmem:s0+$0x40] =	vst v6  }
0x624: {  	[tilespmem:s0+$0x50] =	vst v6  }
0x625: {  	[tilespmem:s0+$0x60] =	vst v6  }
0x626: {  	[tilespmem:s0+$0x70] =	vst v6  }
0x627: {  	[tilespmem:s0+$0x400] =	vst v6  }
0x628: {  	[tilespmem:s0+$0x410] =	vst v6  }
0x629: {  	[tilespmem:s0+$0x420] =	vst v6  }
0x62a: {  	[tilespmem:s0+$0x430] =	vst v6  }
0x62b: {  	s26 =	simm.s32 $0x100;
	s1 =	simm.s32 $0x80;
	[tilespmem:s0+$0x440] =	vst v6  }
0x62c: {  	s2 =	simm.s32 $0x200;
	s3 =	sand.u32 $0x7800, s26;
	s4 =	sand.u32 $0x380, s1;
	[tilespmem:s0+$0x450] =	vst v6  }
.LBB2_92:
0x62d: {  	p1 =	sne.s32 s2, $0x7F00;
	[tilespmem:s0+$0x460] =	vst v6;
	s0 =	sor.u32 s4, s3  }
0x62e: {  	[tilespmem:s0+$0x470] =	vst v6  }
0x62f: {  	[tilespmem:s0+$0x0] =	vst v6  }
0x630: {  	[tilespmem:s0+$0x10] =	vst v6  }
0x631: {  	[tilespmem:s0+$0x20] =	vst v6  }
0x632: {  	[tilespmem:s0+$0x30] =	vst v6  }
0x633: {  	[tilespmem:s0+$0x40] =	vst v6  }
0x634: {  	[tilespmem:s0+$0x50] =	vst v6  }
0x635: {  	[tilespmem:s0+$0x60] =	vst v6  }
0x636: {  	[tilespmem:s0+$0x70] =	vst v6  }
0x637: {  	[tilespmem:s0+$0x400] =	vst v6  }
.Ltmp65:
0x638: {  	[tilespmem:s0+$0x410] =	vst v6;
	(pc) =	sbr.rel @p1 .LBB2_92-.Ltmp65, $4  }
0x639: {  	[tilespmem:s0+$0x420] =	vst v6  }
0x63a: {  	[tilespmem:s0+$0x430] =	vst v6  }
0x63b: {  	s1 =	sadd.s32 $0x80, s1;
	[tilespmem:s0+$0x440] =	vst v6  }
0x63c: {  	s3 =	sand.u32 $0x7800, s2;
	s2 =	sadd.s32 $0x100, s2;
	s4 =	sand.u32 $0x380, s1;
	[tilespmem:s0+$0x450] =	vst v6  }
0x63d: {  	s1 =	sor.u32 s4, s3;
	[tilespmem:s0+$0x460] =	vst v6  }
0x63e: {  	[tilespmem:s1+$0x470] =	vst v6  }
0x63f: {  	[tilespmem:s1+$0x0] =	vst v6  }
0x640: {  	[tilespmem:s1+$0x10] =	vst v6  }
0x641: {  	[tilespmem:s1+$0x20] =	vst v6  }
0x642: {  	[tilespmem:s1+$0x30] =	vst v6  }
0x643: {  	[tilespmem:s1+$0x40] =	vst v6  }
0x644: {  	[tilespmem:s1+$0x50] =	vst v6  }
0x645: {  	[tilespmem:s1+$0x60] =	vst v6  }
0x646: {  	[tilespmem:s1+$0x70] =	vst v6  }
0x647: {  	[tilespmem:s1+$0x400] =	vst v6  }
0x648: {  	[tilespmem:s1+$0x410] =	vst v6  }
0x649: {  	[tilespmem:s1+$0x420] =	vst v6  }
0x64a: {  	[tilespmem:s1+$0x430] =	vst v6  }
0x64b: {  	[tilespmem:s1+$0x440] =	vst v6  }
0x64c: {  	[tilespmem:s1+$0x450] =	vst v6  }
0x64d: {  	[tilespmem:s1+$0x460] =	vst v6  }
0x64e: {  	_ =	swait.ge [sflag:s31], $0x100  }
0x64f: {  	[sflag:s31] =	ssyncset.done $0x0  }
0x650: {  	[sflag:s31] =	ssyncadd.s32 $0xFFFFFF00  }
0x651: {  	_ =	swait.ge [sflag:s30], $0x100  }
0x652: {  	[sflag:s30] =	ssyncset.done $0x0  }
0x653: {  	[sflag:s30] =	ssyncadd.s32 $0xFFFFFF00  }
0x654: {  	_ =	swait.ge [sflag:s31], $0x100  }
0x655: {  	[sflag:s31] =	ssyncset.done $0x0  }
0x656: {  	[sflag:s31] =	ssyncadd.s32 $0xFFFFFF00  }
0x657: {  	_ =	swait.ge [sflag:s30], $0x100  }
0x658: {  	[sflag:s30] =	ssyncset.done $0x0  }
0x659: {  	[sflag:s30] =	ssyncadd.s32 $0xFFFFFF00  }
0x65a: {  	_ =	swait.ge [sflag:s31], $0x100  }
0x65b: {  	[sflag:s31] =	ssyncset.done $0x0  }
0x65c: {  	[sflag:s31] =	ssyncadd.s32 $0xFFFFFF00  }
0x65d: {  	_ =	swait.ge [sflag:s30], $0x100  }
0x65e: {  	[sflag:s30] =	ssyncset.done $0x0  }
0x65f: {  	[sflag:s30] =	ssyncadd.s32 $0xFFFFFF00  }
0x660: {  	_ =	swait.ge [sflag:s31], $0x100  }
0x661: {  	[sflag:s31] =	ssyncset.done $0x0  }
0x662: {  	[sflag:s31] =	ssyncadd.s32 $0xFFFFFF00  }
0x663: {  	_ =	swait.ge [sflag:s30], $0x100  }
0x664: {  	[sflag:s30] =	ssyncset.done $0x0  }
0x665: {  	[sflag:s30] =	ssyncadd.s32 $0xFFFFFF00  }
0x666: {  	_ =	swait.ge [sflag:s31], $0x100  }
0x667: {  	[sflag:s31] =	ssyncset.done $0x0  }
0x668: {  	[sflag:s31] =	ssyncadd.s32 $0xFFFFFF00  }
0x669: {  	_ =	swait.ge [sflag:s30], $0x100  }
0x66a: {  	[sflag:s30] =	ssyncset.done $0x0  }
0x66b: {  	[sflag:s30] =	ssyncadd.s32 $0xFFFFFF00  }
0x66c: {  	_ =	swait.ge [sflag:s31], $0x100  }
0x66d: {  	[sflag:s31] =	ssyncset.done $0x0  }
0x66e: {  	[sflag:s31] =	ssyncadd.s32 $0xFFFFFF00  }
0x66f: {  	_ =	swait.ge [sflag:s30], $0x100  }
0x670: {  	[sflag:s30] =	ssyncset.done $0x0  }
0x671: {  	[sflag:s30] =	ssyncadd.s32 $0xFFFFFF00  }
0x672: {  	_ =	swait.ge [sflag:s31], $0x100  }
0x673: {  	[sflag:s31] =	ssyncset.done $0x0  }
0x674: {  	[sflag:s31] =	ssyncadd.s32 $0xFFFFFF00  }
0x675: {  	_ =	swait.ge [sflag:s30], $0x100  }
0x676: {  	[sflag:s30] =	ssyncset.done $0x0  }
0x677: {  	[sflag:s30] =	ssyncadd.s32 $0xFFFFFF00  }
0x678: {  	_ =	swait.ge [sflag:s31], $0x100  }
0x679: {  	[sflag:s31] =	ssyncset.done $0x0  }
0x67a: {  	[sflag:s31] =	ssyncadd.s32 $0xFFFFFF00  }
0x67b: {  	_ =	swait.ge [sflag:s30], $0x100  }
0x67c: {  	[sflag:s30] =	ssyncset.done $0x0  }
0x67d: {  	[sflag:s30] =	ssyncadd.s32 $0xFFFFFF00  }
0x67e: {  	_ =	swait.ge [sflag:s31], $0x100  }
0x67f: {  	[sflag:s31] =	ssyncset.done $0x0  }
0x680: {  	[sflag:s31] =	ssyncadd.s32 $0xFFFFFF00  }
0x681: {  	_ =	swait.ge [sflag:s30], $0x100  }
0x682: {  	[sflag:s30] =	ssyncset.done $0x0  }
0x683: {  	[sflag:s30] =	ssyncadd.s32 $0xFFFFFF00  }
0x684: {  	_ =	swait.ge [sflag:s31], $0x100  }
0x685: {  	[sflag:s31] =	ssyncset.done $0x0  }
0x686: {  	[sflag:s31] =	ssyncadd.s32 $0xFFFFFF00  }
0x687: {  	_ =	swait.ge [sflag:s30], $0x100  }
0x688: {  	[sflag:s30] =	ssyncset.done $0x0  }
0x689: {  	[sflag:s30] =	ssyncadd.s32 $0xFFFFFF00  }
0x68a: {  	_ =	swait.ge [sflag:s31], $0x100  }
0x68b: {  	[sflag:s31] =	ssyncset.done $0x0  }
0x68c: {  	[sflag:s31] =	ssyncadd.s32 $0xFFFFFF00  }
0x68d: {  	_ =	swait.ge [sflag:s30], $0x100  }
0x68e: {  	[sflag:s30] =	ssyncset.done $0x0  }
0x68f: {  	[sflag:s30] =	ssyncadd.s32 $0xFFFFFF00  }
0x690: {  	_ =	swait.ge [sflag:s31], $0x100  }
0x691: {  	[sflag:s31] =	ssyncset.done $0x0  }
0x692: {  	[sflag:s31] =	ssyncadd.s32 $0xFFFFFF00  }
0x693: {  	_ =	swait.ge [sflag:s30], $0x100  }
0x694: {  	[sflag:s30] =	ssyncset.done $0x0  }
0x695: {  	[sflag:s30] =	ssyncadd.s32 $0xFFFFFF00  }
0x696: {  	_ =	swait.ge [sflag:s31], $0x100  }
0x697: {  	[sflag:s31] =	ssyncset.done $0x0  }
0x698: {  	[sflag:s31] =	ssyncadd.s32 $0xFFFFFF00  }
0x699: {  	_ =	swait.ge [sflag:s30], $0x100  }
0x69a: {  	[sflag:s30] =	ssyncset.done $0x0  }
0x69b: {  	[sflag:s30] =	ssyncadd.s32 $0xFFFFFF00  }
0x69c: {  	_ =	swait.ge [sflag:s31], $0x100  }
0x69d: {  	[sflag:s31] =	ssyncset.done $0x0  }
0x69e: {  	[sflag:s31] =	ssyncadd.s32 $0xFFFFFF00  }
0x69f: {  	_ =	swait.ge [sflag:s30], $0x100  }
0x6a0: {  	[sflag:s30] =	ssyncset.done $0x0  }
0x6a1: {  	[sflag:s30] =	ssyncadd.s32 $0xFFFFFF00  }
0x6a2: {  	_ =	swait.ge [sflag:s31], $0x100  }
0x6a3: {  	[sflag:s31] =	ssyncset.done $0x0  }
0x6a4: {  	[sflag:s31] =	ssyncadd.s32 $0xFFFFFF00  }
0x6a5: {  	_ =	swait.ge [sflag:s30], $0x100  }
0x6a6: {  	[sflag:s30] =	ssyncset.done $0x0  }
0x6a7: {  	[sflag:s30] =	ssyncadd.s32 $0xFFFFFF00  }
0x6a8: {  	_ =	swait.ge [sflag:s31], $0x100  }
.Ltmp66:
0x6a9: {  	[sflag:s31] =	ssyncset.done $0x0;
	(pc) =	sbr.rel .LBB2_94-.Ltmp66, $4  }
0x6aa: {  	[sflag:s31] =	ssyncadd.s32 $0xFFFFFF00  }
0x6ab: {  	_ =	swait.ge [sflag:s30], $0x100  }
0x6ac: {  	s0 =	simm.s32 $0x0;
	s3 =	simm.s32 $0x16200;
	[sflag:s30] =	ssyncset.done $0x0  }
0x6ad: {  	s4 =	simm.s32 $0x0;
	s1 =	simm.s32 $0x19E00;
	[sflag:s30] =	ssyncadd.s32 $0xFFFFFF00  }
.LBB2_106:
0x6ae: {  	s4 =	sadd.s32 $0x1, s4  }
0x6af: {  	p1 =	sne.s32 s4, $0x10  }
.Ltmp67:
0x6b0: {  	_ = 	snop;
	(pc) =	sbr.rel @!p1 .LBB2_107-.Ltmp67, $2  }
0x6b1: {  	_ =	sdelay $0x2  }
0x6b2: {  	s0 =	sadd.s32 $0x100, s0;
	s1 =	sadd.s32 $0x100, s1;
	s3 =	sadd.s32 $0x100, s3  }
.LBB2_94:
0x6b3: {  	s8 =	sshll.u32 s4, $0x9;
	s2 =	rddreg [dreg:$0x1f]  }
0x6b4: {  	s2 =	sadd.s32 s2, s8  }
0x6b5: {  	v8 =	vmov s2;
	_ =	sdelay $0x4  }
0x6b6: {  	v8 =	vld.idx.msk [tilespmem:v8+s23+$0x0], $0xffff;
	_ =	sdelay $0x4  }
0x6b7: {  	(v2sf) =	vpush v8, $0x0;
	_ =	sdelay $0xe  }
0x6b8: {  	s14 =	spop (v2sf)  }
0x6b9: {  	p1 =	slt.s32 s14, $0x100;
	s7 =	smov.u32 s14  }
0x6ba: {  	s7 =	simm.s32 @!p1 $0x100  }
0x6bb: {  	s26 =	sadd.s32 $0xF, s7  }
0x6bc: {  	s11 =	sshra.s32 s26, $0x4  }
0x6bd: {  	p1 =	slt.s32 s11, $0x1  }
.Ltmp68:
0x6be: {  	_ = 	snop;
	(pc) =	sbr.rel @p1 .LBB2_100-.Ltmp68, $1  }
0x6bf: {  	_ =	sdelay $0x3  }
0x6c0: {  	p2 =	sne.s32 s11, $0x1  }
.Ltmp69:
0x6c1: {  	_ = 	snop;
	(pc) =	sbr.rel @!p2 .LBB2_96-.Ltmp69, $3  }
0x6c2: {  	_ =	sdelay $0x1  }
0x6c3: {  	s2 =	simm.s32 $0x0  }
0x6c4: {  	v9 =	vmov s7;
	s9 =	sadd.s32 $0x0, s0;
	s7 =	sadd.s32 $0xFFFFFFFF, s11;
	p1 =	por $0x0, $0x0  }
0x6c5: {  	s9 =	sand.u32 $0xFFFFFF80, s9;
	s11 =	sand.u32 $0x70, s2  }
0x6c6: {  	s9 =	sor.u32 s11, s9  }
0x6c7: {  	v10 =	vld [tilespmem:s9+$0x16200];
	_ =	sdelay $0x2  }
0x6c8: {  	v11 =	vor.u32 s2, v7  }
0x6c9: {  	vm0 =	vlt.s32 v11, v9  }
0x6ca: {  	v11 =	vsub.s32 v10, v2;
	v12 =	vshll.u32 v10, $0x3;
	v13 =	vshrl.u32 v10, $0x1  }
0x6cb: {  	p2 =	sne.s32 s7, $0x1;
	v10 =	vand.u32 $0x787F, v10;
	v12 =	vand.u32 $0x400, v12;
	vm1 =	vlt.u32 v11, $0x8000  }
.Ltmp70:
0x6cc: {  	v11 =	vand.u32 $0x380, v13;
	v12 =	vor.u32 v12, v10;
	vm0 =	vmand vm0, vm1;
	(pc) =	sbr.rel @!p2 .LBB2_99-.Ltmp70, $3  }
0x6cd: {  	v10 =	vld [tilespmem:s9+$0x19E00];
	v11 =	vor.u32 v11, v12;
	_ =	sdelay $0x1  }
0x6ce: {  	s2 =	simm.s32 $0x10  }
0x6cf: {  	s7 =	sadd.s32 $0xFFFFFFFF, s7;
	p1 =	por $0x1, $0x1;
	s9 =	sadd.s32 $0x10, s0  }
.LBB2_98:
0x6d0: {  	p2 =	sne.s32 s7, $0x1;
	s9 =	sand.u32 $0xFFFFFF80, s9;
	s11 =	sand.u32 $0x70, s2  }
0x6d1: {  	s9 =	sor.u32 s11, s9;
	[tilespmem:v11+s10+$0x0] =	vst.idx.add.f32.msk vm0, v10  }
0x6d2: {  	v10 =	vld [tilespmem:s9+$0x16200];
	_ =	sdelay $0x2  }
0x6d3: {  	v11 =	vor.u32 s2, v7  }
0x6d4: {  	vm0 =	vlt.s32 v11, v9  }
0x6d5: {  	v11 =	vsub.s32 v10, v2;
	v12 =	vshll.u32 v10, $0x3;
	v13 =	vshrl.u32 v10, $0x1  }
0x6d6: {  	v10 =	vand.u32 $0x787F, v10;
	vm1 =	vlt.u32 v11, $0x8000;
	v11 =	vand.u32 $0x400, v12  }
.Ltmp71:
0x6d7: {  	v12 =	vand.u32 $0x380, v13;
	vm0 =	vmand vm0, vm1;
	v11 =	vor.u32 v11, v10;
	(pc) =	sbr.rel @p2 .LBB2_98-.Ltmp71, $3  }
0x6d8: {  	v10 =	vld [tilespmem:s9+$0x19E00];
	v11 =	vor.u32 v12, v11;
	_ =	sdelay $0x1  }
0x6d9: {  	s2 =	sadd.s32 $0x10, s2  }
0x6da: {  	s7 =	sadd.s32 $0xFFFFFFFF, s7;
	s9 =	sadd.s32 s2, s0  }
.LBB2_99:
0x6db: {  	_ =	sdelay $0x3  }
0x6dc: {  	s7 =	sand.u32 $0xFFFFFF80, s9;
	s26 =	sand.u32 $0x70, s2  }
0x6dd: {  	s7 =	sor.u32 s26, s7;
	[tilespmem:v11+s10+$0x0] =	vst.idx.add.f32.msk @p1 vm0, v10  }
0x6de: {  	v10 =	vld [tilespmem:s7+$0x16200];
	_ =	sdelay $0x2  }
0x6df: {  	v11 =	vor.u32 s2, v7  }
0x6e0: {  	vm15 =	vlt.s32 v11, v9  }
0x6e1: {  	v9 =	vsub.s32 v10, v2;
	v11 =	vshll.u32 v10, $0x3;
	v12 =	vshrl.u32 v10, $0x1  }
0x6e2: {  	v10 =	vand.u32 $0x787F, v10;
	vm1 =	vlt.u32 v9, $0x8000;
	v9 =	vand.u32 $0x400, v11  }
0x6e3: {  	v11 =	vand.u32 $0x380, v12;
	vm0 =	vmand vm15, vm1;
	v9 =	vor.u32 v9, v10  }
0x6e4: {  	v10 =	vld [tilespmem:s7+$0x19E00];
	v9 =	vor.u32 v11, v9;
	_ =	sdelay $0x4  }
0x6e5: {  	[tilespmem:v9+s10+$0x0] =	vst.idx.add.f32.msk vm0, v10  }
.LBB2_100:
0x6e6: {  	p1 =	slt.s32 s14, $0x101  }
.Ltmp72:
0x6e7: {  	_ = 	snop;
	(pc) =	sbr.rel @p1 .LBB2_106-.Ltmp72, $1  }
0x6e8: {  	_ =	sdelay $0x3  }
0x6e9: {  	s2 =	rddreg [dreg:$0x17]  }
0x6ea: {  	s2 =	sor.u32 s2, s8  }
0x6eb: {  	v9 =	vmov s2;
	_ =	sdelay $0x4  }
0x6ec: {  	v9 =	vld.idx.msk [tilespmem:v9+s29+$0x0], $0xffff;
	_ =	sdelay $0x4  }
0x6ed: {  	(v2sf) =	vpush v9, $0x0;
	_ =	sdelay $0xb  }
0x6ee: {  	v9 =	vmov s3  }
0x6ef: {  	s26 =	sadd.s32 s13, s4;
	s7 =	sadd.s32 $0xFFFFFFFF, s14;
	s11 =	sshll.u32 s4, $0x8  }
0x6f0: {  	s15 =	simm.s32 $0x100;
	s8 =	sshrl.u32 s7, $0x8;
	s2 =	smul.u32 $0x3C00, s26  }
0x6f1: {  	s14 =	sadd.s32 $0x16200, s11;
	s11 =	sadd.s32 $0x19E00, s11;
	s9 =	spop (v2sf)  }
0x6f2: {  	v8 =	vbroadcast v8, $0x0;
	v10 =	vmov s1;
	s7 =	sadd.s32 s2, s9;
	s9 =	simm.s32 $0x0;
	s2 =	simm.s32 $0x0  }
.LBB2_103:
0x6f3: {  	s2 =	sadd.s32 $0x1, s2  }
0x6f4: {  	s16 =	sshll.u32 s2, $0x8  }
0x6f5: {  	s16 =	sadd.s32 s16, s7  }
0x6f6: {  	s16 =	sshrl.u32 s16, $0x3  }
0x6f7: {  	s17 =	sadd.s32 s5, s16  }
0x6f8: {  	[tilespmem:s14], [sflag:$0x7] =	stream.linear.gather [hbm4b:s17+s9], $0x100, $0x38;
	[tilespmem:$0x1FB00] =	vst v63  }
0x6f9: {  	_ =	swait.ge [sflag:s28], $0x100  }
0x6fa: {  	[sflag:s28] =	ssyncset.done $0x0  }
0x6fb: {  	s16 =	sadd.s32 s6, s16;
	[sflag:s28] =	ssyncadd.s32 $0xFFFFFF00  }
0x6fc: {  	[tilespmem:s11], [sflag:$0x7] =	stream.linear.gather [hbm4b:s16+s9], $0x100, $0x38;
	[tilespmem:$0x1FB00] =	vst v63  }
0x6fd: {  	_ =	swait.ge [sflag:s28], $0x100  }
0x6fe: {  	[sflag:s28] =	ssyncset.done $0x0  }
0x6ff: {  	s26 =	simm.s32 $0x0;
	[sflag:s28] =	ssyncadd.s32 $0xFFFFFF00  }
0x700: {  	v11 =	vld.idx.msk [tilespmem:v9+s26+$0x0 ss:$0x1], $0xffff;
	_ =	sdelay $0x2  }
0x701: {  	v12 =	vor.u32 s15, v7  }
0x702: {  	vm0 =	vlt.s32 v12, v8  }
0x703: {  	v60 =	vsub.s32 v11, v2;
	v13 =	vshll.u32 v11, $0x3;
	v14 =	vshrl.u32 v11, $0x1  }
0x704: {  	v11 =	vand.u32 $0x787F, v11;
	vm1 =	vlt.u32 v60, $0x8000;
	v61 =	vand.u32 $0x400, v13  }
0x705: {  	v62 =	vand.u32 $0x380, v14;
	vm0 =	vmand vm0, vm1;
	v11 =	vor.u32 v61, v11  }
0x706: {  	v63 =	vld.idx.msk [tilespmem:v10+s26+$0x0 ss:$0x1], $0xffff;
	v11 =	vor.u32 v62, v11;
	_ =	sdelay $0x4  }
0x707: {  	s19 =	simm.s32 $0x80;
	s17 =	smov.u32 s15;
	s16 =	simm.s32 $0x10;
	[tilespmem:v11+s10+$0x0] =	vst.idx.add.f32.msk vm0, v63  }
.LBB2_104:
0x708: {  	p1 =	seq.s32 s19, $0x3C0;
	v11 =	vld.idx.msk [tilespmem:v9+s16+$0x0 ss:$0x1], $0xffff;
	_ =	sdelay $0x2  }
0x709: {  	s17 =	sadd.s32 $0x10, s17  }
0x70a: {  	v12 =	vor.u32 s17, v7  }
0x70b: {  	vm0 =	vlt.s32 v12, v8  }
0x70c: {  	v12 =	vsub.s32 v11, v2;
	v13 =	vshll.u32 v11, $0x3;
	v14 =	vshrl.u32 v11, $0x1  }
0x70d: {  	v11 =	vand.u32 $0x787F, v11;
	vm1 =	vlt.u32 v12, $0x8000;
	v12 =	vand.u32 $0x400, v13  }
0x70e: {  	v14 =	vand.u32 $0x380, v14;
	vm0 =	vmand vm0, vm1;
	v11 =	vor.u32 v12, v11;
	v13 =	vld.idx.msk [tilespmem:v10+s16+$0x0 ss:$0x1], $0xffff  }
0x70f: {  	v11 =	vor.u32 v14, v11  }
.Ltmp73:
0x710: {  	(pc) =	sbr.rel @!p1 .LBB2_104-.Ltmp73, $2  }
0x711: {  	_ =	sdelay $0x2  }
0x712: {  	s16 =	sshra.s32 s19, $0x2;
	s19 =	sadd.s32 $0x40, s19;
	[tilespmem:v11+s10+$0x0] =	vst.idx.add.f32.msk vm0, v13  }
0x713: {  	_ =	sdelay $0x3  }
0x714: {  	v11 =	vld.idx.msk [tilespmem:v9+s16+$0x0 ss:$0x1], $0xffff;
	_ =	sdelay $0x1  }
0x715: {  	s17 =	sadd.s32 $0x10, s17  }
0x716: {  	v12 =	vor.u32 s17, v7  }
0x717: {  	vm0 =	vlt.s32 v12, v8  }
0x718: {  	v60 =	vsub.s32 v11, v2;
	v13 =	vshll.u32 v11, $0x3;
	v14 =	vshrl.u32 v11, $0x1  }
0x719: {  	v11 =	vand.u32 $0x787F, v11;
	vm1 =	vlt.u32 v60, $0x8000;
	v61 =	vand.u32 $0x400, v13  }
0x71a: {  	v62 =	vand.u32 $0x380, v14;
	vm0 =	vmand vm0, vm1;
	v11 =	vor.u32 v61, v11  }
0x71b: {  	v63 =	vld.idx.msk [tilespmem:v10+s16+$0x0 ss:$0x1], $0xffff;
	v11 =	vor.u32 v62, v11;
	_ =	sdelay $0x4  }
0x71c: {  	[tilespmem:v11+s10+$0x0] =	vst.idx.add.f32.msk vm0, v63  }
0x71d: {  	p1 =	seq.s32 s2, s8  }
.Ltmp74:
0x71e: {  	_ = 	snop;
	(pc) =	sbr.rel @!p1 .LBB2_103-.Ltmp74, $4  }
.Ltmp75:
0x71f: {  	_ = 	snop;
	(pc) =	sbr.rel @p1 .LBB2_106-.Ltmp75, $4  }
0x720: {  	_ = 	snop  }
0x721: {  	_ = 	snop  }
0x722: {  	s15 =	sadd.s32 $0x100, s15  }
0x723: {  	_ = 	snop  }
.LBB2_96:
.Ltmp76:
0x724: {  	(pc) =	sbr.rel .LBB2_99-.Ltmp76, $2  }
0x725: {  	_ =	sdelay $0x2  }
0x726: {  	_ = 	snop  }
.LBB2_109:
0x727: {  	_ =	sfence.sel $0x180000  }
0x728: {  	[bflag:$0x0] =	sbarrier.arrive $0xFFFF  }
0x729: {  	_ =	strace $0x90000047  }
0x72a: {  	s0 =	stileid.u32;
	[bflag:$0x2] =	sbarrier.arrive $0xFFFF  }
0x72b: {  	p0 =	sne.s32 s0, $0x0;
	s0 =	rddreg [dreg:$0x8]  }
0x72c: {  	s0 =	sadd.s32 @!p0 $0x100000, s0  }
0x72d: {  	[sflag:s0] =	ssyncadd.tile.s32 @!p0 $0x1;
	_ =	shalt  }
.Lfunc_end2:
_tile_overlayer_lowered:
.L_overlay_start_2:
0x72e: {  	(tag) =	ssettag $0x2  }
0x72f: {  	s0 =	rddreg [dreg:$0x0];
	s2 =	stileid.u32  }
0x730: {  	s1 =	rddreg [dreg:$0x1];
	p0 =	sne.s32 s2, $0x0  }
0x731: {  	s3 =	rddreg [dreg:$0x2];
	[bflag:$0x3] =	sbarrier.arrive $0xFFFF;
	s2 =	simm.s32 @!p0 $0x1C07  }
0x732: {  	[timem:s3], [sflag:s2] =	dma.local @!p0 [hbm:s0], s1  }
0x733: {  	s0 =	simm.s32 @!p0 $0x7  }
0x734: {  	_ =	swait.ge @!p0 [sflag:s0], s1  }
0x735: {  	s1 =	ssub.s32 @!p0 $0x0, s1;
	[sflag:s0] =	ssyncset.done @!p0 $0x0  }
0x736: {  	[sflag:s0] =	ssyncadd.s32 @!p0 s1  }
0x737: {  	[bflag:$0x3] =	sbarrier.arrive $0xFFFF  }
0x738: {  	_ =	shalt  }

</sc_bundles>
